<compile_context>
chip_gen: v7x
topology: tpu7x:2x2x1
jax: 0.10.2.dev20260603
libtpu: 0.0.44.dev20260713+nightly
codegen_flags: <defaults>
</compile_context>

<pallas_src>
import dataclasses

import jax
import jax.numpy as jnp
from jax import lax
from jax.experimental import pallas as pl
from jax.experimental.pallas import tpu as pltpu
from jax.experimental.pallas import tpu_sc as plsc

NCLS = 80
RMAX = 16
BOX_GAIN, CLS_GAIN, DFL_GAIN = 7.5, 0.5, 1.5
STRIDES = (8.0, 16.0, 32.0)
EPS = 1e-07
B = 32
N = 400
SHAPES = ((64, 64), (32, 32), (16, 16))

def _dense_body(p0, p1, p2, o8, a0, a1, a2):
    i = pl.program_id(0)
    accs = (a0, a1, a2)
    for s, ref in enumerate((p0, p1, p2)):
        H, W = SHAPES[s]
        o = accs[s]

        @pl.when(i == 0)
        def _():
            o[...] = jnp.zeros_like(o)

        for h in range(0, H, 4):
            x = ref[0, h:h + 4]
            ax = jnp.abs(x)
            f = 0.5 * (x + ax) + jnp.log(1.0 + jnp.exp(-ax))
            o[h:h + 4] += f

    @pl.when(i == B - 1)
    def _():
        sums = []
        for s in range(3):
            H, W = SHAPES[s]
            cmask = jax.lax.broadcasted_iota(jnp.int32, (H, W, 84), 2) >= 4
            sums.append(jnp.sum(jnp.where(cmask, accs[s][...], 0.0)))
        lane = jax.lax.broadcasted_iota(jnp.int32, (1, 8), 1)
        o8[...] = jnp.where(lane == 0, sums[0],
                            jnp.where(lane == 1, sums[1],
                                      jnp.where(lane == 2, sums[2], 0.0)))


def _prep_body(p0, d0, p1, d1, p2, d2, t0, t1, t2):
    dt0 = jnp.transpose(d0[:, :, :, 0:8], (0, 2, 3, 1)).reshape(B * 64, 64)
    t0[...] = jnp.concatenate(
        [dt0, p0[...].reshape(B * 64, 84),
         jnp.zeros((B * 64, 108), jnp.float32)], axis=1)
    t1[...] = jnp.concatenate(
        [d1[:, :, 0:2, :].reshape(B * 4, 64),
         p1[:, :, 0:2, :].reshape(B * 4, 84),
         jnp.zeros((B * 4, 108), jnp.float32)], axis=1)
    t2[...] = jnp.concatenate(
        [d2[:, :, 0:1, :].reshape(B, 64), p2[:, :, 0:1, :].reshape(B, 84),
         jnp.zeros((B, 108), jnp.float32)], axis=1)


def _iou(px, py, pw, ph, tx, ty, tw, th):
    b1x1 = px - pw / 2
    b1x2 = px + pw / 2
    b1y1 = py - ph / 2
    b1y2 = py + ph / 2
    b2x1 = tx - tw / 2
    b2x2 = tx + tw / 2
    b2y1 = ty - th / 2
    b2y2 = ty + th / 2
    inter = (jnp.clip(jnp.minimum(b1x2, b2x2) - jnp.maximum(b1x1, b2x1), 0, None)
             * jnp.clip(jnp.minimum(b1y2, b2y2) - jnp.maximum(b1y1, b2y1), 0, None))
    w1, h1 = b1x2 - b1x1, b1y2 - b1y1 + EPS
    w2, h2 = b2x2 - b2x1, b2y2 - b2y1 + EPS
    union = w1 * h1 + w2 * h2 - inter + EPS
    return inter / union


def _combine_body(tt2, tt3, gp0, gp1, gp2, xp0, xp1, xp2, gd0, gd1, gd2,
                  ds, o):
    bi2 = tt2[0:1, :].astype(jnp.int32)
    ci2 = tt2[1:2, :].astype(jnp.int32)
    x2t = tt2[2:3, :]
    y2t = tt2[3:4, :]
    x3 = tt3[2]
    y3 = tt3[3]
    w3 = tt3[4]
    h3 = tt3[5]
    loss_box = jnp.float32(0.0)
    loss_cls = jnp.float32(0.0)
    loss_dfl = jnp.float32(0.0)
    for s, (gp, xp, gd) in enumerate(((gp0, xp0, gd0), (gp1, xp1, gd1),
                                      (gp2, xp2, gd2))):
        H, W = SHAPES[s]
        stride = STRIDES[s]
        sw = jnp.float32(W / stride)
        sh = jnp.float32(H / stride)
        g0 = x3 * sw
        g1 = y3 * sh
        gif = jnp.floor(g0)
        gjf = jnp.floor(g1)
        tbx = g0 - gif
        tby = g1 - gjf
        tbw = w3 * sw
        tbh = h3 * sh
        iou = _iou(gp[:, 0, :], gp[:, 1, :], gp[:, 2, :], gp[:, 3, :],
                   tbx, tby, tbw, tbh)
        loss_box = loss_box + jnp.sum(1.0 - iou) * jnp.float32(1.0 / N)
        gi2 = jnp.floor(x2t * sw).astype(jnp.int32)
        gj2 = jnp.floor(y2t * sh).astype(jnp.int32)
        flat = bi2 * (H * W) + gj2 * W + gi2
        key = flat * NCLS + ci2
        keyc = jnp.transpose(key)
        eq = (keyc == key)
        earlier = (jax.lax.broadcasted_iota(jnp.int32, (N, N), 1)
                   < jax.lax.broadcasted_iota(jnp.int32, (N, N), 0))
        dup = jnp.sum((eq & earlier).astype(jnp.int32), axis=1, keepdims=True)
        keep = jnp.transpose((dup == 0).astype(jnp.float32))
        possum = jnp.sum(xp[...].reshape(1, N) * keep)
        loss_cls = loss_cls + (ds[0, s] - possum) * jnp.float32(1.0 / (B * H * W * NCLS))
        tbxs = tbx * W
        tbys = tby * H
        tbws = tbw * W
        tbhs = tbh * H
        cx1 = tbxs - tbws / 2
        cy1 = tbys - tbhs / 2
        cx2 = tbxs + tbws / 2
        cy2 = tbys + tbhs / 2
        for j, corner in enumerate((cx1, cy1, cx2, cy2)):
            ccl = jnp.clip(corner, 0.0, float(RMAX - 1))
            tgt = jnp.clip(jnp.round(ccl), 0.0, float(RMAX - 1)).astype(jnp.int32)
            logits = gd[:, 16 * j:16 * j + 16, :]
            m = jnp.max(logits, axis=1, keepdims=True)
            se = jnp.sum(jnp.exp(logits - m), axis=1, keepdims=True)
            lse = jnp.log(se) + m
            krow = jax.lax.broadcasted_iota(jnp.int32, (NG, RMAX, 16), 1)
            lt = jnp.sum(jnp.where(krow == tgt[:, None, :], logits, 0.0),
                         axis=1, keepdims=True)
            loss_dfl = loss_dfl + jnp.sum(lse - lt)
    loss_dfl = loss_dfl * jnp.float32(1.0 / (N * 4))
    lb = loss_box * BOX_GAIN
    lc = loss_cls * CLS_GAIN
    ld = loss_dfl * DFL_GAIN
    tot = lb + lc + ld
    lane = jax.lax.broadcasted_iota(jnp.int32, (1, 4), 1)
    o[...] = jnp.where(lane == 0, tot,
                       jnp.where(lane == 1, lb, jnp.where(lane == 2, lc, ld)))


NG = N // 16
GJMAX = (8, 2, 1)


def _sc_gather_body(tt, t0, t1, t2,
                    gp0, gp1, gp2, xp0, xp1, xp2, gd0, gd1, gd2,
                    tv, ix0, ix1, ix2, rd0, rd1, rd2,
                    outp, outd, sem):
    wid = lax.axis_index("c") * 16 + lax.axis_index("s")

    @pl.when(wid < NG)
    def _():
        g16 = wid * 16
        for j in range(6):
            pltpu.sync_copy(tt.at[j, pl.ds(g16, 16)], tv.at[j])
        bi = tv[0].astype(jnp.int32)
        ci = tv[1].astype(jnp.int32)
        xv = tv[2]
        yv = tv[3]
        iota16 = lax.iota(jnp.int32, 16)
        tabs = (t0, t1, t2)
        ixrefs = (ix0, ix1, ix2)
        rdrefs = (rd0, rd1, rd2)
        gprefs = (gp0, gp1, gp2)
        xprefs = (xp0, xp1, xp2)
        gdrefs = (gd0, gd1, gd2)
        copies = []
        for s in range(3):
            H, W = SHAPES[s]
            stride = STRIDES[s]
            g0 = xv * jnp.float32(W / stride)
            g1 = yv * jnp.float32(H / stride)
            gi = g0.astype(jnp.int32)
            gj = g1.astype(jnp.int32)
            gm = GJMAX[s]
            ixrefs[s][...] = (bi * gm + gj) * gm + gi
            copies.append(pltpu.async_copy(
                tabs[s].at[ixrefs[s]], rdrefs[s], sem))
        for cp in copies:
            cp.wait()
        for s in range(3):
            rd = rdrefs[s]
            for c in range(4):
                outp[c] = plsc.load_gather(
                    rd, [iota16, jnp.full((16,), 64 + c, jnp.int32)])
            outp[4] = plsc.load_gather(rd, [iota16, 68 + ci])
            pltpu.sync_copy(outp.at[0:5], gprefs[s].at[wid])
            pltpu.sync_copy(outp.at[4], xprefs[s].at[pl.ds(g16, 16)])
            for c in range(64):
                outd[c] = plsc.load_gather(
                    rd, [iota16, jnp.full((16,), c, jnp.int32)])
            pltpu.sync_copy(outd, gdrefs[s].at[wid])


def _sc_gather(tt, t0, t1, t2):
    f32 = jnp.float32
    cp = pltpu.CompilerParams()
    fields = pltpu.CompilerParams.__dataclass_fields__
    if "needs_layout_passes" in fields:
        cp = dataclasses.replace(cp, needs_layout_passes=False)
    return pl.kernel(
        _sc_gather_body,
        compiler_params=cp,
        out_type=(
            jax.ShapeDtypeStruct((NG, 5, 16), f32),
            jax.ShapeDtypeStruct((NG, 5, 16), f32),
            jax.ShapeDtypeStruct((NG, 5, 16), f32),
            jax.ShapeDtypeStruct((N,), f32),
            jax.ShapeDtypeStruct((N,), f32),
            jax.ShapeDtypeStruct((N,), f32),
            jax.ShapeDtypeStruct((NG, 64, 16), f32),
            jax.ShapeDtypeStruct((NG, 64, 16), f32),
            jax.ShapeDtypeStruct((NG, 64, 16), f32),
        ),
        mesh=plsc.VectorSubcoreMesh(core_axis_name="c", subcore_axis_name="s"),
        scratch_types=[
            pltpu.VMEM((8, 16), f32),
            pltpu.VMEM((16,), jnp.int32),
            pltpu.VMEM((16,), jnp.int32),
            pltpu.VMEM((16,), jnp.int32),
            pltpu.VMEM((16, 256), f32),
            pltpu.VMEM((16, 256), f32),
            pltpu.VMEM((16, 256), f32),
            pltpu.VMEM((8, 16), f32),
            pltpu.VMEM((64, 16), f32),
            pltpu.SemaphoreType.DMA,
        ],
    )(tt, t0, t1, t2)


def kernel(pred0, pred1, pred2, dfl0, dfl1, dfl2, targets):
    p0t = jnp.transpose(pred0, (0, 2, 3, 1))
    p1t = jnp.transpose(pred1, (0, 2, 3, 1))
    p2t = jnp.transpose(pred2, (0, 2, 3, 1))
    d1t = jnp.transpose(dfl1, (0, 2, 3, 1))
    d2t = jnp.transpose(dfl2, (0, 2, 3, 1))
    tt = targets.T

    t0, t1, t2 = pl.pallas_call(
        _prep_body,
        grid=(1,),
        in_specs=[
            pl.BlockSpec((B, 8, 8, 84), lambda i: (0, 0, 0, 0)),
            pl.BlockSpec((B, 64, 8, 64), lambda i: (0, 0, 0, 0)),
            pl.BlockSpec((B, 2, 32, 84), lambda i: (0, 0, 0, 0)),
            pl.BlockSpec((B, 2, 32, 64), lambda i: (0, 0, 0, 0)),
            pl.BlockSpec((B, 1, 16, 84), lambda i: (0, 0, 0, 0)),
            pl.BlockSpec((B, 1, 16, 64), lambda i: (0, 0, 0, 0)),
        ],
        out_specs=[
            pl.BlockSpec((B * 64, 256), lambda i: (0, 0)),
            pl.BlockSpec((B * 4, 256), lambda i: (0, 0)),
            pl.BlockSpec((B, 256), lambda i: (0, 0)),
        ],
        out_shape=[
            jax.ShapeDtypeStruct((B * 64, 256), jnp.float32),
            jax.ShapeDtypeStruct((B * 4, 256), jnp.float32),
            jax.ShapeDtypeStruct((B, 256), jnp.float32),
        ],
    )(p0t, dfl0, p1t, d1t, p2t, d2t)

    gp0, gp1, gp2, xp0, xp1, xp2, gd0, gd1, gd2 = _sc_gather(tt, t0, t1, t2)
    tt3 = tt.reshape(6, NG, 16)

    ds = pl.pallas_call(
        _dense_body,
        grid=(B,),
        in_specs=[
            pl.BlockSpec((1, 64, 64, 84), lambda b: (b, 0, 0, 0)),
            pl.BlockSpec((1, 32, 32, 84), lambda b: (b, 0, 0, 0)),
            pl.BlockSpec((1, 16, 16, 84), lambda b: (b, 0, 0, 0)),
        ],
        out_specs=pl.BlockSpec((1, 8), lambda b: (0, 0)),
        out_shape=jax.ShapeDtypeStruct((1, 8), jnp.float32),
        scratch_shapes=[
            pltpu.VMEM((64, 64, 84), jnp.float32),
            pltpu.VMEM((32, 32, 84), jnp.float32),
            pltpu.VMEM((16, 16, 84), jnp.float32),
        ],
    )(p0t, p1t, p2t)

    out = pl.pallas_call(
        _combine_body,
        out_shape=jax.ShapeDtypeStruct((1, 4), jnp.float32),
    )(tt, tt3, gp0, gp1, gp2, xp0, xp1, xp2, gd0, gd1, gd2, ds)
    return out.reshape(4)

# --- scband reference (transcript-rebuilt; emitter-appended) ---
"""Pipeline reference for scband-yolov8-loss-70703751627169 (READ-ONLY COPY).

The authoritative reference and input builder live on the scoring server;
editing this copy changes nothing except your own understanding.
"""

import jax, jax.numpy as jnp
import numpy as np

NUM_CLASSES = 80
REG_MAX = 16
BOX_GAIN, CLS_GAIN, DFL_GAIN = 7.5, 0.5, 1.5
STRIDES = (8.0, 16.0, 32.0)
EPS = 1e-07


def _bbox_iou_xywh(box1, box2):
    b1_x1 = box1[:, 0] - box1[:, 2] / 2
    b1_x2 = box1[:, 0] + box1[:, 2] / 2
    b1_y1 = box1[:, 1] - box1[:, 3] / 2
    b1_y2 = box1[:, 1] + box1[:, 3] / 2
    b2_x1 = box2[:, 0] - box2[:, 2] / 2
    b2_x2 = box2[:, 0] + box2[:, 2] / 2
    b2_y1 = box2[:, 1] - box2[:, 3] / 2
    b2_y2 = box2[:, 1] + box2[:, 3] / 2
    inter = jnp.clip(jnp.minimum(b1_x2, b2_x2) - jnp.maximum(b1_x1, b2_x1), 0, None) * \
            jnp.clip(jnp.minimum(b1_y2, b2_y2) - jnp.maximum(b1_y1, b2_y1), 0, None)
    w1, h1 = b1_x2 - b1_x1, b1_y2 - b1_y1 + EPS
    w2, h2 = b2_x2 - b2_x1, b2_y2 - b2_y1 + EPS
    union = w1 * h1 + w2 * h2 - inter + EPS
    return inter / union


def _yolo_loss(preds, dfls, targets):
    loss_box = jnp.zeros(1, jnp.float32)
    loss_cls = jnp.zeros(1, jnp.float32)
    loss_dfl = jnp.zeros(1, jnp.float32)
    batch_idx = targets[:, 0].astype(jnp.int32)
    cls = targets[:, 1].astype(jnp.int32)
    for i, pred in enumerate(preds):
        b, c, h, w = pred.shape
        stride = STRIDES[i]
        pred_boxes = jnp.transpose(pred[:, :4], (0, 2, 3, 1)).reshape(-1, 4)
        pred_classes = jnp.transpose(pred[:, 4:], (0, 2, 3, 1)).reshape(-1, NUM_CLASSES)
        # build targets for this scale (coords in [0,1) -> always in-grid, faithful to torch loop)
        scale = jnp.array([w, h, w, h], jnp.float32) / stride
        g = targets[:, 2:6] * scale
        gi = jnp.floor(g[:, 0]).astype(jnp.int32)
        gj = jnp.floor(g[:, 1]).astype(jnp.int32)
        flat_idx = batch_idx * (h * w) + gj * w + gi
        t_boxes = jnp.stack([g[:, 0] - gi, g[:, 1] - gj, g[:, 2], g[:, 3]], axis=1)
        # classification loss (BCE with logits over full dense map; scatter-overwrite one-hot)
        cls_targets = jnp.zeros_like(pred_classes).at[flat_idx, cls].set(1.0)
        x = pred_classes
        bce = jnp.maximum(x, 0) - x * cls_targets + jnp.log1p(jnp.exp(-jnp.abs(x)))
        loss_cls = loss_cls + bce.mean() * CLS_GAIN
        # box loss (gather positive cells)
        pred_boxes_pos = pred_boxes[flat_idx]
        iou = _bbox_iou_xywh(pred_boxes_pos, t_boxes)
        loss_box = loss_box + (1.0 - iou).mean() * BOX_GAIN
        # DFL loss
        dfl_pred = jnp.transpose(dfls[i], (0, 2, 3, 1)).reshape(-1, 4, REG_MAX)
        dfl_pred_pos = dfl_pred[flat_idx]
        tb = t_boxes * jnp.array([w, h, w, h], jnp.float32)
        x1 = tb[:, 0] - tb[:, 2] / 2
        y1 = tb[:, 1] - tb[:, 3] / 2
        x2 = tb[:, 0] + tb[:, 2] / 2
        y2 = tb[:, 1] + tb[:, 3] / 2
        corners = jnp.stack([x1, y1, x2, y2], axis=1)
        corners = jnp.clip(corners, 0, REG_MAX - 1)
        coord_int = jnp.clip(jnp.round(corners), 0, REG_MAX - 1).astype(jnp.int32)
        logits = dfl_pred_pos.reshape(-1, REG_MAX)
        tgt = coord_int.reshape(-1)
        ce = jax.nn.logsumexp(logits, axis=1) - jnp.take_along_axis(logits, tgt[:, None], axis=1)[:, 0]
        loss_dfl = loss_dfl + ce.mean() * DFL_GAIN
    total = loss_box + loss_cls + loss_dfl
    return jnp.concatenate([total, loss_box, loss_cls, loss_dfl])


def setup_inputs(seed: int = 0):
    key = jax.random.key(seed)
    ks = jax.random.split(key, 12)
    B, N = 32, 400
    pred0 = jax.random.normal(ks[0], (B, 84, 64, 64), jnp.float32)
    pred1 = jax.random.normal(ks[1], (B, 84, 32, 32), jnp.float32)
    pred2 = jax.random.normal(ks[2], (B, 84, 16, 16), jnp.float32)
    dfl0 = jax.random.normal(ks[3], (B, 64, 64, 64), jnp.float32)
    dfl1 = jax.random.normal(ks[4], (B, 64, 32, 32), jnp.float32)
    dfl2 = jax.random.normal(ks[5], (B, 64, 16, 16), jnp.float32)
    b_idx = jax.random.randint(ks[6], (N,), 0, B).astype(jnp.float32)
    c_idx = jax.random.randint(ks[7], (N,), 0, NUM_CLASSES).astype(jnp.float32)
    xy = jax.random.uniform(ks[8], (N, 2), jnp.float32, 0.02, 0.98)
    wh = jax.random.uniform(ks[9], (N, 2), jnp.float32, 0.02, 0.4)
    targets = jnp.concatenate([b_idx[:, None], c_idx[:, None], xy, wh], axis=1)
    return {"pred0": pred0, "pred1": pred1, "pred2": pred2,
            "dfl0": dfl0, "dfl1": dfl1, "dfl2": dfl2, "targets": targets}


def reference(pred0, pred1, pred2, dfl0, dfl1, dfl2, targets):
    return _yolo_loss([pred0, pred1, pred2], [dfl0, dfl1, dfl2], targets)

if __name__ == "__main__":
    import jax
    _d = setup_inputs()
    print(jax.jit(kernel)(*tuple(_d.values())))

</pallas_src>

<mosaic_0001>
#map = affine_map<(d0, d1) -> (0, 0)>
#map1 = affine_map<(d0, d1) -> (0, 0, 0)>
#map2 = affine_map<(d0, d1) -> (0)>
module attributes {stable_mosaic.version = 14 : i64} {
  func.func @_sc_gather_body(%arg0: i32, %arg1: i32, %arg2: memref<6x400xf32, #tpu.memory_space<hbm>>, %arg3: memref<2048x256xf32, #tpu.memory_space<hbm>>, %arg4: memref<128x256xf32, #tpu.memory_space<hbm>>, %arg5: memref<32x256xf32, #tpu.memory_space<hbm>>, %arg6: memref<25x5x16xf32, #tpu.memory_space<hbm>>, %arg7: memref<25x5x16xf32, #tpu.memory_space<hbm>>, %arg8: memref<25x5x16xf32, #tpu.memory_space<hbm>>, %arg9: memref<400xf32, #tpu.memory_space<hbm>>, %arg10: memref<400xf32, #tpu.memory_space<hbm>>, %arg11: memref<400xf32, #tpu.memory_space<hbm>>, %arg12: memref<25x64x16xf32, #tpu.memory_space<hbm>>, %arg13: memref<25x64x16xf32, #tpu.memory_space<hbm>>, %arg14: memref<25x64x16xf32, #tpu.memory_space<hbm>>, %arg15: memref<8x16xf32, #tpu.memory_space<vmem>>, %arg16: memref<16xi32, #tpu.memory_space<vmem>>, %arg17: memref<16xi32, #tpu.memory_space<vmem>>, %arg18: memref<16xi32, #tpu.memory_space<vmem>>, %arg19: memref<16x256xf32, #tpu.memory_space<vmem>>, %arg20: memref<16x256xf32, #tpu.memory_space<vmem>>, %arg21: memref<16x256xf32, #tpu.memory_space<vmem>>, %arg22: memref<8x16xf32, #tpu.memory_space<vmem>>, %arg23: memref<64x16xf32, #tpu.memory_space<vmem>>, %arg24: memref<!tpu.dma_semaphore, #tpu.memory_space<semaphore_mem>>) attributes {dimension_semantics = [#tpu.dimension_semantics<core_parallel>, #tpu.dimension_semantics<subcore_parallel>], iteration_bounds = array<i64: 2, 16>, scalar_prefetch = 0 : i64, scratch_operands = 10 : i64, tpu.core_type = #tpu.core_type<sc_vector_subcore>, window_params = [{transform_indices = #map}, {transform_indices = #map}, {transform_indices = #map}, {transform_indices = #map}, {transform_indices = #map1}, {transform_indices = #map1}, {transform_indices = #map1}, {transform_indices = #map2}, {transform_indices = #map2}, {transform_indices = #map2}, {transform_indices = #map1}, {transform_indices = #map1}, {transform_indices = #map1}]} {
    %mul3A = arith.constant 16 : i32
    %mul3A_0 = arith.muli %arg0, %mul3A : i32
    %add3A = arith.addi %mul3A_0, %arg1 : i32
    %lt3A = arith.constant 25 : i32
    %lt3A_1 = arith.cmpi slt, %add3A, %lt3A : i32
    %convert_element_type3A = arith.extui %lt3A_1 : i1 to i32
    %cond3A = arith.constant 0 : i32
    %cond3A_2 = arith.cmpi ne, %convert_element_type3A, %cond3A : i32
    scf.if %cond3A_2 {
      %mul3A_3 = arith.constant 16 : i32
      %mul3A_4 = arith.muli %add3A, %mul3A_3 : i32
      %run_scoped3A = arith.constant 0 : i32
      %run_scoped3A_5 = arith.constant 0 : i32
      "tpu.region"() ({
        %run_scoped3A_1555 = tpu.sem_alloc : memref<!tpu.dma_semaphore, #tpu.memory_space<semaphore_mem>>
        %dma_start3A_1556 = arith.constant 0 : i32
        %dma_start3A_1557 = tpu.memref_slice %arg15[%run_scoped3A_5, %dma_start3A_1556] : memref<8x16xf32, #tpu.memory_space<vmem>> -> memref<1x16xf32, #tpu.memory_space<vmem>>
        %dma_start3A_1558 = tpu.memref_squeeze %dma_start3A_1557 : memref<1x16xf32, #tpu.memory_space<vmem>> -> memref<16xf32, #tpu.memory_space<vmem>>
        %dma_start3A_1559 = tpu.memref_slice %arg2[%run_scoped3A, %mul3A_4] : memref<6x400xf32, #tpu.memory_space<hbm>> -> memref<1x16xf32, #tpu.memory_space<hbm>>
        %dma_start3A_1560 = tpu.memref_squeeze %dma_start3A_1559 : memref<1x16xf32, #tpu.memory_space<hbm>> -> memref<16xf32, #tpu.memory_space<hbm>>
        %dma_start3A_1561 = arith.constant 0 : i32
        %dma_start3A_1562 = tpu.memref_slice %arg15[%run_scoped3A_5, %dma_start3A_1561] : memref<8x16xf32, #tpu.memory_space<vmem>> -> memref<1x16xf32, #tpu.memory_space<vmem>>
        %dma_start3A_1563 = tpu.memref_squeeze %dma_start3A_1562 : memref<1x16xf32, #tpu.memory_space<vmem>> -> memref<16xf32, #tpu.memory_space<vmem>>
        %dma_start3A_1564 = tpu.memref_slice %arg2[%run_scoped3A, %mul3A_4] : memref<6x400xf32, #tpu.memory_space<hbm>> -> memref<1x16xf32, #tpu.memory_space<hbm>>
        %dma_start3A_1565 = tpu.memref_squeeze %dma_start3A_1564 : memref<1x16xf32, #tpu.memory_space<hbm>> -> memref<16xf32, #tpu.memory_space<hbm>>
        tpu.enqueue_dma source(%dma_start3A_1565 : memref<16xf32, #tpu.memory_space<hbm>>) target(%dma_start3A_1563 : memref<16xf32, #tpu.memory_space<vmem>>) target_semaphore(%run_scoped3A_1555 : memref<!tpu.dma_semaphore, #tpu.memory_space<semaphore_mem>>)
        %dma_wait3A_1566 = arith.constant 0 : i32
        %dma_wait3A_1567 = tpu.memref_slice %arg15[%run_scoped3A_5, %dma_wait3A_1566] : memref<8x16xf32, #tpu.memory_space<vmem>> -> memref<1x16xf32, #tpu.memory_space<vmem>>
        %dma_wait3A_1568 = tpu.memref_squeeze %dma_wait3A_1567 : memref<1x16xf32, #tpu.memory_space<vmem>> -> memref<16xf32, #tpu.memory_space<vmem>>
        %dma_wait3A_1569 = tpu.memref_slice %arg2[%run_scoped3A, %mul3A_4] : memref<6x400xf32, #tpu.memory_space<hbm>> -> memref<1x16xf32, #tpu.memory_space<hbm>>
        %dma_wait3A_1570 = tpu.memref_squeeze %dma_wait3A_1569 : memref<1x16xf32, #tpu.memory_space<hbm>> -> memref<16xf32, #tpu.memory_space<hbm>>
        %dma_wait3A_1571 = arith.constant 0 : i32
        %dma_wait3A_1572 = tpu.memref_slice %arg15[%run_scoped3A_5, %dma_wait3A_1571] : memref<8x16xf32, #tpu.memory_space<vmem>> -> memref<1x16xf32, #tpu.memory_space<vmem>>
        %dma_wait3A_1573 = tpu.memref_squeeze %dma_wait3A_1572 : memref<1x16xf32, #tpu.memory_space<vmem>> -> memref<16xf32, #tpu.memory_space<vmem>>
        %dma_wait3A_1574 = tpu.memref_slice %arg2[%run_scoped3A, %mul3A_4] : memref<6x400xf32, #tpu.memory_space<hbm>> -> memref<1x16xf32, #tpu.memory_space<hbm>>
        %dma_wait3A_1575 = tpu.memref_squeeze %dma_wait3A_1574 : memref<1x16xf32, #tpu.memory_space<hbm>> -> memref<16xf32, #tpu.memory_space<hbm>>
        tpu.wait_dma2 semaphore(%run_scoped3A_1555 : memref<!tpu.dma_semaphore, #tpu.memory_space<semaphore_mem>>) src(%dma_wait3A_1575 : memref<16xf32, #tpu.memory_space<hbm>>) dst(%dma_wait3A_1573 : memref<16xf32, #tpu.memory_space<vmem>>)
        tpu.yield
      }) : () -> ()
      %run_scoped3A_6 = arith.constant 1 : i32
      %run_scoped3A_7 = arith.constant 1 : i32
      "tpu.region"() ({
        %run_scoped3A_1555 = tpu.sem_alloc : memref<!tpu.dma_semaphore, #tpu.memory_space<semaphore_mem>>
        %dma_start3A_1556 = arith.constant 0 : i32
        %dma_start3A_1557 = tpu.memref_slice %arg15[%run_scoped3A_7, %dma_start3A_1556] : memref<8x16xf32, #tpu.memory_space<vmem>> -> memref<1x16xf32, #tpu.memory_space<vmem>>
        %dma_start3A_1558 = tpu.memref_squeeze %dma_start3A_1557 : memref<1x16xf32, #tpu.memory_space<vmem>> -> memref<16xf32, #tpu.memory_space<vmem>>
        %dma_start3A_1559 = tpu.memref_slice %arg2[%run_scoped3A_6, %mul3A_4] : memref<6x400xf32, #tpu.memory_space<hbm>> -> memref<1x16xf32, #tpu.memory_space<hbm>>
        %dma_start3A_1560 = tpu.memref_squeeze %dma_start3A_1559 : memref<1x16xf32, #tpu.memory_space<hbm>> -> memref<16xf32, #tpu.memory_space<hbm>>
        %dma_start3A_1561 = arith.constant 0 : i32
        %dma_start3A_1562 = tpu.memref_slice %arg15[%run_scoped3A_7, %dma_start3A_1561] : memref<8x16xf32, #tpu.memory_space<vmem>> -> memref<1x16xf32, #tpu.memory_space<vmem>>
        %dma_start3A_1563 = tpu.memref_squeeze %dma_start3A_1562 : memref<1x16xf32, #tpu.memory_space<vmem>> -> memref<16xf32, #tpu.memory_space<vmem>>
        %dma_start3A_1564 = tpu.memref_slice %arg2[%run_scoped3A_6, %mul3A_4] : memref<6x400xf32, #tpu.memory_space<hbm>> -> memref<1x16xf32, #tpu.memory_space<hbm>>
        %dma_start3A_1565 = tpu.memref_squeeze %dma_start3A_1564 : memref<1x16xf32, #tpu.memory_space<hbm>> -> memref<16xf32, #tpu.memory_space<hbm>>
        tpu.enqueue_dma source(%dma_start3A_1565 : memref<16xf32, #tpu.memory_space<hbm>>) target(%dma_start3A_1563 : memref<16xf32, #tpu.memory_space<vmem>>) target_semaphore(%run_scoped3A_1555 : memref<!tpu.dma_semaphore, #tpu.memory_space<semaphore_mem>>)
        %dma_wait3A_1566 = arith.constant 0 : i32
        %dma_wait3A_1567 = tpu.memref_slice %arg15[%run_scoped3A_7, %dma_wait3A_1566] : memref<8x16xf32, #tpu.memory_space<vmem>> -> memref<1x16xf32, #tpu.memory_space<vmem>>
        %dma_wait3A_1568 = tpu.memref_squeeze %dma_wait3A_1567 : memref<1x16xf32, #tpu.memory_space<vmem>> -> memref<16xf32, #tpu.memory_space<vmem>>
        %dma_wait3A_1569 = tpu.memref_slice %arg2[%run_scoped3A_6, %mul3A_4] : memref<6x400xf32, #tpu.memory_space<hbm>> -> memref<1x16xf32, #tpu.memory_space<hbm>>
        %dma_wait3A_1570 = tpu.memref_squeeze %dma_wait3A_1569 : memref<1x16xf32, #tpu.memory_space<hbm>> -> memref<16xf32, #tpu.memory_space<hbm>>
        %dma_wait3A_1571 = arith.constant 0 : i32
        %dma_wait3A_1572 = tpu.memref_slice %arg15[%run_scoped3A_7, %dma_wait3A_1571] : memref<8x16xf32, #tpu.memory_space<vmem>> -> memref<1x16xf32, #tpu.memory_space<vmem>>
        %dma_wait3A_1573 = tpu.memref_squeeze %dma_wait3A_1572 : memref<1x16xf32, #tpu.memory_space<vmem>> -> memref<16xf32, #tpu.memory_space<vmem>>
        %dma_wait3A_1574 = tpu.memref_slice %arg2[%run_scoped3A_6, %mul3A_4] : memref<6x400xf32, #tpu.memory_space<hbm>> -> memref<1x16xf32, #tpu.memory_space<hbm>>
        %dma_wait3A_1575 = tpu.memref_squeeze %dma_wait3A_1574 : memref<1x16xf32, #tpu.memory_space<hbm>> -> memref<16xf32, #tpu.memory_space<hbm>>
        tpu.wait_dma2 semaphore(%run_scoped3A_1555 : memref<!tpu.dma_semaphore, #tpu.memory_space<semaphore_mem>>) src(%dma_wait3A_1575 : memref<16xf32, #tpu.memory_space<hbm>>) dst(%dma_wait3A_1573 : memref<16xf32, #tpu.memory_space<vmem>>)
        tpu.yield
      }) : () -> ()
      %run_scoped3A_8 = arith.constant 2 : i32
      %run_scoped3A_9 = arith.constant 2 : i32
      "tpu.region"() ({
        %run_scoped3A_1555 = tpu.sem_alloc : memref<!tpu.dma_semaphore, #tpu.memory_space<semaphore_mem>>
        %dma_start3A_1556 = arith.constant 0 : i32
        %dma_start3A_1557 = tpu.memref_slice %arg15[%run_scoped3A_9, %dma_start3A_1556] : memref<8x16xf32, #tpu.memory_space<vmem>> -> memref<1x16xf32, #tpu.memory_space<vmem>>
        %dma_start3A_1558 = tpu.memref_squeeze %dma_start3A_1557 : memref<1x16xf32, #tpu.memory_space<vmem>> -> memref<16xf32, #tpu.memory_space<vmem>>
        %dma_start3A_1559 = tpu.memref_slice %arg2[%run_scoped3A_8, %mul3A_4] : memref<6x400xf32, #tpu.memory_space<hbm>> -> memref<1x16xf32, #tpu.memory_space<hbm>>
        %dma_start3A_1560 = tpu.memref_squeeze %dma_start3A_1559 : memref<1x16xf32, #tpu.memory_space<hbm>> -> memref<16xf32, #tpu.memory_space<hbm>>
        %dma_start3A_1561 = arith.constant 0 : i32
        %dma_start3A_1562 = tpu.memref_slice %arg15[%run_scoped3A_9, %dma_start3A_1561] : memref<8x16xf32, #tpu.memory_space<vmem>> -> memref<1x16xf32, #tpu.memory_space<vmem>>
        %dma_start3A_1563 = tpu.memref_squeeze %dma_start3A_1562 : memref<1x16xf32, #tpu.memory_space<vmem>> -> memref<16xf32, #tpu.memory_space<vmem>>
        %dma_start3A_1564 = tpu.memref_slice %arg2[%run_scoped3A_8, %mul3A_4] : memref<6x400xf32, #tpu.memory_space<hbm>> -> memref<1x16xf32, #tpu.memory_space<hbm>>
        %dma_start3A_1565 = tpu.memref_squeeze %dma_start3A_1564 : memref<1x16xf32, #tpu.memory_space<hbm>> -> memref<16xf32, #tpu.memory_space<hbm>>
        tpu.enqueue_dma source(%dma_start3A_1565 : memref<16xf32, #tpu.memory_space<hbm>>) target(%dma_start3A_1563 : memref<16xf32, #tpu.memory_space<vmem>>) target_semaphore(%run_scoped3A_1555 : memref<!tpu.dma_semaphore, #tpu.memory_space<semaphore_mem>>)
        %dma_wait3A_1566 = arith.constant 0 : i32
        %dma_wait3A_1567 = tpu.memref_slice %arg15[%run_scoped3A_9, %dma_wait3A_1566] : memref<8x16xf32, #tpu.memory_space<vmem>> -> memref<1x16xf32, #tpu.memory_space<vmem>>
        %dma_wait3A_1568 = tpu.memref_squeeze %dma_wait3A_1567 : memref<1x16xf32, #tpu.memory_space<vmem>> -> memref<16xf32, #tpu.memory_space<vmem>>
        %dma_wait3A_1569 = tpu.memref_slice %arg2[%run_scoped3A_8, %mul3A_4] : memref<6x400xf32, #tpu.memory_space<hbm>> -> memref<1x16xf32, #tpu.memory_space<hbm>>
        %dma_wait3A_1570 = tpu.memref_squeeze %dma_wait3A_1569 : memref<1x16xf32, #tpu.memory_space<hbm>> -> memref<16xf32, #tpu.memory_space<hbm>>
        %dma_wait3A_1571 = arith.constant 0 : i32
        %dma_wait3A_1572 = tpu.memref_slice %arg15[%run_scoped3A_9, %dma_wait3A_1571] : memref<8x16xf32, #tpu.memory_space<vmem>> -> memref<1x16xf32, #tpu.memory_space<vmem>>
        %dma_wait3A_1573 = tpu.memref_squeeze %dma_wait3A_1572 : memref<1x16xf32, #tpu.memory_space<vmem>> -> memref<16xf32, #tpu.memory_space<vmem>>
        %dma_wait3A_1574 = tpu.memref_slice %arg2[%run_scoped3A_8, %mul3A_4] : memref<6x400xf32, #tpu.memory_space<hbm>> -> memref<1x16xf32, #tpu.memory_space<hbm>>
        %dma_wait3A_1575 = tpu.memref_squeeze %dma_wait3A_1574 : memref<1x16xf32, #tpu.memory_space<hbm>> -> memref<16xf32, #tpu.memory_space<hbm>>
        tpu.wait_dma2 semaphore(%run_scoped3A_1555 : memref<!tpu.dma_semaphore, #tpu.memory_space<semaphore_mem>>) src(%dma_wait3A_1575 : memref<16xf32, #tpu.memory_space<hbm>>) dst(%dma_wait3A_1573 : memref<16xf32, #tpu.memory_space<vmem>>)
        tpu.yield
      }) : () -> ()
      %run_scoped3A_10 = arith.constant 3 : i32
      %run_scoped3A_11 = arith.constant 3 : i32
      "tpu.region"() ({
        %run_scoped3A_1555 = tpu.sem_alloc : memref<!tpu.dma_semaphore, #tpu.memory_space<semaphore_mem>>
        %dma_start3A_1556 = arith.constant 0 : i32
        %dma_start3A_1557 = tpu.memref_slice %arg15[%run_scoped3A_11, %dma_start3A_1556] : memref<8x16xf32, #tpu.memory_space<vmem>> -> memref<1x16xf32, #tpu.memory_space<vmem>>
        %dma_start3A_1558 = tpu.memref_squeeze %dma_start3A_1557 : memref<1x16xf32, #tpu.memory_space<vmem>> -> memref<16xf32, #tpu.memory_space<vmem>>
        %dma_start3A_1559 = tpu.memref_slice %arg2[%run_scoped3A_10, %mul3A_4] : memref<6x400xf32, #tpu.memory_space<hbm>> -> memref<1x16xf32, #tpu.memory_space<hbm>>
        %dma_start3A_1560 = tpu.memref_squeeze %dma_start3A_1559 : memref<1x16xf32, #tpu.memory_space<hbm>> -> memref<16xf32, #tpu.memory_space<hbm>>
        %dma_start3A_1561 = arith.constant 0 : i32
        %dma_start3A_1562 = tpu.memref_slice %arg15[%run_scoped3A_11, %dma_start3A_1561] : memref<8x16xf32, #tpu.memory_space<vmem>> -> memref<1x16xf32, #tpu.memory_space<vmem>>
        %dma_start3A_1563 = tpu.memref_squeeze %dma_start3A_1562 : memref<1x16xf32, #tpu.memory_space<vmem>> -> memref<16xf32, #tpu.memory_space<vmem>>
        %dma_start3A_1564 = tpu.memref_slice %arg2[%run_scoped3A_10, %mul3A_4] : memref<6x400xf32, #tpu.memory_space<hbm>> -> memref<1x16xf32, #tpu.memory_space<hbm>>
        %dma_start3A_1565 = tpu.memref_squeeze %dma_start3A_1564 : memref<1x16xf32, #tpu.memory_space<hbm>> -> memref<16xf32, #tpu.memory_space<hbm>>
        tpu.enqueue_dma source(%dma_start3A_1565 : memref<16xf32, #tpu.memory_space<hbm>>) target(%dma_start3A_1563 : memref<16xf32, #tpu.memory_space<vmem>>) target_semaphore(%run_scoped3A_1555 : memref<!tpu.dma_semaphore, #tpu.memory_space<semaphore_mem>>)
        %dma_wait3A_1566 = arith.constant 0 : i32
        %dma_wait3A_1567 = tpu.memref_slice %arg15[%run_scoped3A_11, %dma_wait3A_1566] : memref<8x16xf32, #tpu.memory_space<vmem>> -> memref<1x16xf32, #tpu.memory_space<vmem>>
        %dma_wait3A_1568 = tpu.memref_squeeze %dma_wait3A_1567 : memref<1x16xf32, #tpu.memory_space<vmem>> -> memref<16xf32, #tpu.memory_space<vmem>>
        %dma_wait3A_1569 = tpu.memref_slice %arg2[%run_scoped3A_10, %mul3A_4] : memref<6x400xf32, #tpu.memory_space<hbm>> -> memref<1x16xf32, #tpu.memory_space<hbm>>
        %dma_wait3A_1570 = tpu.memref_squeeze %dma_wait3A_1569 : memref<1x16xf32, #tpu.memory_space<hbm>> -> memref<16xf32, #tpu.memory_space<hbm>>
        %dma_wait3A_1571 = arith.constant 0 : i32
        %dma_wait3A_1572 = tpu.memref_slice %arg15[%run_scoped3A_11, %dma_wait3A_1571] : memref<8x16xf32, #tpu.memory_space<vmem>> -> memref<1x16xf32, #tpu.memory_space<vmem>>
        %dma_wait3A_1573 = tpu.memref_squeeze %dma_wait3A_1572 : memref<1x16xf32, #tpu.memory_space<vmem>> -> memref<16xf32, #tpu.memory_space<vmem>>
        %dma_wait3A_1574 = tpu.memref_slice %arg2[%run_scoped3A_10, %mul3A_4] : memref<6x400xf32, #tpu.memory_space<hbm>> -> memref<1x16xf32, #tpu.memory_space<hbm>>
        %dma_wait3A_1575 = tpu.memref_squeeze %dma_wait3A_1574 : memref<1x16xf32, #tpu.memory_space<hbm>> -> memref<16xf32, #tpu.memory_space<hbm>>
        tpu.wait_dma2 semaphore(%run_scoped3A_1555 : memref<!tpu.dma_semaphore, #tpu.memory_space<semaphore_mem>>) src(%dma_wait3A_1575 : memref<16xf32, #tpu.memory_space<hbm>>) dst(%dma_wait3A_1573 : memref<16xf32, #tpu.memory_space<vmem>>)
        tpu.yield
      }) : () -> ()
      %run_scoped3A_12 = arith.constant 4 : i32
      %run_scoped3A_13 = arith.constant 4 : i32
      "tpu.region"() ({
        %run_scoped3A_1555 = tpu.sem_alloc : memref<!tpu.dma_semaphore, #tpu.memory_space<semaphore_mem>>
        %dma_start3A_1556 = arith.constant 0 : i32
        %dma_start3A_1557 = tpu.memref_slice %arg15[%run_scoped3A_13, %dma_start3A_1556] : memref<8x16xf32, #tpu.memory_space<vmem>> -> memref<1x16xf32, #tpu.memory_space<vmem>>
        %dma_start3A_1558 = tpu.memref_squeeze %dma_start3A_1557 : memref<1x16xf32, #tpu.memory_space<vmem>> -> memref<16xf32, #tpu.memory_space<vmem>>
        %dma_start3A_1559 = tpu.memref_slice %arg2[%run_scoped3A_12, %mul3A_4] : memref<6x400xf32, #tpu.memory_space<hbm>> -> memref<1x16xf32, #tpu.memory_space<hbm>>
        %dma_start3A_1560 = tpu.memref_squeeze %dma_start3A_1559 : memref<1x16xf32, #tpu.memory_space<hbm>> -> memref<16xf32, #tpu.memory_space<hbm>>
        %dma_start3A_1561 = arith.constant 0 : i32
        %dma_start3A_1562 = tpu.memref_slice %arg15[%run_scoped3A_13, %dma_start3A_1561] : memref<8x16xf32, #tpu.memory_space<vmem>> -> memref<1x16xf32, #tpu.memory_space<vmem>>
        %dma_start3A_1563 = tpu.memref_squeeze %dma_start3A_1562 : memref<1x16xf32, #tpu.memory_space<vmem>> -> memref<16xf32, #tpu.memory_space<vmem>>
        %dma_start3A_1564 = tpu.memref_slice %arg2[%run_scoped3A_12, %mul3A_4] : memref<6x400xf32, #tpu.memory_space<hbm>> -> memref<1x16xf32, #tpu.memory_space<hbm>>
        %dma_start3A_1565 = tpu.memref_squeeze %dma_start3A_1564 : memref<1x16xf32, #tpu.memory_space<hbm>> -> memref<16xf32, #tpu.memory_space<hbm>>
        tpu.enqueue_dma source(%dma_start3A_1565 : memref<16xf32, #tpu.memory_space<hbm>>) target(%dma_start3A_1563 : memref<16xf32, #tpu.memory_space<vmem>>) target_semaphore(%run_scoped3A_1555 : memref<!tpu.dma_semaphore, #tpu.memory_space<semaphore_mem>>)
        %dma_wait3A_1566 = arith.constant 0 : i32
        %dma_wait3A_1567 = tpu.memref_slice %arg15[%run_scoped3A_13, %dma_wait3A_1566] : memref<8x16xf32, #tpu.memory_space<vmem>> -> memref<1x16xf32, #tpu.memory_space<vmem>>
        %dma_wait3A_1568 = tpu.memref_squeeze %dma_wait3A_1567 : memref<1x16xf32, #tpu.memory_space<vmem>> -> memref<16xf32, #tpu.memory_space<vmem>>
        %dma_wait3A_1569 = tpu.memref_slice %arg2[%run_scoped3A_12, %mul3A_4] : memref<6x400xf32, #tpu.memory_space<hbm>> -> memref<1x16xf32, #tpu.memory_space<hbm>>
        %dma_wait3A_1570 = tpu.memref_squeeze %dma_wait3A_1569 : memref<1x16xf32, #tpu.memory_space<hbm>> -> memref<16xf32, #tpu.memory_space<hbm>>
        %dma_wait3A_1571 = arith.constant 0 : i32
        %dma_wait3A_1572 = tpu.memref_slice %arg15[%run_scoped3A_13, %dma_wait3A_1571] : memref<8x16xf32, #tpu.memory_space<vmem>> -> memref<1x16xf32, #tpu.memory_space<vmem>>
        %dma_wait3A_1573 = tpu.memref_squeeze %dma_wait3A_1572 : memref<1x16xf32, #tpu.memory_space<vmem>> -> memref<16xf32, #tpu.memory_space<vmem>>
        %dma_wait3A_1574 = tpu.memref_slice %arg2[%run_scoped3A_12, %mul3A_4] : memref<6x400xf32, #tpu.memory_space<hbm>> -> memref<1x16xf32, #tpu.memory_space<hbm>>
        %dma_wait3A_1575 = tpu.memref_squeeze %dma_wait3A_1574 : memref<1x16xf32, #tpu.memory_space<hbm>> -> memref<16xf32, #tpu.memory_space<hbm>>
        tpu.wait_dma2 semaphore(%run_scoped3A_1555 : memref<!tpu.dma_semaphore, #tpu.memory_space<semaphore_mem>>) src(%dma_wait3A_1575 : memref<16xf32, #tpu.memory_space<hbm>>) dst(%dma_wait3A_1573 : memref<16xf32, #tpu.memory_space<vmem>>)
        tpu.yield
      }) : () -> ()
      %run_scoped3A_14 = arith.constant 5 : i32
      %run_scoped3A_15 = arith.constant 5 : i32
      "tpu.region"() ({
        %run_scoped3A_1555 = tpu.sem_alloc : memref<!tpu.dma_semaphore, #tpu.memory_space<semaphore_mem>>
        %dma_start3A_1556 = arith.constant 0 : i32
        %dma_start3A_1557 = tpu.memref_slice %arg15[%run_scoped3A_15, %dma_start3A_1556] : memref<8x16xf32, #tpu.memory_space<vmem>> -> memref<1x16xf32, #tpu.memory_space<vmem>>
        %dma_start3A_1558 = tpu.memref_squeeze %dma_start3A_1557 : memref<1x16xf32, #tpu.memory_space<vmem>> -> memref<16xf32, #tpu.memory_space<vmem>>
        %dma_start3A_1559 = tpu.memref_slice %arg2[%run_scoped3A_14, %mul3A_4] : memref<6x400xf32, #tpu.memory_space<hbm>> -> memref<1x16xf32, #tpu.memory_space<hbm>>
        %dma_start3A_1560 = tpu.memref_squeeze %dma_start3A_1559 : memref<1x16xf32, #tpu.memory_space<hbm>> -> memref<16xf32, #tpu.memory_space<hbm>>
        %dma_start3A_1561 = arith.constant 0 : i32
        %dma_start3A_1562 = tpu.memref_slice %arg15[%run_scoped3A_15, %dma_start3A_1561] : memref<8x16xf32, #tpu.memory_space<vmem>> -> memref<1x16xf32, #tpu.memory_space<vmem>>
        %dma_start3A_1563 = tpu.memref_squeeze %dma_start3A_1562 : memref<1x16xf32, #tpu.memory_space<vmem>> -> memref<16xf32, #tpu.memory_space<vmem>>
        %dma_start3A_1564 = tpu.memref_slice %arg2[%run_scoped3A_14, %mul3A_4] : memref<6x400xf32, #tpu.memory_space<hbm>> -> memref<1x16xf32, #tpu.memory_space<hbm>>
        %dma_start3A_1565 = tpu.memref_squeeze %dma_start3A_1564 : memref<1x16xf32, #tpu.memory_space<hbm>> -> memref<16xf32, #tpu.memory_space<hbm>>
        tpu.enqueue_dma source(%dma_start3A_1565 : memref<16xf32, #tpu.memory_space<hbm>>) target(%dma_start3A_1563 : memref<16xf32, #tpu.memory_space<vmem>>) target_semaphore(%run_scoped3A_1555 : memref<!tpu.dma_semaphore, #tpu.memory_space<semaphore_mem>>)
        %dma_wait3A_1566 = arith.constant 0 : i32
        %dma_wait3A_1567 = tpu.memref_slice %arg15[%run_scoped3A_15, %dma_wait3A_1566] : memref<8x16xf32, #tpu.memory_space<vmem>> -> memref<1x16xf32, #tpu.memory_space<vmem>>
        %dma_wait3A_1568 = tpu.memref_squeeze %dma_wait3A_1567 : memref<1x16xf32, #tpu.memory_space<vmem>> -> memref<16xf32, #tpu.memory_space<vmem>>
        %dma_wait3A_1569 = tpu.memref_slice %arg2[%run_scoped3A_14, %mul3A_4] : memref<6x400xf32, #tpu.memory_space<hbm>> -> memref<1x16xf32, #tpu.memory_space<hbm>>
        %dma_wait3A_1570 = tpu.memref_squeeze %dma_wait3A_1569 : memref<1x16xf32, #tpu.memory_space<hbm>> -> memref<16xf32, #tpu.memory_space<hbm>>
        %dma_wait3A_1571 = arith.constant 0 : i32
        %dma_wait3A_1572 = tpu.memref_slice %arg15[%run_scoped3A_15, %dma_wait3A_1571] : memref<8x16xf32, #tpu.memory_space<vmem>> -> memref<1x16xf32, #tpu.memory_space<vmem>>
        %dma_wait3A_1573 = tpu.memref_squeeze %dma_wait3A_1572 : memref<1x16xf32, #tpu.memory_space<vmem>> -> memref<16xf32, #tpu.memory_space<vmem>>
        %dma_wait3A_1574 = tpu.memref_slice %arg2[%run_scoped3A_14, %mul3A_4] : memref<6x400xf32, #tpu.memory_space<hbm>> -> memref<1x16xf32, #tpu.memory_space<hbm>>
        %dma_wait3A_1575 = tpu.memref_squeeze %dma_wait3A_1574 : memref<1x16xf32, #tpu.memory_space<hbm>> -> memref<16xf32, #tpu.memory_space<hbm>>
        tpu.wait_dma2 semaphore(%run_scoped3A_1555 : memref<!tpu.dma_semaphore, #tpu.memory_space<semaphore_mem>>) src(%dma_wait3A_1575 : memref<16xf32, #tpu.memory_space<hbm>>) dst(%dma_wait3A_1573 : memref<16xf32, #tpu.memory_space<vmem>>)
        tpu.yield
      }) : () -> ()
      %get3A = arith.constant 0 : i32
      %get3A_16 = arith.index_cast %get3A : i32 to index
      %get3A_17 = arith.constant 0 : index
      %get3A_18 = tpu.vector_load %arg15[%get3A_16, %get3A_17] {strides = array<i32>} : memref<8x16xf32, #tpu.memory_space<vmem>>, vector<16xf32>,
      %convert_element_type3A_19 = arith.fptosi %get3A_18 : vector<16xf32> to vector<16xi32>
      %get3A_20 = arith.constant 1 : i32
      %get3A_21 = arith.index_cast %get3A_20 : i32 to index
      %get3A_22 = arith.constant 0 : index
      %get3A_23 = tpu.vector_load %arg15[%get3A_21, %get3A_22] {strides = array<i32>} : memref<8x16xf32, #tpu.memory_space<vmem>>, vector<16xf32>,
      %convert_element_type3A_24 = arith.fptosi %get3A_23 : vector<16xf32> to vector<16xi32>
      %get3A_25 = arith.constant 2 : i32
      %get3A_26 = arith.index_cast %get3A_25 : i32 to index
      %get3A_27 = arith.constant 0 : index
      %get3A_28 = tpu.vector_load %arg15[%get3A_26, %get3A_27] {strides = array<i32>} : memref<8x16xf32, #tpu.memory_space<vmem>>, vector<16xf32>,
      %get3A_29 = arith.constant 3 : i32
      %get3A_30 = arith.index_cast %get3A_29 : i32 to index
      %get3A_31 = arith.constant 0 : index
      %get3A_32 = tpu.vector_load %arg15[%get3A_30, %get3A_31] {strides = array<i32>} : memref<8x16xf32, #tpu.memory_space<vmem>>, vector<16xf32>,
      %iota3A = tpu.iota {dimensions = array<i32: 0>} : vector<16xi32>
      %mul3A_33 = arith.constant 8.000000e+00 : f32
      %mul3A_34 = vector.broadcast %mul3A_33 : f32 to vector<16xf32>
      %mul3A_35 = arith.mulf %get3A_28, %mul3A_34 : vector<16xf32>
      %mul3A_36 = arith.constant 8.000000e+00 : f32
      %mul3A_37 = vector.broadcast %mul3A_36 : f32 to vector<16xf32>
      %mul3A_38 = arith.mulf %get3A_32, %mul3A_37 : vector<16xf32>
      %convert_element_type3A_39 = arith.fptosi %mul3A_35 : vector<16xf32> to vector<16xi32>
      %convert_element_type3A_40 = arith.fptosi %mul3A_38 : vector<16xf32> to vector<16xi32>
      %mul3A_41 = arith.constant 8 : i32
      %mul3A_42 = vector.broadcast %mul3A_41 : i32 to vector<16xi32>
      %mul3A_43 = arith.muli %convert_element_type3A_19, %mul3A_42 : vector<16xi32>
      %add3A_44 = arith.addi %mul3A_43, %convert_element_type3A_40 : vector<16xi32>
      %mul3A_45 = arith.constant 8 : i32
      %mul3A_46 = vector.broadcast %mul3A_45 : i32 to vector<16xi32>
      %mul3A_47 = arith.muli %add3A_44, %mul3A_46 : vector<16xi32>
      %add3A_48 = arith.addi %mul3A_47, %convert_element_type3A_39 : vector<16xi32>
      %swap3A = arith.constant 0 : index
      %swap3A_49 = tpu.vector_load %arg16[%swap3A] {strides = array<i32>} : memref<16xi32, #tpu.memory_space<vmem>>, vector<16xi32>,
      tpu.vector_store %arg16[%swap3A], %add3A_48 {strides = array<i32>} : memref<16xi32, #tpu.memory_space<vmem>>, vector<16xi32>,
      %dma_start3A = arith.constant 0 : i32
      %dma_start3A_50 = arith.constant 0 : i32
      %dma_start3A_51 = tpu.memref_slice %arg3[%dma_start3A, %dma_start3A_50] : memref<2048x256xf32, #tpu.memory_space<hbm>> -> memref<2048x256xf32, #tpu.memory_space<hbm>>
      tpu.enqueue_indirect_dma source(%dma_start3A_51 : memref<2048x256xf32, #tpu.memory_space<hbm>>) target(%arg19 : memref<16x256xf32, #tpu.memory_space<vmem>>) offsets(%arg16 : memref<16xi32, #tpu.memory_space<vmem>>) semaphore(%arg24 : memref<!tpu.dma_semaphore, #tpu.memory_space<semaphore_mem>>)
      %mul3A_52 = arith.constant 2.000000e+00 : f32
      %mul3A_53 = vector.broadcast %mul3A_52 : f32 to vector<16xf32>
      %mul3A_54 = arith.mulf %get3A_28, %mul3A_53 : vector<16xf32>
      %mul3A_55 = arith.constant 2.000000e+00 : f32
      %mul3A_56 = vector.broadcast %mul3A_55 : f32 to vector<16xf32>
      %mul3A_57 = arith.mulf %get3A_32, %mul3A_56 : vector<16xf32>
      %convert_element_type3A_58 = arith.fptosi %mul3A_54 : vector<16xf32> to vector<16xi32>
      %convert_element_type3A_59 = arith.fptosi %mul3A_57 : vector<16xf32> to vector<16xi32>
      %mul3A_60 = arith.constant 2 : i32
      %mul3A_61 = vector.broadcast %mul3A_60 : i32 to vector<16xi32>
      %mul3A_62 = arith.muli %convert_element_type3A_19, %mul3A_61 : vector<16xi32>
      %add3A_63 = arith.addi %mul3A_62, %convert_element_type3A_59 : vector<16xi32>
      %mul3A_64 = arith.constant 2 : i32
      %mul3A_65 = vector.broadcast %mul3A_64 : i32 to vector<16xi32>
      %mul3A_66 = arith.muli %add3A_63, %mul3A_65 : vector<16xi32>
      %add3A_67 = arith.addi %mul3A_66, %convert_element_type3A_58 : vector<16xi32>
      %swap3A_68 = arith.constant 0 : index
      %swap3A_69 = tpu.vector_load %arg17[%swap3A_68] {strides = array<i32>} : memref<16xi32, #tpu.memory_space<vmem>>, vector<16xi32>,
      tpu.vector_store %arg17[%swap3A_68], %add3A_67 {strides = array<i32>} : memref<16xi32, #tpu.memory_space<vmem>>, vector<16xi32>,
      %dma_start3A_70 = arith.constant 0 : i32
      %dma_start3A_71 = arith.constant 0 : i32
      %dma_start3A_72 = tpu.memref_slice %arg4[%dma_start3A_70, %dma_start3A_71] : memref<128x256xf32, #tpu.memory_space<hbm>> -> memref<128x256xf32, #tpu.memory_space<hbm>>
      tpu.enqueue_indirect_dma source(%dma_start3A_72 : memref<128x256xf32, #tpu.memory_space<hbm>>) target(%arg20 : memref<16x256xf32, #tpu.memory_space<vmem>>) offsets(%arg17 : memref<16xi32, #tpu.memory_space<vmem>>) semaphore(%arg24 : memref<!tpu.dma_semaphore, #tpu.memory_space<semaphore_mem>>)
      %mul3A_73 = arith.constant 5.000000e-01 : f32
      %mul3A_74 = vector.broadcast %mul3A_73 : f32 to vector<16xf32>
      %mul3A_75 = arith.mulf %get3A_28, %mul3A_74 : vector<16xf32>
      %mul3A_76 = arith.constant 5.000000e-01 : f32
      %mul3A_77 = vector.broadcast %mul3A_76 : f32 to vector<16xf32>
      %mul3A_78 = arith.mulf %get3A_32, %mul3A_77 : vector<16xf32>
      %convert_element_type3A_79 = arith.fptosi %mul3A_75 : vector<16xf32> to vector<16xi32>
      %convert_element_type3A_80 = arith.fptosi %mul3A_78 : vector<16xf32> to vector<16xi32>
      %mul3A_81 = arith.constant 1 : i32
      %mul3A_82 = vector.broadcast %mul3A_81 : i32 to vector<16xi32>
      %mul3A_83 = arith.muli %convert_element_type3A_19, %mul3A_82 : vector<16xi32>
      %add3A_84 = arith.addi %mul3A_83, %convert_element_type3A_80 : vector<16xi32>
      %mul3A_85 = arith.constant 1 : i32
      %mul3A_86 = vector.broadcast %mul3A_85 : i32 to vector<16xi32>
      %mul3A_87 = arith.muli %add3A_84, %mul3A_86 : vector<16xi32>
      %add3A_88 = arith.addi %mul3A_87, %convert_element_type3A_79 : vector<16xi32>
      %swap3A_89 = arith.constant 0 : index
      %swap3A_90 = tpu.vector_load %arg18[%swap3A_89] {strides = array<i32>} : memref<16xi32, #tpu.memory_space<vmem>>, vector<16xi32>,
      tpu.vector_store %arg18[%swap3A_89], %add3A_88 {strides = array<i32>} : memref<16xi32, #tpu.memory_space<vmem>>, vector<16xi32>,
      %dma_start3A_91 = arith.constant 0 : i32
      %dma_start3A_92 = arith.constant 0 : i32
      %dma_start3A_93 = tpu.memref_slice %arg5[%dma_start3A_91, %dma_start3A_92] : memref<32x256xf32, #tpu.memory_space<hbm>> -> memref<32x256xf32, #tpu.memory_space<hbm>>
      tpu.enqueue_indirect_dma source(%dma_start3A_93 : memref<32x256xf32, #tpu.memory_space<hbm>>) target(%arg21 : memref<16x256xf32, #tpu.memory_space<vmem>>) offsets(%arg18 : memref<16xi32, #tpu.memory_space<vmem>>) semaphore(%arg24 : memref<!tpu.dma_semaphore, #tpu.memory_space<semaphore_mem>>)
      %dma_wait3A = arith.constant 0 : i32
      %dma_wait3A_94 = arith.constant 0 : i32
      %dma_wait3A_95 = tpu.memref_slice %arg3[%dma_wait3A, %dma_wait3A_94] : memref<2048x256xf32, #tpu.memory_space<hbm>> -> memref<2048x256xf32, #tpu.memory_space<hbm>>
      tpu.wait_indirect_dma semaphore(%arg24 : memref<!tpu.dma_semaphore, #tpu.memory_space<semaphore_mem>>) src(%dma_wait3A_95 : memref<2048x256xf32, #tpu.memory_space<hbm>>) dst(%arg19 : memref<16x256xf32, #tpu.memory_space<vmem>>)
      %dma_wait3A_96 = arith.constant 0 : i32
      %dma_wait3A_97 = arith.constant 0 : i32
      %dma_wait3A_98 = tpu.memref_slice %arg4[%dma_wait3A_96, %dma_wait3A_97] : memref<128x256xf32, #tpu.memory_space<hbm>> -> memref<128x256xf32, #tpu.memory_space<hbm>>
      tpu.wait_indirect_dma semaphore(%arg24 : memref<!tpu.dma_semaphore, #tpu.memory_space<semaphore_mem>>) src(%dma_wait3A_98 : memref<128x256xf32, #tpu.memory_space<hbm>>) dst(%arg20 : memref<16x256xf32, #tpu.memory_space<vmem>>)
      %dma_wait3A_99 = arith.constant 0 : i32
      %dma_wait3A_100 = arith.constant 0 : i32
      %dma_wait3A_101 = tpu.memref_slice %arg5[%dma_wait3A_99, %dma_wait3A_100] : memref<32x256xf32, #tpu.memory_space<hbm>> -> memref<32x256xf32, #tpu.memory_space<hbm>>
      tpu.wait_indirect_dma semaphore(%arg24 : memref<!tpu.dma_semaphore, #tpu.memory_space<semaphore_mem>>) src(%dma_wait3A_101 : memref<32x256xf32, #tpu.memory_space<hbm>>) dst(%arg21 : memref<16x256xf32, #tpu.memory_space<vmem>>)
      %broadcast_in_dim3A = arith.constant 64 : i32
      %broadcast_in_dim3A_102 = vector.broadcast %broadcast_in_dim3A : i32 to vector<16xi32>
      %gather3A = tpu.vector_load_idx %arg19[%iota3A, %broadcast_in_dim3A_102] : memref<16x256xf32, #tpu.memory_space<vmem>>[vector<16xi32>, vector<16xi32>], vector<16xf32>,
      %swap3A_103 = arith.constant 0 : i32
      %swap3A_104 = arith.index_cast %swap3A_103 : i32 to index
      %swap3A_105 = arith.constant 0 : index
      %swap3A_106 = tpu.vector_load %arg22[%swap3A_104, %swap3A_105] {strides = array<i32>} : memref<8x16xf32, #tpu.memory_space<vmem>>, vector<16xf32>,
      tpu.vector_store %arg22[%swap3A_104, %swap3A_105], %gather3A {strides = array<i32>} : memref<8x16xf32, #tpu.memory_space<vmem>>, vector<16xf32>,
      %broadcast_in_dim3A_107 = arith.constant 65 : i32
      %broadcast_in_dim3A_108 = vector.broadcast %broadcast_in_dim3A_107 : i32 to vector<16xi32>
      %gather3A_109 = tpu.vector_load_idx %arg19[%iota3A, %broadcast_in_dim3A_108] : memref<16x256xf32, #tpu.memory_space<vmem>>[vector<16xi32>, vector<16xi32>], vector<16xf32>,
      %swap3A_110 = arith.constant 1 : i32
      %swap3A_111 = arith.index_cast %swap3A_110 : i32 to index
      %swap3A_112 = arith.constant 0 : index
      %swap3A_113 = tpu.vector_load %arg22[%swap3A_111, %swap3A_112] {strides = array<i32>} : memref<8x16xf32, #tpu.memory_space<vmem>>, vector<16xf32>,
      tpu.vector_store %arg22[%swap3A_111, %swap3A_112], %gather3A_109 {strides = array<i32>} : memref<8x16xf32, #tpu.memory_space<vmem>>, vector<16xf32>,
      %broadcast_in_dim3A_114 = arith.constant 66 : i32
      %broadcast_in_dim3A_115 = vector.broadcast %broadcast_in_dim3A_114 : i32 to vector<16xi32>
      %gather3A_116 = tpu.vector_load_idx %arg19[%iota3A, %broadcast_in_dim3A_115] : memref<16x256xf32, #tpu.memory_space<vmem>>[vector<16xi32>, vector<16xi32>], vector<16xf32>,
      %swap3A_117 = arith.constant 2 : i32
      %swap3A_118 = arith.index_cast %swap3A_117 : i32 to index
      %swap3A_119 = arith.constant 0 : index
      %swap3A_120 = tpu.vector_load %arg22[%swap3A_118, %swap3A_119] {strides = array<i32>} : memref<8x16xf32, #tpu.memory_space<vmem>>, vector<16xf32>,
      tpu.vector_store %arg22[%swap3A_118, %swap3A_119], %gather3A_116 {strides = array<i32>} : memref<8x16xf32, #tpu.memory_space<vmem>>, vector<16xf32>,
      %broadcast_in_dim3A_121 = arith.constant 67 : i32
      %broadcast_in_dim3A_122 = vector.broadcast %broadcast_in_dim3A_121 : i32 to vector<16xi32>
      %gather3A_123 = tpu.vector_load_idx %arg19[%iota3A, %broadcast_in_dim3A_122] : memref<16x256xf32, #tpu.memory_space<vmem>>[vector<16xi32>, vector<16xi32>], vector<16xf32>,
      %swap3A_124 = arith.constant 3 : i32
      %swap3A_125 = arith.index_cast %swap3A_124 : i32 to index
      %swap3A_126 = arith.constant 0 : index
      %swap3A_127 = tpu.vector_load %arg22[%swap3A_125, %swap3A_126] {strides = array<i32>} : memref<8x16xf32, #tpu.memory_space<vmem>>, vector<16xf32>,
      tpu.vector_store %arg22[%swap3A_125, %swap3A_126], %gather3A_123 {strides = array<i32>} : memref<8x16xf32, #tpu.memory_space<vmem>>, vector<16xf32>,
      %add3A_128 = arith.constant 68 : i32
      %add3A_129 = vector.broadcast %add3A_128 : i32 to vector<16xi32>
      %add3A_130 = arith.addi %add3A_129, %convert_element_type3A_24 : vector<16xi32>
      %gather3A_131 = tpu.vector_load_idx %arg19[%iota3A, %add3A_130] : memref<16x256xf32, #tpu.memory_space<vmem>>[vector<16xi32>, vector<16xi32>], vector<16xf32>,
      %swap3A_132 = arith.constant 4 : i32
      %swap3A_133 = arith.index_cast %swap3A_132 : i32 to index
      %swap3A_134 = arith.constant 0 : index
      %swap3A_135 = tpu.vector_load %arg22[%swap3A_133, %swap3A_134] {strides = array<i32>} : memref<8x16xf32, #tpu.memory_space<vmem>>, vector<16xf32>,
      tpu.vector_store %arg22[%swap3A_133, %swap3A_134], %gather3A_131 {strides = array<i32>} : memref<8x16xf32, #tpu.memory_space<vmem>>, vector<16xf32>,
      "tpu.region"() ({
        %run_scoped3A_1555 = tpu.sem_alloc : memref<!tpu.dma_semaphore, #tpu.memory_space<semaphore_mem>>
        %dma_start3A_1556 = arith.constant 0 : i32
        %dma_start3A_1557 = arith.constant 0 : i32
        %dma_start3A_1558 = tpu.memref_slice %arg22[%dma_start3A_1556, %dma_start3A_1557] : memref<8x16xf32, #tpu.memory_space<vmem>> -> memref<5x16xf32, #tpu.memory_space<vmem>>
        %dma_start3A_1559 = arith.constant 0 : i32
        %dma_start3A_1560 = arith.constant 0 : i32
        %dma_start3A_1561 = tpu.memref_slice %arg6[%add3A, %dma_start3A_1559, %dma_start3A_1560] : memref<25x5x16xf32, #tpu.memory_space<hbm>> -> memref<1x5x16xf32, #tpu.memory_space<hbm>>
        %dma_start3A_1562 = tpu.memref_squeeze %dma_start3A_1561 : memref<1x5x16xf32, #tpu.memory_space<hbm>> -> memref<5x16xf32, #tpu.memory_space<hbm>>
        %dma_start3A_1563 = arith.constant 0 : i32
        %dma_start3A_1564 = arith.constant 0 : i32
        %dma_start3A_1565 = tpu.memref_slice %arg6[%add3A, %dma_start3A_1563, %dma_start3A_1564] : memref<25x5x16xf32, #tpu.memory_space<hbm>> -> memref<1x5x16xf32, #tpu.memory_space<hbm>>
        %dma_start3A_1566 = tpu.memref_squeeze %dma_start3A_1565 : memref<1x5x16xf32, #tpu.memory_space<hbm>> -> memref<5x16xf32, #tpu.memory_space<hbm>>
        %dma_start3A_1567 = arith.constant 0 : i32
        %dma_start3A_1568 = arith.constant 0 : i32
        %dma_start3A_1569 = tpu.memref_slice %arg22[%dma_start3A_1567, %dma_start3A_1568] : memref<8x16xf32, #tpu.memory_space<vmem>> -> memref<5x16xf32, #tpu.memory_space<vmem>>
        tpu.enqueue_dma source(%dma_start3A_1569 : memref<5x16xf32, #tpu.memory_space<vmem>>) target(%dma_start3A_1566 : memref<5x16xf32, #tpu.memory_space<hbm>>) target_semaphore(%run_scoped3A_1555 : memref<!tpu.dma_semaphore, #tpu.memory_space<semaphore_mem>>)
        %dma_wait3A_1570 = arith.constant 0 : i32
        %dma_wait3A_1571 = arith.constant 0 : i32
        %dma_wait3A_1572 = tpu.memref_slice %arg22[%dma_wait3A_1570, %dma_wait3A_1571] : memref<8x16xf32, #tpu.memory_space<vmem>> -> memref<5x16xf32, #tpu.memory_space<vmem>>
        %dma_wait3A_1573 = arith.constant 0 : i32
        %dma_wait3A_1574 = arith.constant 0 : i32
        %dma_wait3A_1575 = tpu.memref_slice %arg6[%add3A, %dma_wait3A_1573, %dma_wait3A_1574] : memref<25x5x16xf32, #tpu.memory_space<hbm>> -> memref<1x5x16xf32, #tpu.memory_space<hbm>>
        %dma_wait3A_1576 = tpu.memref_squeeze %dma_wait3A_1575 : memref<1x5x16xf32, #tpu.memory_space<hbm>> -> memref<5x16xf32, #tpu.memory_space<hbm>>
        %dma_wait3A_1577 = arith.constant 0 : i32
        %dma_wait3A_1578 = arith.constant 0 : i32
        %dma_wait3A_1579 = tpu.memref_slice %arg6[%add3A, %dma_wait3A_1577, %dma_wait3A_1578] : memref<25x5x16xf32, #tpu.memory_space<hbm>> -> memref<1x5x16xf32, #tpu.memory_space<hbm>>
        %dma_wait3A_1580 = tpu.memref_squeeze %dma_wait3A_1579 : memref<1x5x16xf32, #tpu.memory_space<hbm>> -> memref<5x16xf32, #tpu.memory_space<hbm>>
        %dma_wait3A_1581 = arith.constant 0 : i32
        %dma_wait3A_1582 = arith.constant 0 : i32
        %dma_wait3A_1583 = tpu.memref_slice %arg22[%dma_wait3A_1581, %dma_wait3A_1582] : memref<8x16xf32, #tpu.memory_space<vmem>> -> memref<5x16xf32, #tpu.memory_space<vmem>>
        tpu.wait_dma2 semaphore(%run_scoped3A_1555 : memref<!tpu.dma_semaphore, #tpu.memory_space<semaphore_mem>>) src(%dma_wait3A_1583 : memref<5x16xf32, #tpu.memory_space<vmem>>) dst(%dma_wait3A_1580 : memref<5x16xf32, #tpu.memory_space<hbm>>)
        tpu.yield
      }) : () -> ()
      %run_scoped3A_136 = arith.constant 4 : i32
      "tpu.region"() ({
        %run_scoped3A_1555 = tpu.sem_alloc : memref<!tpu.dma_semaphore, #tpu.memory_space<semaphore_mem>>
        %dma_start3A_1556 = arith.constant 0 : i32
        %dma_start3A_1557 = tpu.memref_slice %arg22[%run_scoped3A_136, %dma_start3A_1556] : memref<8x16xf32, #tpu.memory_space<vmem>> -> memref<1x16xf32, #tpu.memory_space<vmem>>
        %dma_start3A_1558 = tpu.memref_squeeze %dma_start3A_1557 : memref<1x16xf32, #tpu.memory_space<vmem>> -> memref<16xf32, #tpu.memory_space<vmem>>
        %dma_start3A_1559 = tpu.memref_slice %arg9[%mul3A_4] : memref<400xf32, #tpu.memory_space<hbm>> -> memref<16xf32, #tpu.memory_space<hbm>>
        %dma_start3A_1560 = tpu.memref_slice %arg9[%mul3A_4] : memref<400xf32, #tpu.memory_space<hbm>> -> memref<16xf32, #tpu.memory_space<hbm>>
        %dma_start3A_1561 = arith.constant 0 : i32
        %dma_start3A_1562 = tpu.memref_slice %arg22[%run_scoped3A_136, %dma_start3A_1561] : memref<8x16xf32, #tpu.memory_space<vmem>> -> memref<1x16xf32, #tpu.memory_space<vmem>>
        %dma_start3A_1563 = tpu.memref_squeeze %dma_start3A_1562 : memref<1x16xf32, #tpu.memory_space<vmem>> -> memref<16xf32, #tpu.memory_space<vmem>>
        tpu.enqueue_dma source(%dma_start3A_1563 : memref<16xf32, #tpu.memory_space<vmem>>) target(%dma_start3A_1560 : memref<16xf32, #tpu.memory_space<hbm>>) target_semaphore(%run_scoped3A_1555 : memref<!tpu.dma_semaphore, #tpu.memory_space<semaphore_mem>>)
        %dma_wait3A_1564 = arith.constant 0 : i32
        %dma_wait3A_1565 = tpu.memref_slice %arg22[%run_scoped3A_136, %dma_wait3A_1564] : memref<8x16xf32, #tpu.memory_space<vmem>> -> memref<1x16xf32, #tpu.memory_space<vmem>>
        %dma_wait3A_1566 = tpu.memref_squeeze %dma_wait3A_1565 : memref<1x16xf32, #tpu.memory_space<vmem>> -> memref<16xf32, #tpu.memory_space<vmem>>
        %dma_wait3A_1567 = tpu.memref_slice %arg9[%mul3A_4] : memref<400xf32, #tpu.memory_space<hbm>> -> memref<16xf32, #tpu.memory_space<hbm>>
        %dma_wait3A_1568 = tpu.memref_slice %arg9[%mul3A_4] : memref<400xf32, #tpu.memory_space<hbm>> -> memref<16xf32, #tpu.memory_space<hbm>>
        %dma_wait3A_1569 = arith.constant 0 : i32
        %dma_wait3A_1570 = tpu.memref_slice %arg22[%run_scoped3A_136, %dma_wait3A_1569] : memref<8x16xf32, #tpu.memory_space<vmem>> -> memref<1x16xf32, #tpu.memory_space<vmem>>
        %dma_wait3A_1571 = tpu.memref_squeeze %dma_wait3A_1570 : memref<1x16xf32, #tpu.memory_space<vmem>> -> memref<16xf32, #tpu.memory_space<vmem>>
        tpu.wait_dma2 semaphore(%run_scoped3A_1555 : memref<!tpu.dma_semaphore, #tpu.memory_space<semaphore_mem>>) src(%dma_wait3A_1571 : memref<16xf32, #tpu.memory_space<vmem>>) dst(%dma_wait3A_1568 : memref<16xf32, #tpu.memory_space<hbm>>)
        tpu.yield
      }) : () -> ()
      %broadcast_in_dim3A_137 = arith.constant 0 : i32
      %broadcast_in_dim3A_138 = vector.broadcast %broadcast_in_dim3A_137 : i32 to vector<16xi32>
      %gather3A_139 = tpu.vector_load_idx %arg19[%iota3A, %broadcast_in_dim3A_138] : memref<16x256xf32, #tpu.memory_space<vmem>>[vector<16xi32>, vector<16xi32>], vector<16xf32>,
      %swap3A_140 = arith.constant 0 : i32
      %swap3A_141 = arith.index_cast %swap3A_140 : i32 to index
      %swap3A_142 = arith.constant 0 : index
      %swap3A_143 = tpu.vector_load %arg23[%swap3A_141, %swap3A_142] {strides = array<i32>} : memref<64x16xf32, #tpu.memory_space<vmem>>, vector<16xf32>,
      tpu.vector_store %arg23[%swap3A_141, %swap3A_142], %gather3A_139 {strides = array<i32>} : memref<64x16xf32, #tpu.memory_space<vmem>>, vector<16xf32>,
      %broadcast_in_dim3A_144 = arith.constant 1 : i32
      %broadcast_in_dim3A_145 = vector.broadcast %broadcast_in_dim3A_144 : i32 to vector<16xi32>
      %gather3A_146 = tpu.vector_load_idx %arg19[%iota3A, %broadcast_in_dim3A_145] : memref<16x256xf32, #tpu.memory_space<vmem>>[vector<16xi32>, vector<16xi32>], vector<16xf32>,
      %swap3A_147 = arith.constant 1 : i32
      %swap3A_148 = arith.index_cast %swap3A_147 : i32 to index
      %swap3A_149 = arith.constant 0 : index
      %swap3A_150 = tpu.vector_load %arg23[%swap3A_148, %swap3A_149] {strides = array<i32>} : memref<64x16xf32, #tpu.memory_space<vmem>>, vector<16xf32>,
      tpu.vector_store %arg23[%swap3A_148, %swap3A_149], %gather3A_146 {strides = array<i32>} : memref<64x16xf32, #tpu.memory_space<vmem>>, vector<16xf32>,
      %broadcast_in_dim3A_151 = arith.constant 2 : i32
      %broadcast_in_dim3A_152 = vector.broadcast %broadcast_in_dim3A_151 : i32 to vector<16xi32>
      %gather3A_153 = tpu.vector_load_idx %arg19[%iota3A, %broadcast_in_dim3A_152] : memref<16x256xf32, #tpu.memory_space<vmem>>[vector<16xi32>, vector<16xi32>], vector<16xf32>,
      %swap3A_154 = arith.constant 2 : i32
      %swap3A_155 = arith.index_cast %swap3A_154 : i32 to index
      %swap3A_156 = arith.constant 0 : index
      %swap3A_157 = tpu.vector_load %arg23[%swap3A_155, %swap3A_156] {strides = array<i32>} : memref<64x16xf32, #tpu.memory_space<vmem>>, vector<16xf32>,
      tpu.vector_store %arg23[%swap3A_155, %swap3A_156], %gather3A_153 {strides = array<i32>} : memref<64x16xf32, #tpu.memory_space<vmem>>, vector<16xf32>,
      %broadcast_in_dim3A_158 = arith.constant 3 : i32
      %broadcast_in_dim3A_159 = vector.broadcast %broadcast_in_dim3A_158 : i32 to vector<16xi32>
      %gather3A_160 = tpu.vector_load_idx %arg19[%iota3A, %broadcast_in_dim3A_159] : memref<16x256xf32, #tpu.memory_space<vmem>>[vector<16xi32>, vector<16xi32>], vector<16xf32>,
      %swap3A_161 = arith.constant 3 : i32
      %swap3A_162 = arith.index_cast %swap3A_161 : i32 to index
      %swap3A_163 = arith.constant 0 : index
      %swap3A_164 = tpu.vector_load %arg23[%swap3A_162, %swap3A_163] {strides = array<i32>} : memref<64x16xf32, #tpu.memory_space<vmem>>, vector<16xf32>,
      tpu.vector_store %arg23[%swap3A_162, %swap3A_163], %gather3A_160 {strides = array<i32>} : memref<64x16xf32, #tpu.memory_space<vmem>>, vector<16xf32>,
      %broadcast_in_dim3A_165 = arith.constant 4 : i32
      %broadcast_in_dim3A_166 = vector.broadcast %broadcast_in_dim3A_165 : i32 to vector<16xi32>
      %gather3A_167 = tpu.vector_load_idx %arg19[%iota3A, %broadcast_in_dim3A_166] : memref<16x256xf32, #tpu.memory_space<vmem>>[vector<16xi32>, vector<16xi32>], vector<16xf32>,
      %swap3A_168 = arith.constant 4 : i32
      %swap3A_169 = arith.index_cast %swap3A_168 : i32 to index
      %swap3A_170 = arith.constant 0 : index
      %swap3A_171 = tpu.vector_load %arg23[%swap3A_169, %swap3A_170] {strides = array<i32>} : memref<64x16xf32, #tpu.memory_space<vmem>>, vector<16xf32>,
      tpu.vector_store %arg23[%swap3A_169, %swap3A_170], %gather3A_167 {strides = array<i32>} : memref<64x16xf32, #tpu.memory_space<vmem>>, vector<16xf32>,
      %broadcast_in_dim3A_172 = arith.constant 5 : i32
      %broadcast_in_dim3A_173 = vector.broadcast %broadcast_in_dim3A_172 : i32 to vector<16xi32>
      %gather3A_174 = tpu.vector_load_idx %arg19[%iota3A, %broadcast_in_dim3A_173] : memref<16x256xf32, #tpu.memory_space<vmem>>[vector<16xi32>, vector<16xi32>], vector<16xf32>,
      %swap3A_175 = arith.constant 5 : i32
      %swap3A_176 = arith.index_cast %swap3A_175 : i32 to index
      %swap3A_177 = arith.constant 0 : index
      %swap3A_178 = tpu.vector_load %arg23[%swap3A_176, %swap3A_177] {strides = array<i32>} : memref<64x16xf32, #tpu.memory_space<vmem>>, vector<16xf32>,
      tpu.vector_store %arg23[%swap3A_176, %swap3A_177], %gather3A_174 {strides = array<i32>} : memref<64x16xf32, #tpu.memory_space<vmem>>, vector<16xf32>,
      %broadcast_in_dim3A_179 = arith.constant 6 : i32
      %broadcast_in_dim3A_180 = vector.broadcast %broadcast_in_dim3A_179 : i32 to vector<16xi32>
      %gather3A_181 = tpu.vector_load_idx %arg19[%iota3A, %broadcast_in_dim3A_180] : memref<16x256xf32, #tpu.memory_space<vmem>>[vector<16xi32>, vector<16xi32>], vector<16xf32>,
      %swap3A_182 = arith.constant 6 : i32
      %swap3A_183 = arith.index_cast %swap3A_182 : i32 to index
      %swap3A_184 = arith.constant 0 : index
      %swap3A_185 = tpu.vector_load %arg23[%swap3A_183, %swap3A_184] {strides = array<i32>} : memref<64x16xf32, #tpu.memory_space<vmem>>, vector<16xf32>,
      tpu.vector_store %arg23[%swap3A_183, %swap3A_184], %gather3A_181 {strides = array<i32>} : memref<64x16xf32, #tpu.memory_space<vmem>>, vector<16xf32>,
      %broadcast_in_dim3A_186 = arith.constant 7 : i32
      %broadcast_in_dim3A_187 = vector.broadcast %broadcast_in_dim3A_186 : i32 to vector<16xi32>
      %gather3A_188 = tpu.vector_load_idx %arg19[%iota3A, %broadcast_in_dim3A_187] : memref<16x256xf32, #tpu.memory_space<vmem>>[vector<16xi32>, vector<16xi32>], vector<16xf32>,
      %swap3A_189 = arith.constant 7 : i32
      %swap3A_190 = arith.index_cast %swap3A_189 : i32 to index
      %swap3A_191 = arith.constant 0 : index
      %swap3A_192 = tpu.vector_load %arg23[%swap3A_190, %swap3A_191] {strides = array<i32>} : memref<64x16xf32, #tpu.memory_space<vmem>>, vector<16xf32>,
      tpu.vector_store %arg23[%swap3A_190, %swap3A_191], %gather3A_188 {strides = array<i32>} : memref<64x16xf32, #tpu.memory_space<vmem>>, vector<16xf32>,
      %broadcast_in_dim3A_193 = arith.constant 8 : i32
      %broadcast_in_dim3A_194 = vector.broadcast %broadcast_in_dim3A_193 : i32 to vector<16xi32>
      %gather3A_195 = tpu.vector_load_idx %arg19[%iota3A, %broadcast_in_dim3A_194] : memref<16x256xf32, #tpu.memory_space<vmem>>[vector<16xi32>, vector<16xi32>], vector<16xf32>,
      %swap3A_196 = arith.constant 8 : i32
      %swap3A_197 = arith.index_cast %swap3A_196 : i32 to index
      %swap3A_198 = arith.constant 0 : index
      %swap3A_199 = tpu.vector_load %arg23[%swap3A_197, %swap3A_198] {strides = array<i32>} : memref<64x16xf32, #tpu.memory_space<vmem>>, vector<16xf32>,
      tpu.vector_store %arg23[%swap3A_197, %swap3A_198], %gather3A_195 {strides = array<i32>} : memref<64x16xf32, #tpu.memory_space<vmem>>, vector<16xf32>,
      %broadcast_in_dim3A_200 = arith.constant 9 : i32
      %broadcast_in_dim3A_201 = vector.broadcast %broadcast_in_dim3A_200 : i32 to vector<16xi32>
      %gather3A_202 = tpu.vector_load_idx %arg19[%iota3A, %broadcast_in_dim3A_201] : memref<16x256xf32, #tpu.memory_space<vmem>>[vector<16xi32>, vector<16xi32>], vector<16xf32>,
      %swap3A_203 = arith.constant 9 : i32
      %swap3A_204 = arith.index_cast %swap3A_203 : i32 to index
      %swap3A_205 = arith.constant 0 : index
      %swap3A_206 = tpu.vector_load %arg23[%swap3A_204, %swap3A_205] {strides = array<i32>} : memref<64x16xf32, #tpu.memory_space<vmem>>, vector<16xf32>,
      tpu.vector_store %arg23[%swap3A_204, %swap3A_205], %gather3A_202 {strides = array<i32>} : memref<64x16xf32, #tpu.memory_space<vmem>>, vector<16xf32>,
      %broadcast_in_dim3A_207 = arith.constant 10 : i32
      %broadcast_in_dim3A_208 = vector.broadcast %broadcast_in_dim3A_207 : i32 to vector<16xi32>
      %gather3A_209 = tpu.vector_load_idx %arg19[%iota3A, %broadcast_in_dim3A_208] : memref<16x256xf32, #tpu.memory_space<vmem>>[vector<16xi32>, vector<16xi32>], vector<16xf32>,
      %swap3A_210 = arith.constant 10 : i32
      %swap3A_211 = arith.index_cast %swap3A_210 : i32 to index
      %swap3A_212 = arith.constant 0 : index
      %swap3A_213 = tpu.vector_load %arg23[%swap3A_211, %swap3A_212] {strides = array<i32>} : memref<64x16xf32, #tpu.memory_space<vmem>>, vector<16xf32>,
      tpu.vector_store %arg23[%swap3A_211, %swap3A_212], %gather3A_209 {strides = array<i32>} : memref<64x16xf32, #tpu.memory_space<vmem>>, vector<16xf32>,
      %broadcast_in_dim3A_214 = arith.constant 11 : i32
      %broadcast_in_dim3A_215 = vector.broadcast %broadcast_in_dim3A_214 : i32 to vector<16xi32>
      %gather3A_216 = tpu.vector_load_idx %arg19[%iota3A, %broadcast_in_dim3A_215] : memref<16x256xf32, #tpu.memory_space<vmem>>[vector<16xi32>, vector<16xi32>], vector<16xf32>,
      %swap3A_217 = arith.constant 11 : i32
      %swap3A_218 = arith.index_cast %swap3A_217 : i32 to index
      %swap3A_219 = arith.constant 0 : index
      %swap3A_220 = tpu.vector_load %arg23[%swap3A_218, %swap3A_219] {strides = array<i32>} : memref<64x16xf32, #tpu.memory_space<vmem>>, vector<16xf32>,
      tpu.vector_store %arg23[%swap3A_218, %swap3A_219], %gather3A_216 {strides = array<i32>} : memref<64x16xf32, #tpu.memory_space<vmem>>, vector<16xf32>,
      %broadcast_in_dim3A_221 = arith.constant 12 : i32
      %broadcast_in_dim3A_222 = vector.broadcast %broadcast_in_dim3A_221 : i32 to vector<16xi32>
      %gather3A_223 = tpu.vector_load_idx %arg19[%iota3A, %broadcast_in_dim3A_222] : memref<16x256xf32, #tpu.memory_space<vmem>>[vector<16xi32>, vector<16xi32>], vector<16xf32>,
      %swap3A_224 = arith.constant 12 : i32
      %swap3A_225 = arith.index_cast %swap3A_224 : i32 to index
      %swap3A_226 = arith.constant 0 : index
      %swap3A_227 = tpu.vector_load %arg23[%swap3A_225, %swap3A_226] {strides = array<i32>} : memref<64x16xf32, #tpu.memory_space<vmem>>, vector<16xf32>,
      tpu.vector_store %arg23[%swap3A_225, %swap3A_226], %gather3A_223 {strides = array<i32>} : memref<64x16xf32, #tpu.memory_space<vmem>>, vector<16xf32>,
      %broadcast_in_dim3A_228 = arith.constant 13 : i32
      %broadcast_in_dim3A_229 = vector.broadcast %broadcast_in_dim3A_228 : i32 to vector<16xi32>
      %gather3A_230 = tpu.vector_load_idx %arg19[%iota3A, %broadcast_in_dim3A_229] : memref<16x256xf32, #tpu.memory_space<vmem>>[vector<16xi32>, vector<16xi32>], vector<16xf32>,
      %swap3A_231 = arith.constant 13 : i32
      %swap3A_232 = arith.index_cast %swap3A_231 : i32 to index
      %swap3A_233 = arith.constant 0 : index
      %swap3A_234 = tpu.vector_load %arg23[%swap3A_232, %swap3A_233] {strides = array<i32>} : memref<64x16xf32, #tpu.memory_space<vmem>>, vector<16xf32>,
      tpu.vector_store %arg23[%swap3A_232, %swap3A_233], %gather3A_230 {strides = array<i32>} : memref<64x16xf32, #tpu.memory_space<vmem>>, vector<16xf32>,
      %broadcast_in_dim3A_235 = arith.constant 14 : i32
      %broadcast_in_dim3A_236 = vector.broadcast %broadcast_in_dim3A_235 : i32 to vector<16xi32>
      %gather3A_237 = tpu.vector_load_idx %arg19[%iota3A, %broadcast_in_dim3A_236] : memref<16x256xf32, #tpu.memory_space<vmem>>[vector<16xi32>, vector<16xi32>], vector<16xf32>,
      %swap3A_238 = arith.constant 14 : i32
      %swap3A_239 = arith.index_cast %swap3A_238 : i32 to index
      %swap3A_240 = arith.constant 0 : index
      %swap3A_241 = tpu.vector_load %arg23[%swap3A_239, %swap3A_240] {strides = array<i32>} : memref<64x16xf32, #tpu.memory_space<vmem>>, vector<16xf32>,
      tpu.vector_store %arg23[%swap3A_239, %swap3A_240], %gather3A_237 {strides = array<i32>} : memref<64x16xf32, #tpu.memory_space<vmem>>, vector<16xf32>,
      %broadcast_in_dim3A_242 = arith.constant 15 : i32
      %broadcast_in_dim3A_243 = vector.broadcast %broadcast_in_dim3A_242 : i32 to vector<16xi32>
      %gather3A_244 = tpu.vector_load_idx %arg19[%iota3A, %broadcast_in_dim3A_243] : memref<16x256xf32, #tpu.memory_space<vmem>>[vector<16xi32>, vector<16xi32>], vector<16xf32>,
      %swap3A_245 = arith.constant 15 : i32
      %swap3A_246 = arith.index_cast %swap3A_245 : i32 to index
      %swap3A_247 = arith.constant 0 : index
      %swap3A_248 = tpu.vector_load %arg23[%swap3A_246, %swap3A_247] {strides = array<i32>} : memref<64x16xf32, #tpu.memory_space<vmem>>, vector<16xf32>,
      tpu.vector_store %arg23[%swap3A_246, %swap3A_247], %gather3A_244 {strides = array<i32>} : memref<64x16xf32, #tpu.memory_space<vmem>>, vector<16xf32>,
      %broadcast_in_dim3A_249 = arith.constant 16 : i32
      %broadcast_in_dim3A_250 = vector.broadcast %broadcast_in_dim3A_249 : i32 to vector<16xi32>
      %gather3A_251 = tpu.vector_load_idx %arg19[%iota3A, %broadcast_in_dim3A_250] : memref<16x256xf32, #tpu.memory_space<vmem>>[vector<16xi32>, vector<16xi32>], vector<16xf32>,
      %swap3A_252 = arith.constant 16 : i32
      %swap3A_253 = arith.index_cast %swap3A_252 : i32 to index
      %swap3A_254 = arith.constant 0 : index
      %swap3A_255 = tpu.vector_load %arg23[%swap3A_253, %swap3A_254] {strides = array<i32>} : memref<64x16xf32, #tpu.memory_space<vmem>>, vector<16xf32>,
      tpu.vector_store %arg23[%swap3A_253, %swap3A_254], %gather3A_251 {strides = array<i32>} : memref<64x16xf32, #tpu.memory_space<vmem>>, vector<16xf32>,
      %broadcast_in_dim3A_256 = arith.constant 17 : i32
      %broadcast_in_dim3A_257 = vector.broadcast %broadcast_in_dim3A_256 : i32 to vector<16xi32>
      %gather3A_258 = tpu.vector_load_idx %arg19[%iota3A, %broadcast_in_dim3A_257] : memref<16x256xf32, #tpu.memory_space<vmem>>[vector<16xi32>, vector<16xi32>], vector<16xf32>,
      %swap3A_259 = arith.constant 17 : i32
      %swap3A_260 = arith.index_cast %swap3A_259 : i32 to index
      %swap3A_261 = arith.constant 0 : index
      %swap3A_262 = tpu.vector_load %arg23[%swap3A_260, %swap3A_261] {strides = array<i32>} : memref<64x16xf32, #tpu.memory_space<vmem>>, vector<16xf32>,
      tpu.vector_store %arg23[%swap3A_260, %swap3A_261], %gather3A_258 {strides = array<i32>} : memref<64x16xf32, #tpu.memory_space<vmem>>, vector<16xf32>,
      %broadcast_in_dim3A_263 = arith.constant 18 : i32
      %broadcast_in_dim3A_264 = vector.broadcast %broadcast_in_dim3A_263 : i32 to vector<16xi32>
      %gather3A_265 = tpu.vector_load_idx %arg19[%iota3A, %broadcast_in_dim3A_264] : memref<16x256xf32, #tpu.memory_space<vmem>>[vector<16xi32>, vector<16xi32>], vector<16xf32>,
      %swap3A_266 = arith.constant 18 : i32
      %swap3A_267 = arith.index_cast %swap3A_266 : i32 to index
      %swap3A_268 = arith.constant 0 : index
      %swap3A_269 = tpu.vector_load %arg23[%swap3A_267, %swap3A_268] {strides = array<i32>} : memref<64x16xf32, #tpu.memory_space<vmem>>, vector<16xf32>,
      tpu.vector_store %arg23[%swap3A_267, %swap3A_268], %gather3A_265 {strides = array<i32>} : memref<64x16xf32, #tpu.memory_space<vmem>>, vector<16xf32>,
      %broadcast_in_dim3A_270 = arith.constant 19 : i32
      %broadcast_in_dim3A_271 = vector.broadcast %broadcast_in_dim3A_270 : i32 to vector<16xi32>
      %gather3A_272 = tpu.vector_load_idx %arg19[%iota3A, %broadcast_in_dim3A_271] : memref<16x256xf32, #tpu.memory_space<vmem>>[vector<16xi32>, vector<16xi32>], vector<16xf32>,
      %swap3A_273 = arith.constant 19 : i32
      %swap3A_274 = arith.index_cast %swap3A_273 : i32 to index
      %swap3A_275 = arith.constant 0 : index
      %swap3A_276 = tpu.vector_load %arg23[%swap3A_274, %swap3A_275] {strides = array<i32>} : memref<64x16xf32, #tpu.memory_space<vmem>>, vector<16xf32>,
      tpu.vector_store %arg23[%swap3A_274, %swap3A_275], %gather3A_272 {strides = array<i32>} : memref<64x16xf32, #tpu.memory_space<vmem>>, vector<16xf32>,
      %broadcast_in_dim3A_277 = arith.constant 20 : i32
      %broadcast_in_dim3A_278 = vector.broadcast %broadcast_in_dim3A_277 : i32 to vector<16xi32>
      %gather3A_279 = tpu.vector_load_idx %arg19[%iota3A, %broadcast_in_dim3A_278] : memref<16x256xf32, #tpu.memory_space<vmem>>[vector<16xi32>, vector<16xi32>], vector<16xf32>,
      %swap3A_280 = arith.constant 20 : i32
      %swap3A_281 = arith.index_cast %swap3A_280 : i32 to index
      %swap3A_282 = arith.constant 0 : index
      %swap3A_283 = tpu.vector_load %arg23[%swap3A_281, %swap3A_282] {strides = array<i32>} : memref<64x16xf32, #tpu.memory_space<vmem>>, vector<16xf32>,
      tpu.vector_store %arg23[%swap3A_281, %swap3A_282], %gather3A_279 {strides = array<i32>} : memref<64x16xf32, #tpu.memory_space<vmem>>, vector<16xf32>,
      %broadcast_in_dim3A_284 = arith.constant 21 : i32
      %broadcast_in_dim3A_285 = vector.broadcast %broadcast_in_dim3A_284 : i32 to vector<16xi32>
      %gather3A_286 = tpu.vector_load_idx %arg19[%iota3A, %broadcast_in_dim3A_285] : memref<16x256xf32, #tpu.memory_space<vmem>>[vector<16xi32>, vector<16xi32>], vector<16xf32>,
      %swap3A_287 = arith.constant 21 : i32
      %swap3A_288 = arith.index_cast %swap3A_287 : i32 to index
      %swap3A_289 = arith.constant 0 : index
      %swap3A_290 = tpu.vector_load %arg23[%swap3A_288, %swap3A_289] {strides = array<i32>} : memref<64x16xf32, #tpu.memory_space<vmem>>, vector<16xf32>,
      tpu.vector_store %arg23[%swap3A_288, %swap3A_289], %gather3A_286 {strides = array<i32>} : memref<64x16xf32, #tpu.memory_space<vmem>>, vector<16xf32>,
      %broadcast_in_dim3A_291 = arith.constant 22 : i32
      %broadcast_in_dim3A_292 = vector.broadcast %broadcast_in_dim3A_291 : i32 to vector<16xi32>
      %gather3A_293 = tpu.vector_load_idx %arg19[%iota3A, %broadcast_in_dim3A_292] : memref<16x256xf32, #tpu.memory_space<vmem>>[vector<16xi32>, vector<16xi32>], vector<16xf32>,
      %swap3A_294 = arith.constant 22 : i32
      %swap3A_295 = arith.index_cast %swap3A_294 : i32 to index
      %swap3A_296 = arith.constant 0 : index
      %swap3A_297 = tpu.vector_load %arg23[%swap3A_295, %swap3A_296] {strides = array<i32>} : memref<64x16xf32, #tpu.memory_space<vmem>>, vector<16xf32>,
      tpu.vector_store %arg23[%swap3A_295, %swap3A_296], %gather3A_293 {strides = array<i32>} : memref<64x16xf32, #tpu.memory_space<vmem>>, vector<16xf32>,
      %broadcast_in_dim3A_298 = arith.constant 23 : i32
      %broadcast_in_dim3A_299 = vector.broadcast %broadcast_in_dim3A_298 : i32 to vector<16xi32>
      %gather3A_300 = tpu.vector_load_idx %arg19[%iota3A, %broadcast_in_dim3A_299] : memref<16x256xf32, #tpu.memory_space<vmem>>[vector<16xi32>, vector<16xi32>], vector<16xf32>,
      %swap3A_301 = arith.constant 23 : i32
      %swap3A_302 = arith.index_cast %swap3A_301 : i32 to index
      %swap3A_303 = arith.constant 0 : index
      %swap3A_304 = tpu.vector_load %arg23[%swap3A_302, %swap3A_303] {strides = array<i32>} : memref<64x16xf32, #tpu.memory_space<vmem>>, vector<16xf32>,
      tpu.vector_store %arg23[%swap3A_302, %swap3A_303], %gather3A_300 {strides = array<i32>} : memref<64x16xf32, #tpu.memory_space<vmem>>, vector<16xf32>,
      %broadcast_in_dim3A_305 = arith.constant 24 : i32
      %broadcast_in_dim3A_306 = vector.broadcast %broadcast_in_dim3A_305 : i32 to vector<16xi32>
      %gather3A_307 = tpu.vector_load_idx %arg19[%iota3A, %broadcast_in_dim3A_306] : memref<16x256xf32, #tpu.memory_space<vmem>>[vector<16xi32>, vector<16xi32>], vector<16xf32>,
      %swap3A_308 = arith.constant 24 : i32
      %swap3A_309 = arith.index_cast %swap3A_308 : i32 to index
      %swap3A_310 = arith.constant 0 : index
      %swap3A_311 = tpu.vector_load %arg23[%swap3A_309, %swap3A_310] {strides = array<i32>} : memref<64x16xf32, #tpu.memory_space<vmem>>, vector<16xf32>,
      tpu.vector_store %arg23[%swap3A_309, %swap3A_310], %gather3A_307 {strides = array<i32>} : memref<64x16xf32, #tpu.memory_space<vmem>>, vector<16xf32>,
      %broadcast_in_dim3A_312 = arith.constant 25 : i32
      %broadcast_in_dim3A_313 = vector.broadcast %broadcast_in_dim3A_312 : i32 to vector<16xi32>
      %gather3A_314 = tpu.vector_load_idx %arg19[%iota3A, %broadcast_in_dim3A_313] : memref<16x256xf32, #tpu.memory_space<vmem>>[vector<16xi32>, vector<16xi32>], vector<16xf32>,
      %swap3A_315 = arith.constant 25 : i32
      %swap3A_316 = arith.index_cast %swap3A_315 : i32 to index
      %swap3A_317 = arith.constant 0 : index
      %swap3A_318 = tpu.vector_load %arg23[%swap3A_316, %swap3A_317] {strides = array<i32>} : memref<64x16xf32, #tpu.memory_space<vmem>>, vector<16xf32>,
      tpu.vector_store %arg23[%swap3A_316, %swap3A_317], %gather3A_314 {strides = array<i32>} : memref<64x16xf32, #tpu.memory_space<vmem>>, vector<16xf32>,
      %broadcast_in_dim3A_319 = arith.constant 26 : i32
      %broadcast_in_dim3A_320 = vector.broadcast %broadcast_in_dim3A_319 : i32 to vector<16xi32>
      %gather3A_321 = tpu.vector_load_idx %arg19[%iota3A, %broadcast_in_dim3A_320] : memref<16x256xf32, #tpu.memory_space<vmem>>[vector<16xi32>, vector<16xi32>], vector<16xf32>,
      %swap3A_322 = arith.constant 26 : i32
      %swap3A_323 = arith.index_cast %swap3A_322 : i32 to index
      %swap3A_324 = arith.constant 0 : index
      %swap3A_325 = tpu.vector_load %arg23[%swap3A_323, %swap3A_324] {strides = array<i32>} : memref<64x16xf32, #tpu.memory_space<vmem>>, vector<16xf32>,
      tpu.vector_store %arg23[%swap3A_323, %swap3A_324], %gather3A_321 {strides = array<i32>} : memref<64x16xf32, #tpu.memory_space<vmem>>, vector<16xf32>,
      %broadcast_in_dim3A_326 = arith.constant 27 : i32
      %broadcast_in_dim3A_327 = vector.broadcast %broadcast_in_dim3A_326 : i32 to vector<16xi32>
      %gather3A_328 = tpu.vector_load_idx %arg19[%iota3A, %broadcast_in_dim3A_327] : memref<16x256xf32, #tpu.memory_space<vmem>>[vector<16xi32>, vector<16xi32>], vector<16xf32>,
      %swap3A_329 = arith.constant 27 : i32
      %swap3A_330 = arith.index_cast %swap3A_329 : i32 to index
      %swap3A_331 = arith.constant 0 : index
      %swap3A_332 = tpu.vector_load %arg23[%swap3A_330, %swap3A_331] {strides = array<i32>} : memref<64x16xf32, #tpu.memory_space<vmem>>, vector<16xf32>,
      tpu.vector_store %arg23[%swap3A_330, %swap3A_331], %gather3A_328 {strides = array<i32>} : memref<64x16xf32, #tpu.memory_space<vmem>>, vector<16xf32>,
      %broadcast_in_dim3A_333 = arith.constant 28 : i32
      %broadcast_in_dim3A_334 = vector.broadcast %broadcast_in_dim3A_333 : i32 to vector<16xi32>
      %gather3A_335 = tpu.vector_load_idx %arg19[%iota3A, %broadcast_in_dim3A_334] : memref<16x256xf32, #tpu.memory_space<vmem>>[vector<16xi32>, vector<16xi32>], vector<16xf32>,
      %swap3A_336 = arith.constant 28 : i32
      %swap3A_337 = arith.index_cast %swap3A_336 : i32 to index
      %swap3A_338 = arith.constant 0 : index
      %swap3A_339 = tpu.vector_load %arg23[%swap3A_337, %swap3A_338] {strides = array<i32>} : memref<64x16xf32, #tpu.memory_space<vmem>>, vector<16xf32>,
      tpu.vector_store %arg23[%swap3A_337, %swap3A_338], %gather3A_335 {strides = array<i32>} : memref<64x16xf32, #tpu.memory_space<vmem>>, vector<16xf32>,
      %broadcast_in_dim3A_340 = arith.constant 29 : i32
      %broadcast_in_dim3A_341 = vector.broadcast %broadcast_in_dim3A_340 : i32 to vector<16xi32>
      %gather3A_342 = tpu.vector_load_idx %arg19[%iota3A, %broadcast_in_dim3A_341] : memref<16x256xf32, #tpu.memory_space<vmem>>[vector<16xi32>, vector<16xi32>], vector<16xf32>,
      %swap3A_343 = arith.constant 29 : i32
      %swap3A_344 = arith.index_cast %swap3A_343 : i32 to index
      %swap3A_345 = arith.constant 0 : index
      %swap3A_346 = tpu.vector_load %arg23[%swap3A_344, %swap3A_345] {strides = array<i32>} : memref<64x16xf32, #tpu.memory_space<vmem>>, vector<16xf32>,
      tpu.vector_store %arg23[%swap3A_344, %swap3A_345], %gather3A_342 {strides = array<i32>} : memref<64x16xf32, #tpu.memory_space<vmem>>, vector<16xf32>,
      %broadcast_in_dim3A_347 = arith.constant 30 : i32
      %broadcast_in_dim3A_348 = vector.broadcast %broadcast_in_dim3A_347 : i32 to vector<16xi32>
      %gather3A_349 = tpu.vector_load_idx %arg19[%iota3A, %broadcast_in_dim3A_348] : memref<16x256xf32, #tpu.memory_space<vmem>>[vector<16xi32>, vector<16xi32>], vector<16xf32>,
      %swap3A_350 = arith.constant 30 : i32
      %swap3A_351 = arith.index_cast %swap3A_350 : i32 to index
      %swap3A_352 = arith.constant 0 : index
      %swap3A_353 = tpu.vector_load %arg23[%swap3A_351, %swap3A_352] {strides = array<i32>} : memref<64x16xf32, #tpu.memory_space<vmem>>, vector<16xf32>,
      tpu.vector_store %arg23[%swap3A_351, %swap3A_352], %gather3A_349 {strides = array<i32>} : memref<64x16xf32, #tpu.memory_space<vmem>>, vector<16xf32>,
      %broadcast_in_dim3A_354 = arith.constant 31 : i32
      %broadcast_in_dim3A_355 = vector.broadcast %broadcast_in_dim3A_354 : i32 to vector<16xi32>
      %gather3A_356 = tpu.vector_load_idx %arg19[%iota3A, %broadcast_in_dim3A_355] : memref<16x256xf32, #tpu.memory_space<vmem>>[vector<16xi32>, vector<16xi32>], vector<16xf32>,
      %swap3A_357 = arith.constant 31 : i32
      %swap3A_358 = arith.index_cast %swap3A_357 : i32 to index
      %swap3A_359 = arith.constant 0 : index
      %swap3A_360 = tpu.vector_load %arg23[%swap3A_358, %swap3A_359] {strides = array<i32>} : memref<64x16xf32, #tpu.memory_space<vmem>>, vector<16xf32>,
      tpu.vector_store %arg23[%swap3A_358, %swap3A_359], %gather3A_356 {strides = array<i32>} : memref<64x16xf32, #tpu.memory_space<vmem>>, vector<16xf32>,
      %broadcast_in_dim3A_361 = arith.constant 32 : i32
      %broadcast_in_dim3A_362 = vector.broadcast %broadcast_in_dim3A_361 : i32 to vector<16xi32>
      %gather3A_363 = tpu.vector_load_idx %arg19[%iota3A, %broadcast_in_dim3A_362] : memref<16x256xf32, #tpu.memory_space<vmem>>[vector<16xi32>, vector<16xi32>], vector<16xf32>,
      %swap3A_364 = arith.constant 32 : i32
      %swap3A_365 = arith.index_cast %swap3A_364 : i32 to index
      %swap3A_366 = arith.constant 0 : index
      %swap3A_367 = tpu.vector_load %arg23[%swap3A_365, %swap3A_366] {strides = array<i32>} : memref<64x16xf32, #tpu.memory_space<vmem>>, vector<16xf32>,
      tpu.vector_store %arg23[%swap3A_365, %swap3A_366], %gather3A_363 {strides = array<i32>} : memref<64x16xf32, #tpu.memory_space<vmem>>, vector<16xf32>,
      %broadcast_in_dim3A_368 = arith.constant 33 : i32
      %broadcast_in_dim3A_369 = vector.broadcast %broadcast_in_dim3A_368 : i32 to vector<16xi32>
      %gather3A_370 = tpu.vector_load_idx %arg19[%iota3A, %broadcast_in_dim3A_369] : memref<16x256xf32, #tpu.memory_space<vmem>>[vector<16xi32>, vector<16xi32>], vector<16xf32>,
      %swap3A_371 = arith.constant 33 : i32
      %swap3A_372 = arith.index_cast %swap3A_371 : i32 to index
      %swap3A_373 = arith.constant 0 : index
      %swap3A_374 = tpu.vector_load %arg23[%swap3A_372, %swap3A_373] {strides = array<i32>} : memref<64x16xf32, #tpu.memory_space<vmem>>, vector<16xf32>,
      tpu.vector_store %arg23[%swap3A_372, %swap3A_373], %gather3A_370 {strides = array<i32>} : memref<64x16xf32, #tpu.memory_space<vmem>>, vector<16xf32>,
      %broadcast_in_dim3A_375 = arith.constant 34 : i32
      %broadcast_in_dim3A_376 = vector.broadcast %broadcast_in_dim3A_375 : i32 to vector<16xi32>
      %gather3A_377 = tpu.vector_load_idx %arg19[%iota3A, %broadcast_in_dim3A_376] : memref<16x256xf32, #tpu.memory_space<vmem>>[vector<16xi32>, vector<16xi32>], vector<16xf32>,
      %swap3A_378 = arith.constant 34 : i32
      %swap3A_379 = arith.index_cast %swap3A_378 : i32 to index
      %swap3A_380 = arith.constant 0 : index
      %swap3A_381 = tpu.vector_load %arg23[%swap3A_379, %swap3A_380] {strides = array<i32>} : memref<64x16xf32, #tpu.memory_space<vmem>>, vector<16xf32>,
      tpu.vector_store %arg23[%swap3A_379, %swap3A_380], %gather3A_377 {strides = array<i32>} : memref<64x16xf32, #tpu.memory_space<vmem>>, vector<16xf32>,
      %broadcast_in_dim3A_382 = arith.constant 35 : i32
      %broadcast_in_dim3A_383 = vector.broadcast %broadcast_in_dim3A_382 : i32 to vector<16xi32>
      %gather3A_384 = tpu.vector_load_idx %arg19[%iota3A, %broadcast_in_dim3A_383] : memref<16x256xf32, #tpu.memory_space<vmem>>[vector<16xi32>, vector<16xi32>], vector<16xf32>,
      %swap3A_385 = arith.constant 35 : i32
      %swap3A_386 = arith.index_cast %swap3A_385 : i32 to index
      %swap3A_387 = arith.constant 0 : index
      %swap3A_388 = tpu.vector_load %arg23[%swap3A_386, %swap3A_387] {strides = array<i32>} : memref<64x16xf32, #tpu.memory_space<vmem>>, vector<16xf32>,
      tpu.vector_store %arg23[%swap3A_386, %swap3A_387], %gather3A_384 {strides = array<i32>} : memref<64x16xf32, #tpu.memory_space<vmem>>, vector<16xf32>,
      %broadcast_in_dim3A_389 = arith.constant 36 : i32
      %broadcast_in_dim3A_390 = vector.broadcast %broadcast_in_dim3A_389 : i32 to vector<16xi32>
      %gather3A_391 = tpu.vector_load_idx %arg19[%iota3A, %broadcast_in_dim3A_390] : memref<16x256xf32, #tpu.memory_space<vmem>>[vector<16xi32>, vector<16xi32>], vector<16xf32>,
      %swap3A_392 = arith.constant 36 : i32
      %swap3A_393 = arith.index_cast %swap3A_392 : i32 to index
      %swap3A_394 = arith.constant 0 : index
      %swap3A_395 = tpu.vector_load %arg23[%swap3A_393, %swap3A_394] {strides = array<i32>} : memref<64x16xf32, #tpu.memory_space<vmem>>, vector<16xf32>,
      tpu.vector_store %arg23[%swap3A_393, %swap3A_394], %gather3A_391 {strides = array<i32>} : memref<64x16xf32, #tpu.memory_space<vmem>>, vector<16xf32>,
      %broadcast_in_dim3A_396 = arith.constant 37 : i32
      %broadcast_in_dim3A_397 = vector.broadcast %broadcast_in_dim3A_396 : i32 to vector<16xi32>
      %gather3A_398 = tpu.vector_load_idx %arg19[%iota3A, %broadcast_in_dim3A_397] : memref<16x256xf32, #tpu.memory_space<vmem>>[vector<16xi32>, vector<16xi32>], vector<16xf32>,
      %swap3A_399 = arith.constant 37 : i32
      %swap3A_400 = arith.index_cast %swap3A_399 : i32 to index
      %swap3A_401 = arith.constant 0 : index
      %swap3A_402 = tpu.vector_load %arg23[%swap3A_400, %swap3A_401] {strides = array<i32>} : memref<64x16xf32, #tpu.memory_space<vmem>>, vector<16xf32>,
      tpu.vector_store %arg23[%swap3A_400, %swap3A_401], %gather3A_398 {strides = array<i32>} : memref<64x16xf32, #tpu.memory_space<vmem>>, vector<16xf32>,
      %broadcast_in_dim3A_403 = arith.constant 38 : i32
      %broadcast_in_dim3A_404 = vector.broadcast %broadcast_in_dim3A_403 : i32 to vector<16xi32>
      %gather3A_405 = tpu.vector_load_idx %arg19[%iota3A, %broadcast_in_dim3A_404] : memref<16x256xf32, #tpu.memory_space<vmem>>[vector<16xi32>, vector<16xi32>], vector<16xf32>,
      %swap3A_406 = arith.constant 38 : i32
      %swap3A_407 = arith.index_cast %swap3A_406 : i32 to index
      %swap3A_408 = arith.constant 0 : index
      %swap3A_409 = tpu.vector_load %arg23[%swap3A_407, %swap3A_408] {strides = array<i32>} : memref<64x16xf32, #tpu.memory_space<vmem>>, vector<16xf32>,
      tpu.vector_store %arg23[%swap3A_407, %swap3A_408], %gather3A_405 {strides = array<i32>} : memref<64x16xf32, #tpu.memory_space<vmem>>, vector<16xf32>,
      %broadcast_in_dim3A_410 = arith.constant 39 : i32
      %broadcast_in_dim3A_411 = vector.broadcast %broadcast_in_dim3A_410 : i32 to vector<16xi32>
      %gather3A_412 = tpu.vector_load_idx %arg19[%iota3A, %broadcast_in_dim3A_411] : memref<16x256xf32, #tpu.memory_space<vmem>>[vector<16xi32>, vector<16xi32>], vector<16xf32>,
      %swap3A_413 = arith.constant 39 : i32
      %swap3A_414 = arith.index_cast %swap3A_413 : i32 to index
      %swap3A_415 = arith.constant 0 : index
      %swap3A_416 = tpu.vector_load %arg23[%swap3A_414, %swap3A_415] {strides = array<i32>} : memref<64x16xf32, #tpu.memory_space<vmem>>, vector<16xf32>,
      tpu.vector_store %arg23[%swap3A_414, %swap3A_415], %gather3A_412 {strides = array<i32>} : memref<64x16xf32, #tpu.memory_space<vmem>>, vector<16xf32>,
      %broadcast_in_dim3A_417 = arith.constant 40 : i32
      %broadcast_in_dim3A_418 = vector.broadcast %broadcast_in_dim3A_417 : i32 to vector<16xi32>
      %gather3A_419 = tpu.vector_load_idx %arg19[%iota3A, %broadcast_in_dim3A_418] : memref<16x256xf32, #tpu.memory_space<vmem>>[vector<16xi32>, vector<16xi32>], vector<16xf32>,
      %swap3A_420 = arith.constant 40 : i32
      %swap3A_421 = arith.index_cast %swap3A_420 : i32 to index
      %swap3A_422 = arith.constant 0 : index
      %swap3A_423 = tpu.vector_load %arg23[%swap3A_421, %swap3A_422] {strides = array<i32>} : memref<64x16xf32, #tpu.memory_space<vmem>>, vector<16xf32>,
      tpu.vector_store %arg23[%swap3A_421, %swap3A_422], %gather3A_419 {strides = array<i32>} : memref<64x16xf32, #tpu.memory_space<vmem>>, vector<16xf32>,
      %broadcast_in_dim3A_424 = arith.constant 41 : i32
      %broadcast_in_dim3A_425 = vector.broadcast %broadcast_in_dim3A_424 : i32 to vector<16xi32>
      %gather3A_426 = tpu.vector_load_idx %arg19[%iota3A, %broadcast_in_dim3A_425] : memref<16x256xf32, #tpu.memory_space<vmem>>[vector<16xi32>, vector<16xi32>], vector<16xf32>,
      %swap3A_427 = arith.constant 41 : i32
      %swap3A_428 = arith.index_cast %swap3A_427 : i32 to index
      %swap3A_429 = arith.constant 0 : index
      %swap3A_430 = tpu.vector_load %arg23[%swap3A_428, %swap3A_429] {strides = array<i32>} : memref<64x16xf32, #tpu.memory_space<vmem>>, vector<16xf32>,
      tpu.vector_store %arg23[%swap3A_428, %swap3A_429], %gather3A_426 {strides = array<i32>} : memref<64x16xf32, #tpu.memory_space<vmem>>, vector<16xf32>,
      %broadcast_in_dim3A_431 = arith.constant 42 : i32
      %broadcast_in_dim3A_432 = vector.broadcast %broadcast_in_dim3A_431 : i32 to vector<16xi32>
      %gather3A_433 = tpu.vector_load_idx %arg19[%iota3A, %broadcast_in_dim3A_432] : memref<16x256xf32, #tpu.memory_space<vmem>>[vector<16xi32>, vector<16xi32>], vector<16xf32>,
      %swap3A_434 = arith.constant 42 : i32
      %swap3A_435 = arith.index_cast %swap3A_434 : i32 to index
      %swap3A_436 = arith.constant 0 : index
      %swap3A_437 = tpu.vector_load %arg23[%swap3A_435, %swap3A_436] {strides = array<i32>} : memref<64x16xf32, #tpu.memory_space<vmem>>, vector<16xf32>,
      tpu.vector_store %arg23[%swap3A_435, %swap3A_436], %gather3A_433 {strides = array<i32>} : memref<64x16xf32, #tpu.memory_space<vmem>>, vector<16xf32>,
      %broadcast_in_dim3A_438 = arith.constant 43 : i32
      %broadcast_in_dim3A_439 = vector.broadcast %broadcast_in_dim3A_438 : i32 to vector<16xi32>
      %gather3A_440 = tpu.vector_load_idx %arg19[%iota3A, %broadcast_in_dim3A_439] : memref<16x256xf32, #tpu.memory_space<vmem>>[vector<16xi32>, vector<16xi32>], vector<16xf32>,
      %swap3A_441 = arith.constant 43 : i32
      %swap3A_442 = arith.index_cast %swap3A_441 : i32 to index
      %swap3A_443 = arith.constant 0 : index
      %swap3A_444 = tpu.vector_load %arg23[%swap3A_442, %swap3A_443] {strides = array<i32>} : memref<64x16xf32, #tpu.memory_space<vmem>>, vector<16xf32>,
      tpu.vector_store %arg23[%swap3A_442, %swap3A_443], %gather3A_440 {strides = array<i32>} : memref<64x16xf32, #tpu.memory_space<vmem>>, vector<16xf32>,
      %broadcast_in_dim3A_445 = arith.constant 44 : i32
      %broadcast_in_dim3A_446 = vector.broadcast %broadcast_in_dim3A_445 : i32 to vector<16xi32>
      %gather3A_447 = tpu.vector_load_idx %arg19[%iota3A, %broadcast_in_dim3A_446] : memref<16x256xf32, #tpu.memory_space<vmem>>[vector<16xi32>, vector<16xi32>], vector<16xf32>,
      %swap3A_448 = arith.constant 44 : i32
      %swap3A_449 = arith.index_cast %swap3A_448 : i32 to index
      %swap3A_450 = arith.constant 0 : index
      %swap3A_451 = tpu.vector_load %arg23[%swap3A_449, %swap3A_450] {strides = array<i32>} : memref<64x16xf32, #tpu.memory_space<vmem>>, vector<16xf32>,
      tpu.vector_store %arg23[%swap3A_449, %swap3A_450], %gather3A_447 {strides = array<i32>} : memref<64x16xf32, #tpu.memory_space<vmem>>, vector<16xf32>,
      %broadcast_in_dim3A_452 = arith.constant 45 : i32
      %broadcast_in_dim3A_453 = vector.broadcast %broadcast_in_dim3A_452 : i32 to vector<16xi32>
      %gather3A_454 = tpu.vector_load_idx %arg19[%iota3A, %broadcast_in_dim3A_453] : memref<16x256xf32, #tpu.memory_space<vmem>>[vector<16xi32>, vector<16xi32>], vector<16xf32>,
      %swap3A_455 = arith.constant 45 : i32
      %swap3A_456 = arith.index_cast %swap3A_455 : i32 to index
      %swap3A_457 = arith.constant 0 : index
      %swap3A_458 = tpu.vector_load %arg23[%swap3A_456, %swap3A_457] {strides = array<i32>} : memref<64x16xf32, #tpu.memory_space<vmem>>, vector<16xf32>,
      tpu.vector_store %arg23[%swap3A_456, %swap3A_457], %gather3A_454 {strides = array<i32>} : memref<64x16xf32, #tpu.memory_space<vmem>>, vector<16xf32>,
      %broadcast_in_dim3A_459 = arith.constant 46 : i32
      %broadcast_in_dim3A_460 = vector.broadcast %broadcast_in_dim3A_459 : i32 to vector<16xi32>
      %gather3A_461 = tpu.vector_load_idx %arg19[%iota3A, %broadcast_in_dim3A_460] : memref<16x256xf32, #tpu.memory_space<vmem>>[vector<16xi32>, vector<16xi32>], vector<16xf32>,
      %swap3A_462 = arith.constant 46 : i32
      %swap3A_463 = arith.index_cast %swap3A_462 : i32 to index
      %swap3A_464 = arith.constant 0 : index
      %swap3A_465 = tpu.vector_load %arg23[%swap3A_463, %swap3A_464] {strides = array<i32>} : memref<64x16xf32, #tpu.memory_space<vmem>>, vector<16xf32>,
      tpu.vector_store %arg23[%swap3A_463, %swap3A_464], %gather3A_461 {strides = array<i32>} : memref<64x16xf32, #tpu.memory_space<vmem>>, vector<16xf32>,
      %broadcast_in_dim3A_466 = arith.constant 47 : i32
      %broadcast_in_dim3A_467 = vector.broadcast %broadcast_in_dim3A_466 : i32 to vector<16xi32>
      %gather3A_468 = tpu.vector_load_idx %arg19[%iota3A, %broadcast_in_dim3A_467] : memref<16x256xf32, #tpu.memory_space<vmem>>[vector<16xi32>, vector<16xi32>], vector<16xf32>,
      %swap3A_469 = arith.constant 47 : i32
      %swap3A_470 = arith.index_cast %swap3A_469 : i32 to index
      %swap3A_471 = arith.constant 0 : index
      %swap3A_472 = tpu.vector_load %arg23[%swap3A_470, %swap3A_471] {strides = array<i32>} : memref<64x16xf32, #tpu.memory_space<vmem>>, vector<16xf32>,
      tpu.vector_store %arg23[%swap3A_470, %swap3A_471], %gather3A_468 {strides = array<i32>} : memref<64x16xf32, #tpu.memory_space<vmem>>, vector<16xf32>,
      %broadcast_in_dim3A_473 = arith.constant 48 : i32
      %broadcast_in_dim3A_474 = vector.broadcast %broadcast_in_dim3A_473 : i32 to vector<16xi32>
      %gather3A_475 = tpu.vector_load_idx %arg19[%iota3A, %broadcast_in_dim3A_474] : memref<16x256xf32, #tpu.memory_space<vmem>>[vector<16xi32>, vector<16xi32>], vector<16xf32>,
      %swap3A_476 = arith.constant 48 : i32
      %swap3A_477 = arith.index_cast %swap3A_476 : i32 to index
      %swap3A_478 = arith.constant 0 : index
      %swap3A_479 = tpu.vector_load %arg23[%swap3A_477, %swap3A_478] {strides = array<i32>} : memref<64x16xf32, #tpu.memory_space<vmem>>, vector<16xf32>,
      tpu.vector_store %arg23[%swap3A_477, %swap3A_478], %gather3A_475 {strides = array<i32>} : memref<64x16xf32, #tpu.memory_space<vmem>>, vector<16xf32>,
      %broadcast_in_dim3A_480 = arith.constant 49 : i32
      %broadcast_in_dim3A_481 = vector.broadcast %broadcast_in_dim3A_480 : i32 to vector<16xi32>
      %gather3A_482 = tpu.vector_load_idx %arg19[%iota3A, %broadcast_in_dim3A_481] : memref<16x256xf32, #tpu.memory_space<vmem>>[vector<16xi32>, vector<16xi32>], vector<16xf32>,
      %swap3A_483 = arith.constant 49 : i32
      %swap3A_484 = arith.index_cast %swap3A_483 : i32 to index
      %swap3A_485 = arith.constant 0 : index
      %swap3A_486 = tpu.vector_load %arg23[%swap3A_484, %swap3A_485] {strides = array<i32>} : memref<64x16xf32, #tpu.memory_space<vmem>>, vector<16xf32>,
      tpu.vector_store %arg23[%swap3A_484, %swap3A_485], %gather3A_482 {strides = array<i32>} : memref<64x16xf32, #tpu.memory_space<vmem>>, vector<16xf32>,
      %broadcast_in_dim3A_487 = arith.constant 50 : i32
      %broadcast_in_dim3A_488 = vector.broadcast %broadcast_in_dim3A_487 : i32 to vector<16xi32>
      %gather3A_489 = tpu.vector_load_idx %arg19[%iota3A, %broadcast_in_dim3A_488] : memref<16x256xf32, #tpu.memory_space<vmem>>[vector<16xi32>, vector<16xi32>], vector<16xf32>,
      %swap3A_490 = arith.constant 50 : i32
      %swap3A_491 = arith.index_cast %swap3A_490 : i32 to index
      %swap3A_492 = arith.constant 0 : index
      %swap3A_493 = tpu.vector_load %arg23[%swap3A_491, %swap3A_492] {strides = array<i32>} : memref<64x16xf32, #tpu.memory_space<vmem>>, vector<16xf32>,
      tpu.vector_store %arg23[%swap3A_491, %swap3A_492], %gather3A_489 {strides = array<i32>} : memref<64x16xf32, #tpu.memory_space<vmem>>, vector<16xf32>,
      %broadcast_in_dim3A_494 = arith.constant 51 : i32
      %broadcast_in_dim3A_495 = vector.broadcast %broadcast_in_dim3A_494 : i32 to vector<16xi32>
      %gather3A_496 = tpu.vector_load_idx %arg19[%iota3A, %broadcast_in_dim3A_495] : memref<16x256xf32, #tpu.memory_space<vmem>>[vector<16xi32>, vector<16xi32>], vector<16xf32>,
      %swap3A_497 = arith.constant 51 : i32
      %swap3A_498 = arith.index_cast %swap3A_497 : i32 to index
      %swap3A_499 = arith.constant 0 : index
      %swap3A_500 = tpu.vector_load %arg23[%swap3A_498, %swap3A_499] {strides = array<i32>} : memref<64x16xf32, #tpu.memory_space<vmem>>, vector<16xf32>,
      tpu.vector_store %arg23[%swap3A_498, %swap3A_499], %gather3A_496 {strides = array<i32>} : memref<64x16xf32, #tpu.memory_space<vmem>>, vector<16xf32>,
      %broadcast_in_dim3A_501 = arith.constant 52 : i32
      %broadcast_in_dim3A_502 = vector.broadcast %broadcast_in_dim3A_501 : i32 to vector<16xi32>
      %gather3A_503 = tpu.vector_load_idx %arg19[%iota3A, %broadcast_in_dim3A_502] : memref<16x256xf32, #tpu.memory_space<vmem>>[vector<16xi32>, vector<16xi32>], vector<16xf32>,
      %swap3A_504 = arith.constant 52 : i32
      %swap3A_505 = arith.index_cast %swap3A_504 : i32 to index
      %swap3A_506 = arith.constant 0 : index
      %swap3A_507 = tpu.vector_load %arg23[%swap3A_505, %swap3A_506] {strides = array<i32>} : memref<64x16xf32, #tpu.memory_space<vmem>>, vector<16xf32>,
      tpu.vector_store %arg23[%swap3A_505, %swap3A_506], %gather3A_503 {strides = array<i32>} : memref<64x16xf32, #tpu.memory_space<vmem>>, vector<16xf32>,
      %broadcast_in_dim3A_508 = arith.constant 53 : i32
      %broadcast_in_dim3A_509 = vector.broadcast %broadcast_in_dim3A_508 : i32 to vector<16xi32>
      %gather3A_510 = tpu.vector_load_idx %arg19[%iota3A, %broadcast_in_dim3A_509] : memref<16x256xf32, #tpu.memory_space<vmem>>[vector<16xi32>, vector<16xi32>], vector<16xf32>,
      %swap3A_511 = arith.constant 53 : i32
      %swap3A_512 = arith.index_cast %swap3A_511 : i32 to index
      %swap3A_513 = arith.constant 0 : index
      %swap3A_514 = tpu.vector_load %arg23[%swap3A_512, %swap3A_513] {strides = array<i32>} : memref<64x16xf32, #tpu.memory_space<vmem>>, vector<16xf32>,
      tpu.vector_store %arg23[%swap3A_512, %swap3A_513], %gather3A_510 {strides = array<i32>} : memref<64x16xf32, #tpu.memory_space<vmem>>, vector<16xf32>,
      %broadcast_in_dim3A_515 = arith.constant 54 : i32
      %broadcast_in_dim3A_516 = vector.broadcast %broadcast_in_dim3A_515 : i32 to vector<16xi32>
      %gather3A_517 = tpu.vector_load_idx %arg19[%iota3A, %broadcast_in_dim3A_516] : memref<16x256xf32, #tpu.memory_space<vmem>>[vector<16xi32>, vector<16xi32>], vector<16xf32>,
      %swap3A_518 = arith.constant 54 : i32
      %swap3A_519 = arith.index_cast %swap3A_518 : i32 to index
      %swap3A_520 = arith.constant 0 : index
      %swap3A_521 = tpu.vector_load %arg23[%swap3A_519, %swap3A_520] {strides = array<i32>} : memref<64x16xf32, #tpu.memory_space<vmem>>, vector<16xf32>,
      tpu.vector_store %arg23[%swap3A_519, %swap3A_520], %gather3A_517 {strides = array<i32>} : memref<64x16xf32, #tpu.memory_space<vmem>>, vector<16xf32>,
      %broadcast_in_dim3A_522 = arith.constant 55 : i32
      %broadcast_in_dim3A_523 = vector.broadcast %broadcast_in_dim3A_522 : i32 to vector<16xi32>
      %gather3A_524 = tpu.vector_load_idx %arg19[%iota3A, %broadcast_in_dim3A_523] : memref<16x256xf32, #tpu.memory_space<vmem>>[vector<16xi32>, vector<16xi32>], vector<16xf32>,
      %swap3A_525 = arith.constant 55 : i32
      %swap3A_526 = arith.index_cast %swap3A_525 : i32 to index
      %swap3A_527 = arith.constant 0 : index
      %swap3A_528 = tpu.vector_load %arg23[%swap3A_526, %swap3A_527] {strides = array<i32>} : memref<64x16xf32, #tpu.memory_space<vmem>>, vector<16xf32>,
      tpu.vector_store %arg23[%swap3A_526, %swap3A_527], %gather3A_524 {strides = array<i32>} : memref<64x16xf32, #tpu.memory_space<vmem>>, vector<16xf32>,
      %broadcast_in_dim3A_529 = arith.constant 56 : i32
      %broadcast_in_dim3A_530 = vector.broadcast %broadcast_in_dim3A_529 : i32 to vector<16xi32>
      %gather3A_531 = tpu.vector_load_idx %arg19[%iota3A, %broadcast_in_dim3A_530] : memref<16x256xf32, #tpu.memory_space<vmem>>[vector<16xi32>, vector<16xi32>], vector<16xf32>,
      %swap3A_532 = arith.constant 56 : i32
      %swap3A_533 = arith.index_cast %swap3A_532 : i32 to index
      %swap3A_534 = arith.constant 0 : index
      %swap3A_535 = tpu.vector_load %arg23[%swap3A_533, %swap3A_534] {strides = array<i32>} : memref<64x16xf32, #tpu.memory_space<vmem>>, vector<16xf32>,
      tpu.vector_store %arg23[%swap3A_533, %swap3A_534], %gather3A_531 {strides = array<i32>} : memref<64x16xf32, #tpu.memory_space<vmem>>, vector<16xf32>,
      %broadcast_in_dim3A_536 = arith.constant 57 : i32
      %broadcast_in_dim3A_537 = vector.broadcast %broadcast_in_dim3A_536 : i32 to vector<16xi32>
      %gather3A_538 = tpu.vector_load_idx %arg19[%iota3A, %broadcast_in_dim3A_537] : memref<16x256xf32, #tpu.memory_space<vmem>>[vector<16xi32>, vector<16xi32>], vector<16xf32>,
      %swap3A_539 = arith.constant 57 : i32
      %swap3A_540 = arith.index_cast %swap3A_539 : i32 to index
      %swap3A_541 = arith.constant 0 : index
      %swap3A_542 = tpu.vector_load %arg23[%swap3A_540, %swap3A_541] {strides = array<i32>} : memref<64x16xf32, #tpu.memory_space<vmem>>, vector<16xf32>,
      tpu.vector_store %arg23[%swap3A_540, %swap3A_541], %gather3A_538 {strides = array<i32>} : memref<64x16xf32, #tpu.memory_space<vmem>>, vector<16xf32>,
      %broadcast_in_dim3A_543 = arith.constant 58 : i32
      %broadcast_in_dim3A_544 = vector.broadcast %broadcast_in_dim3A_543 : i32 to vector<16xi32>
      %gather3A_545 = tpu.vector_load_idx %arg19[%iota3A, %broadcast_in_dim3A_544] : memref<16x256xf32, #tpu.memory_space<vmem>>[vector<16xi32>, vector<16xi32>], vector<16xf32>,
      %swap3A_546 = arith.constant 58 : i32
      %swap3A_547 = arith.index_cast %swap3A_546 : i32 to index
      %swap3A_548 = arith.constant 0 : index
      %swap3A_549 = tpu.vector_load %arg23[%swap3A_547, %swap3A_548] {strides = array<i32>} : memref<64x16xf32, #tpu.memory_space<vmem>>, vector<16xf32>,
      tpu.vector_store %arg23[%swap3A_547, %swap3A_548], %gather3A_545 {strides = array<i32>} : memref<64x16xf32, #tpu.memory_space<vmem>>, vector<16xf32>,
      %broadcast_in_dim3A_550 = arith.constant 59 : i32
      %broadcast_in_dim3A_551 = vector.broadcast %broadcast_in_dim3A_550 : i32 to vector<16xi32>
      %gather3A_552 = tpu.vector_load_idx %arg19[%iota3A, %broadcast_in_dim3A_551] : memref<16x256xf32, #tpu.memory_space<vmem>>[vector<16xi32>, vector<16xi32>], vector<16xf32>,
      %swap3A_553 = arith.constant 59 : i32
      %swap3A_554 = arith.index_cast %swap3A_553 : i32 to index
      %swap3A_555 = arith.constant 0 : index
      %swap3A_556 = tpu.vector_load %arg23[%swap3A_554, %swap3A_555] {strides = array<i32>} : memref<64x16xf32, #tpu.memory_space<vmem>>, vector<16xf32>,
      tpu.vector_store %arg23[%swap3A_554, %swap3A_555], %gather3A_552 {strides = array<i32>} : memref<64x16xf32, #tpu.memory_space<vmem>>, vector<16xf32>,
      %broadcast_in_dim3A_557 = arith.constant 60 : i32
      %broadcast_in_dim3A_558 = vector.broadcast %broadcast_in_dim3A_557 : i32 to vector<16xi32>
      %gather3A_559 = tpu.vector_load_idx %arg19[%iota3A, %broadcast_in_dim3A_558] : memref<16x256xf32, #tpu.memory_space<vmem>>[vector<16xi32>, vector<16xi32>], vector<16xf32>,
      %swap3A_560 = arith.constant 60 : i32
      %swap3A_561 = arith.index_cast %swap3A_560 : i32 to index
      %swap3A_562 = arith.constant 0 : index
      %swap3A_563 = tpu.vector_load %arg23[%swap3A_561, %swap3A_562] {strides = array<i32>} : memref<64x16xf32, #tpu.memory_space<vmem>>, vector<16xf32>,
      tpu.vector_store %arg23[%swap3A_561, %swap3A_562], %gather3A_559 {strides = array<i32>} : memref<64x16xf32, #tpu.memory_space<vmem>>, vector<16xf32>,
      %broadcast_in_dim3A_564 = arith.constant 61 : i32
      %broadcast_in_dim3A_565 = vector.broadcast %broadcast_in_dim3A_564 : i32 to vector<16xi32>
      %gather3A_566 = tpu.vector_load_idx %arg19[%iota3A, %broadcast_in_dim3A_565] : memref<16x256xf32, #tpu.memory_space<vmem>>[vector<16xi32>, vector<16xi32>], vector<16xf32>,
      %swap3A_567 = arith.constant 61 : i32
      %swap3A_568 = arith.index_cast %swap3A_567 : i32 to index
      %swap3A_569 = arith.constant 0 : index
      %swap3A_570 = tpu.vector_load %arg23[%swap3A_568, %swap3A_569] {strides = array<i32>} : memref<64x16xf32, #tpu.memory_space<vmem>>, vector<16xf32>,
      tpu.vector_store %arg23[%swap3A_568, %swap3A_569], %gather3A_566 {strides = array<i32>} : memref<64x16xf32, #tpu.memory_space<vmem>>, vector<16xf32>,
      %broadcast_in_dim3A_571 = arith.constant 62 : i32
      %broadcast_in_dim3A_572 = vector.broadcast %broadcast_in_dim3A_571 : i32 to vector<16xi32>
      %gather3A_573 = tpu.vector_load_idx %arg19[%iota3A, %broadcast_in_dim3A_572] : memref<16x256xf32, #tpu.memory_space<vmem>>[vector<16xi32>, vector<16xi32>], vector<16xf32>,
      %swap3A_574 = arith.constant 62 : i32
      %swap3A_575 = arith.index_cast %swap3A_574 : i32 to index
      %swap3A_576 = arith.constant 0 : index
      %swap3A_577 = tpu.vector_load %arg23[%swap3A_575, %swap3A_576] {strides = array<i32>} : memref<64x16xf32, #tpu.memory_space<vmem>>, vector<16xf32>,
      tpu.vector_store %arg23[%swap3A_575, %swap3A_576], %gather3A_573 {strides = array<i32>} : memref<64x16xf32, #tpu.memory_space<vmem>>, vector<16xf32>,
      %broadcast_in_dim3A_578 = arith.constant 63 : i32
      %broadcast_in_dim3A_579 = vector.broadcast %broadcast_in_dim3A_578 : i32 to vector<16xi32>
      %gather3A_580 = tpu.vector_load_idx %arg19[%iota3A, %broadcast_in_dim3A_579] : memref<16x256xf32, #tpu.memory_space<vmem>>[vector<16xi32>, vector<16xi32>], vector<16xf32>,
      %swap3A_581 = arith.constant 63 : i32
      %swap3A_582 = arith.index_cast %swap3A_581 : i32 to index
      %swap3A_583 = arith.constant 0 : index
      %swap3A_584 = tpu.vector_load %arg23[%swap3A_582, %swap3A_583] {strides = array<i32>} : memref<64x16xf32, #tpu.memory_space<vmem>>, vector<16xf32>,
      tpu.vector_store %arg23[%swap3A_582, %swap3A_583], %gather3A_580 {strides = array<i32>} : memref<64x16xf32, #tpu.memory_space<vmem>>, vector<16xf32>,
      "tpu.region"() ({
        %run_scoped3A_1555 = tpu.sem_alloc : memref<!tpu.dma_semaphore, #tpu.memory_space<semaphore_mem>>
        %dma_start3A_1556 = arith.constant 0 : i32
        %dma_start3A_1557 = arith.constant 0 : i32
        %dma_start3A_1558 = tpu.memref_slice %arg12[%add3A, %dma_start3A_1556, %dma_start3A_1557] : memref<25x64x16xf32, #tpu.memory_space<hbm>> -> memref<1x64x16xf32, #tpu.memory_space<hbm>>
        %dma_start3A_1559 = tpu.memref_squeeze %dma_start3A_1558 : memref<1x64x16xf32, #tpu.memory_space<hbm>> -> memref<64x16xf32, #tpu.memory_space<hbm>>
        %dma_start3A_1560 = arith.constant 0 : i32
        %dma_start3A_1561 = arith.constant 0 : i32
        %dma_start3A_1562 = tpu.memref_slice %arg12[%add3A, %dma_start3A_1560, %dma_start3A_1561] : memref<25x64x16xf32, #tpu.memory_space<hbm>> -> memref<1x64x16xf32, #tpu.memory_space<hbm>>
        %dma_start3A_1563 = tpu.memref_squeeze %dma_start3A_1562 : memref<1x64x16xf32, #tpu.memory_space<hbm>> -> memref<64x16xf32, #tpu.memory_space<hbm>>
        tpu.enqueue_dma source(%arg23 : memref<64x16xf32, #tpu.memory_space<vmem>>) target(%dma_start3A_1563 : memref<64x16xf32, #tpu.memory_space<hbm>>) target_semaphore(%run_scoped3A_1555 : memref<!tpu.dma_semaphore, #tpu.memory_space<semaphore_mem>>)
        %dma_wait3A_1564 = arith.constant 0 : i32
        %dma_wait3A_1565 = arith.constant 0 : i32
        %dma_wait3A_1566 = tpu.memref_slice %arg12[%add3A, %dma_wait3A_1564, %dma_wait3A_1565] : memref<25x64x16xf32, #tpu.memory_space<hbm>> -> memref<1x64x16xf32, #tpu.memory_space<hbm>>
        %dma_wait3A_1567 = tpu.memref_squeeze %dma_wait3A_1566 : memref<1x64x16xf32, #tpu.memory_space<hbm>> -> memref<64x16xf32, #tpu.memory_space<hbm>>
        %dma_wait3A_1568 = arith.constant 0 : i32
        %dma_wait3A_1569 = arith.constant 0 : i32
        %dma_wait3A_1570 = tpu.memref_slice %arg12[%add3A, %dma_wait3A_1568, %dma_wait3A_1569] : memref<25x64x16xf32, #tpu.memory_space<hbm>> -> memref<1x64x16xf32, #tpu.memory_space<hbm>>
        %dma_wait3A_1571 = tpu.memref_squeeze %dma_wait3A_1570 : memref<1x64x16xf32, #tpu.memory_space<hbm>> -> memref<64x16xf32, #tpu.memory_space<hbm>>
        tpu.wait_dma2 semaphore(%run_scoped3A_1555 : memref<!tpu.dma_semaphore, #tpu.memory_space<semaphore_mem>>) src(%arg23 : memref<64x16xf32, #tpu.memory_space<vmem>>) dst(%dma_wait3A_1571 : memref<64x16xf32, #tpu.memory_space<hbm>>)
        tpu.yield
      }) : () -> ()
      %broadcast_in_dim3A_585 = arith.constant 64 : i32
      %broadcast_in_dim3A_586 = vector.broadcast %broadcast_in_dim3A_585 : i32 to vector<16xi32>
      %gather3A_587 = tpu.vector_load_idx %arg20[%iota3A, %broadcast_in_dim3A_586] : memref<16x256xf32, #tpu.memory_space<vmem>>[vector<16xi32>, vector<16xi32>], vector<16xf32>,
      %swap3A_588 = arith.constant 0 : i32
      %swap3A_589 = arith.index_cast %swap3A_588 : i32 to index
      %swap3A_590 = arith.constant 0 : index
      %swap3A_591 = tpu.vector_load %arg22[%swap3A_589, %swap3A_590] {strides = array<i32>} : memref<8x16xf32, #tpu.memory_space<vmem>>, vector<16xf32>,
      tpu.vector_store %arg22[%swap3A_589, %swap3A_590], %gather3A_587 {strides = array<i32>} : memref<8x16xf32, #tpu.memory_space<vmem>>, vector<16xf32>,
      %broadcast_in_dim3A_592 = arith.constant 65 : i32
      %broadcast_in_dim3A_593 = vector.broadcast %broadcast_in_dim3A_592 : i32 to vector<16xi32>
      %gather3A_594 = tpu.vector_load_idx %arg20[%iota3A, %broadcast_in_dim3A_593] : memref<16x256xf32, #tpu.memory_space<vmem>>[vector<16xi32>, vector<16xi32>], vector<16xf32>,
      %swap3A_595 = arith.constant 1 : i32
      %swap3A_596 = arith.index_cast %swap3A_595 : i32 to index
      %swap3A_597 = arith.constant 0 : index
      %swap3A_598 = tpu.vector_load %arg22[%swap3A_596, %swap3A_597] {strides = array<i32>} : memref<8x16xf32, #tpu.memory_space<vmem>>, vector<16xf32>,
      tpu.vector_store %arg22[%swap3A_596, %swap3A_597], %gather3A_594 {strides = array<i32>} : memref<8x16xf32, #tpu.memory_space<vmem>>, vector<16xf32>,
      %broadcast_in_dim3A_599 = arith.constant 66 : i32
      %broadcast_in_dim3A_600 = vector.broadcast %broadcast_in_dim3A_599 : i32 to vector<16xi32>
      %gather3A_601 = tpu.vector_load_idx %arg20[%iota3A, %broadcast_in_dim3A_600] : memref<16x256xf32, #tpu.memory_space<vmem>>[vector<16xi32>, vector<16xi32>], vector<16xf32>,
      %swap3A_602 = arith.constant 2 : i32
      %swap3A_603 = arith.index_cast %swap3A_602 : i32 to index
      %swap3A_604 = arith.constant 0 : index
      %swap3A_605 = tpu.vector_load %arg22[%swap3A_603, %swap3A_604] {strides = array<i32>} : memref<8x16xf32, #tpu.memory_space<vmem>>, vector<16xf32>,
      tpu.vector_store %arg22[%swap3A_603, %swap3A_604], %gather3A_601 {strides = array<i32>} : memref<8x16xf32, #tpu.memory_space<vmem>>, vector<16xf32>,
      %broadcast_in_dim3A_606 = arith.constant 67 : i32
      %broadcast_in_dim3A_607 = vector.broadcast %broadcast_in_dim3A_606 : i32 to vector<16xi32>
      %gather3A_608 = tpu.vector_load_idx %arg20[%iota3A, %broadcast_in_dim3A_607] : memref<16x256xf32, #tpu.memory_space<vmem>>[vector<16xi32>, vector<16xi32>], vector<16xf32>,
      %swap3A_609 = arith.constant 3 : i32
      %swap3A_610 = arith.index_cast %swap3A_609 : i32 to index
      %swap3A_611 = arith.constant 0 : index
      %swap3A_612 = tpu.vector_load %arg22[%swap3A_610, %swap3A_611] {strides = array<i32>} : memref<8x16xf32, #tpu.memory_space<vmem>>, vector<16xf32>,
      tpu.vector_store %arg22[%swap3A_610, %swap3A_611], %gather3A_608 {strides = array<i32>} : memref<8x16xf32, #tpu.memory_space<vmem>>, vector<16xf32>,
      %add3A_613 = arith.constant 68 : i32
      %add3A_614 = vector.broadcast %add3A_613 : i32 to vector<16xi32>
      %add3A_615 = arith.addi %add3A_614, %convert_element_type3A_24 : vector<16xi32>
      %gather3A_616 = tpu.vector_load_idx %arg20[%iota3A, %add3A_615] : memref<16x256xf32, #tpu.memory_space<vmem>>[vector<16xi32>, vector<16xi32>], vector<16xf32>,
      %swap3A_617 = arith.constant 4 : i32
      %swap3A_618 = arith.index_cast %swap3A_617 : i32 to index
      %swap3A_619 = arith.constant 0 : index
      %swap3A_620 = tpu.vector_load %arg22[%swap3A_618, %swap3A_619] {strides = array<i32>} : memref<8x16xf32, #tpu.memory_space<vmem>>, vector<16xf32>,
      tpu.vector_store %arg22[%swap3A_618, %swap3A_619], %gather3A_616 {strides = array<i32>} : memref<8x16xf32, #tpu.memory_space<vmem>>, vector<16xf32>,
      "tpu.region"() ({
        %run_scoped3A_1555 = tpu.sem_alloc : memref<!tpu.dma_semaphore, #tpu.memory_space<semaphore_mem>>
        %dma_start3A_1556 = arith.constant 0 : i32
        %dma_start3A_1557 = arith.constant 0 : i32
        %dma_start3A_1558 = tpu.memref_slice %arg22[%dma_start3A_1556, %dma_start3A_1557] : memref<8x16xf32, #tpu.memory_space<vmem>> -> memref<5x16xf32, #tpu.memory_space<vmem>>
        %dma_start3A_1559 = arith.constant 0 : i32
        %dma_start3A_1560 = arith.constant 0 : i32
        %dma_start3A_1561 = tpu.memref_slice %arg7[%add3A, %dma_start3A_1559, %dma_start3A_1560] : memref<25x5x16xf32, #tpu.memory_space<hbm>> -> memref<1x5x16xf32, #tpu.memory_space<hbm>>
        %dma_start3A_1562 = tpu.memref_squeeze %dma_start3A_1561 : memref<1x5x16xf32, #tpu.memory_space<hbm>> -> memref<5x16xf32, #tpu.memory_space<hbm>>
        %dma_start3A_1563 = arith.constant 0 : i32
        %dma_start3A_1564 = arith.constant 0 : i32
        %dma_start3A_1565 = tpu.memref_slice %arg7[%add3A, %dma_start3A_1563, %dma_start3A_1564] : memref<25x5x16xf32, #tpu.memory_space<hbm>> -> memref<1x5x16xf32, #tpu.memory_space<hbm>>
        %dma_start3A_1566 = tpu.memref_squeeze %dma_start3A_1565 : memref<1x5x16xf32, #tpu.memory_space<hbm>> -> memref<5x16xf32, #tpu.memory_space<hbm>>
        %dma_start3A_1567 = arith.constant 0 : i32
        %dma_start3A_1568 = arith.constant 0 : i32
        %dma_start3A_1569 = tpu.memref_slice %arg22[%dma_start3A_1567, %dma_start3A_1568] : memref<8x16xf32, #tpu.memory_space<vmem>> -> memref<5x16xf32, #tpu.memory_space<vmem>>
        tpu.enqueue_dma source(%dma_start3A_1569 : memref<5x16xf32, #tpu.memory_space<vmem>>) target(%dma_start3A_1566 : memref<5x16xf32, #tpu.memory_space<hbm>>) target_semaphore(%run_scoped3A_1555 : memref<!tpu.dma_semaphore, #tpu.memory_space<semaphore_mem>>)
        %dma_wait3A_1570 = arith.constant 0 : i32
        %dma_wait3A_1571 = arith.constant 0 : i32
        %dma_wait3A_1572 = tpu.memref_slice %arg22[%dma_wait3A_1570, %dma_wait3A_1571] : memref<8x16xf32, #tpu.memory_space<vmem>> -> memref<5x16xf32, #tpu.memory_space<vmem>>
        %dma_wait3A_1573 = arith.constant 0 : i32
        %dma_wait3A_1574 = arith.constant 0 : i32
        %dma_wait3A_1575 = tpu.memref_slice %arg7[%add3A, %dma_wait3A_1573, %dma_wait3A_1574] : memref<25x5x16xf32, #tpu.memory_space<hbm>> -> memref<1x5x16xf32, #tpu.memory_space<hbm>>
        %dma_wait3A_1576 = tpu.memref_squeeze %dma_wait3A_1575 : memref<1x5x16xf32, #tpu.memory_space<hbm>> -> memref<5x16xf32, #tpu.memory_space<hbm>>
        %dma_wait3A_1577 = arith.constant 0 : i32
        %dma_wait3A_1578 = arith.constant 0 : i32
        %dma_wait3A_1579 = tpu.memref_slice %arg7[%add3A, %dma_wait3A_1577, %dma_wait3A_1578] : memref<25x5x16xf32, #tpu.memory_space<hbm>> -> memref<1x5x16xf32, #tpu.memory_space<hbm>>
        %dma_wait3A_1580 = tpu.memref_squeeze %dma_wait3A_1579 : memref<1x5x16xf32, #tpu.memory_space<hbm>> -> memref<5x16xf32, #tpu.memory_space<hbm>>
        %dma_wait3A_1581 = arith.constant 0 : i32
        %dma_wait3A_1582 = arith.constant 0 : i32
        %dma_wait3A_1583 = tpu.memref_slice %arg22[%dma_wait3A_1581, %dma_wait3A_1582] : memref<8x16xf32, #tpu.memory_space<vmem>> -> memref<5x16xf32, #tpu.memory_space<vmem>>
        tpu.wait_dma2 semaphore(%run_scoped3A_1555 : memref<!tpu.dma_semaphore, #tpu.memory_space<semaphore_mem>>) src(%dma_wait3A_1583 : memref<5x16xf32, #tpu.memory_space<vmem>>) dst(%dma_wait3A_1580 : memref<5x16xf32, #tpu.memory_space<hbm>>)
        tpu.yield
      }) : () -> ()
      %run_scoped3A_621 = arith.constant 4 : i32
      "tpu.region"() ({
        %run_scoped3A_1555 = tpu.sem_alloc : memref<!tpu.dma_semaphore, #tpu.memory_space<semaphore_mem>>
        %dma_start3A_1556 = arith.constant 0 : i32
        %dma_start3A_1557 = tpu.memref_slice %arg22[%run_scoped3A_621, %dma_start3A_1556] : memref<8x16xf32, #tpu.memory_space<vmem>> -> memref<1x16xf32, #tpu.memory_space<vmem>>
        %dma_start3A_1558 = tpu.memref_squeeze %dma_start3A_1557 : memref<1x16xf32, #tpu.memory_space<vmem>> -> memref<16xf32, #tpu.memory_space<vmem>>
        %dma_start3A_1559 = tpu.memref_slice %arg10[%mul3A_4] : memref<400xf32, #tpu.memory_space<hbm>> -> memref<16xf32, #tpu.memory_space<hbm>>
        %dma_start3A_1560 = tpu.memref_slice %arg10[%mul3A_4] : memref<400xf32, #tpu.memory_space<hbm>> -> memref<16xf32, #tpu.memory_space<hbm>>
        %dma_start3A_1561 = arith.constant 0 : i32
        %dma_start3A_1562 = tpu.memref_slice %arg22[%run_scoped3A_621, %dma_start3A_1561] : memref<8x16xf32, #tpu.memory_space<vmem>> -> memref<1x16xf32, #tpu.memory_space<vmem>>
        %dma_start3A_1563 = tpu.memref_squeeze %dma_start3A_1562 : memref<1x16xf32, #tpu.memory_space<vmem>> -> memref<16xf32, #tpu.memory_space<vmem>>
        tpu.enqueue_dma source(%dma_start3A_1563 : memref<16xf32, #tpu.memory_space<vmem>>) target(%dma_start3A_1560 : memref<16xf32, #tpu.memory_space<hbm>>) target_semaphore(%run_scoped3A_1555 : memref<!tpu.dma_semaphore, #tpu.memory_space<semaphore_mem>>)
        %dma_wait3A_1564 = arith.constant 0 : i32
        %dma_wait3A_1565 = tpu.memref_slice %arg22[%run_scoped3A_621, %dma_wait3A_1564] : memref<8x16xf32, #tpu.memory_space<vmem>> -> memref<1x16xf32, #tpu.memory_space<vmem>>
        %dma_wait3A_1566 = tpu.memref_squeeze %dma_wait3A_1565 : memref<1x16xf32, #tpu.memory_space<vmem>> -> memref<16xf32, #tpu.memory_space<vmem>>
        %dma_wait3A_1567 = tpu.memref_slice %arg10[%mul3A_4] : memref<400xf32, #tpu.memory_space<hbm>> -> memref<16xf32, #tpu.memory_space<hbm>>
        %dma_wait3A_1568 = tpu.memref_slice %arg10[%mul3A_4] : memref<400xf32, #tpu.memory_space<hbm>> -> memref<16xf32, #tpu.memory_space<hbm>>
        %dma_wait3A_1569 = arith.constant 0 : i32
        %dma_wait3A_1570 = tpu.memref_slice %arg22[%run_scoped3A_621, %dma_wait3A_1569] : memref<8x16xf32, #tpu.memory_space<vmem>> -> memref<1x16xf32, #tpu.memory_space<vmem>>
        %dma_wait3A_1571 = tpu.memref_squeeze %dma_wait3A_1570 : memref<1x16xf32, #tpu.memory_space<vmem>> -> memref<16xf32, #tpu.memory_space<vmem>>
        tpu.wait_dma2 semaphore(%run_scoped3A_1555 : memref<!tpu.dma_semaphore, #tpu.memory_space<semaphore_mem>>) src(%dma_wait3A_1571 : memref<16xf32, #tpu.memory_space<vmem>>) dst(%dma_wait3A_1568 : memref<16xf32, #tpu.memory_space<hbm>>)
        tpu.yield
      }) : () -> ()
      %broadcast_in_dim3A_622 = arith.constant 0 : i32
      %broadcast_in_dim3A_623 = vector.broadcast %broadcast_in_dim3A_622 : i32 to vector<16xi32>
      %gather3A_624 = tpu.vector_load_idx %arg20[%iota3A, %broadcast_in_dim3A_623] : memref<16x256xf32, #tpu.memory_space<vmem>>[vector<16xi32>, vector<16xi32>], vector<16xf32>,
      %swap3A_625 = arith.constant 0 : i32
      %swap3A_626 = arith.index_cast %swap3A_625 : i32 to index
      %swap3A_627 = arith.constant 0 : index
      %swap3A_628 = tpu.vector_load %arg23[%swap3A_626, %swap3A_627] {strides = array<i32>} : memref<64x16xf32, #tpu.memory_space<vmem>>, vector<16xf32>,
      tpu.vector_store %arg23[%swap3A_626, %swap3A_627], %gather3A_624 {strides = array<i32>} : memref<64x16xf32, #tpu.memory_space<vmem>>, vector<16xf32>,
      %broadcast_in_dim3A_629 = arith.constant 1 : i32
      %broadcast_in_dim3A_630 = vector.broadcast %broadcast_in_dim3A_629 : i32 to vector<16xi32>
      %gather3A_631 = tpu.vector_load_idx %arg20[%iota3A, %broadcast_in_dim3A_630] : memref<16x256xf32, #tpu.memory_space<vmem>>[vector<16xi32>, vector<16xi32>], vector<16xf32>,
      %swap3A_632 = arith.constant 1 : i32
      %swap3A_633 = arith.index_cast %swap3A_632 : i32 to index
      %swap3A_634 = arith.constant 0 : index
      %swap3A_635 = tpu.vector_load %arg23[%swap3A_633, %swap3A_634] {strides = array<i32>} : memref<64x16xf32, #tpu.memory_space<vmem>>, vector<16xf32>,
      tpu.vector_store %arg23[%swap3A_633, %swap3A_634], %gather3A_631 {strides = array<i32>} : memref<64x16xf32, #tpu.memory_space<vmem>>, vector<16xf32>,
      %broadcast_in_dim3A_636 = arith.constant 2 : i32
      %broadcast_in_dim3A_637 = vector.broadcast %broadcast_in_dim3A_636 : i32 to vector<16xi32>
      %gather3A_638 = tpu.vector_load_idx %arg20[%iota3A, %broadcast_in_dim3A_637] : memref<16x256xf32, #tpu.memory_space<vmem>>[vector<16xi32>, vector<16xi32>], vector<16xf32>,
      %swap3A_639 = arith.constant 2 : i32
      %swap3A_640 = arith.index_cast %swap3A_639 : i32 to index
      %swap3A_641 = arith.constant 0 : index
      %swap3A_642 = tpu.vector_load %arg23[%swap3A_640, %swap3A_641] {strides = array<i32>} : memref<64x16xf32, #tpu.memory_space<vmem>>, vector<16xf32>,
      tpu.vector_store %arg23[%swap3A_640, %swap3A_641], %gather3A_638 {strides = array<i32>} : memref<64x16xf32, #tpu.memory_space<vmem>>, vector<16xf32>,
      %broadcast_in_dim3A_643 = arith.constant 3 : i32
      %broadcast_in_dim3A_644 = vector.broadcast %broadcast_in_dim3A_643 : i32 to vector<16xi32>
      %gather3A_645 = tpu.vector_load_idx %arg20[%iota3A, %broadcast_in_dim3A_644] : memref<16x256xf32, #tpu.memory_space<vmem>>[vector<16xi32>, vector<16xi32>], vector<16xf32>,
      %swap3A_646 = arith.constant 3 : i32
      %swap3A_647 = arith.index_cast %swap3A_646 : i32 to index
      %swap3A_648 = arith.constant 0 : index
      %swap3A_649 = tpu.vector_load %arg23[%swap3A_647, %swap3A_648] {strides = array<i32>} : memref<64x16xf32, #tpu.memory_space<vmem>>, vector<16xf32>,
      tpu.vector_store %arg23[%swap3A_647, %swap3A_648], %gather3A_645 {strides = array<i32>} : memref<64x16xf32, #tpu.memory_space<vmem>>, vector<16xf32>,
      %broadcast_in_dim3A_650 = arith.constant 4 : i32
      %broadcast_in_dim3A_651 = vector.broadcast %broadcast_in_dim3A_650 : i32 to vector<16xi32>
      %gather3A_652 = tpu.vector_load_idx %arg20[%iota3A, %broadcast_in_dim3A_651] : memref<16x256xf32, #tpu.memory_space<vmem>>[vector<16xi32>, vector<16xi32>], vector<16xf32>,
      %swap3A_653 = arith.constant 4 : i32
      %swap3A_654 = arith.index_cast %swap3A_653 : i32 to index
      %swap3A_655 = arith.constant 0 : index
      %swap3A_656 = tpu.vector_load %arg23[%swap3A_654, %swap3A_655] {strides = array<i32>} : memref<64x16xf32, #tpu.memory_space<vmem>>, vector<16xf32>,
      tpu.vector_store %arg23[%swap3A_654, %swap3A_655], %gather3A_652 {strides = array<i32>} : memref<64x16xf32, #tpu.memory_space<vmem>>, vector<16xf32>,
      %broadcast_in_dim3A_657 = arith.constant 5 : i32
      %broadcast_in_dim3A_658 = vector.broadcast %broadcast_in_dim3A_657 : i32 to vector<16xi32>
      %gather3A_659 = tpu.vector_load_idx %arg20[%iota3A, %broadcast_in_dim3A_658] : memref<16x256xf32, #tpu.memory_space<vmem>>[vector<16xi32>, vector<16xi32>], vector<16xf32>,
      %swap3A_660 = arith.constant 5 : i32
      %swap3A_661 = arith.index_cast %swap3A_660 : i32 to index
      %swap3A_662 = arith.constant 0 : index
      %swap3A_663 = tpu.vector_load %arg23[%swap3A_661, %swap3A_662] {strides = array<i32>} : memref<64x16xf32, #tpu.memory_space<vmem>>, vector<16xf32>,
      tpu.vector_store %arg23[%swap3A_661, %swap3A_662], %gather3A_659 {strides = array<i32>} : memref<64x16xf32, #tpu.memory_space<vmem>>, vector<16xf32>,
      %broadcast_in_dim3A_664 = arith.constant 6 : i32
      %broadcast_in_dim3A_665 = vector.broadcast %broadcast_in_dim3A_664 : i32 to vector<16xi32>
      %gather3A_666 = tpu.vector_load_idx %arg20[%iota3A, %broadcast_in_dim3A_665] : memref<16x256xf32, #tpu.memory_space<vmem>>[vector<16xi32>, vector<16xi32>], vector<16xf32>,
      %swap3A_667 = arith.constant 6 : i32
      %swap3A_668 = arith.index_cast %swap3A_667 : i32 to index
      %swap3A_669 = arith.constant 0 : index
      %swap3A_670 = tpu.vector_load %arg23[%swap3A_668, %swap3A_669] {strides = array<i32>} : memref<64x16xf32, #tpu.memory_space<vmem>>, vector<16xf32>,
      tpu.vector_store %arg23[%swap3A_668, %swap3A_669], %gather3A_666 {strides = array<i32>} : memref<64x16xf32, #tpu.memory_space<vmem>>, vector<16xf32>,
      %broadcast_in_dim3A_671 = arith.constant 7 : i32
      %broadcast_in_dim3A_672 = vector.broadcast %broadcast_in_dim3A_671 : i32 to vector<16xi32>
      %gather3A_673 = tpu.vector_load_idx %arg20[%iota3A, %broadcast_in_dim3A_672] : memref<16x256xf32, #tpu.memory_space<vmem>>[vector<16xi32>, vector<16xi32>], vector<16xf32>,
      %swap3A_674 = arith.constant 7 : i32
      %swap3A_675 = arith.index_cast %swap3A_674 : i32 to index
      %swap3A_676 = arith.constant 0 : index
      %swap3A_677 = tpu.vector_load %arg23[%swap3A_675, %swap3A_676] {strides = array<i32>} : memref<64x16xf32, #tpu.memory_space<vmem>>, vector<16xf32>,
      tpu.vector_store %arg23[%swap3A_675, %swap3A_676], %gather3A_673 {strides = array<i32>} : memref<64x16xf32, #tpu.memory_space<vmem>>, vector<16xf32>,
      %broadcast_in_dim3A_678 = arith.constant 8 : i32
      %broadcast_in_dim3A_679 = vector.broadcast %broadcast_in_dim3A_678 : i32 to vector<16xi32>
      %gather3A_680 = tpu.vector_load_idx %arg20[%iota3A, %broadcast_in_dim3A_679] : memref<16x256xf32, #tpu.memory_space<vmem>>[vector<16xi32>, vector<16xi32>], vector<16xf32>,
      %swap3A_681 = arith.constant 8 : i32
      %swap3A_682 = arith.index_cast %swap3A_681 : i32 to index
      %swap3A_683 = arith.constant 0 : index
      %swap3A_684 = tpu.vector_load %arg23[%swap3A_682, %swap3A_683] {strides = array<i32>} : memref<64x16xf32, #tpu.memory_space<vmem>>, vector<16xf32>,
      tpu.vector_store %arg23[%swap3A_682, %swap3A_683], %gather3A_680 {strides = array<i32>} : memref<64x16xf32, #tpu.memory_space<vmem>>, vector<16xf32>,
      %broadcast_in_dim3A_685 = arith.constant 9 : i32
      %broadcast_in_dim3A_686 = vector.broadcast %broadcast_in_dim3A_685 : i32 to vector<16xi32>
      %gather3A_687 = tpu.vector_load_idx %arg20[%iota3A, %broadcast_in_dim3A_686] : memref<16x256xf32, #tpu.memory_space<vmem>>[vector<16xi32>, vector<16xi32>], vector<16xf32>,
      %swap3A_688 = arith.constant 9 : i32
      %swap3A_689 = arith.index_cast %swap3A_688 : i32 to index
      %swap3A_690 = arith.constant 0 : index
      %swap3A_691 = tpu.vector_load %arg23[%swap3A_689, %swap3A_690] {strides = array<i32>} : memref<64x16xf32, #tpu.memory_space<vmem>>, vector<16xf32>,
      tpu.vector_store %arg23[%swap3A_689, %swap3A_690], %gather3A_687 {strides = array<i32>} : memref<64x16xf32, #tpu.memory_space<vmem>>, vector<16xf32>,
      %broadcast_in_dim3A_692 = arith.constant 10 : i32
      %broadcast_in_dim3A_693 = vector.broadcast %broadcast_in_dim3A_692 : i32 to vector<16xi32>
      %gather3A_694 = tpu.vector_load_idx %arg20[%iota3A, %broadcast_in_dim3A_693] : memref<16x256xf32, #tpu.memory_space<vmem>>[vector<16xi32>, vector<16xi32>], vector<16xf32>,
      %swap3A_695 = arith.constant 10 : i32
      %swap3A_696 = arith.index_cast %swap3A_695 : i32 to index
      %swap3A_697 = arith.constant 0 : index
      %swap3A_698 = tpu.vector_load %arg23[%swap3A_696, %swap3A_697] {strides = array<i32>} : memref<64x16xf32, #tpu.memory_space<vmem>>, vector<16xf32>,
      tpu.vector_store %arg23[%swap3A_696, %swap3A_697], %gather3A_694 {strides = array<i32>} : memref<64x16xf32, #tpu.memory_space<vmem>>, vector<16xf32>,
      %broadcast_in_dim3A_699 = arith.constant 11 : i32
      %broadcast_in_dim3A_700 = vector.broadcast %broadcast_in_dim3A_699 : i32 to vector<16xi32>
      %gather3A_701 = tpu.vector_load_idx %arg20[%iota3A, %broadcast_in_dim3A_700] : memref<16x256xf32, #tpu.memory_space<vmem>>[vector<16xi32>, vector<16xi32>], vector<16xf32>,
      %swap3A_702 = arith.constant 11 : i32
      %swap3A_703 = arith.index_cast %swap3A_702 : i32 to index
      %swap3A_704 = arith.constant 0 : index
      %swap3A_705 = tpu.vector_load %arg23[%swap3A_703, %swap3A_704] {strides = array<i32>} : memref<64x16xf32, #tpu.memory_space<vmem>>, vector<16xf32>,
      tpu.vector_store %arg23[%swap3A_703, %swap3A_704], %gather3A_701 {strides = array<i32>} : memref<64x16xf32, #tpu.memory_space<vmem>>, vector<16xf32>,
      %broadcast_in_dim3A_706 = arith.constant 12 : i32
      %broadcast_in_dim3A_707 = vector.broadcast %broadcast_in_dim3A_706 : i32 to vector<16xi32>
      %gather3A_708 = tpu.vector_load_idx %arg20[%iota3A, %broadcast_in_dim3A_707] : memref<16x256xf32, #tpu.memory_space<vmem>>[vector<16xi32>, vector<16xi32>], vector<16xf32>,
      %swap3A_709 = arith.constant 12 : i32
      %swap3A_710 = arith.index_cast %swap3A_709 : i32 to index
      %swap3A_711 = arith.constant 0 : index
      %swap3A_712 = tpu.vector_load %arg23[%swap3A_710, %swap3A_711] {strides = array<i32>} : memref<64x16xf32, #tpu.memory_space<vmem>>, vector<16xf32>,
      tpu.vector_store %arg23[%swap3A_710, %swap3A_711], %gather3A_708 {strides = array<i32>} : memref<64x16xf32, #tpu.memory_space<vmem>>, vector<16xf32>,
      %broadcast_in_dim3A_713 = arith.constant 13 : i32
      %broadcast_in_dim3A_714 = vector.broadcast %broadcast_in_dim3A_713 : i32 to vector<16xi32>
      %gather3A_715 = tpu.vector_load_idx %arg20[%iota3A, %broadcast_in_dim3A_714] : memref<16x256xf32, #tpu.memory_space<vmem>>[vector<16xi32>, vector<16xi32>], vector<16xf32>,
      %swap3A_716 = arith.constant 13 : i32
      %swap3A_717 = arith.index_cast %swap3A_716 : i32 to index
      %swap3A_718 = arith.constant 0 : index
      %swap3A_719 = tpu.vector_load %arg23[%swap3A_717, %swap3A_718] {strides = array<i32>} : memref<64x16xf32, #tpu.memory_space<vmem>>, vector<16xf32>,
      tpu.vector_store %arg23[%swap3A_717, %swap3A_718], %gather3A_715 {strides = array<i32>} : memref<64x16xf32, #tpu.memory_space<vmem>>, vector<16xf32>,
      %broadcast_in_dim3A_720 = arith.constant 14 : i32
      %broadcast_in_dim3A_721 = vector.broadcast %broadcast_in_dim3A_720 : i32 to vector<16xi32>
      %gather3A_722 = tpu.vector_load_idx %arg20[%iota3A, %broadcast_in_dim3A_721] : memref<16x256xf32, #tpu.memory_space<vmem>>[vector<16xi32>, vector<16xi32>], vector<16xf32>,
      %swap3A_723 = arith.constant 14 : i32
      %swap3A_724 = arith.index_cast %swap3A_723 : i32 to index
      %swap3A_725 = arith.constant 0 : index
      %swap3A_726 = tpu.vector_load %arg23[%swap3A_724, %swap3A_725] {strides = array<i32>} : memref<64x16xf32, #tpu.memory_space<vmem>>, vector<16xf32>,
      tpu.vector_store %arg23[%swap3A_724, %swap3A_725], %gather3A_722 {strides = array<i32>} : memref<64x16xf32, #tpu.memory_space<vmem>>, vector<16xf32>,
      %broadcast_in_dim3A_727 = arith.constant 15 : i32
      %broadcast_in_dim3A_728 = vector.broadcast %broadcast_in_dim3A_727 : i32 to vector<16xi32>
      %gather3A_729 = tpu.vector_load_idx %arg20[%iota3A, %broadcast_in_dim3A_728] : memref<16x256xf32, #tpu.memory_space<vmem>>[vector<16xi32>, vector<16xi32>], vector<16xf32>,
      %swap3A_730 = arith.constant 15 : i32
      %swap3A_731 = arith.index_cast %swap3A_730 : i32 to index
      %swap3A_732 = arith.constant 0 : index
      %swap3A_733 = tpu.vector_load %arg23[%swap3A_731, %swap3A_732] {strides = array<i32>} : memref<64x16xf32, #tpu.memory_space<vmem>>, vector<16xf32>,
      tpu.vector_store %arg23[%swap3A_731, %swap3A_732], %gather3A_729 {strides = array<i32>} : memref<64x16xf32, #tpu.memory_space<vmem>>, vector<16xf32>,
      %broadcast_in_dim3A_734 = arith.constant 16 : i32
      %broadcast_in_dim3A_735 = vector.broadcast %broadcast_in_dim3A_734 : i32 to vector<16xi32>
      %gather3A_736 = tpu.vector_load_idx %arg20[%iota3A, %broadcast_in_dim3A_735] : memref<16x256xf32, #tpu.memory_space<vmem>>[vector<16xi32>, vector<16xi32>], vector<16xf32>,
      %swap3A_737 = arith.constant 16 : i32
      %swap3A_738 = arith.index_cast %swap3A_737 : i32 to index
      %swap3A_739 = arith.constant 0 : index
      %swap3A_740 = tpu.vector_load %arg23[%swap3A_738, %swap3A_739] {strides = array<i32>} : memref<64x16xf32, #tpu.memory_space<vmem>>, vector<16xf32>,
      tpu.vector_store %arg23[%swap3A_738, %swap3A_739], %gather3A_736 {strides = array<i32>} : memref<64x16xf32, #tpu.memory_space<vmem>>, vector<16xf32>,
      %broadcast_in_dim3A_741 = arith.constant 17 : i32
      %broadcast_in_dim3A_742 = vector.broadcast %broadcast_in_dim3A_741 : i32 to vector<16xi32>
      %gather3A_743 = tpu.vector_load_idx %arg20[%iota3A, %broadcast_in_dim3A_742] : memref<16x256xf32, #tpu.memory_space<vmem>>[vector<16xi32>, vector<16xi32>], vector<16xf32>,
      %swap3A_744 = arith.constant 17 : i32
      %swap3A_745 = arith.index_cast %swap3A_744 : i32 to index
      %swap3A_746 = arith.constant 0 : index
      %swap3A_747 = tpu.vector_load %arg23[%swap3A_745, %swap3A_746] {strides = array<i32>} : memref<64x16xf32, #tpu.memory_space<vmem>>, vector<16xf32>,
      tpu.vector_store %arg23[%swap3A_745, %swap3A_746], %gather3A_743 {strides = array<i32>} : memref<64x16xf32, #tpu.memory_space<vmem>>, vector<16xf32>,
      %broadcast_in_dim3A_748 = arith.constant 18 : i32
      %broadcast_in_dim3A_749 = vector.broadcast %broadcast_in_dim3A_748 : i32 to vector<16xi32>
      %gather3A_750 = tpu.vector_load_idx %arg20[%iota3A, %broadcast_in_dim3A_749] : memref<16x256xf32, #tpu.memory_space<vmem>>[vector<16xi32>, vector<16xi32>], vector<16xf32>,
      %swap3A_751 = arith.constant 18 : i32
      %swap3A_752 = arith.index_cast %swap3A_751 : i32 to index
      %swap3A_753 = arith.constant 0 : index
      %swap3A_754 = tpu.vector_load %arg23[%swap3A_752, %swap3A_753] {strides = array<i32>} : memref<64x16xf32, #tpu.memory_space<vmem>>, vector<16xf32>,
      tpu.vector_store %arg23[%swap3A_752, %swap3A_753], %gather3A_750 {strides = array<i32>} : memref<64x16xf32, #tpu.memory_space<vmem>>, vector<16xf32>,
      %broadcast_in_dim3A_755 = arith.constant 19 : i32
      %broadcast_in_dim3A_756 = vector.broadcast %broadcast_in_dim3A_755 : i32 to vector<16xi32>
      %gather3A_757 = tpu.vector_load_idx %arg20[%iota3A, %broadcast_in_dim3A_756] : memref<16x256xf32, #tpu.memory_space<vmem>>[vector<16xi32>, vector<16xi32>], vector<16xf32>,
      %swap3A_758 = arith.constant 19 : i32
      %swap3A_759 = arith.index_cast %swap3A_758 : i32 to index
      %swap3A_760 = arith.constant 0 : index
      %swap3A_761 = tpu.vector_load %arg23[%swap3A_759, %swap3A_760] {strides = array<i32>} : memref<64x16xf32, #tpu.memory_space<vmem>>, vector<16xf32>,
      tpu.vector_store %arg23[%swap3A_759, %swap3A_760], %gather3A_757 {strides = array<i32>} : memref<64x16xf32, #tpu.memory_space<vmem>>, vector<16xf32>,
      %broadcast_in_dim3A_762 = arith.constant 20 : i32
      %broadcast_in_dim3A_763 = vector.broadcast %broadcast_in_dim3A_762 : i32 to vector<16xi32>
      %gather3A_764 = tpu.vector_load_idx %arg20[%iota3A, %broadcast_in_dim3A_763] : memref<16x256xf32, #tpu.memory_space<vmem>>[vector<16xi32>, vector<16xi32>], vector<16xf32>,
      %swap3A_765 = arith.constant 20 : i32
      %swap3A_766 = arith.index_cast %swap3A_765 : i32 to index
      %swap3A_767 = arith.constant 0 : index
      %swap3A_768 = tpu.vector_load %arg23[%swap3A_766, %swap3A_767] {strides = array<i32>} : memref<64x16xf32, #tpu.memory_space<vmem>>, vector<16xf32>,
      tpu.vector_store %arg23[%swap3A_766, %swap3A_767], %gather3A_764 {strides = array<i32>} : memref<64x16xf32, #tpu.memory_space<vmem>>, vector<16xf32>,
      %broadcast_in_dim3A_769 = arith.constant 21 : i32
      %broadcast_in_dim3A_770 = vector.broadcast %broadcast_in_dim3A_769 : i32 to vector<16xi32>
      %gather3A_771 = tpu.vector_load_idx %arg20[%iota3A, %broadcast_in_dim3A_770] : memref<16x256xf32, #tpu.memory_space<vmem>>[vector<16xi32>, vector<16xi32>], vector<16xf32>,
      %swap3A_772 = arith.constant 21 : i32
      %swap3A_773 = arith.index_cast %swap3A_772 : i32 to index
      %swap3A_774 = arith.constant 0 : index
      %swap3A_775 = tpu.vector_load %arg23[%swap3A_773, %swap3A_774] {strides = array<i32>} : memref<64x16xf32, #tpu.memory_space<vmem>>, vector<16xf32>,
      tpu.vector_store %arg23[%swap3A_773, %swap3A_774], %gather3A_771 {strides = array<i32>} : memref<64x16xf32, #tpu.memory_space<vmem>>, vector<16xf32>,
      %broadcast_in_dim3A_776 = arith.constant 22 : i32
      %broadcast_in_dim3A_777 = vector.broadcast %broadcast_in_dim3A_776 : i32 to vector<16xi32>
      %gather3A_778 = tpu.vector_load_idx %arg20[%iota3A, %broadcast_in_dim3A_777] : memref<16x256xf32, #tpu.memory_space<vmem>>[vector<16xi32>, vector<16xi32>], vector<16xf32>,
      %swap3A_779 = arith.constant 22 : i32
      %swap3A_780 = arith.index_cast %swap3A_779 : i32 to index
      %swap3A_781 = arith.constant 0 : index
      %swap3A_782 = tpu.vector_load %arg23[%swap3A_780, %swap3A_781] {strides = array<i32>} : memref<64x16xf32, #tpu.memory_space<vmem>>, vector<16xf32>,
      tpu.vector_store %arg23[%swap3A_780, %swap3A_781], %gather3A_778 {strides = array<i32>} : memref<64x16xf32, #tpu.memory_space<vmem>>, vector<16xf32>,
      %broadcast_in_dim3A_783 = arith.constant 23 : i32
      %broadcast_in_dim3A_784 = vector.broadcast %broadcast_in_dim3A_783 : i32 to vector<16xi32>
      %gather3A_785 = tpu.vector_load_idx %arg20[%iota3A, %broadcast_in_dim3A_784] : memref<16x256xf32, #tpu.memory_space<vmem>>[vector<16xi32>, vector<16xi32>], vector<16xf32>,
      %swap3A_786 = arith.constant 23 : i32
      %swap3A_787 = arith.index_cast %swap3A_786 : i32 to index
      %swap3A_788 = arith.constant 0 : index
      %swap3A_789 = tpu.vector_load %arg23[%swap3A_787, %swap3A_788] {strides = array<i32>} : memref<64x16xf32, #tpu.memory_space<vmem>>, vector<16xf32>,
      tpu.vector_store %arg23[%swap3A_787, %swap3A_788], %gather3A_785 {strides = array<i32>} : memref<64x16xf32, #tpu.memory_space<vmem>>, vector<16xf32>,
      %broadcast_in_dim3A_790 = arith.constant 24 : i32
      %broadcast_in_dim3A_791 = vector.broadcast %broadcast_in_dim3A_790 : i32 to vector<16xi32>
      %gather3A_792 = tpu.vector_load_idx %arg20[%iota3A, %broadcast_in_dim3A_791] : memref<16x256xf32, #tpu.memory_space<vmem>>[vector<16xi32>, vector<16xi32>], vector<16xf32>,
      %swap3A_793 = arith.constant 24 : i32
      %swap3A_794 = arith.index_cast %swap3A_793 : i32 to index
      %swap3A_795 = arith.constant 0 : index
      %swap3A_796 = tpu.vector_load %arg23[%swap3A_794, %swap3A_795] {strides = array<i32>} : memref<64x16xf32, #tpu.memory_space<vmem>>, vector<16xf32>,
      tpu.vector_store %arg23[%swap3A_794, %swap3A_795], %gather3A_792 {strides = array<i32>} : memref<64x16xf32, #tpu.memory_space<vmem>>, vector<16xf32>,
      %broadcast_in_dim3A_797 = arith.constant 25 : i32
      %broadcast_in_dim3A_798 = vector.broadcast %broadcast_in_dim3A_797 : i32 to vector<16xi32>
      %gather3A_799 = tpu.vector_load_idx %arg20[%iota3A, %broadcast_in_dim3A_798] : memref<16x256xf32, #tpu.memory_space<vmem>>[vector<16xi32>, vector<16xi32>], vector<16xf32>,
      %swap3A_800 = arith.constant 25 : i32
      %swap3A_801 = arith.index_cast %swap3A_800 : i32 to index
      %swap3A_802 = arith.constant 0 : index
      %swap3A_803 = tpu.vector_load %arg23[%swap3A_801, %swap3A_802] {strides = array<i32>} : memref<64x16xf32, #tpu.memory_space<vmem>>, vector<16xf32>,
      tpu.vector_store %arg23[%swap3A_801, %swap3A_802], %gather3A_799 {strides = array<i32>} : memref<64x16xf32, #tpu.memory_space<vmem>>, vector<16xf32>,
      %broadcast_in_dim3A_804 = arith.constant 26 : i32
      %broadcast_in_dim3A_805 = vector.broadcast %broadcast_in_dim3A_804 : i32 to vector<16xi32>
      %gather3A_806 = tpu.vector_load_idx %arg20[%iota3A, %broadcast_in_dim3A_805] : memref<16x256xf32, #tpu.memory_space<vmem>>[vector<16xi32>, vector<16xi32>], vector<16xf32>,
      %swap3A_807 = arith.constant 26 : i32
      %swap3A_808 = arith.index_cast %swap3A_807 : i32 to index
      %swap3A_809 = arith.constant 0 : index
      %swap3A_810 = tpu.vector_load %arg23[%swap3A_808, %swap3A_809] {strides = array<i32>} : memref<64x16xf32, #tpu.memory_space<vmem>>, vector<16xf32>,
      tpu.vector_store %arg23[%swap3A_808, %swap3A_809], %gather3A_806 {strides = array<i32>} : memref<64x16xf32, #tpu.memory_space<vmem>>, vector<16xf32>,
      %broadcast_in_dim3A_811 = arith.constant 27 : i32
      %broadcast_in_dim3A_812 = vector.broadcast %broadcast_in_dim3A_811 : i32 to vector<16xi32>
      %gather3A_813 = tpu.vector_load_idx %arg20[%iota3A, %broadcast_in_dim3A_812] : memref<16x256xf32, #tpu.memory_space<vmem>>[vector<16xi32>, vector<16xi32>], vector<16xf32>,
      %swap3A_814 = arith.constant 27 : i32
      %swap3A_815 = arith.index_cast %swap3A_814 : i32 to index
      %swap3A_816 = arith.constant 0 : index
      %swap3A_817 = tpu.vector_load %arg23[%swap3A_815, %swap3A_816] {strides = array<i32>} : memref<64x16xf32, #tpu.memory_space<vmem>>, vector<16xf32>,
      tpu.vector_store %arg23[%swap3A_815, %swap3A_816], %gather3A_813 {strides = array<i32>} : memref<64x16xf32, #tpu.memory_space<vmem>>, vector<16xf32>,
      %broadcast_in_dim3A_818 = arith.constant 28 : i32
      %broadcast_in_dim3A_819 = vector.broadcast %broadcast_in_dim3A_818 : i32 to vector<16xi32>
      %gather3A_820 = tpu.vector_load_idx %arg20[%iota3A, %broadcast_in_dim3A_819] : memref<16x256xf32, #tpu.memory_space<vmem>>[vector<16xi32>, vector<16xi32>], vector<16xf32>,
      %swap3A_821 = arith.constant 28 : i32
      %swap3A_822 = arith.index_cast %swap3A_821 : i32 to index
      %swap3A_823 = arith.constant 0 : index
      %swap3A_824 = tpu.vector_load %arg23[%swap3A_822, %swap3A_823] {strides = array<i32>} : memref<64x16xf32, #tpu.memory_space<vmem>>, vector<16xf32>,
      tpu.vector_store %arg23[%swap3A_822, %swap3A_823], %gather3A_820 {strides = array<i32>} : memref<64x16xf32, #tpu.memory_space<vmem>>, vector<16xf32>,
      %broadcast_in_dim3A_825 = arith.constant 29 : i32
      %broadcast_in_dim3A_826 = vector.broadcast %broadcast_in_dim3A_825 : i32 to vector<16xi32>
      %gather3A_827 = tpu.vector_load_idx %arg20[%iota3A, %broadcast_in_dim3A_826] : memref<16x256xf32, #tpu.memory_space<vmem>>[vector<16xi32>, vector<16xi32>], vector<16xf32>,
      %swap3A_828 = arith.constant 29 : i32
      %swap3A_829 = arith.index_cast %swap3A_828 : i32 to index
      %swap3A_830 = arith.constant 0 : index
      %swap3A_831 = tpu.vector_load %arg23[%swap3A_829, %swap3A_830] {strides = array<i32>} : memref<64x16xf32, #tpu.memory_space<vmem>>, vector<16xf32>,
      tpu.vector_store %arg23[%swap3A_829, %swap3A_830], %gather3A_827 {strides = array<i32>} : memref<64x16xf32, #tpu.memory_space<vmem>>, vector<16xf32>,
      %broadcast_in_dim3A_832 = arith.constant 30 : i32
      %broadcast_in_dim3A_833 = vector.broadcast %broadcast_in_dim3A_832 : i32 to vector<16xi32>
      %gather3A_834 = tpu.vector_load_idx %arg20[%iota3A, %broadcast_in_dim3A_833] : memref<16x256xf32, #tpu.memory_space<vmem>>[vector<16xi32>, vector<16xi32>], vector<16xf32>,
      %swap3A_835 = arith.constant 30 : i32
      %swap3A_836 = arith.index_cast %swap3A_835 : i32 to index
      %swap3A_837 = arith.constant 0 : index
      %swap3A_838 = tpu.vector_load %arg23[%swap3A_836, %swap3A_837] {strides = array<i32>} : memref<64x16xf32, #tpu.memory_space<vmem>>, vector<16xf32>,
      tpu.vector_store %arg23[%swap3A_836, %swap3A_837], %gather3A_834 {strides = array<i32>} : memref<64x16xf32, #tpu.memory_space<vmem>>, vector<16xf32>,
      %broadcast_in_dim3A_839 = arith.constant 31 : i32
      %broadcast_in_dim3A_840 = vector.broadcast %broadcast_in_dim3A_839 : i32 to vector<16xi32>
      %gather3A_841 = tpu.vector_load_idx %arg20[%iota3A, %broadcast_in_dim3A_840] : memref<16x256xf32, #tpu.memory_space<vmem>>[vector<16xi32>, vector<16xi32>], vector<16xf32>,
      %swap3A_842 = arith.constant 31 : i32
      %swap3A_843 = arith.index_cast %swap3A_842 : i32 to index
      %swap3A_844 = arith.constant 0 : index
      %swap3A_845 = tpu.vector_load %arg23[%swap3A_843, %swap3A_844] {strides = array<i32>} : memref<64x16xf32, #tpu.memory_space<vmem>>, vector<16xf32>,
      tpu.vector_store %arg23[%swap3A_843, %swap3A_844], %gather3A_841 {strides = array<i32>} : memref<64x16xf32, #tpu.memory_space<vmem>>, vector<16xf32>,
      %broadcast_in_dim3A_846 = arith.constant 32 : i32
      %broadcast_in_dim3A_847 = vector.broadcast %broadcast_in_dim3A_846 : i32 to vector<16xi32>
      %gather3A_848 = tpu.vector_load_idx %arg20[%iota3A, %broadcast_in_dim3A_847] : memref<16x256xf32, #tpu.memory_space<vmem>>[vector<16xi32>, vector<16xi32>], vector<16xf32>,
      %swap3A_849 = arith.constant 32 : i32
      %swap3A_850 = arith.index_cast %swap3A_849 : i32 to index
      %swap3A_851 = arith.constant 0 : index
      %swap3A_852 = tpu.vector_load %arg23[%swap3A_850, %swap3A_851] {strides = array<i32>} : memref<64x16xf32, #tpu.memory_space<vmem>>, vector<16xf32>,
      tpu.vector_store %arg23[%swap3A_850, %swap3A_851], %gather3A_848 {strides = array<i32>} : memref<64x16xf32, #tpu.memory_space<vmem>>, vector<16xf32>,
      %broadcast_in_dim3A_853 = arith.constant 33 : i32
      %broadcast_in_dim3A_854 = vector.broadcast %broadcast_in_dim3A_853 : i32 to vector<16xi32>
      %gather3A_855 = tpu.vector_load_idx %arg20[%iota3A, %broadcast_in_dim3A_854] : memref<16x256xf32, #tpu.memory_space<vmem>>[vector<16xi32>, vector<16xi32>], vector<16xf32>,
      %swap3A_856 = arith.constant 33 : i32
      %swap3A_857 = arith.index_cast %swap3A_856 : i32 to index
      %swap3A_858 = arith.constant 0 : index
      %swap3A_859 = tpu.vector_load %arg23[%swap3A_857, %swap3A_858] {strides = array<i32>} : memref<64x16xf32, #tpu.memory_space<vmem>>, vector<16xf32>,
      tpu.vector_store %arg23[%swap3A_857, %swap3A_858], %gather3A_855 {strides = array<i32>} : memref<64x16xf32, #tpu.memory_space<vmem>>, vector<16xf32>,
      %broadcast_in_dim3A_860 = arith.constant 34 : i32
      %broadcast_in_dim3A_861 = vector.broadcast %broadcast_in_dim3A_860 : i32 to vector<16xi32>
      %gather3A_862 = tpu.vector_load_idx %arg20[%iota3A, %broadcast_in_dim3A_861] : memref<16x256xf32, #tpu.memory_space<vmem>>[vector<16xi32>, vector<16xi32>], vector<16xf32>,
      %swap3A_863 = arith.constant 34 : i32
      %swap3A_864 = arith.index_cast %swap3A_863 : i32 to index
      %swap3A_865 = arith.constant 0 : index
      %swap3A_866 = tpu.vector_load %arg23[%swap3A_864, %swap3A_865] {strides = array<i32>} : memref<64x16xf32, #tpu.memory_space<vmem>>, vector<16xf32>,
      tpu.vector_store %arg23[%swap3A_864, %swap3A_865], %gather3A_862 {strides = array<i32>} : memref<64x16xf32, #tpu.memory_space<vmem>>, vector<16xf32>,
      %broadcast_in_dim3A_867 = arith.constant 35 : i32
      %broadcast_in_dim3A_868 = vector.broadcast %broadcast_in_dim3A_867 : i32 to vector<16xi32>
      %gather3A_869 = tpu.vector_load_idx %arg20[%iota3A, %broadcast_in_dim3A_868] : memref<16x256xf32, #tpu.memory_space<vmem>>[vector<16xi32>, vector<16xi32>], vector<16xf32>,
      %swap3A_870 = arith.constant 35 : i32
      %swap3A_871 = arith.index_cast %swap3A_870 : i32 to index
      %swap3A_872 = arith.constant 0 : index
      %swap3A_873 = tpu.vector_load %arg23[%swap3A_871, %swap3A_872] {strides = array<i32>} : memref<64x16xf32, #tpu.memory_space<vmem>>, vector<16xf32>,
      tpu.vector_store %arg23[%swap3A_871, %swap3A_872], %gather3A_869 {strides = array<i32>} : memref<64x16xf32, #tpu.memory_space<vmem>>, vector<16xf32>,
      %broadcast_in_dim3A_874 = arith.constant 36 : i32
      %broadcast_in_dim3A_875 = vector.broadcast %broadcast_in_dim3A_874 : i32 to vector<16xi32>
      %gather3A_876 = tpu.vector_load_idx %arg20[%iota3A, %broadcast_in_dim3A_875] : memref<16x256xf32, #tpu.memory_space<vmem>>[vector<16xi32>, vector<16xi32>], vector<16xf32>,
      %swap3A_877 = arith.constant 36 : i32
      %swap3A_878 = arith.index_cast %swap3A_877 : i32 to index
      %swap3A_879 = arith.constant 0 : index
      %swap3A_880 = tpu.vector_load %arg23[%swap3A_878, %swap3A_879] {strides = array<i32>} : memref<64x16xf32, #tpu.memory_space<vmem>>, vector<16xf32>,
      tpu.vector_store %arg23[%swap3A_878, %swap3A_879], %gather3A_876 {strides = array<i32>} : memref<64x16xf32, #tpu.memory_space<vmem>>, vector<16xf32>,
      %broadcast_in_dim3A_881 = arith.constant 37 : i32
      %broadcast_in_dim3A_882 = vector.broadcast %broadcast_in_dim3A_881 : i32 to vector<16xi32>
      %gather3A_883 = tpu.vector_load_idx %arg20[%iota3A, %broadcast_in_dim3A_882] : memref<16x256xf32, #tpu.memory_space<vmem>>[vector<16xi32>, vector<16xi32>], vector<16xf32>,
      %swap3A_884 = arith.constant 37 : i32
      %swap3A_885 = arith.index_cast %swap3A_884 : i32 to index
      %swap3A_886 = arith.constant 0 : index
      %swap3A_887 = tpu.vector_load %arg23[%swap3A_885, %swap3A_886] {strides = array<i32>} : memref<64x16xf32, #tpu.memory_space<vmem>>, vector<16xf32>,
      tpu.vector_store %arg23[%swap3A_885, %swap3A_886], %gather3A_883 {strides = array<i32>} : memref<64x16xf32, #tpu.memory_space<vmem>>, vector<16xf32>,
      %broadcast_in_dim3A_888 = arith.constant 38 : i32
      %broadcast_in_dim3A_889 = vector.broadcast %broadcast_in_dim3A_888 : i32 to vector<16xi32>
      %gather3A_890 = tpu.vector_load_idx %arg20[%iota3A, %broadcast_in_dim3A_889] : memref<16x256xf32, #tpu.memory_space<vmem>>[vector<16xi32>, vector<16xi32>], vector<16xf32>,
      %swap3A_891 = arith.constant 38 : i32
      %swap3A_892 = arith.index_cast %swap3A_891 : i32 to index
      %swap3A_893 = arith.constant 0 : index
      %swap3A_894 = tpu.vector_load %arg23[%swap3A_892, %swap3A_893] {strides = array<i32>} : memref<64x16xf32, #tpu.memory_space<vmem>>, vector<16xf32>,
      tpu.vector_store %arg23[%swap3A_892, %swap3A_893], %gather3A_890 {strides = array<i32>} : memref<64x16xf32, #tpu.memory_space<vmem>>, vector<16xf32>,
      %broadcast_in_dim3A_895 = arith.constant 39 : i32
      %broadcast_in_dim3A_896 = vector.broadcast %broadcast_in_dim3A_895 : i32 to vector<16xi32>
      %gather3A_897 = tpu.vector_load_idx %arg20[%iota3A, %broadcast_in_dim3A_896] : memref<16x256xf32, #tpu.memory_space<vmem>>[vector<16xi32>, vector<16xi32>], vector<16xf32>,
      %swap3A_898 = arith.constant 39 : i32
      %swap3A_899 = arith.index_cast %swap3A_898 : i32 to index
      %swap3A_900 = arith.constant 0 : index
      %swap3A_901 = tpu.vector_load %arg23[%swap3A_899, %swap3A_900] {strides = array<i32>} : memref<64x16xf32, #tpu.memory_space<vmem>>, vector<16xf32>,
      tpu.vector_store %arg23[%swap3A_899, %swap3A_900], %gather3A_897 {strides = array<i32>} : memref<64x16xf32, #tpu.memory_space<vmem>>, vector<16xf32>,
      %broadcast_in_dim3A_902 = arith.constant 40 : i32
      %broadcast_in_dim3A_903 = vector.broadcast %broadcast_in_dim3A_902 : i32 to vector<16xi32>
      %gather3A_904 = tpu.vector_load_idx %arg20[%iota3A, %broadcast_in_dim3A_903] : memref<16x256xf32, #tpu.memory_space<vmem>>[vector<16xi32>, vector<16xi32>], vector<16xf32>,
      %swap3A_905 = arith.constant 40 : i32
      %swap3A_906 = arith.index_cast %swap3A_905 : i32 to index
      %swap3A_907 = arith.constant 0 : index
      %swap3A_908 = tpu.vector_load %arg23[%swap3A_906, %swap3A_907] {strides = array<i32>} : memref<64x16xf32, #tpu.memory_space<vmem>>, vector<16xf32>,
      tpu.vector_store %arg23[%swap3A_906, %swap3A_907], %gather3A_904 {strides = array<i32>} : memref<64x16xf32, #tpu.memory_space<vmem>>, vector<16xf32>,
      %broadcast_in_dim3A_909 = arith.constant 41 : i32
      %broadcast_in_dim3A_910 = vector.broadcast %broadcast_in_dim3A_909 : i32 to vector<16xi32>
      %gather3A_911 = tpu.vector_load_idx %arg20[%iota3A, %broadcast_in_dim3A_910] : memref<16x256xf32, #tpu.memory_space<vmem>>[vector<16xi32>, vector<16xi32>], vector<16xf32>,
      %swap3A_912 = arith.constant 41 : i32
      %swap3A_913 = arith.index_cast %swap3A_912 : i32 to index
      %swap3A_914 = arith.constant 0 : index
      %swap3A_915 = tpu.vector_load %arg23[%swap3A_913, %swap3A_914] {strides = array<i32>} : memref<64x16xf32, #tpu.memory_space<vmem>>, vector<16xf32>,
      tpu.vector_store %arg23[%swap3A_913, %swap3A_914], %gather3A_911 {strides = array<i32>} : memref<64x16xf32, #tpu.memory_space<vmem>>, vector<16xf32>,
      %broadcast_in_dim3A_916 = arith.constant 42 : i32
      %broadcast_in_dim3A_917 = vector.broadcast %broadcast_in_dim3A_916 : i32 to vector<16xi32>
      %gather3A_918 = tpu.vector_load_idx %arg20[%iota3A, %broadcast_in_dim3A_917] : memref<16x256xf32, #tpu.memory_space<vmem>>[vector<16xi32>, vector<16xi32>], vector<16xf32>,
      %swap3A_919 = arith.constant 42 : i32
      %swap3A_920 = arith.index_cast %swap3A_919 : i32 to index
      %swap3A_921 = arith.constant 0 : index
      %swap3A_922 = tpu.vector_load %arg23[%swap3A_920, %swap3A_921] {strides = array<i32>} : memref<64x16xf32, #tpu.memory_space<vmem>>, vector<16xf32>,
      tpu.vector_store %arg23[%swap3A_920, %swap3A_921], %gather3A_918 {strides = array<i32>} : memref<64x16xf32, #tpu.memory_space<vmem>>, vector<16xf32>,
      %broadcast_in_dim3A_923 = arith.constant 43 : i32
      %broadcast_in_dim3A_924 = vector.broadcast %broadcast_in_dim3A_923 : i32 to vector<16xi32>
      %gather3A_925 = tpu.vector_load_idx %arg20[%iota3A, %broadcast_in_dim3A_924] : memref<16x256xf32, #tpu.memory_space<vmem>>[vector<16xi32>, vector<16xi32>], vector<16xf32>,
      %swap3A_926 = arith.constant 43 : i32
      %swap3A_927 = arith.index_cast %swap3A_926 : i32 to index
      %swap3A_928 = arith.constant 0 : index
      %swap3A_929 = tpu.vector_load %arg23[%swap3A_927, %swap3A_928] {strides = array<i32>} : memref<64x16xf32, #tpu.memory_space<vmem>>, vector<16xf32>,
      tpu.vector_store %arg23[%swap3A_927, %swap3A_928], %gather3A_925 {strides = array<i32>} : memref<64x16xf32, #tpu.memory_space<vmem>>, vector<16xf32>,
      %broadcast_in_dim3A_930 = arith.constant 44 : i32
      %broadcast_in_dim3A_931 = vector.broadcast %broadcast_in_dim3A_930 : i32 to vector<16xi32>
      %gather3A_932 = tpu.vector_load_idx %arg20[%iota3A, %broadcast_in_dim3A_931] : memref<16x256xf32, #tpu.memory_space<vmem>>[vector<16xi32>, vector<16xi32>], vector<16xf32>,
      %swap3A_933 = arith.constant 44 : i32
      %swap3A_934 = arith.index_cast %swap3A_933 : i32 to index
      %swap3A_935 = arith.constant 0 : index
      %swap3A_936 = tpu.vector_load %arg23[%swap3A_934, %swap3A_935] {strides = array<i32>} : memref<64x16xf32, #tpu.memory_space<vmem>>, vector<16xf32>,
      tpu.vector_store %arg23[%swap3A_934, %swap3A_935], %gather3A_932 {strides = array<i32>} : memref<64x16xf32, #tpu.memory_space<vmem>>, vector<16xf32>,
      %broadcast_in_dim3A_937 = arith.constant 45 : i32
      %broadcast_in_dim3A_938 = vector.broadcast %broadcast_in_dim3A_937 : i32 to vector<16xi32>
      %gather3A_939 = tpu.vector_load_idx %arg20[%iota3A, %broadcast_in_dim3A_938] : memref<16x256xf32, #tpu.memory_space<vmem>>[vector<16xi32>, vector<16xi32>], vector<16xf32>,
      %swap3A_940 = arith.constant 45 : i32
      %swap3A_941 = arith.index_cast %swap3A_940 : i32 to index
      %swap3A_942 = arith.constant 0 : index
      %swap3A_943 = tpu.vector_load %arg23[%swap3A_941, %swap3A_942] {strides = array<i32>} : memref<64x16xf32, #tpu.memory_space<vmem>>, vector<16xf32>,
      tpu.vector_store %arg23[%swap3A_941, %swap3A_942], %gather3A_939 {strides = array<i32>} : memref<64x16xf32, #tpu.memory_space<vmem>>, vector<16xf32>,
      %broadcast_in_dim3A_944 = arith.constant 46 : i32
      %broadcast_in_dim3A_945 = vector.broadcast %broadcast_in_dim3A_944 : i32 to vector<16xi32>
      %gather3A_946 = tpu.vector_load_idx %arg20[%iota3A, %broadcast_in_dim3A_945] : memref<16x256xf32, #tpu.memory_space<vmem>>[vector<16xi32>, vector<16xi32>], vector<16xf32>,
      %swap3A_947 = arith.constant 46 : i32
      %swap3A_948 = arith.index_cast %swap3A_947 : i32 to index
      %swap3A_949 = arith.constant 0 : index
      %swap3A_950 = tpu.vector_load %arg23[%swap3A_948, %swap3A_949] {strides = array<i32>} : memref<64x16xf32, #tpu.memory_space<vmem>>, vector<16xf32>,
      tpu.vector_store %arg23[%swap3A_948, %swap3A_949], %gather3A_946 {strides = array<i32>} : memref<64x16xf32, #tpu.memory_space<vmem>>, vector<16xf32>,
      %broadcast_in_dim3A_951 = arith.constant 47 : i32
      %broadcast_in_dim3A_952 = vector.broadcast %broadcast_in_dim3A_951 : i32 to vector<16xi32>
      %gather3A_953 = tpu.vector_load_idx %arg20[%iota3A, %broadcast_in_dim3A_952] : memref<16x256xf32, #tpu.memory_space<vmem>>[vector<16xi32>, vector<16xi32>], vector<16xf32>,
      %swap3A_954 = arith.constant 47 : i32
      %swap3A_955 = arith.index_cast %swap3A_954 : i32 to index
      %swap3A_956 = arith.constant 0 : index
      %swap3A_957 = tpu.vector_load %arg23[%swap3A_955, %swap3A_956] {strides = array<i32>} : memref<64x16xf32, #tpu.memory_space<vmem>>, vector<16xf32>,
      tpu.vector_store %arg23[%swap3A_955, %swap3A_956], %gather3A_953 {strides = array<i32>} : memref<64x16xf32, #tpu.memory_space<vmem>>, vector<16xf32>,
      %broadcast_in_dim3A_958 = arith.constant 48 : i32
      %broadcast_in_dim3A_959 = vector.broadcast %broadcast_in_dim3A_958 : i32 to vector<16xi32>
      %gather3A_960 = tpu.vector_load_idx %arg20[%iota3A, %broadcast_in_dim3A_959] : memref<16x256xf32, #tpu.memory_space<vmem>>[vector<16xi32>, vector<16xi32>], vector<16xf32>,
      %swap3A_961 = arith.constant 48 : i32
      %swap3A_962 = arith.index_cast %swap3A_961 : i32 to index
      %swap3A_963 = arith.constant 0 : index
      %swap3A_964 = tpu.vector_load %arg23[%swap3A_962, %swap3A_963] {strides = array<i32>} : memref<64x16xf32, #tpu.memory_space<vmem>>, vector<16xf32>,
      tpu.vector_store %arg23[%swap3A_962, %swap3A_963], %gather3A_960 {strides = array<i32>} : memref<64x16xf32, #tpu.memory_space<vmem>>, vector<16xf32>,
      %broadcast_in_dim3A_965 = arith.constant 49 : i32
      %broadcast_in_dim3A_966 = vector.broadcast %broadcast_in_dim3A_965 : i32 to vector<16xi32>
      %gather3A_967 = tpu.vector_load_idx %arg20[%iota3A, %broadcast_in_dim3A_966] : memref<16x256xf32, #tpu.memory_space<vmem>>[vector<16xi32>, vector<16xi32>], vector<16xf32>,
      %swap3A_968 = arith.constant 49 : i32
      %swap3A_969 = arith.index_cast %swap3A_968 : i32 to index
      %swap3A_970 = arith.constant 0 : index
      %swap3A_971 = tpu.vector_load %arg23[%swap3A_969, %swap3A_970] {strides = array<i32>} : memref<64x16xf32, #tpu.memory_space<vmem>>, vector<16xf32>,
      tpu.vector_store %arg23[%swap3A_969, %swap3A_970], %gather3A_967 {strides = array<i32>} : memref<64x16xf32, #tpu.memory_space<vmem>>, vector<16xf32>,
      %broadcast_in_dim3A_972 = arith.constant 50 : i32
      %broadcast_in_dim3A_973 = vector.broadcast %broadcast_in_dim3A_972 : i32 to vector<16xi32>
      %gather3A_974 = tpu.vector_load_idx %arg20[%iota3A, %broadcast_in_dim3A_973] : memref<16x256xf32, #tpu.memory_space<vmem>>[vector<16xi32>, vector<16xi32>], vector<16xf32>,
      %swap3A_975 = arith.constant 50 : i32
      %swap3A_976 = arith.index_cast %swap3A_975 : i32 to index
      %swap3A_977 = arith.constant 0 : index
      %swap3A_978 = tpu.vector_load %arg23[%swap3A_976, %swap3A_977] {strides = array<i32>} : memref<64x16xf32, #tpu.memory_space<vmem>>, vector<16xf32>,
      tpu.vector_store %arg23[%swap3A_976, %swap3A_977], %gather3A_974 {strides = array<i32>} : memref<64x16xf32, #tpu.memory_space<vmem>>, vector<16xf32>,
      %broadcast_in_dim3A_979 = arith.constant 51 : i32
      %broadcast_in_dim3A_980 = vector.broadcast %broadcast_in_dim3A_979 : i32 to vector<16xi32>
      %gather3A_981 = tpu.vector_load_idx %arg20[%iota3A, %broadcast_in_dim3A_980] : memref<16x256xf32, #tpu.memory_space<vmem>>[vector<16xi32>, vector<16xi32>], vector<16xf32>,
      %swap3A_982 = arith.constant 51 : i32
      %swap3A_983 = arith.index_cast %swap3A_982 : i32 to index
      %swap3A_984 = arith.constant 0 : index
      %swap3A_985 = tpu.vector_load %arg23[%swap3A_983, %swap3A_984] {strides = array<i32>} : memref<64x16xf32, #tpu.memory_space<vmem>>, vector<16xf32>,
      tpu.vector_store %arg23[%swap3A_983, %swap3A_984], %gather3A_981 {strides = array<i32>} : memref<64x16xf32, #tpu.memory_space<vmem>>, vector<16xf32>,
      %broadcast_in_dim3A_986 = arith.constant 52 : i32
      %broadcast_in_dim3A_987 = vector.broadcast %broadcast_in_dim3A_986 : i32 to vector<16xi32>
      %gather3A_988 = tpu.vector_load_idx %arg20[%iota3A, %broadcast_in_dim3A_987] : memref<16x256xf32, #tpu.memory_space<vmem>>[vector<16xi32>, vector<16xi32>], vector<16xf32>,
      %swap3A_989 = arith.constant 52 : i32
      %swap3A_990 = arith.index_cast %swap3A_989 : i32 to index
      %swap3A_991 = arith.constant 0 : index
      %swap3A_992 = tpu.vector_load %arg23[%swap3A_990, %swap3A_991] {strides = array<i32>} : memref<64x16xf32, #tpu.memory_space<vmem>>, vector<16xf32>,
      tpu.vector_store %arg23[%swap3A_990, %swap3A_991], %gather3A_988 {strides = array<i32>} : memref<64x16xf32, #tpu.memory_space<vmem>>, vector<16xf32>,
      %broadcast_in_dim3A_993 = arith.constant 53 : i32
      %broadcast_in_dim3A_994 = vector.broadcast %broadcast_in_dim3A_993 : i32 to vector<16xi32>
      %gather3A_995 = tpu.vector_load_idx %arg20[%iota3A, %broadcast_in_dim3A_994] : memref<16x256xf32, #tpu.memory_space<vmem>>[vector<16xi32>, vector<16xi32>], vector<16xf32>,
      %swap3A_996 = arith.constant 53 : i32
      %swap3A_997 = arith.index_cast %swap3A_996 : i32 to index
      %swap3A_998 = arith.constant 0 : index
      %swap3A_999 = tpu.vector_load %arg23[%swap3A_997, %swap3A_998] {strides = array<i32>} : memref<64x16xf32, #tpu.memory_space<vmem>>, vector<16xf32>,
      tpu.vector_store %arg23[%swap3A_997, %swap3A_998], %gather3A_995 {strides = array<i32>} : memref<64x16xf32, #tpu.memory_space<vmem>>, vector<16xf32>,
      %broadcast_in_dim3A_1000 = arith.constant 54 : i32
      %broadcast_in_dim3A_1001 = vector.broadcast %broadcast_in_dim3A_1000 : i32 to vector<16xi32>
      %gather3A_1002 = tpu.vector_load_idx %arg20[%iota3A, %broadcast_in_dim3A_1001] : memref<16x256xf32, #tpu.memory_space<vmem>>[vector<16xi32>, vector<16xi32>], vector<16xf32>,
      %swap3A_1003 = arith.constant 54 : i32
      %swap3A_1004 = arith.index_cast %swap3A_1003 : i32 to index
      %swap3A_1005 = arith.constant 0 : index
      %swap3A_1006 = tpu.vector_load %arg23[%swap3A_1004, %swap3A_1005] {strides = array<i32>} : memref<64x16xf32, #tpu.memory_space<vmem>>, vector<16xf32>,
      tpu.vector_store %arg23[%swap3A_1004, %swap3A_1005], %gather3A_1002 {strides = array<i32>} : memref<64x16xf32, #tpu.memory_space<vmem>>, vector<16xf32>,
      %broadcast_in_dim3A_1007 = arith.constant 55 : i32
      %broadcast_in_dim3A_1008 = vector.broadcast %broadcast_in_dim3A_1007 : i32 to vector<16xi32>
      %gather3A_1009 = tpu.vector_load_idx %arg20[%iota3A, %broadcast_in_dim3A_1008] : memref<16x256xf32, #tpu.memory_space<vmem>>[vector<16xi32>, vector<16xi32>], vector<16xf32>,
      %swap3A_1010 = arith.constant 55 : i32
      %swap3A_1011 = arith.index_cast %swap3A_1010 : i32 to index
      %swap3A_1012 = arith.constant 0 : index
      %swap3A_1013 = tpu.vector_load %arg23[%swap3A_1011, %swap3A_1012] {strides = array<i32>} : memref<64x16xf32, #tpu.memory_space<vmem>>, vector<16xf32>,
      tpu.vector_store %arg23[%swap3A_1011, %swap3A_1012], %gather3A_1009 {strides = array<i32>} : memref<64x16xf32, #tpu.memory_space<vmem>>, vector<16xf32>,
      %broadcast_in_dim3A_1014 = arith.constant 56 : i32
      %broadcast_in_dim3A_1015 = vector.broadcast %broadcast_in_dim3A_1014 : i32 to vector<16xi32>
      %gather3A_1016 = tpu.vector_load_idx %arg20[%iota3A, %broadcast_in_dim3A_1015] : memref<16x256xf32, #tpu.memory_space<vmem>>[vector<16xi32>, vector<16xi32>], vector<16xf32>,
      %swap3A_1017 = arith.constant 56 : i32
      %swap3A_1018 = arith.index_cast %swap3A_1017 : i32 to index
      %swap3A_1019 = arith.constant 0 : index
      %swap3A_1020 = tpu.vector_load %arg23[%swap3A_1018, %swap3A_1019] {strides = array<i32>} : memref<64x16xf32, #tpu.memory_space<vmem>>, vector<16xf32>,
      tpu.vector_store %arg23[%swap3A_1018, %swap3A_1019], %gather3A_1016 {strides = array<i32>} : memref<64x16xf32, #tpu.memory_space<vmem>>, vector<16xf32>,
      %broadcast_in_dim3A_1021 = arith.constant 57 : i32
      %broadcast_in_dim3A_1022 = vector.broadcast %broadcast_in_dim3A_1021 : i32 to vector<16xi32>
      %gather3A_1023 = tpu.vector_load_idx %arg20[%iota3A, %broadcast_in_dim3A_1022] : memref<16x256xf32, #tpu.memory_space<vmem>>[vector<16xi32>, vector<16xi32>], vector<16xf32>,
      %swap3A_1024 = arith.constant 57 : i32
      %swap3A_1025 = arith.index_cast %swap3A_1024 : i32 to index
      %swap3A_1026 = arith.constant 0 : index
      %swap3A_1027 = tpu.vector_load %arg23[%swap3A_1025, %swap3A_1026] {strides = array<i32>} : memref<64x16xf32, #tpu.memory_space<vmem>>, vector<16xf32>,
      tpu.vector_store %arg23[%swap3A_1025, %swap3A_1026], %gather3A_1023 {strides = array<i32>} : memref<64x16xf32, #tpu.memory_space<vmem>>, vector<16xf32>,
      %broadcast_in_dim3A_1028 = arith.constant 58 : i32
      %broadcast_in_dim3A_1029 = vector.broadcast %broadcast_in_dim3A_1028 : i32 to vector<16xi32>
      %gather3A_1030 = tpu.vector_load_idx %arg20[%iota3A, %broadcast_in_dim3A_1029] : memref<16x256xf32, #tpu.memory_space<vmem>>[vector<16xi32>, vector<16xi32>], vector<16xf32>,
      %swap3A_1031 = arith.constant 58 : i32
      %swap3A_1032 = arith.index_cast %swap3A_1031 : i32 to index
      %swap3A_1033 = arith.constant 0 : index
      %swap3A_1034 = tpu.vector_load %arg23[%swap3A_1032, %swap3A_1033] {strides = array<i32>} : memref<64x16xf32, #tpu.memory_space<vmem>>, vector<16xf32>,
      tpu.vector_store %arg23[%swap3A_1032, %swap3A_1033], %gather3A_1030 {strides = array<i32>} : memref<64x16xf32, #tpu.memory_space<vmem>>, vector<16xf32>,
      %broadcast_in_dim3A_1035 = arith.constant 59 : i32
      %broadcast_in_dim3A_1036 = vector.broadcast %broadcast_in_dim3A_1035 : i32 to vector<16xi32>
      %gather3A_1037 = tpu.vector_load_idx %arg20[%iota3A, %broadcast_in_dim3A_1036] : memref<16x256xf32, #tpu.memory_space<vmem>>[vector<16xi32>, vector<16xi32>], vector<16xf32>,
      %swap3A_1038 = arith.constant 59 : i32
      %swap3A_1039 = arith.index_cast %swap3A_1038 : i32 to index
      %swap3A_1040 = arith.constant 0 : index
      %swap3A_1041 = tpu.vector_load %arg23[%swap3A_1039, %swap3A_1040] {strides = array<i32>} : memref<64x16xf32, #tpu.memory_space<vmem>>, vector<16xf32>,
      tpu.vector_store %arg23[%swap3A_1039, %swap3A_1040], %gather3A_1037 {strides = array<i32>} : memref<64x16xf32, #tpu.memory_space<vmem>>, vector<16xf32>,
      %broadcast_in_dim3A_1042 = arith.constant 60 : i32
      %broadcast_in_dim3A_1043 = vector.broadcast %broadcast_in_dim3A_1042 : i32 to vector<16xi32>
      %gather3A_1044 = tpu.vector_load_idx %arg20[%iota3A, %broadcast_in_dim3A_1043] : memref<16x256xf32, #tpu.memory_space<vmem>>[vector<16xi32>, vector<16xi32>], vector<16xf32>,
      %swap3A_1045 = arith.constant 60 : i32
      %swap3A_1046 = arith.index_cast %swap3A_1045 : i32 to index
      %swap3A_1047 = arith.constant 0 : index
      %swap3A_1048 = tpu.vector_load %arg23[%swap3A_1046, %swap3A_1047] {strides = array<i32>} : memref<64x16xf32, #tpu.memory_space<vmem>>, vector<16xf32>,
      tpu.vector_store %arg23[%swap3A_1046, %swap3A_1047], %gather3A_1044 {strides = array<i32>} : memref<64x16xf32, #tpu.memory_space<vmem>>, vector<16xf32>,
      %broadcast_in_dim3A_1049 = arith.constant 61 : i32
      %broadcast_in_dim3A_1050 = vector.broadcast %broadcast_in_dim3A_1049 : i32 to vector<16xi32>
      %gather3A_1051 = tpu.vector_load_idx %arg20[%iota3A, %broadcast_in_dim3A_1050] : memref<16x256xf32, #tpu.memory_space<vmem>>[vector<16xi32>, vector<16xi32>], vector<16xf32>,
      %swap3A_1052 = arith.constant 61 : i32
      %swap3A_1053 = arith.index_cast %swap3A_1052 : i32 to index
      %swap3A_1054 = arith.constant 0 : index
      %swap3A_1055 = tpu.vector_load %arg23[%swap3A_1053, %swap3A_1054] {strides = array<i32>} : memref<64x16xf32, #tpu.memory_space<vmem>>, vector<16xf32>,
      tpu.vector_store %arg23[%swap3A_1053, %swap3A_1054], %gather3A_1051 {strides = array<i32>} : memref<64x16xf32, #tpu.memory_space<vmem>>, vector<16xf32>,
      %broadcast_in_dim3A_1056 = arith.constant 62 : i32
      %broadcast_in_dim3A_1057 = vector.broadcast %broadcast_in_dim3A_1056 : i32 to vector<16xi32>
      %gather3A_1058 = tpu.vector_load_idx %arg20[%iota3A, %broadcast_in_dim3A_1057] : memref<16x256xf32, #tpu.memory_space<vmem>>[vector<16xi32>, vector<16xi32>], vector<16xf32>,
      %swap3A_1059 = arith.constant 62 : i32
      %swap3A_1060 = arith.index_cast %swap3A_1059 : i32 to index
      %swap3A_1061 = arith.constant 0 : index
      %swap3A_1062 = tpu.vector_load %arg23[%swap3A_1060, %swap3A_1061] {strides = array<i32>} : memref<64x16xf32, #tpu.memory_space<vmem>>, vector<16xf32>,
      tpu.vector_store %arg23[%swap3A_1060, %swap3A_1061], %gather3A_1058 {strides = array<i32>} : memref<64x16xf32, #tpu.memory_space<vmem>>, vector<16xf32>,
      %broadcast_in_dim3A_1063 = arith.constant 63 : i32
      %broadcast_in_dim3A_1064 = vector.broadcast %broadcast_in_dim3A_1063 : i32 to vector<16xi32>
      %gather3A_1065 = tpu.vector_load_idx %arg20[%iota3A, %broadcast_in_dim3A_1064] : memref<16x256xf32, #tpu.memory_space<vmem>>[vector<16xi32>, vector<16xi32>], vector<16xf32>,
      %swap3A_1066 = arith.constant 63 : i32
      %swap3A_1067 = arith.index_cast %swap3A_1066 : i32 to index
      %swap3A_1068 = arith.constant 0 : index
      %swap3A_1069 = tpu.vector_load %arg23[%swap3A_1067, %swap3A_1068] {strides = array<i32>} : memref<64x16xf32, #tpu.memory_space<vmem>>, vector<16xf32>,
      tpu.vector_store %arg23[%swap3A_1067, %swap3A_1068], %gather3A_1065 {strides = array<i32>} : memref<64x16xf32, #tpu.memory_space<vmem>>, vector<16xf32>,
      "tpu.region"() ({
        %run_scoped3A_1555 = tpu.sem_alloc : memref<!tpu.dma_semaphore, #tpu.memory_space<semaphore_mem>>
        %dma_start3A_1556 = arith.constant 0 : i32
        %dma_start3A_1557 = arith.constant 0 : i32
        %dma_start3A_1558 = tpu.memref_slice %arg13[%add3A, %dma_start3A_1556, %dma_start3A_1557] : memref<25x64x16xf32, #tpu.memory_space<hbm>> -> memref<1x64x16xf32, #tpu.memory_space<hbm>>
        %dma_start3A_1559 = tpu.memref_squeeze %dma_start3A_1558 : memref<1x64x16xf32, #tpu.memory_space<hbm>> -> memref<64x16xf32, #tpu.memory_space<hbm>>
        %dma_start3A_1560 = arith.constant 0 : i32
        %dma_start3A_1561 = arith.constant 0 : i32
        %dma_start3A_1562 = tpu.memref_slice %arg13[%add3A, %dma_start3A_1560, %dma_start3A_1561] : memref<25x64x16xf32, #tpu.memory_space<hbm>> -> memref<1x64x16xf32, #tpu.memory_space<hbm>>
        %dma_start3A_1563 = tpu.memref_squeeze %dma_start3A_1562 : memref<1x64x16xf32, #tpu.memory_space<hbm>> -> memref<64x16xf32, #tpu.memory_space<hbm>>
        tpu.enqueue_dma source(%arg23 : memref<64x16xf32, #tpu.memory_space<vmem>>) target(%dma_start3A_1563 : memref<64x16xf32, #tpu.memory_space<hbm>>) target_semaphore(%run_scoped3A_1555 : memref<!tpu.dma_semaphore, #tpu.memory_space<semaphore_mem>>)
        %dma_wait3A_1564 = arith.constant 0 : i32
        %dma_wait3A_1565 = arith.constant 0 : i32
        %dma_wait3A_1566 = tpu.memref_slice %arg13[%add3A, %dma_wait3A_1564, %dma_wait3A_1565] : memref<25x64x16xf32, #tpu.memory_space<hbm>> -> memref<1x64x16xf32, #tpu.memory_space<hbm>>
        %dma_wait3A_1567 = tpu.memref_squeeze %dma_wait3A_1566 : memref<1x64x16xf32, #tpu.memory_space<hbm>> -> memref<64x16xf32, #tpu.memory_space<hbm>>
        %dma_wait3A_1568 = arith.constant 0 : i32
        %dma_wait3A_1569 = arith.constant 0 : i32
        %dma_wait3A_1570 = tpu.memref_slice %arg13[%add3A, %dma_wait3A_1568, %dma_wait3A_1569] : memref<25x64x16xf32, #tpu.memory_space<hbm>> -> memref<1x64x16xf32, #tpu.memory_space<hbm>>
        %dma_wait3A_1571 = tpu.memref_squeeze %dma_wait3A_1570 : memref<1x64x16xf32, #tpu.memory_space<hbm>> -> memref<64x16xf32, #tpu.memory_space<hbm>>
        tpu.wait_dma2 semaphore(%run_scoped3A_1555 : memref<!tpu.dma_semaphore, #tpu.memory_space<semaphore_mem>>) src(%arg23 : memref<64x16xf32, #tpu.memory_space<vmem>>) dst(%dma_wait3A_1571 : memref<64x16xf32, #tpu.memory_space<hbm>>)
        tpu.yield
      }) : () -> ()
      %broadcast_in_dim3A_1070 = arith.constant 64 : i32
      %broadcast_in_dim3A_1071 = vector.broadcast %broadcast_in_dim3A_1070 : i32 to vector<16xi32>
      %gather3A_1072 = tpu.vector_load_idx %arg21[%iota3A, %broadcast_in_dim3A_1071] : memref<16x256xf32, #tpu.memory_space<vmem>>[vector<16xi32>, vector<16xi32>], vector<16xf32>,
      %swap3A_1073 = arith.constant 0 : i32
      %swap3A_1074 = arith.index_cast %swap3A_1073 : i32 to index
      %swap3A_1075 = arith.constant 0 : index
      %swap3A_1076 = tpu.vector_load %arg22[%swap3A_1074, %swap3A_1075] {strides = array<i32>} : memref<8x16xf32, #tpu.memory_space<vmem>>, vector<16xf32>,
      tpu.vector_store %arg22[%swap3A_1074, %swap3A_1075], %gather3A_1072 {strides = array<i32>} : memref<8x16xf32, #tpu.memory_space<vmem>>, vector<16xf32>,
      %broadcast_in_dim3A_1077 = arith.constant 65 : i32
      %broadcast_in_dim3A_1078 = vector.broadcast %broadcast_in_dim3A_1077 : i32 to vector<16xi32>
      %gather3A_1079 = tpu.vector_load_idx %arg21[%iota3A, %broadcast_in_dim3A_1078] : memref<16x256xf32, #tpu.memory_space<vmem>>[vector<16xi32>, vector<16xi32>], vector<16xf32>,
      %swap3A_1080 = arith.constant 1 : i32
      %swap3A_1081 = arith.index_cast %swap3A_1080 : i32 to index
      %swap3A_1082 = arith.constant 0 : index
      %swap3A_1083 = tpu.vector_load %arg22[%swap3A_1081, %swap3A_1082] {strides = array<i32>} : memref<8x16xf32, #tpu.memory_space<vmem>>, vector<16xf32>,
      tpu.vector_store %arg22[%swap3A_1081, %swap3A_1082], %gather3A_1079 {strides = array<i32>} : memref<8x16xf32, #tpu.memory_space<vmem>>, vector<16xf32>,
      %broadcast_in_dim3A_1084 = arith.constant 66 : i32
      %broadcast_in_dim3A_1085 = vector.broadcast %broadcast_in_dim3A_1084 : i32 to vector<16xi32>
      %gather3A_1086 = tpu.vector_load_idx %arg21[%iota3A, %broadcast_in_dim3A_1085] : memref<16x256xf32, #tpu.memory_space<vmem>>[vector<16xi32>, vector<16xi32>], vector<16xf32>,
      %swap3A_1087 = arith.constant 2 : i32
      %swap3A_1088 = arith.index_cast %swap3A_1087 : i32 to index
      %swap3A_1089 = arith.constant 0 : index
      %swap3A_1090 = tpu.vector_load %arg22[%swap3A_1088, %swap3A_1089] {strides = array<i32>} : memref<8x16xf32, #tpu.memory_space<vmem>>, vector<16xf32>,
      tpu.vector_store %arg22[%swap3A_1088, %swap3A_1089], %gather3A_1086 {strides = array<i32>} : memref<8x16xf32, #tpu.memory_space<vmem>>, vector<16xf32>,
      %broadcast_in_dim3A_1091 = arith.constant 67 : i32
      %broadcast_in_dim3A_1092 = vector.broadcast %broadcast_in_dim3A_1091 : i32 to vector<16xi32>
      %gather3A_1093 = tpu.vector_load_idx %arg21[%iota3A, %broadcast_in_dim3A_1092] : memref<16x256xf32, #tpu.memory_space<vmem>>[vector<16xi32>, vector<16xi32>], vector<16xf32>,
      %swap3A_1094 = arith.constant 3 : i32
      %swap3A_1095 = arith.index_cast %swap3A_1094 : i32 to index
      %swap3A_1096 = arith.constant 0 : index
      %swap3A_1097 = tpu.vector_load %arg22[%swap3A_1095, %swap3A_1096] {strides = array<i32>} : memref<8x16xf32, #tpu.memory_space<vmem>>, vector<16xf32>,
      tpu.vector_store %arg22[%swap3A_1095, %swap3A_1096], %gather3A_1093 {strides = array<i32>} : memref<8x16xf32, #tpu.memory_space<vmem>>, vector<16xf32>,
      %add3A_1098 = arith.constant 68 : i32
      %add3A_1099 = vector.broadcast %add3A_1098 : i32 to vector<16xi32>
      %add3A_1100 = arith.addi %add3A_1099, %convert_element_type3A_24 : vector<16xi32>
      %gather3A_1101 = tpu.vector_load_idx %arg21[%iota3A, %add3A_1100] : memref<16x256xf32, #tpu.memory_space<vmem>>[vector<16xi32>, vector<16xi32>], vector<16xf32>,
      %swap3A_1102 = arith.constant 4 : i32
      %swap3A_1103 = arith.index_cast %swap3A_1102 : i32 to index
      %swap3A_1104 = arith.constant 0 : index
      %swap3A_1105 = tpu.vector_load %arg22[%swap3A_1103, %swap3A_1104] {strides = array<i32>} : memref<8x16xf32, #tpu.memory_space<vmem>>, vector<16xf32>,
      tpu.vector_store %arg22[%swap3A_1103, %swap3A_1104], %gather3A_1101 {strides = array<i32>} : memref<8x16xf32, #tpu.memory_space<vmem>>, vector<16xf32>,
      "tpu.region"() ({
        %run_scoped3A_1555 = tpu.sem_alloc : memref<!tpu.dma_semaphore, #tpu.memory_space<semaphore_mem>>
        %dma_start3A_1556 = arith.constant 0 : i32
        %dma_start3A_1557 = arith.constant 0 : i32
        %dma_start3A_1558 = tpu.memref_slice %arg22[%dma_start3A_1556, %dma_start3A_1557] : memref<8x16xf32, #tpu.memory_space<vmem>> -> memref<5x16xf32, #tpu.memory_space<vmem>>
        %dma_start3A_1559 = arith.constant 0 : i32
        %dma_start3A_1560 = arith.constant 0 : i32
        %dma_start3A_1561 = tpu.memref_slice %arg8[%add3A, %dma_start3A_1559, %dma_start3A_1560] : memref<25x5x16xf32, #tpu.memory_space<hbm>> -> memref<1x5x16xf32, #tpu.memory_space<hbm>>
        %dma_start3A_1562 = tpu.memref_squeeze %dma_start3A_1561 : memref<1x5x16xf32, #tpu.memory_space<hbm>> -> memref<5x16xf32, #tpu.memory_space<hbm>>
        %dma_start3A_1563 = arith.constant 0 : i32
        %dma_start3A_1564 = arith.constant 0 : i32
        %dma_start3A_1565 = tpu.memref_slice %arg8[%add3A, %dma_start3A_1563, %dma_start3A_1564] : memref<25x5x16xf32, #tpu.memory_space<hbm>> -> memref<1x5x16xf32, #tpu.memory_space<hbm>>
        %dma_start3A_1566 = tpu.memref_squeeze %dma_start3A_1565 : memref<1x5x16xf32, #tpu.memory_space<hbm>> -> memref<5x16xf32, #tpu.memory_space<hbm>>
        %dma_start3A_1567 = arith.constant 0 : i32
        %dma_start3A_1568 = arith.constant 0 : i32
        %dma_start3A_1569 = tpu.memref_slice %arg22[%dma_start3A_1567, %dma_start3A_1568] : memref<8x16xf32, #tpu.memory_space<vmem>> -> memref<5x16xf32, #tpu.memory_space<vmem>>
        tpu.enqueue_dma source(%dma_start3A_1569 : memref<5x16xf32, #tpu.memory_space<vmem>>) target(%dma_start3A_1566 : memref<5x16xf32, #tpu.memory_space<hbm>>) target_semaphore(%run_scoped3A_1555 : memref<!tpu.dma_semaphore, #tpu.memory_space<semaphore_mem>>)
        %dma_wait3A_1570 = arith.constant 0 : i32
        %dma_wait3A_1571 = arith.constant 0 : i32
        %dma_wait3A_1572 = tpu.memref_slice %arg22[%dma_wait3A_1570, %dma_wait3A_1571] : memref<8x16xf32, #tpu.memory_space<vmem>> -> memref<5x16xf32, #tpu.memory_space<vmem>>
        %dma_wait3A_1573 = arith.constant 0 : i32
        %dma_wait3A_1574 = arith.constant 0 : i32
        %dma_wait3A_1575 = tpu.memref_slice %arg8[%add3A, %dma_wait3A_1573, %dma_wait3A_1574] : memref<25x5x16xf32, #tpu.memory_space<hbm>> -> memref<1x5x16xf32, #tpu.memory_space<hbm>>
        %dma_wait3A_1576 = tpu.memref_squeeze %dma_wait3A_1575 : memref<1x5x16xf32, #tpu.memory_space<hbm>> -> memref<5x16xf32, #tpu.memory_space<hbm>>
        %dma_wait3A_1577 = arith.constant 0 : i32
        %dma_wait3A_1578 = arith.constant 0 : i32
        %dma_wait3A_1579 = tpu.memref_slice %arg8[%add3A, %dma_wait3A_1577, %dma_wait3A_1578] : memref<25x5x16xf32, #tpu.memory_space<hbm>> -> memref<1x5x16xf32, #tpu.memory_space<hbm>>
        %dma_wait3A_1580 = tpu.memref_squeeze %dma_wait3A_1579 : memref<1x5x16xf32, #tpu.memory_space<hbm>> -> memref<5x16xf32, #tpu.memory_space<hbm>>
        %dma_wait3A_1581 = arith.constant 0 : i32
        %dma_wait3A_1582 = arith.constant 0 : i32
        %dma_wait3A_1583 = tpu.memref_slice %arg22[%dma_wait3A_1581, %dma_wait3A_1582] : memref<8x16xf32, #tpu.memory_space<vmem>> -> memref<5x16xf32, #tpu.memory_space<vmem>>
        tpu.wait_dma2 semaphore(%run_scoped3A_1555 : memref<!tpu.dma_semaphore, #tpu.memory_space<semaphore_mem>>) src(%dma_wait3A_1583 : memref<5x16xf32, #tpu.memory_space<vmem>>) dst(%dma_wait3A_1580 : memref<5x16xf32, #tpu.memory_space<hbm>>)
        tpu.yield
      }) : () -> ()
      %run_scoped3A_1106 = arith.constant 4 : i32
      "tpu.region"() ({
        %run_scoped3A_1555 = tpu.sem_alloc : memref<!tpu.dma_semaphore, #tpu.memory_space<semaphore_mem>>
        %dma_start3A_1556 = arith.constant 0 : i32
        %dma_start3A_1557 = tpu.memref_slice %arg22[%run_scoped3A_1106, %dma_start3A_1556] : memref<8x16xf32, #tpu.memory_space<vmem>> -> memref<1x16xf32, #tpu.memory_space<vmem>>
        %dma_start3A_1558 = tpu.memref_squeeze %dma_start3A_1557 : memref<1x16xf32, #tpu.memory_space<vmem>> -> memref<16xf32, #tpu.memory_space<vmem>>
        %dma_start3A_1559 = tpu.memref_slice %arg11[%mul3A_4] : memref<400xf32, #tpu.memory_space<hbm>> -> memref<16xf32, #tpu.memory_space<hbm>>
        %dma_start3A_1560 = tpu.memref_slice %arg11[%mul3A_4] : memref<400xf32, #tpu.memory_space<hbm>> -> memref<16xf32, #tpu.memory_space<hbm>>
        %dma_start3A_1561 = arith.constant 0 : i32
        %dma_start3A_1562 = tpu.memref_slice %arg22[%run_scoped3A_1106, %dma_start3A_1561] : memref<8x16xf32, #tpu.memory_space<vmem>> -> memref<1x16xf32, #tpu.memory_space<vmem>>
        %dma_start3A_1563 = tpu.memref_squeeze %dma_start3A_1562 : memref<1x16xf32, #tpu.memory_space<vmem>> -> memref<16xf32, #tpu.memory_space<vmem>>
        tpu.enqueue_dma source(%dma_start3A_1563 : memref<16xf32, #tpu.memory_space<vmem>>) target(%dma_start3A_1560 : memref<16xf32, #tpu.memory_space<hbm>>) target_semaphore(%run_scoped3A_1555 : memref<!tpu.dma_semaphore, #tpu.memory_space<semaphore_mem>>)
        %dma_wait3A_1564 = arith.constant 0 : i32
        %dma_wait3A_1565 = tpu.memref_slice %arg22[%run_scoped3A_1106, %dma_wait3A_1564] : memref<8x16xf32, #tpu.memory_space<vmem>> -> memref<1x16xf32, #tpu.memory_space<vmem>>
        %dma_wait3A_1566 = tpu.memref_squeeze %dma_wait3A_1565 : memref<1x16xf32, #tpu.memory_space<vmem>> -> memref<16xf32, #tpu.memory_space<vmem>>
        %dma_wait3A_1567 = tpu.memref_slice %arg11[%mul3A_4] : memref<400xf32, #tpu.memory_space<hbm>> -> memref<16xf32, #tpu.memory_space<hbm>>
        %dma_wait3A_1568 = tpu.memref_slice %arg11[%mul3A_4] : memref<400xf32, #tpu.memory_space<hbm>> -> memref<16xf32, #tpu.memory_space<hbm>>
        %dma_wait3A_1569 = arith.constant 0 : i32
        %dma_wait3A_1570 = tpu.memref_slice %arg22[%run_scoped3A_1106, %dma_wait3A_1569] : memref<8x16xf32, #tpu.memory_space<vmem>> -> memref<1x16xf32, #tpu.memory_space<vmem>>
        %dma_wait3A_1571 = tpu.memref_squeeze %dma_wait3A_1570 : memref<1x16xf32, #tpu.memory_space<vmem>> -> memref<16xf32, #tpu.memory_space<vmem>>
        tpu.wait_dma2 semaphore(%run_scoped3A_1555 : memref<!tpu.dma_semaphore, #tpu.memory_space<semaphore_mem>>) src(%dma_wait3A_1571 : memref<16xf32, #tpu.memory_space<vmem>>) dst(%dma_wait3A_1568 : memref<16xf32, #tpu.memory_space<hbm>>)
        tpu.yield
      }) : () -> ()
      %broadcast_in_dim3A_1107 = arith.constant 0 : i32
      %broadcast_in_dim3A_1108 = vector.broadcast %broadcast_in_dim3A_1107 : i32 to vector<16xi32>
      %gather3A_1109 = tpu.vector_load_idx %arg21[%iota3A, %broadcast_in_dim3A_1108] : memref<16x256xf32, #tpu.memory_space<vmem>>[vector<16xi32>, vector<16xi32>], vector<16xf32>,
      %swap3A_1110 = arith.constant 0 : i32
      %swap3A_1111 = arith.index_cast %swap3A_1110 : i32 to index
      %swap3A_1112 = arith.constant 0 : index
      %swap3A_1113 = tpu.vector_load %arg23[%swap3A_1111, %swap3A_1112] {strides = array<i32>} : memref<64x16xf32, #tpu.memory_space<vmem>>, vector<16xf32>,
      tpu.vector_store %arg23[%swap3A_1111, %swap3A_1112], %gather3A_1109 {strides = array<i32>} : memref<64x16xf32, #tpu.memory_space<vmem>>, vector<16xf32>,
      %broadcast_in_dim3A_1114 = arith.constant 1 : i32
      %broadcast_in_dim3A_1115 = vector.broadcast %broadcast_in_dim3A_1114 : i32 to vector<16xi32>
      %gather3A_1116 = tpu.vector_load_idx %arg21[%iota3A, %broadcast_in_dim3A_1115] : memref<16x256xf32, #tpu.memory_space<vmem>>[vector<16xi32>, vector<16xi32>], vector<16xf32>,
      %swap3A_1117 = arith.constant 1 : i32
      %swap3A_1118 = arith.index_cast %swap3A_1117 : i32 to index
      %swap3A_1119 = arith.constant 0 : index
      %swap3A_1120 = tpu.vector_load %arg23[%swap3A_1118, %swap3A_1119] {strides = array<i32>} : memref<64x16xf32, #tpu.memory_space<vmem>>, vector<16xf32>,
      tpu.vector_store %arg23[%swap3A_1118, %swap3A_1119], %gather3A_1116 {strides = array<i32>} : memref<64x16xf32, #tpu.memory_space<vmem>>, vector<16xf32>,
      %broadcast_in_dim3A_1121 = arith.constant 2 : i32
      %broadcast_in_dim3A_1122 = vector.broadcast %broadcast_in_dim3A_1121 : i32 to vector<16xi32>
      %gather3A_1123 = tpu.vector_load_idx %arg21[%iota3A, %broadcast_in_dim3A_1122] : memref<16x256xf32, #tpu.memory_space<vmem>>[vector<16xi32>, vector<16xi32>], vector<16xf32>,
      %swap3A_1124 = arith.constant 2 : i32
      %swap3A_1125 = arith.index_cast %swap3A_1124 : i32 to index
      %swap3A_1126 = arith.constant 0 : index
      %swap3A_1127 = tpu.vector_load %arg23[%swap3A_1125, %swap3A_1126] {strides = array<i32>} : memref<64x16xf32, #tpu.memory_space<vmem>>, vector<16xf32>,
      tpu.vector_store %arg23[%swap3A_1125, %swap3A_1126], %gather3A_1123 {strides = array<i32>} : memref<64x16xf32, #tpu.memory_space<vmem>>, vector<16xf32>,
      %broadcast_in_dim3A_1128 = arith.constant 3 : i32
      %broadcast_in_dim3A_1129 = vector.broadcast %broadcast_in_dim3A_1128 : i32 to vector<16xi32>
      %gather3A_1130 = tpu.vector_load_idx %arg21[%iota3A, %broadcast_in_dim3A_1129] : memref<16x256xf32, #tpu.memory_space<vmem>>[vector<16xi32>, vector<16xi32>], vector<16xf32>,
      %swap3A_1131 = arith.constant 3 : i32
      %swap3A_1132 = arith.index_cast %swap3A_1131 : i32 to index
      %swap3A_1133 = arith.constant 0 : index
      %swap3A_1134 = tpu.vector_load %arg23[%swap3A_1132, %swap3A_1133] {strides = array<i32>} : memref<64x16xf32, #tpu.memory_space<vmem>>, vector<16xf32>,
      tpu.vector_store %arg23[%swap3A_1132, %swap3A_1133], %gather3A_1130 {strides = array<i32>} : memref<64x16xf32, #tpu.memory_space<vmem>>, vector<16xf32>,
      %broadcast_in_dim3A_1135 = arith.constant 4 : i32
      %broadcast_in_dim3A_1136 = vector.broadcast %broadcast_in_dim3A_1135 : i32 to vector<16xi32>
      %gather3A_1137 = tpu.vector_load_idx %arg21[%iota3A, %broadcast_in_dim3A_1136] : memref<16x256xf32, #tpu.memory_space<vmem>>[vector<16xi32>, vector<16xi32>], vector<16xf32>,
      %swap3A_1138 = arith.constant 4 : i32
      %swap3A_1139 = arith.index_cast %swap3A_1138 : i32 to index
      %swap3A_1140 = arith.constant 0 : index
      %swap3A_1141 = tpu.vector_load %arg23[%swap3A_1139, %swap3A_1140] {strides = array<i32>} : memref<64x16xf32, #tpu.memory_space<vmem>>, vector<16xf32>,
      tpu.vector_store %arg23[%swap3A_1139, %swap3A_1140], %gather3A_1137 {strides = array<i32>} : memref<64x16xf32, #tpu.memory_space<vmem>>, vector<16xf32>,
      %broadcast_in_dim3A_1142 = arith.constant 5 : i32
      %broadcast_in_dim3A_1143 = vector.broadcast %broadcast_in_dim3A_1142 : i32 to vector<16xi32>
      %gather3A_1144 = tpu.vector_load_idx %arg21[%iota3A, %broadcast_in_dim3A_1143] : memref<16x256xf32, #tpu.memory_space<vmem>>[vector<16xi32>, vector<16xi32>], vector<16xf32>,
      %swap3A_1145 = arith.constant 5 : i32
      %swap3A_1146 = arith.index_cast %swap3A_1145 : i32 to index
      %swap3A_1147 = arith.constant 0 : index
      %swap3A_1148 = tpu.vector_load %arg23[%swap3A_1146, %swap3A_1147] {strides = array<i32>} : memref<64x16xf32, #tpu.memory_space<vmem>>, vector<16xf32>,
      tpu.vector_store %arg23[%swap3A_1146, %swap3A_1147], %gather3A_1144 {strides = array<i32>} : memref<64x16xf32, #tpu.memory_space<vmem>>, vector<16xf32>,
      %broadcast_in_dim3A_1149 = arith.constant 6 : i32
      %broadcast_in_dim3A_1150 = vector.broadcast %broadcast_in_dim3A_1149 : i32 to vector<16xi32>
      %gather3A_1151 = tpu.vector_load_idx %arg21[%iota3A, %broadcast_in_dim3A_1150] : memref<16x256xf32, #tpu.memory_space<vmem>>[vector<16xi32>, vector<16xi32>], vector<16xf32>,
      %swap3A_1152 = arith.constant 6 : i32
      %swap3A_1153 = arith.index_cast %swap3A_1152 : i32 to index
      %swap3A_1154 = arith.constant 0 : index
      %swap3A_1155 = tpu.vector_load %arg23[%swap3A_1153, %swap3A_1154] {strides = array<i32>} : memref<64x16xf32, #tpu.memory_space<vmem>>, vector<16xf32>,
      tpu.vector_store %arg23[%swap3A_1153, %swap3A_1154], %gather3A_1151 {strides = array<i32>} : memref<64x16xf32, #tpu.memory_space<vmem>>, vector<16xf32>,
      %broadcast_in_dim3A_1156 = arith.constant 7 : i32
      %broadcast_in_dim3A_1157 = vector.broadcast %broadcast_in_dim3A_1156 : i32 to vector<16xi32>
      %gather3A_1158 = tpu.vector_load_idx %arg21[%iota3A, %broadcast_in_dim3A_1157] : memref<16x256xf32, #tpu.memory_space<vmem>>[vector<16xi32>, vector<16xi32>], vector<16xf32>,
      %swap3A_1159 = arith.constant 7 : i32
      %swap3A_1160 = arith.index_cast %swap3A_1159 : i32 to index
      %swap3A_1161 = arith.constant 0 : index
      %swap3A_1162 = tpu.vector_load %arg23[%swap3A_1160, %swap3A_1161] {strides = array<i32>} : memref<64x16xf32, #tpu.memory_space<vmem>>, vector<16xf32>,
      tpu.vector_store %arg23[%swap3A_1160, %swap3A_1161], %gather3A_1158 {strides = array<i32>} : memref<64x16xf32, #tpu.memory_space<vmem>>, vector<16xf32>,
      %broadcast_in_dim3A_1163 = arith.constant 8 : i32
      %broadcast_in_dim3A_1164 = vector.broadcast %broadcast_in_dim3A_1163 : i32 to vector<16xi32>
      %gather3A_1165 = tpu.vector_load_idx %arg21[%iota3A, %broadcast_in_dim3A_1164] : memref<16x256xf32, #tpu.memory_space<vmem>>[vector<16xi32>, vector<16xi32>], vector<16xf32>,
      %swap3A_1166 = arith.constant 8 : i32
      %swap3A_1167 = arith.index_cast %swap3A_1166 : i32 to index
      %swap3A_1168 = arith.constant 0 : index
      %swap3A_1169 = tpu.vector_load %arg23[%swap3A_1167, %swap3A_1168] {strides = array<i32>} : memref<64x16xf32, #tpu.memory_space<vmem>>, vector<16xf32>,
      tpu.vector_store %arg23[%swap3A_1167, %swap3A_1168], %gather3A_1165 {strides = array<i32>} : memref<64x16xf32, #tpu.memory_space<vmem>>, vector<16xf32>,
      %broadcast_in_dim3A_1170 = arith.constant 9 : i32
      %broadcast_in_dim3A_1171 = vector.broadcast %broadcast_in_dim3A_1170 : i32 to vector<16xi32>
      %gather3A_1172 = tpu.vector_load_idx %arg21[%iota3A, %broadcast_in_dim3A_1171] : memref<16x256xf32, #tpu.memory_space<vmem>>[vector<16xi32>, vector<16xi32>], vector<16xf32>,
      %swap3A_1173 = arith.constant 9 : i32
      %swap3A_1174 = arith.index_cast %swap3A_1173 : i32 to index
      %swap3A_1175 = arith.constant 0 : index
      %swap3A_1176 = tpu.vector_load %arg23[%swap3A_1174, %swap3A_1175] {strides = array<i32>} : memref<64x16xf32, #tpu.memory_space<vmem>>, vector<16xf32>,
      tpu.vector_store %arg23[%swap3A_1174, %swap3A_1175], %gather3A_1172 {strides = array<i32>} : memref<64x16xf32, #tpu.memory_space<vmem>>, vector<16xf32>,
      %broadcast_in_dim3A_1177 = arith.constant 10 : i32
      %broadcast_in_dim3A_1178 = vector.broadcast %broadcast_in_dim3A_1177 : i32 to vector<16xi32>
      %gather3A_1179 = tpu.vector_load_idx %arg21[%iota3A, %broadcast_in_dim3A_1178] : memref<16x256xf32, #tpu.memory_space<vmem>>[vector<16xi32>, vector<16xi32>], vector<16xf32>,
      %swap3A_1180 = arith.constant 10 : i32
      %swap3A_1181 = arith.index_cast %swap3A_1180 : i32 to index
      %swap3A_1182 = arith.constant 0 : index
      %swap3A_1183 = tpu.vector_load %arg23[%swap3A_1181, %swap3A_1182] {strides = array<i32>} : memref<64x16xf32, #tpu.memory_space<vmem>>, vector<16xf32>,
      tpu.vector_store %arg23[%swap3A_1181, %swap3A_1182], %gather3A_1179 {strides = array<i32>} : memref<64x16xf32, #tpu.memory_space<vmem>>, vector<16xf32>,
      %broadcast_in_dim3A_1184 = arith.constant 11 : i32
      %broadcast_in_dim3A_1185 = vector.broadcast %broadcast_in_dim3A_1184 : i32 to vector<16xi32>
      %gather3A_1186 = tpu.vector_load_idx %arg21[%iota3A, %broadcast_in_dim3A_1185] : memref<16x256xf32, #tpu.memory_space<vmem>>[vector<16xi32>, vector<16xi32>], vector<16xf32>,
      %swap3A_1187 = arith.constant 11 : i32
      %swap3A_1188 = arith.index_cast %swap3A_1187 : i32 to index
      %swap3A_1189 = arith.constant 0 : index
      %swap3A_1190 = tpu.vector_load %arg23[%swap3A_1188, %swap3A_1189] {strides = array<i32>} : memref<64x16xf32, #tpu.memory_space<vmem>>, vector<16xf32>,
      tpu.vector_store %arg23[%swap3A_1188, %swap3A_1189], %gather3A_1186 {strides = array<i32>} : memref<64x16xf32, #tpu.memory_space<vmem>>, vector<16xf32>,
      %broadcast_in_dim3A_1191 = arith.constant 12 : i32
      %broadcast_in_dim3A_1192 = vector.broadcast %broadcast_in_dim3A_1191 : i32 to vector<16xi32>
      %gather3A_1193 = tpu.vector_load_idx %arg21[%iota3A, %broadcast_in_dim3A_1192] : memref<16x256xf32, #tpu.memory_space<vmem>>[vector<16xi32>, vector<16xi32>], vector<16xf32>,
      %swap3A_1194 = arith.constant 12 : i32
      %swap3A_1195 = arith.index_cast %swap3A_1194 : i32 to index
      %swap3A_1196 = arith.constant 0 : index
      %swap3A_1197 = tpu.vector_load %arg23[%swap3A_1195, %swap3A_1196] {strides = array<i32>} : memref<64x16xf32, #tpu.memory_space<vmem>>, vector<16xf32>,
      tpu.vector_store %arg23[%swap3A_1195, %swap3A_1196], %gather3A_1193 {strides = array<i32>} : memref<64x16xf32, #tpu.memory_space<vmem>>, vector<16xf32>,
      %broadcast_in_dim3A_1198 = arith.constant 13 : i32
      %broadcast_in_dim3A_1199 = vector.broadcast %broadcast_in_dim3A_1198 : i32 to vector<16xi32>
      %gather3A_1200 = tpu.vector_load_idx %arg21[%iota3A, %broadcast_in_dim3A_1199] : memref<16x256xf32, #tpu.memory_space<vmem>>[vector<16xi32>, vector<16xi32>], vector<16xf32>,
      %swap3A_1201 = arith.constant 13 : i32
      %swap3A_1202 = arith.index_cast %swap3A_1201 : i32 to index
      %swap3A_1203 = arith.constant 0 : index
      %swap3A_1204 = tpu.vector_load %arg23[%swap3A_1202, %swap3A_1203] {strides = array<i32>} : memref<64x16xf32, #tpu.memory_space<vmem>>, vector<16xf32>,
      tpu.vector_store %arg23[%swap3A_1202, %swap3A_1203], %gather3A_1200 {strides = array<i32>} : memref<64x16xf32, #tpu.memory_space<vmem>>, vector<16xf32>,
      %broadcast_in_dim3A_1205 = arith.constant 14 : i32
      %broadcast_in_dim3A_1206 = vector.broadcast %broadcast_in_dim3A_1205 : i32 to vector<16xi32>
      %gather3A_1207 = tpu.vector_load_idx %arg21[%iota3A, %broadcast_in_dim3A_1206] : memref<16x256xf32, #tpu.memory_space<vmem>>[vector<16xi32>, vector<16xi32>], vector<16xf32>,
      %swap3A_1208 = arith.constant 14 : i32
      %swap3A_1209 = arith.index_cast %swap3A_1208 : i32 to index
      %swap3A_1210 = arith.constant 0 : index
      %swap3A_1211 = tpu.vector_load %arg23[%swap3A_1209, %swap3A_1210] {strides = array<i32>} : memref<64x16xf32, #tpu.memory_space<vmem>>, vector<16xf32>,
      tpu.vector_store %arg23[%swap3A_1209, %swap3A_1210], %gather3A_1207 {strides = array<i32>} : memref<64x16xf32, #tpu.memory_space<vmem>>, vector<16xf32>,
      %broadcast_in_dim3A_1212 = arith.constant 15 : i32
      %broadcast_in_dim3A_1213 = vector.broadcast %broadcast_in_dim3A_1212 : i32 to vector<16xi32>
      %gather3A_1214 = tpu.vector_load_idx %arg21[%iota3A, %broadcast_in_dim3A_1213] : memref<16x256xf32, #tpu.memory_space<vmem>>[vector<16xi32>, vector<16xi32>], vector<16xf32>,
      %swap3A_1215 = arith.constant 15 : i32
      %swap3A_1216 = arith.index_cast %swap3A_1215 : i32 to index
      %swap3A_1217 = arith.constant 0 : index
      %swap3A_1218 = tpu.vector_load %arg23[%swap3A_1216, %swap3A_1217] {strides = array<i32>} : memref<64x16xf32, #tpu.memory_space<vmem>>, vector<16xf32>,
      tpu.vector_store %arg23[%swap3A_1216, %swap3A_1217], %gather3A_1214 {strides = array<i32>} : memref<64x16xf32, #tpu.memory_space<vmem>>, vector<16xf32>,
      %broadcast_in_dim3A_1219 = arith.constant 16 : i32
      %broadcast_in_dim3A_1220 = vector.broadcast %broadcast_in_dim3A_1219 : i32 to vector<16xi32>
      %gather3A_1221 = tpu.vector_load_idx %arg21[%iota3A, %broadcast_in_dim3A_1220] : memref<16x256xf32, #tpu.memory_space<vmem>>[vector<16xi32>, vector<16xi32>], vector<16xf32>,
      %swap3A_1222 = arith.constant 16 : i32
      %swap3A_1223 = arith.index_cast %swap3A_1222 : i32 to index
      %swap3A_1224 = arith.constant 0 : index
      %swap3A_1225 = tpu.vector_load %arg23[%swap3A_1223, %swap3A_1224] {strides = array<i32>} : memref<64x16xf32, #tpu.memory_space<vmem>>, vector<16xf32>,
      tpu.vector_store %arg23[%swap3A_1223, %swap3A_1224], %gather3A_1221 {strides = array<i32>} : memref<64x16xf32, #tpu.memory_space<vmem>>, vector<16xf32>,
      %broadcast_in_dim3A_1226 = arith.constant 17 : i32
      %broadcast_in_dim3A_1227 = vector.broadcast %broadcast_in_dim3A_1226 : i32 to vector<16xi32>
      %gather3A_1228 = tpu.vector_load_idx %arg21[%iota3A, %broadcast_in_dim3A_1227] : memref<16x256xf32, #tpu.memory_space<vmem>>[vector<16xi32>, vector<16xi32>], vector<16xf32>,
      %swap3A_1229 = arith.constant 17 : i32
      %swap3A_1230 = arith.index_cast %swap3A_1229 : i32 to index
      %swap3A_1231 = arith.constant 0 : index
      %swap3A_1232 = tpu.vector_load %arg23[%swap3A_1230, %swap3A_1231] {strides = array<i32>} : memref<64x16xf32, #tpu.memory_space<vmem>>, vector<16xf32>,
      tpu.vector_store %arg23[%swap3A_1230, %swap3A_1231], %gather3A_1228 {strides = array<i32>} : memref<64x16xf32, #tpu.memory_space<vmem>>, vector<16xf32>,
      %broadcast_in_dim3A_1233 = arith.constant 18 : i32
      %broadcast_in_dim3A_1234 = vector.broadcast %broadcast_in_dim3A_1233 : i32 to vector<16xi32>
      %gather3A_1235 = tpu.vector_load_idx %arg21[%iota3A, %broadcast_in_dim3A_1234] : memref<16x256xf32, #tpu.memory_space<vmem>>[vector<16xi32>, vector<16xi32>], vector<16xf32>,
      %swap3A_1236 = arith.constant 18 : i32
      %swap3A_1237 = arith.index_cast %swap3A_1236 : i32 to index
      %swap3A_1238 = arith.constant 0 : index
      %swap3A_1239 = tpu.vector_load %arg23[%swap3A_1237, %swap3A_1238] {strides = array<i32>} : memref<64x16xf32, #tpu.memory_space<vmem>>, vector<16xf32>,
      tpu.vector_store %arg23[%swap3A_1237, %swap3A_1238], %gather3A_1235 {strides = array<i32>} : memref<64x16xf32, #tpu.memory_space<vmem>>, vector<16xf32>,
      %broadcast_in_dim3A_1240 = arith.constant 19 : i32
      %broadcast_in_dim3A_1241 = vector.broadcast %broadcast_in_dim3A_1240 : i32 to vector<16xi32>
      %gather3A_1242 = tpu.vector_load_idx %arg21[%iota3A, %broadcast_in_dim3A_1241] : memref<16x256xf32, #tpu.memory_space<vmem>>[vector<16xi32>, vector<16xi32>], vector<16xf32>,
      %swap3A_1243 = arith.constant 19 : i32
      %swap3A_1244 = arith.index_cast %swap3A_1243 : i32 to index
      %swap3A_1245 = arith.constant 0 : index
      %swap3A_1246 = tpu.vector_load %arg23[%swap3A_1244, %swap3A_1245] {strides = array<i32>} : memref<64x16xf32, #tpu.memory_space<vmem>>, vector<16xf32>,
      tpu.vector_store %arg23[%swap3A_1244, %swap3A_1245], %gather3A_1242 {strides = array<i32>} : memref<64x16xf32, #tpu.memory_space<vmem>>, vector<16xf32>,
      %broadcast_in_dim3A_1247 = arith.constant 20 : i32
      %broadcast_in_dim3A_1248 = vector.broadcast %broadcast_in_dim3A_1247 : i32 to vector<16xi32>
      %gather3A_1249 = tpu.vector_load_idx %arg21[%iota3A, %broadcast_in_dim3A_1248] : memref<16x256xf32, #tpu.memory_space<vmem>>[vector<16xi32>, vector<16xi32>], vector<16xf32>,
      %swap3A_1250 = arith.constant 20 : i32
      %swap3A_1251 = arith.index_cast %swap3A_1250 : i32 to index
      %swap3A_1252 = arith.constant 0 : index
      %swap3A_1253 = tpu.vector_load %arg23[%swap3A_1251, %swap3A_1252] {strides = array<i32>} : memref<64x16xf32, #tpu.memory_space<vmem>>, vector<16xf32>,
      tpu.vector_store %arg23[%swap3A_1251, %swap3A_1252], %gather3A_1249 {strides = array<i32>} : memref<64x16xf32, #tpu.memory_space<vmem>>, vector<16xf32>,
      %broadcast_in_dim3A_1254 = arith.constant 21 : i32
      %broadcast_in_dim3A_1255 = vector.broadcast %broadcast_in_dim3A_1254 : i32 to vector<16xi32>
      %gather3A_1256 = tpu.vector_load_idx %arg21[%iota3A, %broadcast_in_dim3A_1255] : memref<16x256xf32, #tpu.memory_space<vmem>>[vector<16xi32>, vector<16xi32>], vector<16xf32>,
      %swap3A_1257 = arith.constant 21 : i32
      %swap3A_1258 = arith.index_cast %swap3A_1257 : i32 to index
      %swap3A_1259 = arith.constant 0 : index
      %swap3A_1260 = tpu.vector_load %arg23[%swap3A_1258, %swap3A_1259] {strides = array<i32>} : memref<64x16xf32, #tpu.memory_space<vmem>>, vector<16xf32>,
      tpu.vector_store %arg23[%swap3A_1258, %swap3A_1259], %gather3A_1256 {strides = array<i32>} : memref<64x16xf32, #tpu.memory_space<vmem>>, vector<16xf32>,
      %broadcast_in_dim3A_1261 = arith.constant 22 : i32
      %broadcast_in_dim3A_1262 = vector.broadcast %broadcast_in_dim3A_1261 : i32 to vector<16xi32>
      %gather3A_1263 = tpu.vector_load_idx %arg21[%iota3A, %broadcast_in_dim3A_1262] : memref<16x256xf32, #tpu.memory_space<vmem>>[vector<16xi32>, vector<16xi32>], vector<16xf32>,
      %swap3A_1264 = arith.constant 22 : i32
      %swap3A_1265 = arith.index_cast %swap3A_1264 : i32 to index
      %swap3A_1266 = arith.constant 0 : index
      %swap3A_1267 = tpu.vector_load %arg23[%swap3A_1265, %swap3A_1266] {strides = array<i32>} : memref<64x16xf32, #tpu.memory_space<vmem>>, vector<16xf32>,
      tpu.vector_store %arg23[%swap3A_1265, %swap3A_1266], %gather3A_1263 {strides = array<i32>} : memref<64x16xf32, #tpu.memory_space<vmem>>, vector<16xf32>,
      %broadcast_in_dim3A_1268 = arith.constant 23 : i32
      %broadcast_in_dim3A_1269 = vector.broadcast %broadcast_in_dim3A_1268 : i32 to vector<16xi32>
      %gather3A_1270 = tpu.vector_load_idx %arg21[%iota3A, %broadcast_in_dim3A_1269] : memref<16x256xf32, #tpu.memory_space<vmem>>[vector<16xi32>, vector<16xi32>], vector<16xf32>,
      %swap3A_1271 = arith.constant 23 : i32
      %swap3A_1272 = arith.index_cast %swap3A_1271 : i32 to index
      %swap3A_1273 = arith.constant 0 : index
      %swap3A_1274 = tpu.vector_load %arg23[%swap3A_1272, %swap3A_1273] {strides = array<i32>} : memref<64x16xf32, #tpu.memory_space<vmem>>, vector<16xf32>,
      tpu.vector_store %arg23[%swap3A_1272, %swap3A_1273], %gather3A_1270 {strides = array<i32>} : memref<64x16xf32, #tpu.memory_space<vmem>>, vector<16xf32>,
      %broadcast_in_dim3A_1275 = arith.constant 24 : i32
      %broadcast_in_dim3A_1276 = vector.broadcast %broadcast_in_dim3A_1275 : i32 to vector<16xi32>
      %gather3A_1277 = tpu.vector_load_idx %arg21[%iota3A, %broadcast_in_dim3A_1276] : memref<16x256xf32, #tpu.memory_space<vmem>>[vector<16xi32>, vector<16xi32>], vector<16xf32>,
      %swap3A_1278 = arith.constant 24 : i32
      %swap3A_1279 = arith.index_cast %swap3A_1278 : i32 to index
      %swap3A_1280 = arith.constant 0 : index
      %swap3A_1281 = tpu.vector_load %arg23[%swap3A_1279, %swap3A_1280] {strides = array<i32>} : memref<64x16xf32, #tpu.memory_space<vmem>>, vector<16xf32>,
      tpu.vector_store %arg23[%swap3A_1279, %swap3A_1280], %gather3A_1277 {strides = array<i32>} : memref<64x16xf32, #tpu.memory_space<vmem>>, vector<16xf32>,
      %broadcast_in_dim3A_1282 = arith.constant 25 : i32
      %broadcast_in_dim3A_1283 = vector.broadcast %broadcast_in_dim3A_1282 : i32 to vector<16xi32>
      %gather3A_1284 = tpu.vector_load_idx %arg21[%iota3A, %broadcast_in_dim3A_1283] : memref<16x256xf32, #tpu.memory_space<vmem>>[vector<16xi32>, vector<16xi32>], vector<16xf32>,
      %swap3A_1285 = arith.constant 25 : i32
      %swap3A_1286 = arith.index_cast %swap3A_1285 : i32 to index
      %swap3A_1287 = arith.constant 0 : index
      %swap3A_1288 = tpu.vector_load %arg23[%swap3A_1286, %swap3A_1287] {strides = array<i32>} : memref<64x16xf32, #tpu.memory_space<vmem>>, vector<16xf32>,
      tpu.vector_store %arg23[%swap3A_1286, %swap3A_1287], %gather3A_1284 {strides = array<i32>} : memref<64x16xf32, #tpu.memory_space<vmem>>, vector<16xf32>,
      %broadcast_in_dim3A_1289 = arith.constant 26 : i32
      %broadcast_in_dim3A_1290 = vector.broadcast %broadcast_in_dim3A_1289 : i32 to vector<16xi32>
      %gather3A_1291 = tpu.vector_load_idx %arg21[%iota3A, %broadcast_in_dim3A_1290] : memref<16x256xf32, #tpu.memory_space<vmem>>[vector<16xi32>, vector<16xi32>], vector<16xf32>,
      %swap3A_1292 = arith.constant 26 : i32
      %swap3A_1293 = arith.index_cast %swap3A_1292 : i32 to index
      %swap3A_1294 = arith.constant 0 : index
      %swap3A_1295 = tpu.vector_load %arg23[%swap3A_1293, %swap3A_1294] {strides = array<i32>} : memref<64x16xf32, #tpu.memory_space<vmem>>, vector<16xf32>,
      tpu.vector_store %arg23[%swap3A_1293, %swap3A_1294], %gather3A_1291 {strides = array<i32>} : memref<64x16xf32, #tpu.memory_space<vmem>>, vector<16xf32>,
      %broadcast_in_dim3A_1296 = arith.constant 27 : i32
      %broadcast_in_dim3A_1297 = vector.broadcast %broadcast_in_dim3A_1296 : i32 to vector<16xi32>
      %gather3A_1298 = tpu.vector_load_idx %arg21[%iota3A, %broadcast_in_dim3A_1297] : memref<16x256xf32, #tpu.memory_space<vmem>>[vector<16xi32>, vector<16xi32>], vector<16xf32>,
      %swap3A_1299 = arith.constant 27 : i32
      %swap3A_1300 = arith.index_cast %swap3A_1299 : i32 to index
      %swap3A_1301 = arith.constant 0 : index
      %swap3A_1302 = tpu.vector_load %arg23[%swap3A_1300, %swap3A_1301] {strides = array<i32>} : memref<64x16xf32, #tpu.memory_space<vmem>>, vector<16xf32>,
      tpu.vector_store %arg23[%swap3A_1300, %swap3A_1301], %gather3A_1298 {strides = array<i32>} : memref<64x16xf32, #tpu.memory_space<vmem>>, vector<16xf32>,
      %broadcast_in_dim3A_1303 = arith.constant 28 : i32
      %broadcast_in_dim3A_1304 = vector.broadcast %broadcast_in_dim3A_1303 : i32 to vector<16xi32>
      %gather3A_1305 = tpu.vector_load_idx %arg21[%iota3A, %broadcast_in_dim3A_1304] : memref<16x256xf32, #tpu.memory_space<vmem>>[vector<16xi32>, vector<16xi32>], vector<16xf32>,
      %swap3A_1306 = arith.constant 28 : i32
      %swap3A_1307 = arith.index_cast %swap3A_1306 : i32 to index
      %swap3A_1308 = arith.constant 0 : index
      %swap3A_1309 = tpu.vector_load %arg23[%swap3A_1307, %swap3A_1308] {strides = array<i32>} : memref<64x16xf32, #tpu.memory_space<vmem>>, vector<16xf32>,
      tpu.vector_store %arg23[%swap3A_1307, %swap3A_1308], %gather3A_1305 {strides = array<i32>} : memref<64x16xf32, #tpu.memory_space<vmem>>, vector<16xf32>,
      %broadcast_in_dim3A_1310 = arith.constant 29 : i32
      %broadcast_in_dim3A_1311 = vector.broadcast %broadcast_in_dim3A_1310 : i32 to vector<16xi32>
      %gather3A_1312 = tpu.vector_load_idx %arg21[%iota3A, %broadcast_in_dim3A_1311] : memref<16x256xf32, #tpu.memory_space<vmem>>[vector<16xi32>, vector<16xi32>], vector<16xf32>,
      %swap3A_1313 = arith.constant 29 : i32
      %swap3A_1314 = arith.index_cast %swap3A_1313 : i32 to index
      %swap3A_1315 = arith.constant 0 : index
      %swap3A_1316 = tpu.vector_load %arg23[%swap3A_1314, %swap3A_1315] {strides = array<i32>} : memref<64x16xf32, #tpu.memory_space<vmem>>, vector<16xf32>,
      tpu.vector_store %arg23[%swap3A_1314, %swap3A_1315], %gather3A_1312 {strides = array<i32>} : memref<64x16xf32, #tpu.memory_space<vmem>>, vector<16xf32>,
      %broadcast_in_dim3A_1317 = arith.constant 30 : i32
      %broadcast_in_dim3A_1318 = vector.broadcast %broadcast_in_dim3A_1317 : i32 to vector<16xi32>
      %gather3A_1319 = tpu.vector_load_idx %arg21[%iota3A, %broadcast_in_dim3A_1318] : memref<16x256xf32, #tpu.memory_space<vmem>>[vector<16xi32>, vector<16xi32>], vector<16xf32>,
      %swap3A_1320 = arith.constant 30 : i32
      %swap3A_1321 = arith.index_cast %swap3A_1320 : i32 to index
      %swap3A_1322 = arith.constant 0 : index
      %swap3A_1323 = tpu.vector_load %arg23[%swap3A_1321, %swap3A_1322] {strides = array<i32>} : memref<64x16xf32, #tpu.memory_space<vmem>>, vector<16xf32>,
      tpu.vector_store %arg23[%swap3A_1321, %swap3A_1322], %gather3A_1319 {strides = array<i32>} : memref<64x16xf32, #tpu.memory_space<vmem>>, vector<16xf32>,
      %broadcast_in_dim3A_1324 = arith.constant 31 : i32
      %broadcast_in_dim3A_1325 = vector.broadcast %broadcast_in_dim3A_1324 : i32 to vector<16xi32>
      %gather3A_1326 = tpu.vector_load_idx %arg21[%iota3A, %broadcast_in_dim3A_1325] : memref<16x256xf32, #tpu.memory_space<vmem>>[vector<16xi32>, vector<16xi32>], vector<16xf32>,
      %swap3A_1327 = arith.constant 31 : i32
      %swap3A_1328 = arith.index_cast %swap3A_1327 : i32 to index
      %swap3A_1329 = arith.constant 0 : index
      %swap3A_1330 = tpu.vector_load %arg23[%swap3A_1328, %swap3A_1329] {strides = array<i32>} : memref<64x16xf32, #tpu.memory_space<vmem>>, vector<16xf32>,
      tpu.vector_store %arg23[%swap3A_1328, %swap3A_1329], %gather3A_1326 {strides = array<i32>} : memref<64x16xf32, #tpu.memory_space<vmem>>, vector<16xf32>,
      %broadcast_in_dim3A_1331 = arith.constant 32 : i32
      %broadcast_in_dim3A_1332 = vector.broadcast %broadcast_in_dim3A_1331 : i32 to vector<16xi32>
      %gather3A_1333 = tpu.vector_load_idx %arg21[%iota3A, %broadcast_in_dim3A_1332] : memref<16x256xf32, #tpu.memory_space<vmem>>[vector<16xi32>, vector<16xi32>], vector<16xf32>,
      %swap3A_1334 = arith.constant 32 : i32
      %swap3A_1335 = arith.index_cast %swap3A_1334 : i32 to index
      %swap3A_1336 = arith.constant 0 : index
      %swap3A_1337 = tpu.vector_load %arg23[%swap3A_1335, %swap3A_1336] {strides = array<i32>} : memref<64x16xf32, #tpu.memory_space<vmem>>, vector<16xf32>,
      tpu.vector_store %arg23[%swap3A_1335, %swap3A_1336], %gather3A_1333 {strides = array<i32>} : memref<64x16xf32, #tpu.memory_space<vmem>>, vector<16xf32>,
      %broadcast_in_dim3A_1338 = arith.constant 33 : i32
      %broadcast_in_dim3A_1339 = vector.broadcast %broadcast_in_dim3A_1338 : i32 to vector<16xi32>
      %gather3A_1340 = tpu.vector_load_idx %arg21[%iota3A, %broadcast_in_dim3A_1339] : memref<16x256xf32, #tpu.memory_space<vmem>>[vector<16xi32>, vector<16xi32>], vector<16xf32>,
      %swap3A_1341 = arith.constant 33 : i32
      %swap3A_1342 = arith.index_cast %swap3A_1341 : i32 to index
      %swap3A_1343 = arith.constant 0 : index
      %swap3A_1344 = tpu.vector_load %arg23[%swap3A_1342, %swap3A_1343] {strides = array<i32>} : memref<64x16xf32, #tpu.memory_space<vmem>>, vector<16xf32>,
      tpu.vector_store %arg23[%swap3A_1342, %swap3A_1343], %gather3A_1340 {strides = array<i32>} : memref<64x16xf32, #tpu.memory_space<vmem>>, vector<16xf32>,
      %broadcast_in_dim3A_1345 = arith.constant 34 : i32
      %broadcast_in_dim3A_1346 = vector.broadcast %broadcast_in_dim3A_1345 : i32 to vector<16xi32>
      %gather3A_1347 = tpu.vector_load_idx %arg21[%iota3A, %broadcast_in_dim3A_1346] : memref<16x256xf32, #tpu.memory_space<vmem>>[vector<16xi32>, vector<16xi32>], vector<16xf32>,
      %swap3A_1348 = arith.constant 34 : i32
      %swap3A_1349 = arith.index_cast %swap3A_1348 : i32 to index
      %swap3A_1350 = arith.constant 0 : index
      %swap3A_1351 = tpu.vector_load %arg23[%swap3A_1349, %swap3A_1350] {strides = array<i32>} : memref<64x16xf32, #tpu.memory_space<vmem>>, vector<16xf32>,
      tpu.vector_store %arg23[%swap3A_1349, %swap3A_1350], %gather3A_1347 {strides = array<i32>} : memref<64x16xf32, #tpu.memory_space<vmem>>, vector<16xf32>,
      %broadcast_in_dim3A_1352 = arith.constant 35 : i32
      %broadcast_in_dim3A_1353 = vector.broadcast %broadcast_in_dim3A_1352 : i32 to vector<16xi32>
      %gather3A_1354 = tpu.vector_load_idx %arg21[%iota3A, %broadcast_in_dim3A_1353] : memref<16x256xf32, #tpu.memory_space<vmem>>[vector<16xi32>, vector<16xi32>], vector<16xf32>,
      %swap3A_1355 = arith.constant 35 : i32
      %swap3A_1356 = arith.index_cast %swap3A_1355 : i32 to index
      %swap3A_1357 = arith.constant 0 : index
      %swap3A_1358 = tpu.vector_load %arg23[%swap3A_1356, %swap3A_1357] {strides = array<i32>} : memref<64x16xf32, #tpu.memory_space<vmem>>, vector<16xf32>,
      tpu.vector_store %arg23[%swap3A_1356, %swap3A_1357], %gather3A_1354 {strides = array<i32>} : memref<64x16xf32, #tpu.memory_space<vmem>>, vector<16xf32>,
      %broadcast_in_dim3A_1359 = arith.constant 36 : i32
      %broadcast_in_dim3A_1360 = vector.broadcast %broadcast_in_dim3A_1359 : i32 to vector<16xi32>
      %gather3A_1361 = tpu.vector_load_idx %arg21[%iota3A, %broadcast_in_dim3A_1360] : memref<16x256xf32, #tpu.memory_space<vmem>>[vector<16xi32>, vector<16xi32>], vector<16xf32>,
      %swap3A_1362 = arith.constant 36 : i32
      %swap3A_1363 = arith.index_cast %swap3A_1362 : i32 to index
      %swap3A_1364 = arith.constant 0 : index
      %swap3A_1365 = tpu.vector_load %arg23[%swap3A_1363, %swap3A_1364] {strides = array<i32>} : memref<64x16xf32, #tpu.memory_space<vmem>>, vector<16xf32>,
      tpu.vector_store %arg23[%swap3A_1363, %swap3A_1364], %gather3A_1361 {strides = array<i32>} : memref<64x16xf32, #tpu.memory_space<vmem>>, vector<16xf32>,
      %broadcast_in_dim3A_1366 = arith.constant 37 : i32
      %broadcast_in_dim3A_1367 = vector.broadcast %broadcast_in_dim3A_1366 : i32 to vector<16xi32>
      %gather3A_1368 = tpu.vector_load_idx %arg21[%iota3A, %broadcast_in_dim3A_1367] : memref<16x256xf32, #tpu.memory_space<vmem>>[vector<16xi32>, vector<16xi32>], vector<16xf32>,
      %swap3A_1369 = arith.constant 37 : i32
      %swap3A_1370 = arith.index_cast %swap3A_1369 : i32 to index
      %swap3A_1371 = arith.constant 0 : index
      %swap3A_1372 = tpu.vector_load %arg23[%swap3A_1370, %swap3A_1371] {strides = array<i32>} : memref<64x16xf32, #tpu.memory_space<vmem>>, vector<16xf32>,
      tpu.vector_store %arg23[%swap3A_1370, %swap3A_1371], %gather3A_1368 {strides = array<i32>} : memref<64x16xf32, #tpu.memory_space<vmem>>, vector<16xf32>,
      %broadcast_in_dim3A_1373 = arith.constant 38 : i32
      %broadcast_in_dim3A_1374 = vector.broadcast %broadcast_in_dim3A_1373 : i32 to vector<16xi32>
      %gather3A_1375 = tpu.vector_load_idx %arg21[%iota3A, %broadcast_in_dim3A_1374] : memref<16x256xf32, #tpu.memory_space<vmem>>[vector<16xi32>, vector<16xi32>], vector<16xf32>,
      %swap3A_1376 = arith.constant 38 : i32
      %swap3A_1377 = arith.index_cast %swap3A_1376 : i32 to index
      %swap3A_1378 = arith.constant 0 : index
      %swap3A_1379 = tpu.vector_load %arg23[%swap3A_1377, %swap3A_1378] {strides = array<i32>} : memref<64x16xf32, #tpu.memory_space<vmem>>, vector<16xf32>,
      tpu.vector_store %arg23[%swap3A_1377, %swap3A_1378], %gather3A_1375 {strides = array<i32>} : memref<64x16xf32, #tpu.memory_space<vmem>>, vector<16xf32>,
      %broadcast_in_dim3A_1380 = arith.constant 39 : i32
      %broadcast_in_dim3A_1381 = vector.broadcast %broadcast_in_dim3A_1380 : i32 to vector<16xi32>
      %gather3A_1382 = tpu.vector_load_idx %arg21[%iota3A, %broadcast_in_dim3A_1381] : memref<16x256xf32, #tpu.memory_space<vmem>>[vector<16xi32>, vector<16xi32>], vector<16xf32>,
      %swap3A_1383 = arith.constant 39 : i32
      %swap3A_1384 = arith.index_cast %swap3A_1383 : i32 to index
      %swap3A_1385 = arith.constant 0 : index
      %swap3A_1386 = tpu.vector_load %arg23[%swap3A_1384, %swap3A_1385] {strides = array<i32>} : memref<64x16xf32, #tpu.memory_space<vmem>>, vector<16xf32>,
      tpu.vector_store %arg23[%swap3A_1384, %swap3A_1385], %gather3A_1382 {strides = array<i32>} : memref<64x16xf32, #tpu.memory_space<vmem>>, vector<16xf32>,
      %broadcast_in_dim3A_1387 = arith.constant 40 : i32
      %broadcast_in_dim3A_1388 = vector.broadcast %broadcast_in_dim3A_1387 : i32 to vector<16xi32>
      %gather3A_1389 = tpu.vector_load_idx %arg21[%iota3A, %broadcast_in_dim3A_1388] : memref<16x256xf32, #tpu.memory_space<vmem>>[vector<16xi32>, vector<16xi32>], vector<16xf32>,
      %swap3A_1390 = arith.constant 40 : i32
      %swap3A_1391 = arith.index_cast %swap3A_1390 : i32 to index
      %swap3A_1392 = arith.constant 0 : index
      %swap3A_1393 = tpu.vector_load %arg23[%swap3A_1391, %swap3A_1392] {strides = array<i32>} : memref<64x16xf32, #tpu.memory_space<vmem>>, vector<16xf32>,
      tpu.vector_store %arg23[%swap3A_1391, %swap3A_1392], %gather3A_1389 {strides = array<i32>} : memref<64x16xf32, #tpu.memory_space<vmem>>, vector<16xf32>,
      %broadcast_in_dim3A_1394 = arith.constant 41 : i32
      %broadcast_in_dim3A_1395 = vector.broadcast %broadcast_in_dim3A_1394 : i32 to vector<16xi32>
      %gather3A_1396 = tpu.vector_load_idx %arg21[%iota3A, %broadcast_in_dim3A_1395] : memref<16x256xf32, #tpu.memory_space<vmem>>[vector<16xi32>, vector<16xi32>], vector<16xf32>,
      %swap3A_1397 = arith.constant 41 : i32
      %swap3A_1398 = arith.index_cast %swap3A_1397 : i32 to index
      %swap3A_1399 = arith.constant 0 : index
      %swap3A_1400 = tpu.vector_load %arg23[%swap3A_1398, %swap3A_1399] {strides = array<i32>} : memref<64x16xf32, #tpu.memory_space<vmem>>, vector<16xf32>,
      tpu.vector_store %arg23[%swap3A_1398, %swap3A_1399], %gather3A_1396 {strides = array<i32>} : memref<64x16xf32, #tpu.memory_space<vmem>>, vector<16xf32>,
      %broadcast_in_dim3A_1401 = arith.constant 42 : i32
      %broadcast_in_dim3A_1402 = vector.broadcast %broadcast_in_dim3A_1401 : i32 to vector<16xi32>
      %gather3A_1403 = tpu.vector_load_idx %arg21[%iota3A, %broadcast_in_dim3A_1402] : memref<16x256xf32, #tpu.memory_space<vmem>>[vector<16xi32>, vector<16xi32>], vector<16xf32>,
      %swap3A_1404 = arith.constant 42 : i32
      %swap3A_1405 = arith.index_cast %swap3A_1404 : i32 to index
      %swap3A_1406 = arith.constant 0 : index
      %swap3A_1407 = tpu.vector_load %arg23[%swap3A_1405, %swap3A_1406] {strides = array<i32>} : memref<64x16xf32, #tpu.memory_space<vmem>>, vector<16xf32>,
      tpu.vector_store %arg23[%swap3A_1405, %swap3A_1406], %gather3A_1403 {strides = array<i32>} : memref<64x16xf32, #tpu.memory_space<vmem>>, vector<16xf32>,
      %broadcast_in_dim3A_1408 = arith.constant 43 : i32
      %broadcast_in_dim3A_1409 = vector.broadcast %broadcast_in_dim3A_1408 : i32 to vector<16xi32>
      %gather3A_1410 = tpu.vector_load_idx %arg21[%iota3A, %broadcast_in_dim3A_1409] : memref<16x256xf32, #tpu.memory_space<vmem>>[vector<16xi32>, vector<16xi32>], vector<16xf32>,
      %swap3A_1411 = arith.constant 43 : i32
      %swap3A_1412 = arith.index_cast %swap3A_1411 : i32 to index
      %swap3A_1413 = arith.constant 0 : index
      %swap3A_1414 = tpu.vector_load %arg23[%swap3A_1412, %swap3A_1413] {strides = array<i32>} : memref<64x16xf32, #tpu.memory_space<vmem>>, vector<16xf32>,
      tpu.vector_store %arg23[%swap3A_1412, %swap3A_1413], %gather3A_1410 {strides = array<i32>} : memref<64x16xf32, #tpu.memory_space<vmem>>, vector<16xf32>,
      %broadcast_in_dim3A_1415 = arith.constant 44 : i32
      %broadcast_in_dim3A_1416 = vector.broadcast %broadcast_in_dim3A_1415 : i32 to vector<16xi32>
      %gather3A_1417 = tpu.vector_load_idx %arg21[%iota3A, %broadcast_in_dim3A_1416] : memref<16x256xf32, #tpu.memory_space<vmem>>[vector<16xi32>, vector<16xi32>], vector<16xf32>,
      %swap3A_1418 = arith.constant 44 : i32
      %swap3A_1419 = arith.index_cast %swap3A_1418 : i32 to index
      %swap3A_1420 = arith.constant 0 : index
      %swap3A_1421 = tpu.vector_load %arg23[%swap3A_1419, %swap3A_1420] {strides = array<i32>} : memref<64x16xf32, #tpu.memory_space<vmem>>, vector<16xf32>,
      tpu.vector_store %arg23[%swap3A_1419, %swap3A_1420], %gather3A_1417 {strides = array<i32>} : memref<64x16xf32, #tpu.memory_space<vmem>>, vector<16xf32>,
      %broadcast_in_dim3A_1422 = arith.constant 45 : i32
      %broadcast_in_dim3A_1423 = vector.broadcast %broadcast_in_dim3A_1422 : i32 to vector<16xi32>
      %gather3A_1424 = tpu.vector_load_idx %arg21[%iota3A, %broadcast_in_dim3A_1423] : memref<16x256xf32, #tpu.memory_space<vmem>>[vector<16xi32>, vector<16xi32>], vector<16xf32>,
      %swap3A_1425 = arith.constant 45 : i32
      %swap3A_1426 = arith.index_cast %swap3A_1425 : i32 to index
      %swap3A_1427 = arith.constant 0 : index
      %swap3A_1428 = tpu.vector_load %arg23[%swap3A_1426, %swap3A_1427] {strides = array<i32>} : memref<64x16xf32, #tpu.memory_space<vmem>>, vector<16xf32>,
      tpu.vector_store %arg23[%swap3A_1426, %swap3A_1427], %gather3A_1424 {strides = array<i32>} : memref<64x16xf32, #tpu.memory_space<vmem>>, vector<16xf32>,
      %broadcast_in_dim3A_1429 = arith.constant 46 : i32
      %broadcast_in_dim3A_1430 = vector.broadcast %broadcast_in_dim3A_1429 : i32 to vector<16xi32>
      %gather3A_1431 = tpu.vector_load_idx %arg21[%iota3A, %broadcast_in_dim3A_1430] : memref<16x256xf32, #tpu.memory_space<vmem>>[vector<16xi32>, vector<16xi32>], vector<16xf32>,
      %swap3A_1432 = arith.constant 46 : i32
      %swap3A_1433 = arith.index_cast %swap3A_1432 : i32 to index
      %swap3A_1434 = arith.constant 0 : index
      %swap3A_1435 = tpu.vector_load %arg23[%swap3A_1433, %swap3A_1434] {strides = array<i32>} : memref<64x16xf32, #tpu.memory_space<vmem>>, vector<16xf32>,
      tpu.vector_store %arg23[%swap3A_1433, %swap3A_1434], %gather3A_1431 {strides = array<i32>} : memref<64x16xf32, #tpu.memory_space<vmem>>, vector<16xf32>,
      %broadcast_in_dim3A_1436 = arith.constant 47 : i32
      %broadcast_in_dim3A_1437 = vector.broadcast %broadcast_in_dim3A_1436 : i32 to vector<16xi32>
      %gather3A_1438 = tpu.vector_load_idx %arg21[%iota3A, %broadcast_in_dim3A_1437] : memref<16x256xf32, #tpu.memory_space<vmem>>[vector<16xi32>, vector<16xi32>], vector<16xf32>,
      %swap3A_1439 = arith.constant 47 : i32
      %swap3A_1440 = arith.index_cast %swap3A_1439 : i32 to index
      %swap3A_1441 = arith.constant 0 : index
      %swap3A_1442 = tpu.vector_load %arg23[%swap3A_1440, %swap3A_1441] {strides = array<i32>} : memref<64x16xf32, #tpu.memory_space<vmem>>, vector<16xf32>,
      tpu.vector_store %arg23[%swap3A_1440, %swap3A_1441], %gather3A_1438 {strides = array<i32>} : memref<64x16xf32, #tpu.memory_space<vmem>>, vector<16xf32>,
      %broadcast_in_dim3A_1443 = arith.constant 48 : i32
      %broadcast_in_dim3A_1444 = vector.broadcast %broadcast_in_dim3A_1443 : i32 to vector<16xi32>
      %gather3A_1445 = tpu.vector_load_idx %arg21[%iota3A, %broadcast_in_dim3A_1444] : memref<16x256xf32, #tpu.memory_space<vmem>>[vector<16xi32>, vector<16xi32>], vector<16xf32>,
      %swap3A_1446 = arith.constant 48 : i32
      %swap3A_1447 = arith.index_cast %swap3A_1446 : i32 to index
      %swap3A_1448 = arith.constant 0 : index
      %swap3A_1449 = tpu.vector_load %arg23[%swap3A_1447, %swap3A_1448] {strides = array<i32>} : memref<64x16xf32, #tpu.memory_space<vmem>>, vector<16xf32>,
      tpu.vector_store %arg23[%swap3A_1447, %swap3A_1448], %gather3A_1445 {strides = array<i32>} : memref<64x16xf32, #tpu.memory_space<vmem>>, vector<16xf32>,
      %broadcast_in_dim3A_1450 = arith.constant 49 : i32
      %broadcast_in_dim3A_1451 = vector.broadcast %broadcast_in_dim3A_1450 : i32 to vector<16xi32>
      %gather3A_1452 = tpu.vector_load_idx %arg21[%iota3A, %broadcast_in_dim3A_1451] : memref<16x256xf32, #tpu.memory_space<vmem>>[vector<16xi32>, vector<16xi32>], vector<16xf32>,
      %swap3A_1453 = arith.constant 49 : i32
      %swap3A_1454 = arith.index_cast %swap3A_1453 : i32 to index
      %swap3A_1455 = arith.constant 0 : index
      %swap3A_1456 = tpu.vector_load %arg23[%swap3A_1454, %swap3A_1455] {strides = array<i32>} : memref<64x16xf32, #tpu.memory_space<vmem>>, vector<16xf32>,
      tpu.vector_store %arg23[%swap3A_1454, %swap3A_1455], %gather3A_1452 {strides = array<i32>} : memref<64x16xf32, #tpu.memory_space<vmem>>, vector<16xf32>,
      %broadcast_in_dim3A_1457 = arith.constant 50 : i32
      %broadcast_in_dim3A_1458 = vector.broadcast %broadcast_in_dim3A_1457 : i32 to vector<16xi32>
      %gather3A_1459 = tpu.vector_load_idx %arg21[%iota3A, %broadcast_in_dim3A_1458] : memref<16x256xf32, #tpu.memory_space<vmem>>[vector<16xi32>, vector<16xi32>], vector<16xf32>,
      %swap3A_1460 = arith.constant 50 : i32
      %swap3A_1461 = arith.index_cast %swap3A_1460 : i32 to index
      %swap3A_1462 = arith.constant 0 : index
      %swap3A_1463 = tpu.vector_load %arg23[%swap3A_1461, %swap3A_1462] {strides = array<i32>} : memref<64x16xf32, #tpu.memory_space<vmem>>, vector<16xf32>,
      tpu.vector_store %arg23[%swap3A_1461, %swap3A_1462], %gather3A_1459 {strides = array<i32>} : memref<64x16xf32, #tpu.memory_space<vmem>>, vector<16xf32>,
      %broadcast_in_dim3A_1464 = arith.constant 51 : i32
      %broadcast_in_dim3A_1465 = vector.broadcast %broadcast_in_dim3A_1464 : i32 to vector<16xi32>
      %gather3A_1466 = tpu.vector_load_idx %arg21[%iota3A, %broadcast_in_dim3A_1465] : memref<16x256xf32, #tpu.memory_space<vmem>>[vector<16xi32>, vector<16xi32>], vector<16xf32>,
      %swap3A_1467 = arith.constant 51 : i32
      %swap3A_1468 = arith.index_cast %swap3A_1467 : i32 to index
      %swap3A_1469 = arith.constant 0 : index
      %swap3A_1470 = tpu.vector_load %arg23[%swap3A_1468, %swap3A_1469] {strides = array<i32>} : memref<64x16xf32, #tpu.memory_space<vmem>>, vector<16xf32>,
      tpu.vector_store %arg23[%swap3A_1468, %swap3A_1469], %gather3A_1466 {strides = array<i32>} : memref<64x16xf32, #tpu.memory_space<vmem>>, vector<16xf32>,
      %broadcast_in_dim3A_1471 = arith.constant 52 : i32
      %broadcast_in_dim3A_1472 = vector.broadcast %broadcast_in_dim3A_1471 : i32 to vector<16xi32>
      %gather3A_1473 = tpu.vector_load_idx %arg21[%iota3A, %broadcast_in_dim3A_1472] : memref<16x256xf32, #tpu.memory_space<vmem>>[vector<16xi32>, vector<16xi32>], vector<16xf32>,
      %swap3A_1474 = arith.constant 52 : i32
      %swap3A_1475 = arith.index_cast %swap3A_1474 : i32 to index
      %swap3A_1476 = arith.constant 0 : index
      %swap3A_1477 = tpu.vector_load %arg23[%swap3A_1475, %swap3A_1476] {strides = array<i32>} : memref<64x16xf32, #tpu.memory_space<vmem>>, vector<16xf32>,
      tpu.vector_store %arg23[%swap3A_1475, %swap3A_1476], %gather3A_1473 {strides = array<i32>} : memref<64x16xf32, #tpu.memory_space<vmem>>, vector<16xf32>,
      %broadcast_in_dim3A_1478 = arith.constant 53 : i32
      %broadcast_in_dim3A_1479 = vector.broadcast %broadcast_in_dim3A_1478 : i32 to vector<16xi32>
      %gather3A_1480 = tpu.vector_load_idx %arg21[%iota3A, %broadcast_in_dim3A_1479] : memref<16x256xf32, #tpu.memory_space<vmem>>[vector<16xi32>, vector<16xi32>], vector<16xf32>,
      %swap3A_1481 = arith.constant 53 : i32
      %swap3A_1482 = arith.index_cast %swap3A_1481 : i32 to index
      %swap3A_1483 = arith.constant 0 : index
      %swap3A_1484 = tpu.vector_load %arg23[%swap3A_1482, %swap3A_1483] {strides = array<i32>} : memref<64x16xf32, #tpu.memory_space<vmem>>, vector<16xf32>,
      tpu.vector_store %arg23[%swap3A_1482, %swap3A_1483], %gather3A_1480 {strides = array<i32>} : memref<64x16xf32, #tpu.memory_space<vmem>>, vector<16xf32>,
      %broadcast_in_dim3A_1485 = arith.constant 54 : i32
      %broadcast_in_dim3A_1486 = vector.broadcast %broadcast_in_dim3A_1485 : i32 to vector<16xi32>
      %gather3A_1487 = tpu.vector_load_idx %arg21[%iota3A, %broadcast_in_dim3A_1486] : memref<16x256xf32, #tpu.memory_space<vmem>>[vector<16xi32>, vector<16xi32>], vector<16xf32>,
      %swap3A_1488 = arith.constant 54 : i32
      %swap3A_1489 = arith.index_cast %swap3A_1488 : i32 to index
      %swap3A_1490 = arith.constant 0 : index
      %swap3A_1491 = tpu.vector_load %arg23[%swap3A_1489, %swap3A_1490] {strides = array<i32>} : memref<64x16xf32, #tpu.memory_space<vmem>>, vector<16xf32>,
      tpu.vector_store %arg23[%swap3A_1489, %swap3A_1490], %gather3A_1487 {strides = array<i32>} : memref<64x16xf32, #tpu.memory_space<vmem>>, vector<16xf32>,
      %broadcast_in_dim3A_1492 = arith.constant 55 : i32
      %broadcast_in_dim3A_1493 = vector.broadcast %broadcast_in_dim3A_1492 : i32 to vector<16xi32>
      %gather3A_1494 = tpu.vector_load_idx %arg21[%iota3A, %broadcast_in_dim3A_1493] : memref<16x256xf32, #tpu.memory_space<vmem>>[vector<16xi32>, vector<16xi32>], vector<16xf32>,
      %swap3A_1495 = arith.constant 55 : i32
      %swap3A_1496 = arith.index_cast %swap3A_1495 : i32 to index
      %swap3A_1497 = arith.constant 0 : index
      %swap3A_1498 = tpu.vector_load %arg23[%swap3A_1496, %swap3A_1497] {strides = array<i32>} : memref<64x16xf32, #tpu.memory_space<vmem>>, vector<16xf32>,
      tpu.vector_store %arg23[%swap3A_1496, %swap3A_1497], %gather3A_1494 {strides = array<i32>} : memref<64x16xf32, #tpu.memory_space<vmem>>, vector<16xf32>,
      %broadcast_in_dim3A_1499 = arith.constant 56 : i32
      %broadcast_in_dim3A_1500 = vector.broadcast %broadcast_in_dim3A_1499 : i32 to vector<16xi32>
      %gather3A_1501 = tpu.vector_load_idx %arg21[%iota3A, %broadcast_in_dim3A_1500] : memref<16x256xf32, #tpu.memory_space<vmem>>[vector<16xi32>, vector<16xi32>], vector<16xf32>,
      %swap3A_1502 = arith.constant 56 : i32
      %swap3A_1503 = arith.index_cast %swap3A_1502 : i32 to index
      %swap3A_1504 = arith.constant 0 : index
      %swap3A_1505 = tpu.vector_load %arg23[%swap3A_1503, %swap3A_1504] {strides = array<i32>} : memref<64x16xf32, #tpu.memory_space<vmem>>, vector<16xf32>,
      tpu.vector_store %arg23[%swap3A_1503, %swap3A_1504], %gather3A_1501 {strides = array<i32>} : memref<64x16xf32, #tpu.memory_space<vmem>>, vector<16xf32>,
      %broadcast_in_dim3A_1506 = arith.constant 57 : i32
      %broadcast_in_dim3A_1507 = vector.broadcast %broadcast_in_dim3A_1506 : i32 to vector<16xi32>
      %gather3A_1508 = tpu.vector_load_idx %arg21[%iota3A, %broadcast_in_dim3A_1507] : memref<16x256xf32, #tpu.memory_space<vmem>>[vector<16xi32>, vector<16xi32>], vector<16xf32>,
      %swap3A_1509 = arith.constant 57 : i32
      %swap3A_1510 = arith.index_cast %swap3A_1509 : i32 to index
      %swap3A_1511 = arith.constant 0 : index
      %swap3A_1512 = tpu.vector_load %arg23[%swap3A_1510, %swap3A_1511] {strides = array<i32>} : memref<64x16xf32, #tpu.memory_space<vmem>>, vector<16xf32>,
      tpu.vector_store %arg23[%swap3A_1510, %swap3A_1511], %gather3A_1508 {strides = array<i32>} : memref<64x16xf32, #tpu.memory_space<vmem>>, vector<16xf32>,
      %broadcast_in_dim3A_1513 = arith.constant 58 : i32
      %broadcast_in_dim3A_1514 = vector.broadcast %broadcast_in_dim3A_1513 : i32 to vector<16xi32>
      %gather3A_1515 = tpu.vector_load_idx %arg21[%iota3A, %broadcast_in_dim3A_1514] : memref<16x256xf32, #tpu.memory_space<vmem>>[vector<16xi32>, vector<16xi32>], vector<16xf32>,
      %swap3A_1516 = arith.constant 58 : i32
      %swap3A_1517 = arith.index_cast %swap3A_1516 : i32 to index
      %swap3A_1518 = arith.constant 0 : index
      %swap3A_1519 = tpu.vector_load %arg23[%swap3A_1517, %swap3A_1518] {strides = array<i32>} : memref<64x16xf32, #tpu.memory_space<vmem>>, vector<16xf32>,
      tpu.vector_store %arg23[%swap3A_1517, %swap3A_1518], %gather3A_1515 {strides = array<i32>} : memref<64x16xf32, #tpu.memory_space<vmem>>, vector<16xf32>,
      %broadcast_in_dim3A_1520 = arith.constant 59 : i32
      %broadcast_in_dim3A_1521 = vector.broadcast %broadcast_in_dim3A_1520 : i32 to vector<16xi32>
      %gather3A_1522 = tpu.vector_load_idx %arg21[%iota3A, %broadcast_in_dim3A_1521] : memref<16x256xf32, #tpu.memory_space<vmem>>[vector<16xi32>, vector<16xi32>], vector<16xf32>,
      %swap3A_1523 = arith.constant 59 : i32
      %swap3A_1524 = arith.index_cast %swap3A_1523 : i32 to index
      %swap3A_1525 = arith.constant 0 : index
      %swap3A_1526 = tpu.vector_load %arg23[%swap3A_1524, %swap3A_1525] {strides = array<i32>} : memref<64x16xf32, #tpu.memory_space<vmem>>, vector<16xf32>,
      tpu.vector_store %arg23[%swap3A_1524, %swap3A_1525], %gather3A_1522 {strides = array<i32>} : memref<64x16xf32, #tpu.memory_space<vmem>>, vector<16xf32>,
      %broadcast_in_dim3A_1527 = arith.constant 60 : i32
      %broadcast_in_dim3A_1528 = vector.broadcast %broadcast_in_dim3A_1527 : i32 to vector<16xi32>
      %gather3A_1529 = tpu.vector_load_idx %arg21[%iota3A, %broadcast_in_dim3A_1528] : memref<16x256xf32, #tpu.memory_space<vmem>>[vector<16xi32>, vector<16xi32>], vector<16xf32>,
      %swap3A_1530 = arith.constant 60 : i32
      %swap3A_1531 = arith.index_cast %swap3A_1530 : i32 to index
      %swap3A_1532 = arith.constant 0 : index
      %swap3A_1533 = tpu.vector_load %arg23[%swap3A_1531, %swap3A_1532] {strides = array<i32>} : memref<64x16xf32, #tpu.memory_space<vmem>>, vector<16xf32>,
      tpu.vector_store %arg23[%swap3A_1531, %swap3A_1532], %gather3A_1529 {strides = array<i32>} : memref<64x16xf32, #tpu.memory_space<vmem>>, vector<16xf32>,
      %broadcast_in_dim3A_1534 = arith.constant 61 : i32
      %broadcast_in_dim3A_1535 = vector.broadcast %broadcast_in_dim3A_1534 : i32 to vector<16xi32>
      %gather3A_1536 = tpu.vector_load_idx %arg21[%iota3A, %broadcast_in_dim3A_1535] : memref<16x256xf32, #tpu.memory_space<vmem>>[vector<16xi32>, vector<16xi32>], vector<16xf32>,
      %swap3A_1537 = arith.constant 61 : i32
      %swap3A_1538 = arith.index_cast %swap3A_1537 : i32 to index
      %swap3A_1539 = arith.constant 0 : index
      %swap3A_1540 = tpu.vector_load %arg23[%swap3A_1538, %swap3A_1539] {strides = array<i32>} : memref<64x16xf32, #tpu.memory_space<vmem>>, vector<16xf32>,
      tpu.vector_store %arg23[%swap3A_1538, %swap3A_1539], %gather3A_1536 {strides = array<i32>} : memref<64x16xf32, #tpu.memory_space<vmem>>, vector<16xf32>,
      %broadcast_in_dim3A_1541 = arith.constant 62 : i32
      %broadcast_in_dim3A_1542 = vector.broadcast %broadcast_in_dim3A_1541 : i32 to vector<16xi32>
      %gather3A_1543 = tpu.vector_load_idx %arg21[%iota3A, %broadcast_in_dim3A_1542] : memref<16x256xf32, #tpu.memory_space<vmem>>[vector<16xi32>, vector<16xi32>], vector<16xf32>,
      %swap3A_1544 = arith.constant 62 : i32
      %swap3A_1545 = arith.index_cast %swap3A_1544 : i32 to index
      %swap3A_1546 = arith.constant 0 : index
      %swap3A_1547 = tpu.vector_load %arg23[%swap3A_1545, %swap3A_1546] {strides = array<i32>} : memref<64x16xf32, #tpu.memory_space<vmem>>, vector<16xf32>,
      tpu.vector_store %arg23[%swap3A_1545, %swap3A_1546], %gather3A_1543 {strides = array<i32>} : memref<64x16xf32, #tpu.memory_space<vmem>>, vector<16xf32>,
      %broadcast_in_dim3A_1548 = arith.constant 63 : i32
      %broadcast_in_dim3A_1549 = vector.broadcast %broadcast_in_dim3A_1548 : i32 to vector<16xi32>
      %gather3A_1550 = tpu.vector_load_idx %arg21[%iota3A, %broadcast_in_dim3A_1549] : memref<16x256xf32, #tpu.memory_space<vmem>>[vector<16xi32>, vector<16xi32>], vector<16xf32>,
      %swap3A_1551 = arith.constant 63 : i32
      %swap3A_1552 = arith.index_cast %swap3A_1551 : i32 to index
      %swap3A_1553 = arith.constant 0 : index
      %swap3A_1554 = tpu.vector_load %arg23[%swap3A_1552, %swap3A_1553] {strides = array<i32>} : memref<64x16xf32, #tpu.memory_space<vmem>>, vector<16xf32>,
      tpu.vector_store %arg23[%swap3A_1552, %swap3A_1553], %gather3A_1550 {strides = array<i32>} : memref<64x16xf32, #tpu.memory_space<vmem>>, vector<16xf32>,
      "tpu.region"() ({
        %run_scoped3A_1555 = tpu.sem_alloc : memref<!tpu.dma_semaphore, #tpu.memory_space<semaphore_mem>>
        %dma_start3A_1556 = arith.constant 0 : i32
        %dma_start3A_1557 = arith.constant 0 : i32
        %dma_start3A_1558 = tpu.memref_slice %arg14[%add3A, %dma_start3A_1556, %dma_start3A_1557] : memref<25x64x16xf32, #tpu.memory_space<hbm>> -> memref<1x64x16xf32, #tpu.memory_space<hbm>>
        %dma_start3A_1559 = tpu.memref_squeeze %dma_start3A_1558 : memref<1x64x16xf32, #tpu.memory_space<hbm>> -> memref<64x16xf32, #tpu.memory_space<hbm>>
        %dma_start3A_1560 = arith.constant 0 : i32
        %dma_start3A_1561 = arith.constant 0 : i32
        %dma_start3A_1562 = tpu.memref_slice %arg14[%add3A, %dma_start3A_1560, %dma_start3A_1561] : memref<25x64x16xf32, #tpu.memory_space<hbm>> -> memref<1x64x16xf32, #tpu.memory_space<hbm>>
        %dma_start3A_1563 = tpu.memref_squeeze %dma_start3A_1562 : memref<1x64x16xf32, #tpu.memory_space<hbm>> -> memref<64x16xf32, #tpu.memory_space<hbm>>
        tpu.enqueue_dma source(%arg23 : memref<64x16xf32, #tpu.memory_space<vmem>>) target(%dma_start3A_1563 : memref<64x16xf32, #tpu.memory_space<hbm>>) target_semaphore(%run_scoped3A_1555 : memref<!tpu.dma_semaphore, #tpu.memory_space<semaphore_mem>>)
        %dma_wait3A_1564 = arith.constant 0 : i32
        %dma_wait3A_1565 = arith.constant 0 : i32
        %dma_wait3A_1566 = tpu.memref_slice %arg14[%add3A, %dma_wait3A_1564, %dma_wait3A_1565] : memref<25x64x16xf32, #tpu.memory_space<hbm>> -> memref<1x64x16xf32, #tpu.memory_space<hbm>>
        %dma_wait3A_1567 = tpu.memref_squeeze %dma_wait3A_1566 : memref<1x64x16xf32, #tpu.memory_space<hbm>> -> memref<64x16xf32, #tpu.memory_space<hbm>>
        %dma_wait3A_1568 = arith.constant 0 : i32
        %dma_wait3A_1569 = arith.constant 0 : i32
        %dma_wait3A_1570 = tpu.memref_slice %arg14[%add3A, %dma_wait3A_1568, %dma_wait3A_1569] : memref<25x64x16xf32, #tpu.memory_space<hbm>> -> memref<1x64x16xf32, #tpu.memory_space<hbm>>
        %dma_wait3A_1571 = tpu.memref_squeeze %dma_wait3A_1570 : memref<1x64x16xf32, #tpu.memory_space<hbm>> -> memref<64x16xf32, #tpu.memory_space<hbm>>
        tpu.wait_dma2 semaphore(%run_scoped3A_1555 : memref<!tpu.dma_semaphore, #tpu.memory_space<semaphore_mem>>) src(%arg23 : memref<64x16xf32, #tpu.memory_space<vmem>>) dst(%dma_wait3A_1571 : memref<64x16xf32, #tpu.memory_space<hbm>>)
        tpu.yield
      }) : () -> ()
    } else {
    }
    return
  }
}

module attributes {stable_mosaic.version = 14 : i64} {
  func.func @_prep_body(%arg0: i32, %arg1: memref<32x8x8x84xf32, #tpu.memory_space<vmem>>, %arg2: memref<32x64x8x64xf32, #tpu.memory_space<vmem>>, %arg3: memref<32x2x32x84xf32, #tpu.memory_space<vmem>>, %arg4: memref<32x2x32x64xf32, #tpu.memory_space<vmem>>, %arg5: memref<32x1x16x84xf32, #tpu.memory_space<vmem>>, %arg6: memref<32x1x16x64xf32, #tpu.memory_space<vmem>>, %arg7: memref<2048x256xf32, #tpu.memory_space<vmem>>, %arg8: memref<128x256xf32, #tpu.memory_space<vmem>>, %arg9: memref<32x256xf32, #tpu.memory_space<vmem>>) attributes {dimension_semantics = [#tpu.dimension_semantics<arbitrary>], iteration_bounds = array<i64: 1>, scalar_prefetch = 0 : i64, scratch_operands = 0 : i64, tpu.core_type = #tpu.core_type<tc>, window_params = [{transform_indices = @transform_0, window_bounds = array<i64: 32, 8, 8, 84>}, {transform_indices = @transform_1, window_bounds = array<i64: 32, 64, 8, 64>}, {transform_indices = @transform_2, window_bounds = array<i64: 32, 2, 32, 84>}, {transform_indices = @transform_3, window_bounds = array<i64: 32, 2, 32, 64>}, {transform_indices = @transform_4, window_bounds = array<i64: 32, 1, 16, 84>}, {transform_indices = @transform_5, window_bounds = array<i64: 32, 1, 16, 64>}, {pipeline_mode = #tpu.pipeline_mode<synchronous>, transform_indices = @transform_6, window_bounds = array<i64: 2048, 256>}, {pipeline_mode = #tpu.pipeline_mode<synchronous>, transform_indices = @transform_7, window_bounds = array<i64: 128, 256>}, {pipeline_mode = #tpu.pipeline_mode<synchronous>, transform_indices = @transform_8, window_bounds = array<i64: 32, 256>}]} {
    %get3A = arith.constant 0 : index
    %get3A_0 = arith.constant 0 : index
    %get3A_1 = arith.constant 0 : index
    %get3A_2 = arith.constant 0 : index
    %get3A_3 = vector.load %arg2[%get3A, %get3A_0, %get3A_1, %get3A_2] : memref<32x64x8x64xf32, #tpu.memory_space<vmem>>, vector<32x64x8x8xf32>
    %transpose3A = tpu.transpose %get3A_3, [0, 2, 3, 1] : vector<32x64x8x8xf32> -> vector<32x8x8x64xf32>
    %reshape3A = vector.shape_cast %transpose3A : vector<32x8x8x64xf32> to vector<2048x64xf32>
    %get3A_4 = arith.constant 0 : index
    %get3A_5 = arith.constant 0 : index
    %get3A_6 = arith.constant 0 : index
    %get3A_7 = arith.constant 0 : index
    %get3A_8 = vector.load %arg1[%get3A_4, %get3A_5, %get3A_6, %get3A_7] : memref<32x8x8x84xf32, #tpu.memory_space<vmem>>, vector<32x8x8x84xf32>
    %reshape3A_9 = vector.shape_cast %get3A_8 : vector<32x8x8x84xf32> to vector<2048x84xf32>
    %broadcast_in_dim3A = arith.constant 0.000000e+00 : f32
    %broadcast_in_dim3A_10 = vector.broadcast %broadcast_in_dim3A : f32 to vector<2048x108xf32>
    %concatenate3A = tpu.concatenate %reshape3A, %reshape3A_9, %broadcast_in_dim3A_10 in 1 : vector<2048x64xf32>, vector<2048x84xf32>, vector<2048x108xf32> -> vector<2048x256xf32>
    %swap3A = arith.constant 0 : index
    %swap3A_11 = arith.constant 0 : index
    %swap3A_12 = vector.load %arg7[%swap3A, %swap3A_11] : memref<2048x256xf32, #tpu.memory_space<vmem>>, vector<2048x256xf32>
    tpu.vector_store %arg7[%swap3A, %swap3A_11], %concatenate3A {strides = array<i32>} : memref<2048x256xf32, #tpu.memory_space<vmem>>, vector<2048x256xf32>,
    %get3A_13 = arith.constant 0 : index
    %get3A_14 = arith.constant 0 : index
    %get3A_15 = arith.constant 0 : index
    %get3A_16 = arith.constant 0 : index
    %get3A_17 = vector.load %arg4[%get3A_13, %get3A_14, %get3A_15, %get3A_16] : memref<32x2x32x64xf32, #tpu.memory_space<vmem>>, vector<32x2x2x64xf32>
    %reshape3A_18 = vector.shape_cast %get3A_17 : vector<32x2x2x64xf32> to vector<128x64xf32>
    %get3A_19 = arith.constant 0 : index
    %get3A_20 = arith.constant 0 : index
    %get3A_21 = arith.constant 0 : index
    %get3A_22 = arith.constant 0 : index
    %get3A_23 = vector.load %arg3[%get3A_19, %get3A_20, %get3A_21, %get3A_22] : memref<32x2x32x84xf32, #tpu.memory_space<vmem>>, vector<32x2x2x84xf32>
    %reshape3A_24 = vector.shape_cast %get3A_23 : vector<32x2x2x84xf32> to vector<128x84xf32>
    %broadcast_in_dim3A_25 = arith.constant 0.000000e+00 : f32
    %broadcast_in_dim3A_26 = vector.broadcast %broadcast_in_dim3A_25 : f32 to vector<128x108xf32>
    %concatenate3A_27 = tpu.concatenate %reshape3A_18, %reshape3A_24, %broadcast_in_dim3A_26 in 1 : vector<128x64xf32>, vector<128x84xf32>, vector<128x108xf32> -> vector<128x256xf32>
    %swap3A_28 = arith.constant 0 : index
    %swap3A_29 = arith.constant 0 : index
    %swap3A_30 = vector.load %arg8[%swap3A_28, %swap3A_29] : memref<128x256xf32, #tpu.memory_space<vmem>>, vector<128x256xf32>
    tpu.vector_store %arg8[%swap3A_28, %swap3A_29], %concatenate3A_27 {strides = array<i32>} : memref<128x256xf32, #tpu.memory_space<vmem>>, vector<128x256xf32>,
    %get3A_31 = arith.constant 0 : index
    %get3A_32 = arith.constant 0 : index
    %get3A_33 = arith.constant 0 : index
    %get3A_34 = arith.constant 0 : index
    %get3A_35 = vector.load %arg6[%get3A_31, %get3A_32, %get3A_33, %get3A_34] : memref<32x1x16x64xf32, #tpu.memory_space<vmem>>, vector<32x1x1x64xf32>
    %reshape3A_36 = vector.shape_cast %get3A_35 : vector<32x1x1x64xf32> to vector<32x64xf32>
    %get3A_37 = arith.constant 0 : index
    %get3A_38 = arith.constant 0 : index
    %get3A_39 = arith.constant 0 : index
    %get3A_40 = arith.constant 0 : index
    %get3A_41 = vector.load %arg5[%get3A_37, %get3A_38, %get3A_39, %get3A_40] : memref<32x1x16x84xf32, #tpu.memory_space<vmem>>, vector<32x1x1x84xf32>
    %reshape3A_42 = vector.shape_cast %get3A_41 : vector<32x1x1x84xf32> to vector<32x84xf32>
    %broadcast_in_dim3A_43 = arith.constant 0.000000e+00 : f32
    %broadcast_in_dim3A_44 = vector.broadcast %broadcast_in_dim3A_43 : f32 to vector<32x108xf32>
    %concatenate3A_45 = tpu.concatenate %reshape3A_36, %reshape3A_42, %broadcast_in_dim3A_44 in 1 : vector<32x64xf32>, vector<32x84xf32>, vector<32x108xf32> -> vector<32x256xf32>
    %swap3A_46 = arith.constant 0 : index
    %swap3A_47 = arith.constant 0 : index
    %swap3A_48 = vector.load %arg9[%swap3A_46, %swap3A_47] : memref<32x256xf32, #tpu.memory_space<vmem>>, vector<32x256xf32>
    tpu.vector_store %arg9[%swap3A_46, %swap3A_47], %concatenate3A_45 {strides = array<i32>} : memref<32x256xf32, #tpu.memory_space<vmem>>, vector<32x256xf32>,
    return
  }
  func.func @transform_0(%arg0: i32) -> (i32, i32, i32, i32) {
    %c0_i32 = arith.constant 0 : i32
    %c0_i32_0 = arith.constant 0 : i32
    %c0_i32_1 = arith.constant 0 : i32
    %c0_i32_2 = arith.constant 0 : i32
    %c0_i32_3 = arith.constant 0 : i32
    return %c0_i32, %c0_i32_0, %c0_i32_1, %c0_i32_2 : i32, i32, i32, i32
  }
  func.func @transform_1(%arg0: i32) -> (i32, i32, i32, i32) {
    %c0_i32 = arith.constant 0 : i32
    %c0_i32_0 = arith.constant 0 : i32
    %c0_i32_1 = arith.constant 0 : i32
    %c0_i32_2 = arith.constant 0 : i32
    %c0_i32_3 = arith.constant 0 : i32
    return %c0_i32, %c0_i32_0, %c0_i32_1, %c0_i32_2 : i32, i32, i32, i32
  }
  func.func @transform_2(%arg0: i32) -> (i32, i32, i32, i32) {
    %c0_i32 = arith.constant 0 : i32
    %c0_i32_0 = arith.constant 0 : i32
    %c0_i32_1 = arith.constant 0 : i32
    %c0_i32_2 = arith.constant 0 : i32
    %c0_i32_3 = arith.constant 0 : i32
    return %c0_i32, %c0_i32_0, %c0_i32_1, %c0_i32_2 : i32, i32, i32, i32
  }
  func.func @transform_3(%arg0: i32) -> (i32, i32, i32, i32) {
    %c0_i32 = arith.constant 0 : i32
    %c0_i32_0 = arith.constant 0 : i32
    %c0_i32_1 = arith.constant 0 : i32
    %c0_i32_2 = arith.constant 0 : i32
    %c0_i32_3 = arith.constant 0 : i32
    return %c0_i32, %c0_i32_0, %c0_i32_1, %c0_i32_2 : i32, i32, i32, i32
  }
  func.func @transform_4(%arg0: i32) -> (i32, i32, i32, i32) {
    %c0_i32 = arith.constant 0 : i32
    %c0_i32_0 = arith.constant 0 : i32
    %c0_i32_1 = arith.constant 0 : i32
    %c0_i32_2 = arith.constant 0 : i32
    %c0_i32_3 = arith.constant 0 : i32
    return %c0_i32, %c0_i32_0, %c0_i32_1, %c0_i32_2 : i32, i32, i32, i32
  }
  func.func @transform_5(%arg0: i32) -> (i32, i32, i32, i32) {
    %c0_i32 = arith.constant 0 : i32
    %c0_i32_0 = arith.constant 0 : i32
    %c0_i32_1 = arith.constant 0 : i32
    %c0_i32_2 = arith.constant 0 : i32
    %c0_i32_3 = arith.constant 0 : i32
    return %c0_i32, %c0_i32_0, %c0_i32_1, %c0_i32_2 : i32, i32, i32, i32
  }
  func.func @transform_6(%arg0: i32) -> (i32, i32) {
    %c0_i32 = arith.constant 0 : i32
    %c0_i32_0 = arith.constant 0 : i32
    %c0_i32_1 = arith.constant 0 : i32
    return %c0_i32, %c0_i32_0 : i32, i32
  }
  func.func @transform_7(%arg0: i32) -> (i32, i32) {
    %c0_i32 = arith.constant 0 : i32
    %c0_i32_0 = arith.constant 0 : i32
    %c0_i32_1 = arith.constant 0 : i32
    return %c0_i32, %c0_i32_0 : i32, i32
  }
  func.func @transform_8(%arg0: i32) -> (i32, i32) {
    %c0_i32 = arith.constant 0 : i32
    %c0_i32_0 = arith.constant 0 : i32
    %c0_i32_1 = arith.constant 0 : i32
    return %c0_i32, %c0_i32_0 : i32, i32
  }
}

module attributes {stable_mosaic.version = 14 : i64} {
  func.func @_dense_body(%arg0: i32, %arg1: memref<1x64x64x84xf32, #tpu.memory_space<vmem>>, %arg2: memref<1x32x32x84xf32, #tpu.memory_space<vmem>>, %arg3: memref<1x16x16x84xf32, #tpu.memory_space<vmem>>, %arg4: memref<1x8xf32, #tpu.memory_space<vmem>>, %arg5: memref<64x64x84xf32, #tpu.memory_space<vmem>>, %arg6: memref<32x32x84xf32, #tpu.memory_space<vmem>>, %arg7: memref<16x16x84xf32, #tpu.memory_space<vmem>>) attributes {dimension_semantics = [#tpu.dimension_semantics<arbitrary>], iteration_bounds = array<i64: 32>, scalar_prefetch = 0 : i64, scratch_operands = 3 : i64, tpu.core_type = #tpu.core_type<tc>, window_params = [{transform_indices = @transform_0, window_bounds = array<i64: 1, 64, 64, 84>}, {transform_indices = @transform_1, window_bounds = array<i64: 1, 32, 32, 84>}, {transform_indices = @transform_2, window_bounds = array<i64: 1, 16, 16, 84>}, {pipeline_mode = #tpu.pipeline_mode<synchronous>, transform_indices = @transform_3, window_bounds = array<i64: 1, 8>}]} {
    %eq3A = arith.constant 0 : i32
    %eq3A_0 = arith.cmpi eq, %arg0, %eq3A : i32
    %convert_element_type3A = arith.extui %eq3A_0 : i1 to i32
    %cond3A = arith.constant 0 : i32
    %cond3A_1 = arith.cmpi ne, %convert_element_type3A, %cond3A : i32
    scf.if %cond3A_1 {
      %broadcast_in_dim3A = arith.constant 0.000000e+00 : f32
      %broadcast_in_dim3A_821 = vector.broadcast %broadcast_in_dim3A : f32 to vector<64x64x84xf32>
      %swap3A_822 = arith.constant 0 : index
      %swap3A_823 = arith.constant 0 : index
      %swap3A_824 = arith.constant 0 : index
      %swap3A_825 = vector.load %arg5[%swap3A_822, %swap3A_823, %swap3A_824] : memref<64x64x84xf32, #tpu.memory_space<vmem>>, vector<64x64x84xf32>
      tpu.vector_store %arg5[%swap3A_822, %swap3A_823, %swap3A_824], %broadcast_in_dim3A_821 {strides = array<i32>} : memref<64x64x84xf32, #tpu.memory_space<vmem>>, vector<64x64x84xf32>,
    } else {
    }
    %get3A = arith.constant 0 : index
    %get3A_2 = arith.constant 0 : index
    %get3A_3 = arith.constant 0 : index
    %get3A_4 = arith.constant 0 : index
    %get3A_5 = vector.load %arg1[%get3A, %get3A_2, %get3A_3, %get3A_4] : memref<1x64x64x84xf32, #tpu.memory_space<vmem>>, vector<1x4x64x84xf32>
    %get3A_6 = vector.shape_cast %get3A_5 : vector<1x4x64x84xf32> to vector<4x64x84xf32>
    %abs3A = math.absf %get3A_6 : vector<4x64x84xf32>
    %add3A = arith.addf %get3A_6, %abs3A : vector<4x64x84xf32>
    %mul3A = arith.constant 5.000000e-01 : f32
    %mul3A_7 = vector.broadcast %mul3A : f32 to vector<4x64x84xf32>
    %mul3A_8 = arith.mulf %mul3A_7, %add3A : vector<4x64x84xf32>
    %neg3A = arith.constant 0.000000e+00 : f32
    %neg3A_9 = vector.broadcast %neg3A : f32 to vector<4x64x84xf32>
    %neg3A_10 = arith.subf %neg3A_9, %abs3A : vector<4x64x84xf32>
    %exp3A = math.exp %neg3A_10 : vector<4x64x84xf32>
    %add3A_11 = arith.constant 1.000000e+00 : f32
    %add3A_12 = vector.broadcast %add3A_11 : f32 to vector<4x64x84xf32>
    %add3A_13 = arith.addf %add3A_12, %exp3A : vector<4x64x84xf32>
    %log3A = math.log %add3A_13 : vector<4x64x84xf32>
    %add3A_14 = arith.addf %mul3A_8, %log3A : vector<4x64x84xf32>
    %get3A_15 = arith.constant 0 : index
    %get3A_16 = arith.constant 0 : index
    %get3A_17 = arith.constant 0 : index
    %get3A_18 = vector.load %arg5[%get3A_15, %get3A_16, %get3A_17] : memref<64x64x84xf32, #tpu.memory_space<vmem>>, vector<4x64x84xf32>
    %add3A_19 = arith.addf %get3A_18, %add3A_14 : vector<4x64x84xf32>
    %swap3A = arith.constant 0 : index
    %swap3A_20 = arith.constant 0 : index
    %swap3A_21 = arith.constant 0 : index
    %swap3A_22 = vector.load %arg5[%swap3A, %swap3A_20, %swap3A_21] : memref<64x64x84xf32, #tpu.memory_space<vmem>>, vector<4x64x84xf32>
    tpu.vector_store %arg5[%swap3A, %swap3A_20, %swap3A_21], %add3A_19 {strides = array<i32>} : memref<64x64x84xf32, #tpu.memory_space<vmem>>, vector<4x64x84xf32>,
    %get3A_23 = arith.constant 0 : index
    %get3A_24 = arith.constant 4 : index
    %get3A_25 = arith.constant 0 : index
    %get3A_26 = arith.constant 0 : index
    %get3A_27 = vector.load %arg1[%get3A_23, %get3A_24, %get3A_25, %get3A_26] : memref<1x64x64x84xf32, #tpu.memory_space<vmem>>, vector<1x4x64x84xf32>
    %get3A_28 = vector.shape_cast %get3A_27 : vector<1x4x64x84xf32> to vector<4x64x84xf32>
    %abs3A_29 = math.absf %get3A_28 : vector<4x64x84xf32>
    %add3A_30 = arith.addf %get3A_28, %abs3A_29 : vector<4x64x84xf32>
    %mul3A_31 = arith.constant 5.000000e-01 : f32
    %mul3A_32 = vector.broadcast %mul3A_31 : f32 to vector<4x64x84xf32>
    %mul3A_33 = arith.mulf %mul3A_32, %add3A_30 : vector<4x64x84xf32>
    %neg3A_34 = arith.constant 0.000000e+00 : f32
    %neg3A_35 = vector.broadcast %neg3A_34 : f32 to vector<4x64x84xf32>
    %neg3A_36 = arith.subf %neg3A_35, %abs3A_29 : vector<4x64x84xf32>
    %exp3A_37 = math.exp %neg3A_36 : vector<4x64x84xf32>
    %add3A_38 = arith.constant 1.000000e+00 : f32
    %add3A_39 = vector.broadcast %add3A_38 : f32 to vector<4x64x84xf32>
    %add3A_40 = arith.addf %add3A_39, %exp3A_37 : vector<4x64x84xf32>
    %log3A_41 = math.log %add3A_40 : vector<4x64x84xf32>
    %add3A_42 = arith.addf %mul3A_33, %log3A_41 : vector<4x64x84xf32>
    %get3A_43 = arith.constant 4 : index
    %get3A_44 = arith.constant 0 : index
    %get3A_45 = arith.constant 0 : index
    %get3A_46 = vector.load %arg5[%get3A_43, %get3A_44, %get3A_45] : memref<64x64x84xf32, #tpu.memory_space<vmem>>, vector<4x64x84xf32>
    %add3A_47 = arith.addf %get3A_46, %add3A_42 : vector<4x64x84xf32>
    %swap3A_48 = arith.constant 4 : index
    %swap3A_49 = arith.constant 0 : index
    %swap3A_50 = arith.constant 0 : index
    %swap3A_51 = vector.load %arg5[%swap3A_48, %swap3A_49, %swap3A_50] : memref<64x64x84xf32, #tpu.memory_space<vmem>>, vector<4x64x84xf32>
    tpu.vector_store %arg5[%swap3A_48, %swap3A_49, %swap3A_50], %add3A_47 {strides = array<i32>} : memref<64x64x84xf32, #tpu.memory_space<vmem>>, vector<4x64x84xf32>,
    %get3A_52 = arith.constant 0 : index
    %get3A_53 = arith.constant 8 : index
    %get3A_54 = arith.constant 0 : index
    %get3A_55 = arith.constant 0 : index
    %get3A_56 = vector.load %arg1[%get3A_52, %get3A_53, %get3A_54, %get3A_55] : memref<1x64x64x84xf32, #tpu.memory_space<vmem>>, vector<1x4x64x84xf32>
    %get3A_57 = vector.shape_cast %get3A_56 : vector<1x4x64x84xf32> to vector<4x64x84xf32>
    %abs3A_58 = math.absf %get3A_57 : vector<4x64x84xf32>
    %add3A_59 = arith.addf %get3A_57, %abs3A_58 : vector<4x64x84xf32>
    %mul3A_60 = arith.constant 5.000000e-01 : f32
    %mul3A_61 = vector.broadcast %mul3A_60 : f32 to vector<4x64x84xf32>
    %mul3A_62 = arith.mulf %mul3A_61, %add3A_59 : vector<4x64x84xf32>
    %neg3A_63 = arith.constant 0.000000e+00 : f32
    %neg3A_64 = vector.broadcast %neg3A_63 : f32 to vector<4x64x84xf32>
    %neg3A_65 = arith.subf %neg3A_64, %abs3A_58 : vector<4x64x84xf32>
    %exp3A_66 = math.exp %neg3A_65 : vector<4x64x84xf32>
    %add3A_67 = arith.constant 1.000000e+00 : f32
    %add3A_68 = vector.broadcast %add3A_67 : f32 to vector<4x64x84xf32>
    %add3A_69 = arith.addf %add3A_68, %exp3A_66 : vector<4x64x84xf32>
    %log3A_70 = math.log %add3A_69 : vector<4x64x84xf32>
    %add3A_71 = arith.addf %mul3A_62, %log3A_70 : vector<4x64x84xf32>
    %get3A_72 = arith.constant 8 : index
    %get3A_73 = arith.constant 0 : index
    %get3A_74 = arith.constant 0 : index
    %get3A_75 = vector.load %arg5[%get3A_72, %get3A_73, %get3A_74] : memref<64x64x84xf32, #tpu.memory_space<vmem>>, vector<4x64x84xf32>
    %add3A_76 = arith.addf %get3A_75, %add3A_71 : vector<4x64x84xf32>
    %swap3A_77 = arith.constant 8 : index
    %swap3A_78 = arith.constant 0 : index
    %swap3A_79 = arith.constant 0 : index
    %swap3A_80 = vector.load %arg5[%swap3A_77, %swap3A_78, %swap3A_79] : memref<64x64x84xf32, #tpu.memory_space<vmem>>, vector<4x64x84xf32>
    tpu.vector_store %arg5[%swap3A_77, %swap3A_78, %swap3A_79], %add3A_76 {strides = array<i32>} : memref<64x64x84xf32, #tpu.memory_space<vmem>>, vector<4x64x84xf32>,
    %get3A_81 = arith.constant 0 : index
    %get3A_82 = arith.constant 12 : index
    %get3A_83 = arith.constant 0 : index
    %get3A_84 = arith.constant 0 : index
    %get3A_85 = vector.load %arg1[%get3A_81, %get3A_82, %get3A_83, %get3A_84] : memref<1x64x64x84xf32, #tpu.memory_space<vmem>>, vector<1x4x64x84xf32>
    %get3A_86 = vector.shape_cast %get3A_85 : vector<1x4x64x84xf32> to vector<4x64x84xf32>
    %abs3A_87 = math.absf %get3A_86 : vector<4x64x84xf32>
    %add3A_88 = arith.addf %get3A_86, %abs3A_87 : vector<4x64x84xf32>
    %mul3A_89 = arith.constant 5.000000e-01 : f32
    %mul3A_90 = vector.broadcast %mul3A_89 : f32 to vector<4x64x84xf32>
    %mul3A_91 = arith.mulf %mul3A_90, %add3A_88 : vector<4x64x84xf32>
    %neg3A_92 = arith.constant 0.000000e+00 : f32
    %neg3A_93 = vector.broadcast %neg3A_92 : f32 to vector<4x64x84xf32>
    %neg3A_94 = arith.subf %neg3A_93, %abs3A_87 : vector<4x64x84xf32>
    %exp3A_95 = math.exp %neg3A_94 : vector<4x64x84xf32>
    %add3A_96 = arith.constant 1.000000e+00 : f32
    %add3A_97 = vector.broadcast %add3A_96 : f32 to vector<4x64x84xf32>
    %add3A_98 = arith.addf %add3A_97, %exp3A_95 : vector<4x64x84xf32>
    %log3A_99 = math.log %add3A_98 : vector<4x64x84xf32>
    %add3A_100 = arith.addf %mul3A_91, %log3A_99 : vector<4x64x84xf32>
    %get3A_101 = arith.constant 12 : index
    %get3A_102 = arith.constant 0 : index
    %get3A_103 = arith.constant 0 : index
    %get3A_104 = vector.load %arg5[%get3A_101, %get3A_102, %get3A_103] : memref<64x64x84xf32, #tpu.memory_space<vmem>>, vector<4x64x84xf32>
    %add3A_105 = arith.addf %get3A_104, %add3A_100 : vector<4x64x84xf32>
    %swap3A_106 = arith.constant 12 : index
    %swap3A_107 = arith.constant 0 : index
    %swap3A_108 = arith.constant 0 : index
    %swap3A_109 = vector.load %arg5[%swap3A_106, %swap3A_107, %swap3A_108] : memref<64x64x84xf32, #tpu.memory_space<vmem>>, vector<4x64x84xf32>
    tpu.vector_store %arg5[%swap3A_106, %swap3A_107, %swap3A_108], %add3A_105 {strides = array<i32>} : memref<64x64x84xf32, #tpu.memory_space<vmem>>, vector<4x64x84xf32>,
    %get3A_110 = arith.constant 0 : index
    %get3A_111 = arith.constant 16 : index
    %get3A_112 = arith.constant 0 : index
    %get3A_113 = arith.constant 0 : index
    %get3A_114 = vector.load %arg1[%get3A_110, %get3A_111, %get3A_112, %get3A_113] : memref<1x64x64x84xf32, #tpu.memory_space<vmem>>, vector<1x4x64x84xf32>
    %get3A_115 = vector.shape_cast %get3A_114 : vector<1x4x64x84xf32> to vector<4x64x84xf32>
    %abs3A_116 = math.absf %get3A_115 : vector<4x64x84xf32>
    %add3A_117 = arith.addf %get3A_115, %abs3A_116 : vector<4x64x84xf32>
    %mul3A_118 = arith.constant 5.000000e-01 : f32
    %mul3A_119 = vector.broadcast %mul3A_118 : f32 to vector<4x64x84xf32>
    %mul3A_120 = arith.mulf %mul3A_119, %add3A_117 : vector<4x64x84xf32>
    %neg3A_121 = arith.constant 0.000000e+00 : f32
    %neg3A_122 = vector.broadcast %neg3A_121 : f32 to vector<4x64x84xf32>
    %neg3A_123 = arith.subf %neg3A_122, %abs3A_116 : vector<4x64x84xf32>
    %exp3A_124 = math.exp %neg3A_123 : vector<4x64x84xf32>
    %add3A_125 = arith.constant 1.000000e+00 : f32
    %add3A_126 = vector.broadcast %add3A_125 : f32 to vector<4x64x84xf32>
    %add3A_127 = arith.addf %add3A_126, %exp3A_124 : vector<4x64x84xf32>
    %log3A_128 = math.log %add3A_127 : vector<4x64x84xf32>
    %add3A_129 = arith.addf %mul3A_120, %log3A_128 : vector<4x64x84xf32>
    %get3A_130 = arith.constant 16 : index
    %get3A_131 = arith.constant 0 : index
    %get3A_132 = arith.constant 0 : index
    %get3A_133 = vector.load %arg5[%get3A_130, %get3A_131, %get3A_132] : memref<64x64x84xf32, #tpu.memory_space<vmem>>, vector<4x64x84xf32>
    %add3A_134 = arith.addf %get3A_133, %add3A_129 : vector<4x64x84xf32>
    %swap3A_135 = arith.constant 16 : index
    %swap3A_136 = arith.constant 0 : index
    %swap3A_137 = arith.constant 0 : index
    %swap3A_138 = vector.load %arg5[%swap3A_135, %swap3A_136, %swap3A_137] : memref<64x64x84xf32, #tpu.memory_space<vmem>>, vector<4x64x84xf32>
    tpu.vector_store %arg5[%swap3A_135, %swap3A_136, %swap3A_137], %add3A_134 {strides = array<i32>} : memref<64x64x84xf32, #tpu.memory_space<vmem>>, vector<4x64x84xf32>,
    %get3A_139 = arith.constant 0 : index
    %get3A_140 = arith.constant 20 : index
    %get3A_141 = arith.constant 0 : index
    %get3A_142 = arith.constant 0 : index
    %get3A_143 = vector.load %arg1[%get3A_139, %get3A_140, %get3A_141, %get3A_142] : memref<1x64x64x84xf32, #tpu.memory_space<vmem>>, vector<1x4x64x84xf32>
    %get3A_144 = vector.shape_cast %get3A_143 : vector<1x4x64x84xf32> to vector<4x64x84xf32>
    %abs3A_145 = math.absf %get3A_144 : vector<4x64x84xf32>
    %add3A_146 = arith.addf %get3A_144, %abs3A_145 : vector<4x64x84xf32>
    %mul3A_147 = arith.constant 5.000000e-01 : f32
    %mul3A_148 = vector.broadcast %mul3A_147 : f32 to vector<4x64x84xf32>
    %mul3A_149 = arith.mulf %mul3A_148, %add3A_146 : vector<4x64x84xf32>
    %neg3A_150 = arith.constant 0.000000e+00 : f32
    %neg3A_151 = vector.broadcast %neg3A_150 : f32 to vector<4x64x84xf32>
    %neg3A_152 = arith.subf %neg3A_151, %abs3A_145 : vector<4x64x84xf32>
    %exp3A_153 = math.exp %neg3A_152 : vector<4x64x84xf32>
    %add3A_154 = arith.constant 1.000000e+00 : f32
    %add3A_155 = vector.broadcast %add3A_154 : f32 to vector<4x64x84xf32>
    %add3A_156 = arith.addf %add3A_155, %exp3A_153 : vector<4x64x84xf32>
    %log3A_157 = math.log %add3A_156 : vector<4x64x84xf32>
    %add3A_158 = arith.addf %mul3A_149, %log3A_157 : vector<4x64x84xf32>
    %get3A_159 = arith.constant 20 : index
    %get3A_160 = arith.constant 0 : index
    %get3A_161 = arith.constant 0 : index
    %get3A_162 = vector.load %arg5[%get3A_159, %get3A_160, %get3A_161] : memref<64x64x84xf32, #tpu.memory_space<vmem>>, vector<4x64x84xf32>
    %add3A_163 = arith.addf %get3A_162, %add3A_158 : vector<4x64x84xf32>
    %swap3A_164 = arith.constant 20 : index
    %swap3A_165 = arith.constant 0 : index
    %swap3A_166 = arith.constant 0 : index
    %swap3A_167 = vector.load %arg5[%swap3A_164, %swap3A_165, %swap3A_166] : memref<64x64x84xf32, #tpu.memory_space<vmem>>, vector<4x64x84xf32>
    tpu.vector_store %arg5[%swap3A_164, %swap3A_165, %swap3A_166], %add3A_163 {strides = array<i32>} : memref<64x64x84xf32, #tpu.memory_space<vmem>>, vector<4x64x84xf32>,
    %get3A_168 = arith.constant 0 : index
    %get3A_169 = arith.constant 24 : index
    %get3A_170 = arith.constant 0 : index
    %get3A_171 = arith.constant 0 : index
    %get3A_172 = vector.load %arg1[%get3A_168, %get3A_169, %get3A_170, %get3A_171] : memref<1x64x64x84xf32, #tpu.memory_space<vmem>>, vector<1x4x64x84xf32>
    %get3A_173 = vector.shape_cast %get3A_172 : vector<1x4x64x84xf32> to vector<4x64x84xf32>
    %abs3A_174 = math.absf %get3A_173 : vector<4x64x84xf32>
    %add3A_175 = arith.addf %get3A_173, %abs3A_174 : vector<4x64x84xf32>
    %mul3A_176 = arith.constant 5.000000e-01 : f32
    %mul3A_177 = vector.broadcast %mul3A_176 : f32 to vector<4x64x84xf32>
    %mul3A_178 = arith.mulf %mul3A_177, %add3A_175 : vector<4x64x84xf32>
    %neg3A_179 = arith.constant 0.000000e+00 : f32
    %neg3A_180 = vector.broadcast %neg3A_179 : f32 to vector<4x64x84xf32>
    %neg3A_181 = arith.subf %neg3A_180, %abs3A_174 : vector<4x64x84xf32>
    %exp3A_182 = math.exp %neg3A_181 : vector<4x64x84xf32>
    %add3A_183 = arith.constant 1.000000e+00 : f32
    %add3A_184 = vector.broadcast %add3A_183 : f32 to vector<4x64x84xf32>
    %add3A_185 = arith.addf %add3A_184, %exp3A_182 : vector<4x64x84xf32>
    %log3A_186 = math.log %add3A_185 : vector<4x64x84xf32>
    %add3A_187 = arith.addf %mul3A_178, %log3A_186 : vector<4x64x84xf32>
    %get3A_188 = arith.constant 24 : index
    %get3A_189 = arith.constant 0 : index
    %get3A_190 = arith.constant 0 : index
    %get3A_191 = vector.load %arg5[%get3A_188, %get3A_189, %get3A_190] : memref<64x64x84xf32, #tpu.memory_space<vmem>>, vector<4x64x84xf32>
    %add3A_192 = arith.addf %get3A_191, %add3A_187 : vector<4x64x84xf32>
    %swap3A_193 = arith.constant 24 : index
    %swap3A_194 = arith.constant 0 : index
    %swap3A_195 = arith.constant 0 : index
    %swap3A_196 = vector.load %arg5[%swap3A_193, %swap3A_194, %swap3A_195] : memref<64x64x84xf32, #tpu.memory_space<vmem>>, vector<4x64x84xf32>
    tpu.vector_store %arg5[%swap3A_193, %swap3A_194, %swap3A_195], %add3A_192 {strides = array<i32>} : memref<64x64x84xf32, #tpu.memory_space<vmem>>, vector<4x64x84xf32>,
    %get3A_197 = arith.constant 0 : index
    %get3A_198 = arith.constant 28 : index
    %get3A_199 = arith.constant 0 : index
    %get3A_200 = arith.constant 0 : index
    %get3A_201 = vector.load %arg1[%get3A_197, %get3A_198, %get3A_199, %get3A_200] : memref<1x64x64x84xf32, #tpu.memory_space<vmem>>, vector<1x4x64x84xf32>
    %get3A_202 = vector.shape_cast %get3A_201 : vector<1x4x64x84xf32> to vector<4x64x84xf32>
    %abs3A_203 = math.absf %get3A_202 : vector<4x64x84xf32>
    %add3A_204 = arith.addf %get3A_202, %abs3A_203 : vector<4x64x84xf32>
    %mul3A_205 = arith.constant 5.000000e-01 : f32
    %mul3A_206 = vector.broadcast %mul3A_205 : f32 to vector<4x64x84xf32>
    %mul3A_207 = arith.mulf %mul3A_206, %add3A_204 : vector<4x64x84xf32>
    %neg3A_208 = arith.constant 0.000000e+00 : f32
    %neg3A_209 = vector.broadcast %neg3A_208 : f32 to vector<4x64x84xf32>
    %neg3A_210 = arith.subf %neg3A_209, %abs3A_203 : vector<4x64x84xf32>
    %exp3A_211 = math.exp %neg3A_210 : vector<4x64x84xf32>
    %add3A_212 = arith.constant 1.000000e+00 : f32
    %add3A_213 = vector.broadcast %add3A_212 : f32 to vector<4x64x84xf32>
    %add3A_214 = arith.addf %add3A_213, %exp3A_211 : vector<4x64x84xf32>
    %log3A_215 = math.log %add3A_214 : vector<4x64x84xf32>
    %add3A_216 = arith.addf %mul3A_207, %log3A_215 : vector<4x64x84xf32>
    %get3A_217 = arith.constant 28 : index
    %get3A_218 = arith.constant 0 : index
    %get3A_219 = arith.constant 0 : index
    %get3A_220 = vector.load %arg5[%get3A_217, %get3A_218, %get3A_219] : memref<64x64x84xf32, #tpu.memory_space<vmem>>, vector<4x64x84xf32>
    %add3A_221 = arith.addf %get3A_220, %add3A_216 : vector<4x64x84xf32>
    %swap3A_222 = arith.constant 28 : index
    %swap3A_223 = arith.constant 0 : index
    %swap3A_224 = arith.constant 0 : index
    %swap3A_225 = vector.load %arg5[%swap3A_222, %swap3A_223, %swap3A_224] : memref<64x64x84xf32, #tpu.memory_space<vmem>>, vector<4x64x84xf32>
    tpu.vector_store %arg5[%swap3A_222, %swap3A_223, %swap3A_224], %add3A_221 {strides = array<i32>} : memref<64x64x84xf32, #tpu.memory_space<vmem>>, vector<4x64x84xf32>,
    %get3A_226 = arith.constant 0 : index
    %get3A_227 = arith.constant 32 : index
    %get3A_228 = arith.constant 0 : index
    %get3A_229 = arith.constant 0 : index
    %get3A_230 = vector.load %arg1[%get3A_226, %get3A_227, %get3A_228, %get3A_229] : memref<1x64x64x84xf32, #tpu.memory_space<vmem>>, vector<1x4x64x84xf32>
    %get3A_231 = vector.shape_cast %get3A_230 : vector<1x4x64x84xf32> to vector<4x64x84xf32>
    %abs3A_232 = math.absf %get3A_231 : vector<4x64x84xf32>
    %add3A_233 = arith.addf %get3A_231, %abs3A_232 : vector<4x64x84xf32>
    %mul3A_234 = arith.constant 5.000000e-01 : f32
    %mul3A_235 = vector.broadcast %mul3A_234 : f32 to vector<4x64x84xf32>
    %mul3A_236 = arith.mulf %mul3A_235, %add3A_233 : vector<4x64x84xf32>
    %neg3A_237 = arith.constant 0.000000e+00 : f32
    %neg3A_238 = vector.broadcast %neg3A_237 : f32 to vector<4x64x84xf32>
    %neg3A_239 = arith.subf %neg3A_238, %abs3A_232 : vector<4x64x84xf32>
    %exp3A_240 = math.exp %neg3A_239 : vector<4x64x84xf32>
    %add3A_241 = arith.constant 1.000000e+00 : f32
    %add3A_242 = vector.broadcast %add3A_241 : f32 to vector<4x64x84xf32>
    %add3A_243 = arith.addf %add3A_242, %exp3A_240 : vector<4x64x84xf32>
    %log3A_244 = math.log %add3A_243 : vector<4x64x84xf32>
    %add3A_245 = arith.addf %mul3A_236, %log3A_244 : vector<4x64x84xf32>
    %get3A_246 = arith.constant 32 : index
    %get3A_247 = arith.constant 0 : index
    %get3A_248 = arith.constant 0 : index
    %get3A_249 = vector.load %arg5[%get3A_246, %get3A_247, %get3A_248] : memref<64x64x84xf32, #tpu.memory_space<vmem>>, vector<4x64x84xf32>
    %add3A_250 = arith.addf %get3A_249, %add3A_245 : vector<4x64x84xf32>
    %swap3A_251 = arith.constant 32 : index
    %swap3A_252 = arith.constant 0 : index
    %swap3A_253 = arith.constant 0 : index
    %swap3A_254 = vector.load %arg5[%swap3A_251, %swap3A_252, %swap3A_253] : memref<64x64x84xf32, #tpu.memory_space<vmem>>, vector<4x64x84xf32>
    tpu.vector_store %arg5[%swap3A_251, %swap3A_252, %swap3A_253], %add3A_250 {strides = array<i32>} : memref<64x64x84xf32, #tpu.memory_space<vmem>>, vector<4x64x84xf32>,
    %get3A_255 = arith.constant 0 : index
    %get3A_256 = arith.constant 36 : index
    %get3A_257 = arith.constant 0 : index
    %get3A_258 = arith.constant 0 : index
    %get3A_259 = vector.load %arg1[%get3A_255, %get3A_256, %get3A_257, %get3A_258] : memref<1x64x64x84xf32, #tpu.memory_space<vmem>>, vector<1x4x64x84xf32>
    %get3A_260 = vector.shape_cast %get3A_259 : vector<1x4x64x84xf32> to vector<4x64x84xf32>
    %abs3A_261 = math.absf %get3A_260 : vector<4x64x84xf32>
    %add3A_262 = arith.addf %get3A_260, %abs3A_261 : vector<4x64x84xf32>
    %mul3A_263 = arith.constant 5.000000e-01 : f32
    %mul3A_264 = vector.broadcast %mul3A_263 : f32 to vector<4x64x84xf32>
    %mul3A_265 = arith.mulf %mul3A_264, %add3A_262 : vector<4x64x84xf32>
    %neg3A_266 = arith.constant 0.000000e+00 : f32
    %neg3A_267 = vector.broadcast %neg3A_266 : f32 to vector<4x64x84xf32>
    %neg3A_268 = arith.subf %neg3A_267, %abs3A_261 : vector<4x64x84xf32>
    %exp3A_269 = math.exp %neg3A_268 : vector<4x64x84xf32>
    %add3A_270 = arith.constant 1.000000e+00 : f32
    %add3A_271 = vector.broadcast %add3A_270 : f32 to vector<4x64x84xf32>
    %add3A_272 = arith.addf %add3A_271, %exp3A_269 : vector<4x64x84xf32>
    %log3A_273 = math.log %add3A_272 : vector<4x64x84xf32>
    %add3A_274 = arith.addf %mul3A_265, %log3A_273 : vector<4x64x84xf32>
    %get3A_275 = arith.constant 36 : index
    %get3A_276 = arith.constant 0 : index
    %get3A_277 = arith.constant 0 : index
    %get3A_278 = vector.load %arg5[%get3A_275, %get3A_276, %get3A_277] : memref<64x64x84xf32, #tpu.memory_space<vmem>>, vector<4x64x84xf32>
    %add3A_279 = arith.addf %get3A_278, %add3A_274 : vector<4x64x84xf32>
    %swap3A_280 = arith.constant 36 : index
    %swap3A_281 = arith.constant 0 : index
    %swap3A_282 = arith.constant 0 : index
    %swap3A_283 = vector.load %arg5[%swap3A_280, %swap3A_281, %swap3A_282] : memref<64x64x84xf32, #tpu.memory_space<vmem>>, vector<4x64x84xf32>
    tpu.vector_store %arg5[%swap3A_280, %swap3A_281, %swap3A_282], %add3A_279 {strides = array<i32>} : memref<64x64x84xf32, #tpu.memory_space<vmem>>, vector<4x64x84xf32>,
    %get3A_284 = arith.constant 0 : index
    %get3A_285 = arith.constant 40 : index
    %get3A_286 = arith.constant 0 : index
    %get3A_287 = arith.constant 0 : index
    %get3A_288 = vector.load %arg1[%get3A_284, %get3A_285, %get3A_286, %get3A_287] : memref<1x64x64x84xf32, #tpu.memory_space<vmem>>, vector<1x4x64x84xf32>
    %get3A_289 = vector.shape_cast %get3A_288 : vector<1x4x64x84xf32> to vector<4x64x84xf32>
    %abs3A_290 = math.absf %get3A_289 : vector<4x64x84xf32>
    %add3A_291 = arith.addf %get3A_289, %abs3A_290 : vector<4x64x84xf32>
    %mul3A_292 = arith.constant 5.000000e-01 : f32
    %mul3A_293 = vector.broadcast %mul3A_292 : f32 to vector<4x64x84xf32>
    %mul3A_294 = arith.mulf %mul3A_293, %add3A_291 : vector<4x64x84xf32>
    %neg3A_295 = arith.constant 0.000000e+00 : f32
    %neg3A_296 = vector.broadcast %neg3A_295 : f32 to vector<4x64x84xf32>
    %neg3A_297 = arith.subf %neg3A_296, %abs3A_290 : vector<4x64x84xf32>
    %exp3A_298 = math.exp %neg3A_297 : vector<4x64x84xf32>
    %add3A_299 = arith.constant 1.000000e+00 : f32
    %add3A_300 = vector.broadcast %add3A_299 : f32 to vector<4x64x84xf32>
    %add3A_301 = arith.addf %add3A_300, %exp3A_298 : vector<4x64x84xf32>
    %log3A_302 = math.log %add3A_301 : vector<4x64x84xf32>
    %add3A_303 = arith.addf %mul3A_294, %log3A_302 : vector<4x64x84xf32>
    %get3A_304 = arith.constant 40 : index
    %get3A_305 = arith.constant 0 : index
    %get3A_306 = arith.constant 0 : index
    %get3A_307 = vector.load %arg5[%get3A_304, %get3A_305, %get3A_306] : memref<64x64x84xf32, #tpu.memory_space<vmem>>, vector<4x64x84xf32>
    %add3A_308 = arith.addf %get3A_307, %add3A_303 : vector<4x64x84xf32>
    %swap3A_309 = arith.constant 40 : index
    %swap3A_310 = arith.constant 0 : index
    %swap3A_311 = arith.constant 0 : index
    %swap3A_312 = vector.load %arg5[%swap3A_309, %swap3A_310, %swap3A_311] : memref<64x64x84xf32, #tpu.memory_space<vmem>>, vector<4x64x84xf32>
    tpu.vector_store %arg5[%swap3A_309, %swap3A_310, %swap3A_311], %add3A_308 {strides = array<i32>} : memref<64x64x84xf32, #tpu.memory_space<vmem>>, vector<4x64x84xf32>,
    %get3A_313 = arith.constant 0 : index
    %get3A_314 = arith.constant 44 : index
    %get3A_315 = arith.constant 0 : index
    %get3A_316 = arith.constant 0 : index
    %get3A_317 = vector.load %arg1[%get3A_313, %get3A_314, %get3A_315, %get3A_316] : memref<1x64x64x84xf32, #tpu.memory_space<vmem>>, vector<1x4x64x84xf32>
    %get3A_318 = vector.shape_cast %get3A_317 : vector<1x4x64x84xf32> to vector<4x64x84xf32>
    %abs3A_319 = math.absf %get3A_318 : vector<4x64x84xf32>
    %add3A_320 = arith.addf %get3A_318, %abs3A_319 : vector<4x64x84xf32>
    %mul3A_321 = arith.constant 5.000000e-01 : f32
    %mul3A_322 = vector.broadcast %mul3A_321 : f32 to vector<4x64x84xf32>
    %mul3A_323 = arith.mulf %mul3A_322, %add3A_320 : vector<4x64x84xf32>
    %neg3A_324 = arith.constant 0.000000e+00 : f32
    %neg3A_325 = vector.broadcast %neg3A_324 : f32 to vector<4x64x84xf32>
    %neg3A_326 = arith.subf %neg3A_325, %abs3A_319 : vector<4x64x84xf32>
    %exp3A_327 = math.exp %neg3A_326 : vector<4x64x84xf32>
    %add3A_328 = arith.constant 1.000000e+00 : f32
    %add3A_329 = vector.broadcast %add3A_328 : f32 to vector<4x64x84xf32>
    %add3A_330 = arith.addf %add3A_329, %exp3A_327 : vector<4x64x84xf32>
    %log3A_331 = math.log %add3A_330 : vector<4x64x84xf32>
    %add3A_332 = arith.addf %mul3A_323, %log3A_331 : vector<4x64x84xf32>
    %get3A_333 = arith.constant 44 : index
    %get3A_334 = arith.constant 0 : index
    %get3A_335 = arith.constant 0 : index
    %get3A_336 = vector.load %arg5[%get3A_333, %get3A_334, %get3A_335] : memref<64x64x84xf32, #tpu.memory_space<vmem>>, vector<4x64x84xf32>
    %add3A_337 = arith.addf %get3A_336, %add3A_332 : vector<4x64x84xf32>
    %swap3A_338 = arith.constant 44 : index
    %swap3A_339 = arith.constant 0 : index
    %swap3A_340 = arith.constant 0 : index
    %swap3A_341 = vector.load %arg5[%swap3A_338, %swap3A_339, %swap3A_340] : memref<64x64x84xf32, #tpu.memory_space<vmem>>, vector<4x64x84xf32>
    tpu.vector_store %arg5[%swap3A_338, %swap3A_339, %swap3A_340], %add3A_337 {strides = array<i32>} : memref<64x64x84xf32, #tpu.memory_space<vmem>>, vector<4x64x84xf32>,
    %get3A_342 = arith.constant 0 : index
    %get3A_343 = arith.constant 48 : index
    %get3A_344 = arith.constant 0 : index
    %get3A_345 = arith.constant 0 : index
    %get3A_346 = vector.load %arg1[%get3A_342, %get3A_343, %get3A_344, %get3A_345] : memref<1x64x64x84xf32, #tpu.memory_space<vmem>>, vector<1x4x64x84xf32>
    %get3A_347 = vector.shape_cast %get3A_346 : vector<1x4x64x84xf32> to vector<4x64x84xf32>
    %abs3A_348 = math.absf %get3A_347 : vector<4x64x84xf32>
    %add3A_349 = arith.addf %get3A_347, %abs3A_348 : vector<4x64x84xf32>
    %mul3A_350 = arith.constant 5.000000e-01 : f32
    %mul3A_351 = vector.broadcast %mul3A_350 : f32 to vector<4x64x84xf32>
    %mul3A_352 = arith.mulf %mul3A_351, %add3A_349 : vector<4x64x84xf32>
    %neg3A_353 = arith.constant 0.000000e+00 : f32
    %neg3A_354 = vector.broadcast %neg3A_353 : f32 to vector<4x64x84xf32>
    %neg3A_355 = arith.subf %neg3A_354, %abs3A_348 : vector<4x64x84xf32>
    %exp3A_356 = math.exp %neg3A_355 : vector<4x64x84xf32>
    %add3A_357 = arith.constant 1.000000e+00 : f32
    %add3A_358 = vector.broadcast %add3A_357 : f32 to vector<4x64x84xf32>
    %add3A_359 = arith.addf %add3A_358, %exp3A_356 : vector<4x64x84xf32>
    %log3A_360 = math.log %add3A_359 : vector<4x64x84xf32>
    %add3A_361 = arith.addf %mul3A_352, %log3A_360 : vector<4x64x84xf32>
    %get3A_362 = arith.constant 48 : index
    %get3A_363 = arith.constant 0 : index
    %get3A_364 = arith.constant 0 : index
    %get3A_365 = vector.load %arg5[%get3A_362, %get3A_363, %get3A_364] : memref<64x64x84xf32, #tpu.memory_space<vmem>>, vector<4x64x84xf32>
    %add3A_366 = arith.addf %get3A_365, %add3A_361 : vector<4x64x84xf32>
    %swap3A_367 = arith.constant 48 : index
    %swap3A_368 = arith.constant 0 : index
    %swap3A_369 = arith.constant 0 : index
    %swap3A_370 = vector.load %arg5[%swap3A_367, %swap3A_368, %swap3A_369] : memref<64x64x84xf32, #tpu.memory_space<vmem>>, vector<4x64x84xf32>
    tpu.vector_store %arg5[%swap3A_367, %swap3A_368, %swap3A_369], %add3A_366 {strides = array<i32>} : memref<64x64x84xf32, #tpu.memory_space<vmem>>, vector<4x64x84xf32>,
    %get3A_371 = arith.constant 0 : index
    %get3A_372 = arith.constant 52 : index
    %get3A_373 = arith.constant 0 : index
    %get3A_374 = arith.constant 0 : index
    %get3A_375 = vector.load %arg1[%get3A_371, %get3A_372, %get3A_373, %get3A_374] : memref<1x64x64x84xf32, #tpu.memory_space<vmem>>, vector<1x4x64x84xf32>
    %get3A_376 = vector.shape_cast %get3A_375 : vector<1x4x64x84xf32> to vector<4x64x84xf32>
    %abs3A_377 = math.absf %get3A_376 : vector<4x64x84xf32>
    %add3A_378 = arith.addf %get3A_376, %abs3A_377 : vector<4x64x84xf32>
    %mul3A_379 = arith.constant 5.000000e-01 : f32
    %mul3A_380 = vector.broadcast %mul3A_379 : f32 to vector<4x64x84xf32>
    %mul3A_381 = arith.mulf %mul3A_380, %add3A_378 : vector<4x64x84xf32>
    %neg3A_382 = arith.constant 0.000000e+00 : f32
    %neg3A_383 = vector.broadcast %neg3A_382 : f32 to vector<4x64x84xf32>
    %neg3A_384 = arith.subf %neg3A_383, %abs3A_377 : vector<4x64x84xf32>
    %exp3A_385 = math.exp %neg3A_384 : vector<4x64x84xf32>
    %add3A_386 = arith.constant 1.000000e+00 : f32
    %add3A_387 = vector.broadcast %add3A_386 : f32 to vector<4x64x84xf32>
    %add3A_388 = arith.addf %add3A_387, %exp3A_385 : vector<4x64x84xf32>
    %log3A_389 = math.log %add3A_388 : vector<4x64x84xf32>
    %add3A_390 = arith.addf %mul3A_381, %log3A_389 : vector<4x64x84xf32>
    %get3A_391 = arith.constant 52 : index
    %get3A_392 = arith.constant 0 : index
    %get3A_393 = arith.constant 0 : index
    %get3A_394 = vector.load %arg5[%get3A_391, %get3A_392, %get3A_393] : memref<64x64x84xf32, #tpu.memory_space<vmem>>, vector<4x64x84xf32>
    %add3A_395 = arith.addf %get3A_394, %add3A_390 : vector<4x64x84xf32>
    %swap3A_396 = arith.constant 52 : index
    %swap3A_397 = arith.constant 0 : index
    %swap3A_398 = arith.constant 0 : index
    %swap3A_399 = vector.load %arg5[%swap3A_396, %swap3A_397, %swap3A_398] : memref<64x64x84xf32, #tpu.memory_space<vmem>>, vector<4x64x84xf32>
    tpu.vector_store %arg5[%swap3A_396, %swap3A_397, %swap3A_398], %add3A_395 {strides = array<i32>} : memref<64x64x84xf32, #tpu.memory_space<vmem>>, vector<4x64x84xf32>,
    %get3A_400 = arith.constant 0 : index
    %get3A_401 = arith.constant 56 : index
    %get3A_402 = arith.constant 0 : index
    %get3A_403 = arith.constant 0 : index
    %get3A_404 = vector.load %arg1[%get3A_400, %get3A_401, %get3A_402, %get3A_403] : memref<1x64x64x84xf32, #tpu.memory_space<vmem>>, vector<1x4x64x84xf32>
    %get3A_405 = vector.shape_cast %get3A_404 : vector<1x4x64x84xf32> to vector<4x64x84xf32>
    %abs3A_406 = math.absf %get3A_405 : vector<4x64x84xf32>
    %add3A_407 = arith.addf %get3A_405, %abs3A_406 : vector<4x64x84xf32>
    %mul3A_408 = arith.constant 5.000000e-01 : f32
    %mul3A_409 = vector.broadcast %mul3A_408 : f32 to vector<4x64x84xf32>
    %mul3A_410 = arith.mulf %mul3A_409, %add3A_407 : vector<4x64x84xf32>
    %neg3A_411 = arith.constant 0.000000e+00 : f32
    %neg3A_412 = vector.broadcast %neg3A_411 : f32 to vector<4x64x84xf32>
    %neg3A_413 = arith.subf %neg3A_412, %abs3A_406 : vector<4x64x84xf32>
    %exp3A_414 = math.exp %neg3A_413 : vector<4x64x84xf32>
    %add3A_415 = arith.constant 1.000000e+00 : f32
    %add3A_416 = vector.broadcast %add3A_415 : f32 to vector<4x64x84xf32>
    %add3A_417 = arith.addf %add3A_416, %exp3A_414 : vector<4x64x84xf32>
    %log3A_418 = math.log %add3A_417 : vector<4x64x84xf32>
    %add3A_419 = arith.addf %mul3A_410, %log3A_418 : vector<4x64x84xf32>
    %get3A_420 = arith.constant 56 : index
    %get3A_421 = arith.constant 0 : index
    %get3A_422 = arith.constant 0 : index
    %get3A_423 = vector.load %arg5[%get3A_420, %get3A_421, %get3A_422] : memref<64x64x84xf32, #tpu.memory_space<vmem>>, vector<4x64x84xf32>
    %add3A_424 = arith.addf %get3A_423, %add3A_419 : vector<4x64x84xf32>
    %swap3A_425 = arith.constant 56 : index
    %swap3A_426 = arith.constant 0 : index
    %swap3A_427 = arith.constant 0 : index
    %swap3A_428 = vector.load %arg5[%swap3A_425, %swap3A_426, %swap3A_427] : memref<64x64x84xf32, #tpu.memory_space<vmem>>, vector<4x64x84xf32>
    tpu.vector_store %arg5[%swap3A_425, %swap3A_426, %swap3A_427], %add3A_424 {strides = array<i32>} : memref<64x64x84xf32, #tpu.memory_space<vmem>>, vector<4x64x84xf32>,
    %get3A_429 = arith.constant 0 : index
    %get3A_430 = arith.constant 60 : index
    %get3A_431 = arith.constant 0 : index
    %get3A_432 = arith.constant 0 : index
    %get3A_433 = vector.load %arg1[%get3A_429, %get3A_430, %get3A_431, %get3A_432] : memref<1x64x64x84xf32, #tpu.memory_space<vmem>>, vector<1x4x64x84xf32>
    %get3A_434 = vector.shape_cast %get3A_433 : vector<1x4x64x84xf32> to vector<4x64x84xf32>
    %abs3A_435 = math.absf %get3A_434 : vector<4x64x84xf32>
    %add3A_436 = arith.addf %get3A_434, %abs3A_435 : vector<4x64x84xf32>
    %mul3A_437 = arith.constant 5.000000e-01 : f32
    %mul3A_438 = vector.broadcast %mul3A_437 : f32 to vector<4x64x84xf32>
    %mul3A_439 = arith.mulf %mul3A_438, %add3A_436 : vector<4x64x84xf32>
    %neg3A_440 = arith.constant 0.000000e+00 : f32
    %neg3A_441 = vector.broadcast %neg3A_440 : f32 to vector<4x64x84xf32>
    %neg3A_442 = arith.subf %neg3A_441, %abs3A_435 : vector<4x64x84xf32>
    %exp3A_443 = math.exp %neg3A_442 : vector<4x64x84xf32>
    %add3A_444 = arith.constant 1.000000e+00 : f32
    %add3A_445 = vector.broadcast %add3A_444 : f32 to vector<4x64x84xf32>
    %add3A_446 = arith.addf %add3A_445, %exp3A_443 : vector<4x64x84xf32>
    %log3A_447 = math.log %add3A_446 : vector<4x64x84xf32>
    %add3A_448 = arith.addf %mul3A_439, %log3A_447 : vector<4x64x84xf32>
    %get3A_449 = arith.constant 60 : index
    %get3A_450 = arith.constant 0 : index
    %get3A_451 = arith.constant 0 : index
    %get3A_452 = vector.load %arg5[%get3A_449, %get3A_450, %get3A_451] : memref<64x64x84xf32, #tpu.memory_space<vmem>>, vector<4x64x84xf32>
    %add3A_453 = arith.addf %get3A_452, %add3A_448 : vector<4x64x84xf32>
    %swap3A_454 = arith.constant 60 : index
    %swap3A_455 = arith.constant 0 : index
    %swap3A_456 = arith.constant 0 : index
    %swap3A_457 = vector.load %arg5[%swap3A_454, %swap3A_455, %swap3A_456] : memref<64x64x84xf32, #tpu.memory_space<vmem>>, vector<4x64x84xf32>
    tpu.vector_store %arg5[%swap3A_454, %swap3A_455, %swap3A_456], %add3A_453 {strides = array<i32>} : memref<64x64x84xf32, #tpu.memory_space<vmem>>, vector<4x64x84xf32>,
    %eq3A_458 = arith.constant 0 : i32
    %eq3A_459 = arith.cmpi eq, %arg0, %eq3A_458 : i32
    %convert_element_type3A_460 = arith.extui %eq3A_459 : i1 to i32
    %cond3A_461 = arith.constant 0 : i32
    %cond3A_462 = arith.cmpi ne, %convert_element_type3A_460, %cond3A_461 : i32
    scf.if %cond3A_462 {
      %broadcast_in_dim3A = arith.constant 0.000000e+00 : f32
      %broadcast_in_dim3A_821 = vector.broadcast %broadcast_in_dim3A : f32 to vector<32x32x84xf32>
      %swap3A_822 = arith.constant 0 : index
      %swap3A_823 = arith.constant 0 : index
      %swap3A_824 = arith.constant 0 : index
      %swap3A_825 = vector.load %arg6[%swap3A_822, %swap3A_823, %swap3A_824] : memref<32x32x84xf32, #tpu.memory_space<vmem>>, vector<32x32x84xf32>
      tpu.vector_store %arg6[%swap3A_822, %swap3A_823, %swap3A_824], %broadcast_in_dim3A_821 {strides = array<i32>} : memref<32x32x84xf32, #tpu.memory_space<vmem>>, vector<32x32x84xf32>,
    } else {
    }
    %get3A_463 = arith.constant 0 : index
    %get3A_464 = arith.constant 0 : index
    %get3A_465 = arith.constant 0 : index
    %get3A_466 = arith.constant 0 : index
    %get3A_467 = vector.load %arg2[%get3A_463, %get3A_464, %get3A_465, %get3A_466] : memref<1x32x32x84xf32, #tpu.memory_space<vmem>>, vector<1x4x32x84xf32>
    %get3A_468 = vector.shape_cast %get3A_467 : vector<1x4x32x84xf32> to vector<4x32x84xf32>
    %abs3A_469 = math.absf %get3A_468 : vector<4x32x84xf32>
    %add3A_470 = arith.addf %get3A_468, %abs3A_469 : vector<4x32x84xf32>
    %mul3A_471 = arith.constant 5.000000e-01 : f32
    %mul3A_472 = vector.broadcast %mul3A_471 : f32 to vector<4x32x84xf32>
    %mul3A_473 = arith.mulf %mul3A_472, %add3A_470 : vector<4x32x84xf32>
    %neg3A_474 = arith.constant 0.000000e+00 : f32
    %neg3A_475 = vector.broadcast %neg3A_474 : f32 to vector<4x32x84xf32>
    %neg3A_476 = arith.subf %neg3A_475, %abs3A_469 : vector<4x32x84xf32>
    %exp3A_477 = math.exp %neg3A_476 : vector<4x32x84xf32>
    %add3A_478 = arith.constant 1.000000e+00 : f32
    %add3A_479 = vector.broadcast %add3A_478 : f32 to vector<4x32x84xf32>
    %add3A_480 = arith.addf %add3A_479, %exp3A_477 : vector<4x32x84xf32>
    %log3A_481 = math.log %add3A_480 : vector<4x32x84xf32>
    %add3A_482 = arith.addf %mul3A_473, %log3A_481 : vector<4x32x84xf32>
    %get3A_483 = arith.constant 0 : index
    %get3A_484 = arith.constant 0 : index
    %get3A_485 = arith.constant 0 : index
    %get3A_486 = vector.load %arg6[%get3A_483, %get3A_484, %get3A_485] : memref<32x32x84xf32, #tpu.memory_space<vmem>>, vector<4x32x84xf32>
    %add3A_487 = arith.addf %get3A_486, %add3A_482 : vector<4x32x84xf32>
    %swap3A_488 = arith.constant 0 : index
    %swap3A_489 = arith.constant 0 : index
    %swap3A_490 = arith.constant 0 : index
    %swap3A_491 = vector.load %arg6[%swap3A_488, %swap3A_489, %swap3A_490] : memref<32x32x84xf32, #tpu.memory_space<vmem>>, vector<4x32x84xf32>
    tpu.vector_store %arg6[%swap3A_488, %swap3A_489, %swap3A_490], %add3A_487 {strides = array<i32>} : memref<32x32x84xf32, #tpu.memory_space<vmem>>, vector<4x32x84xf32>,
    %get3A_492 = arith.constant 0 : index
    %get3A_493 = arith.constant 4 : index
    %get3A_494 = arith.constant 0 : index
    %get3A_495 = arith.constant 0 : index
    %get3A_496 = vector.load %arg2[%get3A_492, %get3A_493, %get3A_494, %get3A_495] : memref<1x32x32x84xf32, #tpu.memory_space<vmem>>, vector<1x4x32x84xf32>
    %get3A_497 = vector.shape_cast %get3A_496 : vector<1x4x32x84xf32> to vector<4x32x84xf32>
    %abs3A_498 = math.absf %get3A_497 : vector<4x32x84xf32>
    %add3A_499 = arith.addf %get3A_497, %abs3A_498 : vector<4x32x84xf32>
    %mul3A_500 = arith.constant 5.000000e-01 : f32
    %mul3A_501 = vector.broadcast %mul3A_500 : f32 to vector<4x32x84xf32>
    %mul3A_502 = arith.mulf %mul3A_501, %add3A_499 : vector<4x32x84xf32>
    %neg3A_503 = arith.constant 0.000000e+00 : f32
    %neg3A_504 = vector.broadcast %neg3A_503 : f32 to vector<4x32x84xf32>
    %neg3A_505 = arith.subf %neg3A_504, %abs3A_498 : vector<4x32x84xf32>
    %exp3A_506 = math.exp %neg3A_505 : vector<4x32x84xf32>
    %add3A_507 = arith.constant 1.000000e+00 : f32
    %add3A_508 = vector.broadcast %add3A_507 : f32 to vector<4x32x84xf32>
    %add3A_509 = arith.addf %add3A_508, %exp3A_506 : vector<4x32x84xf32>
    %log3A_510 = math.log %add3A_509 : vector<4x32x84xf32>
    %add3A_511 = arith.addf %mul3A_502, %log3A_510 : vector<4x32x84xf32>
    %get3A_512 = arith.constant 4 : index
    %get3A_513 = arith.constant 0 : index
    %get3A_514 = arith.constant 0 : index
    %get3A_515 = vector.load %arg6[%get3A_512, %get3A_513, %get3A_514] : memref<32x32x84xf32, #tpu.memory_space<vmem>>, vector<4x32x84xf32>
    %add3A_516 = arith.addf %get3A_515, %add3A_511 : vector<4x32x84xf32>
    %swap3A_517 = arith.constant 4 : index
    %swap3A_518 = arith.constant 0 : index
    %swap3A_519 = arith.constant 0 : index
    %swap3A_520 = vector.load %arg6[%swap3A_517, %swap3A_518, %swap3A_519] : memref<32x32x84xf32, #tpu.memory_space<vmem>>, vector<4x32x84xf32>
    tpu.vector_store %arg6[%swap3A_517, %swap3A_518, %swap3A_519], %add3A_516 {strides = array<i32>} : memref<32x32x84xf32, #tpu.memory_space<vmem>>, vector<4x32x84xf32>,
    %get3A_521 = arith.constant 0 : index
    %get3A_522 = arith.constant 8 : index
    %get3A_523 = arith.constant 0 : index
    %get3A_524 = arith.constant 0 : index
    %get3A_525 = vector.load %arg2[%get3A_521, %get3A_522, %get3A_523, %get3A_524] : memref<1x32x32x84xf32, #tpu.memory_space<vmem>>, vector<1x4x32x84xf32>
    %get3A_526 = vector.shape_cast %get3A_525 : vector<1x4x32x84xf32> to vector<4x32x84xf32>
    %abs3A_527 = math.absf %get3A_526 : vector<4x32x84xf32>
    %add3A_528 = arith.addf %get3A_526, %abs3A_527 : vector<4x32x84xf32>
    %mul3A_529 = arith.constant 5.000000e-01 : f32
    %mul3A_530 = vector.broadcast %mul3A_529 : f32 to vector<4x32x84xf32>
    %mul3A_531 = arith.mulf %mul3A_530, %add3A_528 : vector<4x32x84xf32>
    %neg3A_532 = arith.constant 0.000000e+00 : f32
    %neg3A_533 = vector.broadcast %neg3A_532 : f32 to vector<4x32x84xf32>
    %neg3A_534 = arith.subf %neg3A_533, %abs3A_527 : vector<4x32x84xf32>
    %exp3A_535 = math.exp %neg3A_534 : vector<4x32x84xf32>
    %add3A_536 = arith.constant 1.000000e+00 : f32
    %add3A_537 = vector.broadcast %add3A_536 : f32 to vector<4x32x84xf32>
    %add3A_538 = arith.addf %add3A_537, %exp3A_535 : vector<4x32x84xf32>
    %log3A_539 = math.log %add3A_538 : vector<4x32x84xf32>
    %add3A_540 = arith.addf %mul3A_531, %log3A_539 : vector<4x32x84xf32>
    %get3A_541 = arith.constant 8 : index
    %get3A_542 = arith.constant 0 : index
    %get3A_543 = arith.constant 0 : index
    %get3A_544 = vector.load %arg6[%get3A_541, %get3A_542, %get3A_543] : memref<32x32x84xf32, #tpu.memory_space<vmem>>, vector<4x32x84xf32>
    %add3A_545 = arith.addf %get3A_544, %add3A_540 : vector<4x32x84xf32>
    %swap3A_546 = arith.constant 8 : index
    %swap3A_547 = arith.constant 0 : index
    %swap3A_548 = arith.constant 0 : index
    %swap3A_549 = vector.load %arg6[%swap3A_546, %swap3A_547, %swap3A_548] : memref<32x32x84xf32, #tpu.memory_space<vmem>>, vector<4x32x84xf32>
    tpu.vector_store %arg6[%swap3A_546, %swap3A_547, %swap3A_548], %add3A_545 {strides = array<i32>} : memref<32x32x84xf32, #tpu.memory_space<vmem>>, vector<4x32x84xf32>,
    %get3A_550 = arith.constant 0 : index
    %get3A_551 = arith.constant 12 : index
    %get3A_552 = arith.constant 0 : index
    %get3A_553 = arith.constant 0 : index
    %get3A_554 = vector.load %arg2[%get3A_550, %get3A_551, %get3A_552, %get3A_553] : memref<1x32x32x84xf32, #tpu.memory_space<vmem>>, vector<1x4x32x84xf32>
    %get3A_555 = vector.shape_cast %get3A_554 : vector<1x4x32x84xf32> to vector<4x32x84xf32>
    %abs3A_556 = math.absf %get3A_555 : vector<4x32x84xf32>
    %add3A_557 = arith.addf %get3A_555, %abs3A_556 : vector<4x32x84xf32>
    %mul3A_558 = arith.constant 5.000000e-01 : f32
    %mul3A_559 = vector.broadcast %mul3A_558 : f32 to vector<4x32x84xf32>
    %mul3A_560 = arith.mulf %mul3A_559, %add3A_557 : vector<4x32x84xf32>
    %neg3A_561 = arith.constant 0.000000e+00 : f32
    %neg3A_562 = vector.broadcast %neg3A_561 : f32 to vector<4x32x84xf32>
    %neg3A_563 = arith.subf %neg3A_562, %abs3A_556 : vector<4x32x84xf32>
    %exp3A_564 = math.exp %neg3A_563 : vector<4x32x84xf32>
    %add3A_565 = arith.constant 1.000000e+00 : f32
    %add3A_566 = vector.broadcast %add3A_565 : f32 to vector<4x32x84xf32>
    %add3A_567 = arith.addf %add3A_566, %exp3A_564 : vector<4x32x84xf32>
    %log3A_568 = math.log %add3A_567 : vector<4x32x84xf32>
    %add3A_569 = arith.addf %mul3A_560, %log3A_568 : vector<4x32x84xf32>
    %get3A_570 = arith.constant 12 : index
    %get3A_571 = arith.constant 0 : index
    %get3A_572 = arith.constant 0 : index
    %get3A_573 = vector.load %arg6[%get3A_570, %get3A_571, %get3A_572] : memref<32x32x84xf32, #tpu.memory_space<vmem>>, vector<4x32x84xf32>
    %add3A_574 = arith.addf %get3A_573, %add3A_569 : vector<4x32x84xf32>
    %swap3A_575 = arith.constant 12 : index
    %swap3A_576 = arith.constant 0 : index
    %swap3A_577 = arith.constant 0 : index
    %swap3A_578 = vector.load %arg6[%swap3A_575, %swap3A_576, %swap3A_577] : memref<32x32x84xf32, #tpu.memory_space<vmem>>, vector<4x32x84xf32>
    tpu.vector_store %arg6[%swap3A_575, %swap3A_576, %swap3A_577], %add3A_574 {strides = array<i32>} : memref<32x32x84xf32, #tpu.memory_space<vmem>>, vector<4x32x84xf32>,
    %get3A_579 = arith.constant 0 : index
    %get3A_580 = arith.constant 16 : index
    %get3A_581 = arith.constant 0 : index
    %get3A_582 = arith.constant 0 : index
    %get3A_583 = vector.load %arg2[%get3A_579, %get3A_580, %get3A_581, %get3A_582] : memref<1x32x32x84xf32, #tpu.memory_space<vmem>>, vector<1x4x32x84xf32>
    %get3A_584 = vector.shape_cast %get3A_583 : vector<1x4x32x84xf32> to vector<4x32x84xf32>
    %abs3A_585 = math.absf %get3A_584 : vector<4x32x84xf32>
    %add3A_586 = arith.addf %get3A_584, %abs3A_585 : vector<4x32x84xf32>
    %mul3A_587 = arith.constant 5.000000e-01 : f32
    %mul3A_588 = vector.broadcast %mul3A_587 : f32 to vector<4x32x84xf32>
    %mul3A_589 = arith.mulf %mul3A_588, %add3A_586 : vector<4x32x84xf32>
    %neg3A_590 = arith.constant 0.000000e+00 : f32
    %neg3A_591 = vector.broadcast %neg3A_590 : f32 to vector<4x32x84xf32>
    %neg3A_592 = arith.subf %neg3A_591, %abs3A_585 : vector<4x32x84xf32>
    %exp3A_593 = math.exp %neg3A_592 : vector<4x32x84xf32>
    %add3A_594 = arith.constant 1.000000e+00 : f32
    %add3A_595 = vector.broadcast %add3A_594 : f32 to vector<4x32x84xf32>
    %add3A_596 = arith.addf %add3A_595, %exp3A_593 : vector<4x32x84xf32>
    %log3A_597 = math.log %add3A_596 : vector<4x32x84xf32>
    %add3A_598 = arith.addf %mul3A_589, %log3A_597 : vector<4x32x84xf32>
    %get3A_599 = arith.constant 16 : index
    %get3A_600 = arith.constant 0 : index
    %get3A_601 = arith.constant 0 : index
    %get3A_602 = vector.load %arg6[%get3A_599, %get3A_600, %get3A_601] : memref<32x32x84xf32, #tpu.memory_space<vmem>>, vector<4x32x84xf32>
    %add3A_603 = arith.addf %get3A_602, %add3A_598 : vector<4x32x84xf32>
    %swap3A_604 = arith.constant 16 : index
    %swap3A_605 = arith.constant 0 : index
    %swap3A_606 = arith.constant 0 : index
    %swap3A_607 = vector.load %arg6[%swap3A_604, %swap3A_605, %swap3A_606] : memref<32x32x84xf32, #tpu.memory_space<vmem>>, vector<4x32x84xf32>
    tpu.vector_store %arg6[%swap3A_604, %swap3A_605, %swap3A_606], %add3A_603 {strides = array<i32>} : memref<32x32x84xf32, #tpu.memory_space<vmem>>, vector<4x32x84xf32>,
    %get3A_608 = arith.constant 0 : index
    %get3A_609 = arith.constant 20 : index
    %get3A_610 = arith.constant 0 : index
    %get3A_611 = arith.constant 0 : index
    %get3A_612 = vector.load %arg2[%get3A_608, %get3A_609, %get3A_610, %get3A_611] : memref<1x32x32x84xf32, #tpu.memory_space<vmem>>, vector<1x4x32x84xf32>
    %get3A_613 = vector.shape_cast %get3A_612 : vector<1x4x32x84xf32> to vector<4x32x84xf32>
    %abs3A_614 = math.absf %get3A_613 : vector<4x32x84xf32>
    %add3A_615 = arith.addf %get3A_613, %abs3A_614 : vector<4x32x84xf32>
    %mul3A_616 = arith.constant 5.000000e-01 : f32
    %mul3A_617 = vector.broadcast %mul3A_616 : f32 to vector<4x32x84xf32>
    %mul3A_618 = arith.mulf %mul3A_617, %add3A_615 : vector<4x32x84xf32>
    %neg3A_619 = arith.constant 0.000000e+00 : f32
    %neg3A_620 = vector.broadcast %neg3A_619 : f32 to vector<4x32x84xf32>
    %neg3A_621 = arith.subf %neg3A_620, %abs3A_614 : vector<4x32x84xf32>
    %exp3A_622 = math.exp %neg3A_621 : vector<4x32x84xf32>
    %add3A_623 = arith.constant 1.000000e+00 : f32
    %add3A_624 = vector.broadcast %add3A_623 : f32 to vector<4x32x84xf32>
    %add3A_625 = arith.addf %add3A_624, %exp3A_622 : vector<4x32x84xf32>
    %log3A_626 = math.log %add3A_625 : vector<4x32x84xf32>
    %add3A_627 = arith.addf %mul3A_618, %log3A_626 : vector<4x32x84xf32>
    %get3A_628 = arith.constant 20 : index
    %get3A_629 = arith.constant 0 : index
    %get3A_630 = arith.constant 0 : index
    %get3A_631 = vector.load %arg6[%get3A_628, %get3A_629, %get3A_630] : memref<32x32x84xf32, #tpu.memory_space<vmem>>, vector<4x32x84xf32>
    %add3A_632 = arith.addf %get3A_631, %add3A_627 : vector<4x32x84xf32>
    %swap3A_633 = arith.constant 20 : index
    %swap3A_634 = arith.constant 0 : index
    %swap3A_635 = arith.constant 0 : index
    %swap3A_636 = vector.load %arg6[%swap3A_633, %swap3A_634, %swap3A_635] : memref<32x32x84xf32, #tpu.memory_space<vmem>>, vector<4x32x84xf32>
    tpu.vector_store %arg6[%swap3A_633, %swap3A_634, %swap3A_635], %add3A_632 {strides = array<i32>} : memref<32x32x84xf32, #tpu.memory_space<vmem>>, vector<4x32x84xf32>,
    %get3A_637 = arith.constant 0 : index
    %get3A_638 = arith.constant 24 : index
    %get3A_639 = arith.constant 0 : index
    %get3A_640 = arith.constant 0 : index
    %get3A_641 = vector.load %arg2[%get3A_637, %get3A_638, %get3A_639, %get3A_640] : memref<1x32x32x84xf32, #tpu.memory_space<vmem>>, vector<1x4x32x84xf32>
    %get3A_642 = vector.shape_cast %get3A_641 : vector<1x4x32x84xf32> to vector<4x32x84xf32>
    %abs3A_643 = math.absf %get3A_642 : vector<4x32x84xf32>
    %add3A_644 = arith.addf %get3A_642, %abs3A_643 : vector<4x32x84xf32>
    %mul3A_645 = arith.constant 5.000000e-01 : f32
    %mul3A_646 = vector.broadcast %mul3A_645 : f32 to vector<4x32x84xf32>
    %mul3A_647 = arith.mulf %mul3A_646, %add3A_644 : vector<4x32x84xf32>
    %neg3A_648 = arith.constant 0.000000e+00 : f32
    %neg3A_649 = vector.broadcast %neg3A_648 : f32 to vector<4x32x84xf32>
    %neg3A_650 = arith.subf %neg3A_649, %abs3A_643 : vector<4x32x84xf32>
    %exp3A_651 = math.exp %neg3A_650 : vector<4x32x84xf32>
    %add3A_652 = arith.constant 1.000000e+00 : f32
    %add3A_653 = vector.broadcast %add3A_652 : f32 to vector<4x32x84xf32>
    %add3A_654 = arith.addf %add3A_653, %exp3A_651 : vector<4x32x84xf32>
    %log3A_655 = math.log %add3A_654 : vector<4x32x84xf32>
    %add3A_656 = arith.addf %mul3A_647, %log3A_655 : vector<4x32x84xf32>
    %get3A_657 = arith.constant 24 : index
    %get3A_658 = arith.constant 0 : index
    %get3A_659 = arith.constant 0 : index
    %get3A_660 = vector.load %arg6[%get3A_657, %get3A_658, %get3A_659] : memref<32x32x84xf32, #tpu.memory_space<vmem>>, vector<4x32x84xf32>
    %add3A_661 = arith.addf %get3A_660, %add3A_656 : vector<4x32x84xf32>
    %swap3A_662 = arith.constant 24 : index
    %swap3A_663 = arith.constant 0 : index
    %swap3A_664 = arith.constant 0 : index
    %swap3A_665 = vector.load %arg6[%swap3A_662, %swap3A_663, %swap3A_664] : memref<32x32x84xf32, #tpu.memory_space<vmem>>, vector<4x32x84xf32>
    tpu.vector_store %arg6[%swap3A_662, %swap3A_663, %swap3A_664], %add3A_661 {strides = array<i32>} : memref<32x32x84xf32, #tpu.memory_space<vmem>>, vector<4x32x84xf32>,
    %get3A_666 = arith.constant 0 : index
    %get3A_667 = arith.constant 28 : index
    %get3A_668 = arith.constant 0 : index
    %get3A_669 = arith.constant 0 : index
    %get3A_670 = vector.load %arg2[%get3A_666, %get3A_667, %get3A_668, %get3A_669] : memref<1x32x32x84xf32, #tpu.memory_space<vmem>>, vector<1x4x32x84xf32>
    %get3A_671 = vector.shape_cast %get3A_670 : vector<1x4x32x84xf32> to vector<4x32x84xf32>
    %abs3A_672 = math.absf %get3A_671 : vector<4x32x84xf32>
    %add3A_673 = arith.addf %get3A_671, %abs3A_672 : vector<4x32x84xf32>
    %mul3A_674 = arith.constant 5.000000e-01 : f32
    %mul3A_675 = vector.broadcast %mul3A_674 : f32 to vector<4x32x84xf32>
    %mul3A_676 = arith.mulf %mul3A_675, %add3A_673 : vector<4x32x84xf32>
    %neg3A_677 = arith.constant 0.000000e+00 : f32
    %neg3A_678 = vector.broadcast %neg3A_677 : f32 to vector<4x32x84xf32>
    %neg3A_679 = arith.subf %neg3A_678, %abs3A_672 : vector<4x32x84xf32>
    %exp3A_680 = math.exp %neg3A_679 : vector<4x32x84xf32>
    %add3A_681 = arith.constant 1.000000e+00 : f32
    %add3A_682 = vector.broadcast %add3A_681 : f32 to vector<4x32x84xf32>
    %add3A_683 = arith.addf %add3A_682, %exp3A_680 : vector<4x32x84xf32>
    %log3A_684 = math.log %add3A_683 : vector<4x32x84xf32>
    %add3A_685 = arith.addf %mul3A_676, %log3A_684 : vector<4x32x84xf32>
    %get3A_686 = arith.constant 28 : index
    %get3A_687 = arith.constant 0 : index
    %get3A_688 = arith.constant 0 : index
    %get3A_689 = vector.load %arg6[%get3A_686, %get3A_687, %get3A_688] : memref<32x32x84xf32, #tpu.memory_space<vmem>>, vector<4x32x84xf32>
    %add3A_690 = arith.addf %get3A_689, %add3A_685 : vector<4x32x84xf32>
    %swap3A_691 = arith.constant 28 : index
    %swap3A_692 = arith.constant 0 : index
    %swap3A_693 = arith.constant 0 : index
    %swap3A_694 = vector.load %arg6[%swap3A_691, %swap3A_692, %swap3A_693] : memref<32x32x84xf32, #tpu.memory_space<vmem>>, vector<4x32x84xf32>
    tpu.vector_store %arg6[%swap3A_691, %swap3A_692, %swap3A_693], %add3A_690 {strides = array<i32>} : memref<32x32x84xf32, #tpu.memory_space<vmem>>, vector<4x32x84xf32>,
    %eq3A_695 = arith.constant 0 : i32
    %eq3A_696 = arith.cmpi eq, %arg0, %eq3A_695 : i32
    %convert_element_type3A_697 = arith.extui %eq3A_696 : i1 to i32
    %cond3A_698 = arith.constant 0 : i32
    %cond3A_699 = arith.cmpi ne, %convert_element_type3A_697, %cond3A_698 : i32
    scf.if %cond3A_699 {
      %broadcast_in_dim3A = arith.constant 0.000000e+00 : f32
      %broadcast_in_dim3A_821 = vector.broadcast %broadcast_in_dim3A : f32 to vector<16x16x84xf32>
      %swap3A_822 = arith.constant 0 : index
      %swap3A_823 = arith.constant 0 : index
      %swap3A_824 = arith.constant 0 : index
      %swap3A_825 = vector.load %arg7[%swap3A_822, %swap3A_823, %swap3A_824] : memref<16x16x84xf32, #tpu.memory_space<vmem>>, vector<16x16x84xf32>
      tpu.vector_store %arg7[%swap3A_822, %swap3A_823, %swap3A_824], %broadcast_in_dim3A_821 {strides = array<i32>} : memref<16x16x84xf32, #tpu.memory_space<vmem>>, vector<16x16x84xf32>,
    } else {
    }
    %get3A_700 = arith.constant 0 : index
    %get3A_701 = arith.constant 0 : index
    %get3A_702 = arith.constant 0 : index
    %get3A_703 = arith.constant 0 : index
    %get3A_704 = vector.load %arg3[%get3A_700, %get3A_701, %get3A_702, %get3A_703] : memref<1x16x16x84xf32, #tpu.memory_space<vmem>>, vector<1x4x16x84xf32>
    %get3A_705 = vector.shape_cast %get3A_704 : vector<1x4x16x84xf32> to vector<4x16x84xf32>
    %abs3A_706 = math.absf %get3A_705 : vector<4x16x84xf32>
    %add3A_707 = arith.addf %get3A_705, %abs3A_706 : vector<4x16x84xf32>
    %mul3A_708 = arith.constant 5.000000e-01 : f32
    %mul3A_709 = vector.broadcast %mul3A_708 : f32 to vector<4x16x84xf32>
    %mul3A_710 = arith.mulf %mul3A_709, %add3A_707 : vector<4x16x84xf32>
    %neg3A_711 = arith.constant 0.000000e+00 : f32
    %neg3A_712 = vector.broadcast %neg3A_711 : f32 to vector<4x16x84xf32>
    %neg3A_713 = arith.subf %neg3A_712, %abs3A_706 : vector<4x16x84xf32>
    %exp3A_714 = math.exp %neg3A_713 : vector<4x16x84xf32>
    %add3A_715 = arith.constant 1.000000e+00 : f32
    %add3A_716 = vector.broadcast %add3A_715 : f32 to vector<4x16x84xf32>
    %add3A_717 = arith.addf %add3A_716, %exp3A_714 : vector<4x16x84xf32>
    %log3A_718 = math.log %add3A_717 : vector<4x16x84xf32>
    %add3A_719 = arith.addf %mul3A_710, %log3A_718 : vector<4x16x84xf32>
    %get3A_720 = arith.constant 0 : index
    %get3A_721 = arith.constant 0 : index
    %get3A_722 = arith.constant 0 : index
    %get3A_723 = vector.load %arg7[%get3A_720, %get3A_721, %get3A_722] : memref<16x16x84xf32, #tpu.memory_space<vmem>>, vector<4x16x84xf32>
    %add3A_724 = arith.addf %get3A_723, %add3A_719 : vector<4x16x84xf32>
    %swap3A_725 = arith.constant 0 : index
    %swap3A_726 = arith.constant 0 : index
    %swap3A_727 = arith.constant 0 : index
    %swap3A_728 = vector.load %arg7[%swap3A_725, %swap3A_726, %swap3A_727] : memref<16x16x84xf32, #tpu.memory_space<vmem>>, vector<4x16x84xf32>
    tpu.vector_store %arg7[%swap3A_725, %swap3A_726, %swap3A_727], %add3A_724 {strides = array<i32>} : memref<16x16x84xf32, #tpu.memory_space<vmem>>, vector<4x16x84xf32>,
    %get3A_729 = arith.constant 0 : index
    %get3A_730 = arith.constant 4 : index
    %get3A_731 = arith.constant 0 : index
    %get3A_732 = arith.constant 0 : index
    %get3A_733 = vector.load %arg3[%get3A_729, %get3A_730, %get3A_731, %get3A_732] : memref<1x16x16x84xf32, #tpu.memory_space<vmem>>, vector<1x4x16x84xf32>
    %get3A_734 = vector.shape_cast %get3A_733 : vector<1x4x16x84xf32> to vector<4x16x84xf32>
    %abs3A_735 = math.absf %get3A_734 : vector<4x16x84xf32>
    %add3A_736 = arith.addf %get3A_734, %abs3A_735 : vector<4x16x84xf32>
    %mul3A_737 = arith.constant 5.000000e-01 : f32
    %mul3A_738 = vector.broadcast %mul3A_737 : f32 to vector<4x16x84xf32>
    %mul3A_739 = arith.mulf %mul3A_738, %add3A_736 : vector<4x16x84xf32>
    %neg3A_740 = arith.constant 0.000000e+00 : f32
    %neg3A_741 = vector.broadcast %neg3A_740 : f32 to vector<4x16x84xf32>
    %neg3A_742 = arith.subf %neg3A_741, %abs3A_735 : vector<4x16x84xf32>
    %exp3A_743 = math.exp %neg3A_742 : vector<4x16x84xf32>
    %add3A_744 = arith.constant 1.000000e+00 : f32
    %add3A_745 = vector.broadcast %add3A_744 : f32 to vector<4x16x84xf32>
    %add3A_746 = arith.addf %add3A_745, %exp3A_743 : vector<4x16x84xf32>
    %log3A_747 = math.log %add3A_746 : vector<4x16x84xf32>
    %add3A_748 = arith.addf %mul3A_739, %log3A_747 : vector<4x16x84xf32>
    %get3A_749 = arith.constant 4 : index
    %get3A_750 = arith.constant 0 : index
    %get3A_751 = arith.constant 0 : index
    %get3A_752 = vector.load %arg7[%get3A_749, %get3A_750, %get3A_751] : memref<16x16x84xf32, #tpu.memory_space<vmem>>, vector<4x16x84xf32>
    %add3A_753 = arith.addf %get3A_752, %add3A_748 : vector<4x16x84xf32>
    %swap3A_754 = arith.constant 4 : index
    %swap3A_755 = arith.constant 0 : index
    %swap3A_756 = arith.constant 0 : index
    %swap3A_757 = vector.load %arg7[%swap3A_754, %swap3A_755, %swap3A_756] : memref<16x16x84xf32, #tpu.memory_space<vmem>>, vector<4x16x84xf32>
    tpu.vector_store %arg7[%swap3A_754, %swap3A_755, %swap3A_756], %add3A_753 {strides = array<i32>} : memref<16x16x84xf32, #tpu.memory_space<vmem>>, vector<4x16x84xf32>,
    %get3A_758 = arith.constant 0 : index
    %get3A_759 = arith.constant 8 : index
    %get3A_760 = arith.constant 0 : index
    %get3A_761 = arith.constant 0 : index
    %get3A_762 = vector.load %arg3[%get3A_758, %get3A_759, %get3A_760, %get3A_761] : memref<1x16x16x84xf32, #tpu.memory_space<vmem>>, vector<1x4x16x84xf32>
    %get3A_763 = vector.shape_cast %get3A_762 : vector<1x4x16x84xf32> to vector<4x16x84xf32>
    %abs3A_764 = math.absf %get3A_763 : vector<4x16x84xf32>
    %add3A_765 = arith.addf %get3A_763, %abs3A_764 : vector<4x16x84xf32>
    %mul3A_766 = arith.constant 5.000000e-01 : f32
    %mul3A_767 = vector.broadcast %mul3A_766 : f32 to vector<4x16x84xf32>
    %mul3A_768 = arith.mulf %mul3A_767, %add3A_765 : vector<4x16x84xf32>
    %neg3A_769 = arith.constant 0.000000e+00 : f32
    %neg3A_770 = vector.broadcast %neg3A_769 : f32 to vector<4x16x84xf32>
    %neg3A_771 = arith.subf %neg3A_770, %abs3A_764 : vector<4x16x84xf32>
    %exp3A_772 = math.exp %neg3A_771 : vector<4x16x84xf32>
    %add3A_773 = arith.constant 1.000000e+00 : f32
    %add3A_774 = vector.broadcast %add3A_773 : f32 to vector<4x16x84xf32>
    %add3A_775 = arith.addf %add3A_774, %exp3A_772 : vector<4x16x84xf32>
    %log3A_776 = math.log %add3A_775 : vector<4x16x84xf32>
    %add3A_777 = arith.addf %mul3A_768, %log3A_776 : vector<4x16x84xf32>
    %get3A_778 = arith.constant 8 : index
    %get3A_779 = arith.constant 0 : index
    %get3A_780 = arith.constant 0 : index
    %get3A_781 = vector.load %arg7[%get3A_778, %get3A_779, %get3A_780] : memref<16x16x84xf32, #tpu.memory_space<vmem>>, vector<4x16x84xf32>
    %add3A_782 = arith.addf %get3A_781, %add3A_777 : vector<4x16x84xf32>
    %swap3A_783 = arith.constant 8 : index
    %swap3A_784 = arith.constant 0 : index
    %swap3A_785 = arith.constant 0 : index
    %swap3A_786 = vector.load %arg7[%swap3A_783, %swap3A_784, %swap3A_785] : memref<16x16x84xf32, #tpu.memory_space<vmem>>, vector<4x16x84xf32>
    tpu.vector_store %arg7[%swap3A_783, %swap3A_784, %swap3A_785], %add3A_782 {strides = array<i32>} : memref<16x16x84xf32, #tpu.memory_space<vmem>>, vector<4x16x84xf32>,
    %get3A_787 = arith.constant 0 : index
    %get3A_788 = arith.constant 12 : index
    %get3A_789 = arith.constant 0 : index
    %get3A_790 = arith.constant 0 : index
    %get3A_791 = vector.load %arg3[%get3A_787, %get3A_788, %get3A_789, %get3A_790] : memref<1x16x16x84xf32, #tpu.memory_space<vmem>>, vector<1x4x16x84xf32>
    %get3A_792 = vector.shape_cast %get3A_791 : vector<1x4x16x84xf32> to vector<4x16x84xf32>
    %abs3A_793 = math.absf %get3A_792 : vector<4x16x84xf32>
    %add3A_794 = arith.addf %get3A_792, %abs3A_793 : vector<4x16x84xf32>
    %mul3A_795 = arith.constant 5.000000e-01 : f32
    %mul3A_796 = vector.broadcast %mul3A_795 : f32 to vector<4x16x84xf32>
    %mul3A_797 = arith.mulf %mul3A_796, %add3A_794 : vector<4x16x84xf32>
    %neg3A_798 = arith.constant 0.000000e+00 : f32
    %neg3A_799 = vector.broadcast %neg3A_798 : f32 to vector<4x16x84xf32>
    %neg3A_800 = arith.subf %neg3A_799, %abs3A_793 : vector<4x16x84xf32>
    %exp3A_801 = math.exp %neg3A_800 : vector<4x16x84xf32>
    %add3A_802 = arith.constant 1.000000e+00 : f32
    %add3A_803 = vector.broadcast %add3A_802 : f32 to vector<4x16x84xf32>
    %add3A_804 = arith.addf %add3A_803, %exp3A_801 : vector<4x16x84xf32>
    %log3A_805 = math.log %add3A_804 : vector<4x16x84xf32>
    %add3A_806 = arith.addf %mul3A_797, %log3A_805 : vector<4x16x84xf32>
    %get3A_807 = arith.constant 12 : index
    %get3A_808 = arith.constant 0 : index
    %get3A_809 = arith.constant 0 : index
    %get3A_810 = vector.load %arg7[%get3A_807, %get3A_808, %get3A_809] : memref<16x16x84xf32, #tpu.memory_space<vmem>>, vector<4x16x84xf32>
    %add3A_811 = arith.addf %get3A_810, %add3A_806 : vector<4x16x84xf32>
    %swap3A_812 = arith.constant 12 : index
    %swap3A_813 = arith.constant 0 : index
    %swap3A_814 = arith.constant 0 : index
    %swap3A_815 = vector.load %arg7[%swap3A_812, %swap3A_813, %swap3A_814] : memref<16x16x84xf32, #tpu.memory_space<vmem>>, vector<4x16x84xf32>
    tpu.vector_store %arg7[%swap3A_812, %swap3A_813, %swap3A_814], %add3A_811 {strides = array<i32>} : memref<16x16x84xf32, #tpu.memory_space<vmem>>, vector<4x16x84xf32>,
    %eq3A_816 = arith.constant 31 : i32
    %eq3A_817 = arith.cmpi eq, %arg0, %eq3A_816 : i32
    %convert_element_type3A_818 = arith.extui %eq3A_817 : i1 to i32
    %cond3A_819 = arith.constant 0 : i32
    %cond3A_820 = arith.cmpi ne, %convert_element_type3A_818, %cond3A_819 : i32
    scf.if %cond3A_820 {
      %iota3A = tpu.iota {dimensions = array<i32: 2>} : vector<64x64x84xi32>
      %ge3A = arith.constant 4 : i32
      %ge3A_821 = vector.broadcast %ge3A : i32 to vector<64x64x84xi32>
      %ge3A_822 = arith.cmpi sge, %iota3A, %ge3A_821 : vector<64x64x84xi32>
      %get3A_823 = arith.constant 0 : index
      %get3A_824 = arith.constant 0 : index
      %get3A_825 = arith.constant 0 : index
      %get3A_826 = vector.load %arg5[%get3A_823, %get3A_824, %get3A_825] : memref<64x64x84xf32, #tpu.memory_space<vmem>>, vector<64x64x84xf32>
      %jit3A = arith.constant 0.000000e+00 : f32
      %broadcast_in_dim3A = vector.broadcast %jit3A : f32 to vector<64x64x84xf32>
      %select_n3A = arith.select %ge3A_822, %get3A_826, %broadcast_in_dim3A : vector<64x64x84xi1>, vector<64x64x84xf32>
      %reduce_sum3A = vector.shape_cast %select_n3A : vector<64x64x84xf32> to vector<1x64x64x84xf32>
      %reduce_sum3A_827 = arith.constant dense<0.000000e+00> : vector<1xf32>
      %reduce_sum3A_828 = vector.multi_reduction <add>, %reduce_sum3A, %reduce_sum3A_827 [1, 2, 3] : vector<1x64x64x84xf32> to vector<1xf32>
      %reduce_sum3A_829 = vector.shape_cast %reduce_sum3A_828 : vector<1xf32> to vector<1x1x1x1xf32>
      %reduce_sum3A_830 = vector.extract %reduce_sum3A_829[0, 0, 0, 0] : f32 from vector<1x1x1x1xf32>
      %iota3A_831 = tpu.iota {dimensions = array<i32: 2>} : vector<32x32x84xi32>
      %ge3A_832 = arith.constant 4 : i32
      %ge3A_833 = vector.broadcast %ge3A_832 : i32 to vector<32x32x84xi32>
      %ge3A_834 = arith.cmpi sge, %iota3A_831, %ge3A_833 : vector<32x32x84xi32>
      %get3A_835 = arith.constant 0 : index
      %get3A_836 = arith.constant 0 : index
      %get3A_837 = arith.constant 0 : index
      %get3A_838 = vector.load %arg6[%get3A_835, %get3A_836, %get3A_837] : memref<32x32x84xf32, #tpu.memory_space<vmem>>, vector<32x32x84xf32>
      %jit3A_839 = arith.constant 0.000000e+00 : f32
      %broadcast_in_dim3A_840 = vector.broadcast %jit3A_839 : f32 to vector<32x32x84xf32>
      %select_n3A_841 = arith.select %ge3A_834, %get3A_838, %broadcast_in_dim3A_840 : vector<32x32x84xi1>, vector<32x32x84xf32>
      %reduce_sum3A_842 = vector.shape_cast %select_n3A_841 : vector<32x32x84xf32> to vector<1x32x32x84xf32>
      %reduce_sum3A_843 = arith.constant dense<0.000000e+00> : vector<1xf32>
      %reduce_sum3A_844 = vector.multi_reduction <add>, %reduce_sum3A_842, %reduce_sum3A_843 [1, 2, 3] : vector<1x32x32x84xf32> to vector<1xf32>
      %reduce_sum3A_845 = vector.shape_cast %reduce_sum3A_844 : vector<1xf32> to vector<1x1x1x1xf32>
      %reduce_sum3A_846 = vector.extract %reduce_sum3A_845[0, 0, 0, 0] : f32 from vector<1x1x1x1xf32>
      %iota3A_847 = tpu.iota {dimensions = array<i32: 2>} : vector<16x16x84xi32>
      %ge3A_848 = arith.constant 4 : i32
      %ge3A_849 = vector.broadcast %ge3A_848 : i32 to vector<16x16x84xi32>
      %ge3A_850 = arith.cmpi sge, %iota3A_847, %ge3A_849 : vector<16x16x84xi32>
      %get3A_851 = arith.constant 0 : index
      %get3A_852 = arith.constant 0 : index
      %get3A_853 = arith.constant 0 : index
      %get3A_854 = vector.load %arg7[%get3A_851, %get3A_852, %get3A_853] : memref<16x16x84xf32, #tpu.memory_space<vmem>>, vector<16x16x84xf32>
      %jit3A_855 = arith.constant 0.000000e+00 : f32
      %broadcast_in_dim3A_856 = vector.broadcast %jit3A_855 : f32 to vector<16x16x84xf32>
      %select_n3A_857 = arith.select %ge3A_850, %get3A_854, %broadcast_in_dim3A_856 : vector<16x16x84xi1>, vector<16x16x84xf32>
      %reduce_sum3A_858 = vector.shape_cast %select_n3A_857 : vector<16x16x84xf32> to vector<1x16x16x84xf32>
      %reduce_sum3A_859 = arith.constant dense<0.000000e+00> : vector<1xf32>
      %reduce_sum3A_860 = vector.multi_reduction <add>, %reduce_sum3A_858, %reduce_sum3A_859 [1, 2, 3] : vector<1x16x16x84xf32> to vector<1xf32>
      %reduce_sum3A_861 = vector.shape_cast %reduce_sum3A_860 : vector<1xf32> to vector<1x1x1x1xf32>
      %reduce_sum3A_862 = vector.extract %reduce_sum3A_861[0, 0, 0, 0] : f32 from vector<1x1x1x1xf32>
      %iota3A_863 = tpu.iota {dimensions = array<i32: 1>} : vector<1x8xi32>
      %eq3A_864 = arith.constant 0 : i32
      %eq3A_865 = vector.broadcast %eq3A_864 : i32 to vector<1x8xi32>
      %eq3A_866 = arith.cmpi eq, %iota3A_863, %eq3A_865 : vector<1x8xi32>
      %eq3A_867 = arith.constant 1 : i32
      %eq3A_868 = vector.broadcast %eq3A_867 : i32 to vector<1x8xi32>
      %eq3A_869 = arith.cmpi eq, %iota3A_863, %eq3A_868 : vector<1x8xi32>
      %eq3A_870 = arith.constant 2 : i32
      %eq3A_871 = vector.broadcast %eq3A_870 : i32 to vector<1x8xi32>
      %eq3A_872 = arith.cmpi eq, %iota3A_863, %eq3A_871 : vector<1x8xi32>
      %jit3A_873 = arith.constant 0.000000e+00 : f32
      %broadcast_in_dim3A_874 = vector.broadcast %reduce_sum3A_862 : f32 to vector<1x8xf32>
      %broadcast_in_dim3A_875 = vector.broadcast %jit3A_873 : f32 to vector<1x8xf32>
      %select_n3A_876 = arith.select %eq3A_872, %broadcast_in_dim3A_874, %broadcast_in_dim3A_875 : vector<1x8xi1>, vector<1x8xf32>
      %broadcast_in_dim3A_877 = vector.broadcast %reduce_sum3A_846 : f32 to vector<1x8xf32>
      %select_n3A_878 = arith.select %eq3A_869, %broadcast_in_dim3A_877, %select_n3A_876 : vector<1x8xi1>, vector<1x8xf32>
      %broadcast_in_dim3A_879 = vector.broadcast %reduce_sum3A_830 : f32 to vector<1x8xf32>
      %select_n3A_880 = arith.select %eq3A_866, %broadcast_in_dim3A_879, %select_n3A_878 : vector<1x8xi1>, vector<1x8xf32>
      %swap3A_881 = arith.constant 0 : index
      %swap3A_882 = arith.constant 0 : index
      %swap3A_883 = vector.load %arg4[%swap3A_881, %swap3A_882] : memref<1x8xf32, #tpu.memory_space<vmem>>, vector<1x8xf32>
      tpu.vector_store %arg4[%swap3A_881, %swap3A_882], %select_n3A_880 {strides = array<i32>} : memref<1x8xf32, #tpu.memory_space<vmem>>, vector<1x8xf32>,
    } else {
    }
    return
  }
  func.func @transform_0(%arg0: i32) -> (i32, i32, i32, i32) {
    %c0_i32 = arith.constant 0 : i32
    %c0_i32_0 = arith.constant 0 : i32
    %c0_i32_1 = arith.constant 0 : i32
    %c0_i32_2 = arith.constant 0 : i32
    return %arg0, %c0_i32, %c0_i32_0, %c0_i32_1 : i32, i32, i32, i32
  }
  func.func @transform_1(%arg0: i32) -> (i32, i32, i32, i32) {
    %c0_i32 = arith.constant 0 : i32
    %c0_i32_0 = arith.constant 0 : i32
    %c0_i32_1 = arith.constant 0 : i32
    %c0_i32_2 = arith.constant 0 : i32
    return %arg0, %c0_i32, %c0_i32_0, %c0_i32_1 : i32, i32, i32, i32
  }
  func.func @transform_2(%arg0: i32) -> (i32, i32, i32, i32) {
    %c0_i32 = arith.constant 0 : i32
    %c0_i32_0 = arith.constant 0 : i32
    %c0_i32_1 = arith.constant 0 : i32
    %c0_i32_2 = arith.constant 0 : i32
    return %arg0, %c0_i32, %c0_i32_0, %c0_i32_1 : i32, i32, i32, i32
  }
  func.func @transform_3(%arg0: i32) -> (i32, i32) {
    %c0_i32 = arith.constant 0 : i32
    %c0_i32_0 = arith.constant 0 : i32
    %c0_i32_1 = arith.constant 0 : i32
    return %c0_i32, %c0_i32_0 : i32, i32
  }
}

module attributes {stable_mosaic.version = 14 : i64} {
  func.func @_combine_body(%arg0: memref<6x400xf32, #tpu.memory_space<vmem>>, %arg1: memref<6x25x16xf32, #tpu.memory_space<vmem>>, %arg2: memref<25x5x16xf32, #tpu.memory_space<vmem>>, %arg3: memref<25x5x16xf32, #tpu.memory_space<vmem>>, %arg4: memref<25x5x16xf32, #tpu.memory_space<vmem>>, %arg5: memref<400xf32, #tpu.memory_space<vmem>>, %arg6: memref<400xf32, #tpu.memory_space<vmem>>, %arg7: memref<400xf32, #tpu.memory_space<vmem>>, %arg8: memref<25x64x16xf32, #tpu.memory_space<vmem>>, %arg9: memref<25x64x16xf32, #tpu.memory_space<vmem>>, %arg10: memref<25x64x16xf32, #tpu.memory_space<vmem>>, %arg11: memref<1x8xf32, #tpu.memory_space<vmem>>, %arg12: memref<1x4xf32, #tpu.memory_space<vmem>>) attributes {dimension_semantics = [], scalar_prefetch = 0 : i64, scratch_operands = 0 : i64, tpu.core_type = #tpu.core_type<tc>} {
    %get3A = arith.constant 0 : index
    %get3A_0 = arith.constant 0 : index
    %get3A_1 = vector.load %arg0[%get3A, %get3A_0] : memref<6x400xf32, #tpu.memory_space<vmem>>, vector<1x400xf32>
    %convert_element_type3A = arith.fptosi %get3A_1 : vector<1x400xf32> to vector<1x400xi32>
    %get3A_2 = arith.constant 1 : index
    %get3A_3 = arith.constant 0 : index
    %get3A_4 = vector.load %arg0[%get3A_2, %get3A_3] : memref<6x400xf32, #tpu.memory_space<vmem>>, vector<1x400xf32>
    %convert_element_type3A_5 = arith.fptosi %get3A_4 : vector<1x400xf32> to vector<1x400xi32>
    %get3A_6 = arith.constant 2 : index
    %get3A_7 = arith.constant 0 : index
    %get3A_8 = vector.load %arg0[%get3A_6, %get3A_7] : memref<6x400xf32, #tpu.memory_space<vmem>>, vector<1x400xf32>
    %get3A_9 = arith.constant 3 : index
    %get3A_10 = arith.constant 0 : index
    %get3A_11 = vector.load %arg0[%get3A_9, %get3A_10] : memref<6x400xf32, #tpu.memory_space<vmem>>, vector<1x400xf32>
    %get3A_12 = arith.constant 2 : index
    %get3A_13 = arith.constant 0 : index
    %get3A_14 = arith.constant 0 : index
    %get3A_15 = vector.load %arg1[%get3A_12, %get3A_13, %get3A_14] : memref<6x25x16xf32, #tpu.memory_space<vmem>>, vector<1x25x16xf32>
    %get3A_16 = vector.shape_cast %get3A_15 : vector<1x25x16xf32> to vector<25x16xf32>
    %get3A_17 = arith.constant 3 : index
    %get3A_18 = arith.constant 0 : index
    %get3A_19 = arith.constant 0 : index
    %get3A_20 = vector.load %arg1[%get3A_17, %get3A_18, %get3A_19] : memref<6x25x16xf32, #tpu.memory_space<vmem>>, vector<1x25x16xf32>
    %get3A_21 = vector.shape_cast %get3A_20 : vector<1x25x16xf32> to vector<25x16xf32>
    %get3A_22 = arith.constant 4 : index
    %get3A_23 = arith.constant 0 : index
    %get3A_24 = arith.constant 0 : index
    %get3A_25 = vector.load %arg1[%get3A_22, %get3A_23, %get3A_24] : memref<6x25x16xf32, #tpu.memory_space<vmem>>, vector<1x25x16xf32>
    %get3A_26 = vector.shape_cast %get3A_25 : vector<1x25x16xf32> to vector<25x16xf32>
    %get3A_27 = arith.constant 5 : index
    %get3A_28 = arith.constant 0 : index
    %get3A_29 = arith.constant 0 : index
    %get3A_30 = vector.load %arg1[%get3A_27, %get3A_28, %get3A_29] : memref<6x25x16xf32, #tpu.memory_space<vmem>>, vector<1x25x16xf32>
    %get3A_31 = vector.shape_cast %get3A_30 : vector<1x25x16xf32> to vector<25x16xf32>
    %mul3A = arith.constant 8.000000e+00 : f32
    %mul3A_32 = vector.broadcast %mul3A : f32 to vector<25x16xf32>
    %mul3A_33 = arith.mulf %get3A_16, %mul3A_32 : vector<25x16xf32>
    %mul3A_34 = arith.constant 8.000000e+00 : f32
    %mul3A_35 = vector.broadcast %mul3A_34 : f32 to vector<25x16xf32>
    %mul3A_36 = arith.mulf %get3A_21, %mul3A_35 : vector<25x16xf32>
    %floor3A = math.floor %mul3A_33 : vector<25x16xf32>
    %floor3A_37 = math.floor %mul3A_36 : vector<25x16xf32>
    %sub3A = arith.subf %mul3A_33, %floor3A : vector<25x16xf32>
    %sub3A_38 = arith.subf %mul3A_36, %floor3A_37 : vector<25x16xf32>
    %mul3A_39 = arith.constant 8.000000e+00 : f32
    %mul3A_40 = vector.broadcast %mul3A_39 : f32 to vector<25x16xf32>
    %mul3A_41 = arith.mulf %get3A_26, %mul3A_40 : vector<25x16xf32>
    %mul3A_42 = arith.constant 8.000000e+00 : f32
    %mul3A_43 = vector.broadcast %mul3A_42 : f32 to vector<25x16xf32>
    %mul3A_44 = arith.mulf %get3A_31, %mul3A_43 : vector<25x16xf32>
    %get3A_45 = arith.constant 0 : index
    %get3A_46 = arith.constant 0 : index
    %get3A_47 = arith.constant 0 : index
    %get3A_48 = vector.load %arg2[%get3A_45, %get3A_46, %get3A_47] : memref<25x5x16xf32, #tpu.memory_space<vmem>>, vector<25x1x16xf32>
    %get3A_49 = vector.shape_cast %get3A_48 : vector<25x1x16xf32> to vector<25x16xf32>
    %get3A_50 = arith.constant 0 : index
    %get3A_51 = arith.constant 1 : index
    %get3A_52 = arith.constant 0 : index
    %get3A_53 = vector.load %arg2[%get3A_50, %get3A_51, %get3A_52] : memref<25x5x16xf32, #tpu.memory_space<vmem>>, vector<25x1x16xf32>
    %get3A_54 = vector.shape_cast %get3A_53 : vector<25x1x16xf32> to vector<25x16xf32>
    %get3A_55 = arith.constant 0 : index
    %get3A_56 = arith.constant 2 : index
    %get3A_57 = arith.constant 0 : index
    %get3A_58 = vector.load %arg2[%get3A_55, %get3A_56, %get3A_57] : memref<25x5x16xf32, #tpu.memory_space<vmem>>, vector<25x1x16xf32>
    %get3A_59 = vector.shape_cast %get3A_58 : vector<25x1x16xf32> to vector<25x16xf32>
    %get3A_60 = arith.constant 0 : index
    %get3A_61 = arith.constant 3 : index
    %get3A_62 = arith.constant 0 : index
    %get3A_63 = vector.load %arg2[%get3A_60, %get3A_61, %get3A_62] : memref<25x5x16xf32, #tpu.memory_space<vmem>>, vector<25x1x16xf32>
    %get3A_64 = vector.shape_cast %get3A_63 : vector<25x1x16xf32> to vector<25x16xf32>
    %div3A = arith.constant 2.000000e+00 : f32
    %div3A_65 = vector.broadcast %div3A : f32 to vector<25x16xf32>
    %div3A_66 = arith.divf %get3A_59, %div3A_65 : vector<25x16xf32>
    %sub3A_67 = arith.subf %get3A_49, %div3A_66 : vector<25x16xf32>
    %div3A_68 = arith.constant 2.000000e+00 : f32
    %div3A_69 = vector.broadcast %div3A_68 : f32 to vector<25x16xf32>
    %div3A_70 = arith.divf %get3A_59, %div3A_69 : vector<25x16xf32>
    %add3A = arith.addf %get3A_49, %div3A_70 : vector<25x16xf32>
    %div3A_71 = arith.constant 2.000000e+00 : f32
    %div3A_72 = vector.broadcast %div3A_71 : f32 to vector<25x16xf32>
    %div3A_73 = arith.divf %get3A_64, %div3A_72 : vector<25x16xf32>
    %sub3A_74 = arith.subf %get3A_54, %div3A_73 : vector<25x16xf32>
    %div3A_75 = arith.constant 2.000000e+00 : f32
    %div3A_76 = vector.broadcast %div3A_75 : f32 to vector<25x16xf32>
    %div3A_77 = arith.divf %get3A_64, %div3A_76 : vector<25x16xf32>
    %add3A_78 = arith.addf %get3A_54, %div3A_77 : vector<25x16xf32>
    %div3A_79 = arith.constant 2.000000e+00 : f32
    %div3A_80 = vector.broadcast %div3A_79 : f32 to vector<25x16xf32>
    %div3A_81 = arith.divf %mul3A_41, %div3A_80 : vector<25x16xf32>
    %sub3A_82 = arith.subf %sub3A, %div3A_81 : vector<25x16xf32>
    %div3A_83 = arith.constant 2.000000e+00 : f32
    %div3A_84 = vector.broadcast %div3A_83 : f32 to vector<25x16xf32>
    %div3A_85 = arith.divf %mul3A_41, %div3A_84 : vector<25x16xf32>
    %add3A_86 = arith.addf %sub3A, %div3A_85 : vector<25x16xf32>
    %div3A_87 = arith.constant 2.000000e+00 : f32
    %div3A_88 = vector.broadcast %div3A_87 : f32 to vector<25x16xf32>
    %div3A_89 = arith.divf %mul3A_44, %div3A_88 : vector<25x16xf32>
    %sub3A_90 = arith.subf %sub3A_38, %div3A_89 : vector<25x16xf32>
    %div3A_91 = arith.constant 2.000000e+00 : f32
    %div3A_92 = vector.broadcast %div3A_91 : f32 to vector<25x16xf32>
    %div3A_93 = arith.divf %mul3A_44, %div3A_92 : vector<25x16xf32>
    %add3A_94 = arith.addf %sub3A_38, %div3A_93 : vector<25x16xf32>
    %min3A = arith.minimumf %add3A, %add3A_86 : vector<25x16xf32>
    %max3A = arith.maximumf %sub3A_67, %sub3A_82 : vector<25x16xf32>
    %sub3A_95 = arith.subf %min3A, %max3A : vector<25x16xf32>
    %jit3A = arith.constant 0 : i32
    %convert_element_type3A_96 = arith.sitofp %jit3A : i32 to f32
    %max3A_97 = vector.broadcast %convert_element_type3A_96 : f32 to vector<25x16xf32>
    %max3A_98 = arith.maximumf %max3A_97, %sub3A_95 : vector<25x16xf32>
    %min3A_99 = arith.minimumf %add3A_78, %add3A_94 : vector<25x16xf32>
    %max3A_100 = arith.maximumf %sub3A_74, %sub3A_90 : vector<25x16xf32>
    %sub3A_101 = arith.subf %min3A_99, %max3A_100 : vector<25x16xf32>
    %jit3A_102 = arith.constant 0 : i32
    %convert_element_type3A_103 = arith.sitofp %jit3A_102 : i32 to f32
    %max3A_104 = vector.broadcast %convert_element_type3A_103 : f32 to vector<25x16xf32>
    %max3A_105 = arith.maximumf %max3A_104, %sub3A_101 : vector<25x16xf32>
    %mul3A_106 = arith.mulf %max3A_98, %max3A_105 : vector<25x16xf32>
    %sub3A_107 = arith.subf %add3A, %sub3A_67 : vector<25x16xf32>
    %sub3A_108 = arith.subf %add3A_78, %sub3A_74 : vector<25x16xf32>
    %add3A_109 = arith.constant 1.000000e-07 : f32
    %add3A_110 = vector.broadcast %add3A_109 : f32 to vector<25x16xf32>
    %add3A_111 = arith.addf %sub3A_108, %add3A_110 : vector<25x16xf32>
    %sub3A_112 = arith.subf %add3A_86, %sub3A_82 : vector<25x16xf32>
    %sub3A_113 = arith.subf %add3A_94, %sub3A_90 : vector<25x16xf32>
    %add3A_114 = arith.constant 1.000000e-07 : f32
    %add3A_115 = vector.broadcast %add3A_114 : f32 to vector<25x16xf32>
    %add3A_116 = arith.addf %sub3A_113, %add3A_115 : vector<25x16xf32>
    %mul3A_117 = arith.mulf %sub3A_107, %add3A_111 : vector<25x16xf32>
    %mul3A_118 = arith.mulf %sub3A_112, %add3A_116 : vector<25x16xf32>
    %add3A_119 = arith.addf %mul3A_117, %mul3A_118 : vector<25x16xf32>
    %sub3A_120 = arith.subf %add3A_119, %mul3A_106 : vector<25x16xf32>
    %add3A_121 = arith.constant 1.000000e-07 : f32
    %add3A_122 = vector.broadcast %add3A_121 : f32 to vector<25x16xf32>
    %add3A_123 = arith.addf %sub3A_120, %add3A_122 : vector<25x16xf32>
    %div3A_124 = arith.divf %mul3A_106, %add3A_123 : vector<25x16xf32>
    %sub3A_125 = arith.constant 1.000000e+00 : f32
    %sub3A_126 = vector.broadcast %sub3A_125 : f32 to vector<25x16xf32>
    %sub3A_127 = arith.subf %sub3A_126, %div3A_124 : vector<25x16xf32>
    %reduce_sum3A = vector.shape_cast %sub3A_127 : vector<25x16xf32> to vector<1x25x16xf32>
    %reduce_sum3A_128 = arith.constant dense<0.000000e+00> : vector<1xf32>
    %reduce_sum3A_129 = vector.multi_reduction <add>, %reduce_sum3A, %reduce_sum3A_128 [1, 2] : vector<1x25x16xf32> to vector<1xf32>
    %reduce_sum3A_130 = vector.shape_cast %reduce_sum3A_129 : vector<1xf32> to vector<1x1x1xf32>
    %reduce_sum3A_131 = vector.extract %reduce_sum3A_130[0, 0, 0] : f32 from vector<1x1x1xf32>
    %mul3A_132 = arith.constant 2.500000e-03 : f32
    %mul3A_133 = arith.mulf %reduce_sum3A_131, %mul3A_132 : f32
    %add3A_134 = arith.constant 0.000000e+00 : f32
    %add3A_135 = arith.addf %add3A_134, %mul3A_133 : f32
    %mul3A_136 = arith.constant 8.000000e+00 : f32
    %mul3A_137 = vector.broadcast %mul3A_136 : f32 to vector<1x400xf32>
    %mul3A_138 = arith.mulf %get3A_8, %mul3A_137 : vector<1x400xf32>
    %floor3A_139 = math.floor %mul3A_138 : vector<1x400xf32>
    %convert_element_type3A_140 = arith.fptosi %floor3A_139 : vector<1x400xf32> to vector<1x400xi32>
    %mul3A_141 = arith.constant 8.000000e+00 : f32
    %mul3A_142 = vector.broadcast %mul3A_141 : f32 to vector<1x400xf32>
    %mul3A_143 = arith.mulf %get3A_11, %mul3A_142 : vector<1x400xf32>
    %floor3A_144 = math.floor %mul3A_143 : vector<1x400xf32>
    %convert_element_type3A_145 = arith.fptosi %floor3A_144 : vector<1x400xf32> to vector<1x400xi32>
    %mul3A_146 = arith.constant 4096 : i32
    %mul3A_147 = vector.broadcast %mul3A_146 : i32 to vector<1x400xi32>
    %mul3A_148 = arith.muli %convert_element_type3A, %mul3A_147 : vector<1x400xi32>
    %mul3A_149 = arith.constant 64 : i32
    %mul3A_150 = vector.broadcast %mul3A_149 : i32 to vector<1x400xi32>
    %mul3A_151 = arith.muli %convert_element_type3A_145, %mul3A_150 : vector<1x400xi32>
    %add3A_152 = arith.addi %mul3A_148, %mul3A_151 : vector<1x400xi32>
    %add3A_153 = arith.addi %add3A_152, %convert_element_type3A_140 : vector<1x400xi32>
    %mul3A_154 = arith.constant 80 : i32
    %mul3A_155 = vector.broadcast %mul3A_154 : i32 to vector<1x400xi32>
    %mul3A_156 = arith.muli %add3A_153, %mul3A_155 : vector<1x400xi32>
    %add3A_157 = arith.addi %mul3A_156, %convert_element_type3A_5 : vector<1x400xi32>
    %transpose3A = tpu.transpose %add3A_157, [1, 0] : vector<1x400xi32> -> vector<400x1xi32>
    %eq3A = vector.broadcast %transpose3A : vector<400x1xi32> to vector<400x400xi32>
    %eq3A_158 = vector.broadcast %add3A_157 : vector<1x400xi32> to vector<400x400xi32>
    %eq3A_159 = arith.cmpi eq, %eq3A, %eq3A_158 : vector<400x400xi32>
    %iota3A = tpu.iota {dimensions = array<i32: 1>} : vector<400x400xi32>
    %iota3A_160 = tpu.iota {dimensions = array<i32: 0>} : vector<400x400xi32>
    %lt3A = arith.cmpi slt, %iota3A, %iota3A_160 : vector<400x400xi32>
    %and3A = arith.andi %eq3A_159, %lt3A : vector<400x400xi1>
    %convert_element_type3A_161 = arith.extui %and3A : vector<400x400xi1> to vector<400x400xi32>
    %reduce_sum3A_162 = arith.constant dense<0> : vector<400xi32>
    %reduce_sum3A_163 = vector.multi_reduction <add>, %convert_element_type3A_161, %reduce_sum3A_162 [1] : vector<400x400xi32> to vector<400xi32>
    %broadcast_in_dim3A = vector.shape_cast %reduce_sum3A_163 : vector<400xi32> to vector<400x1xi32>
    %eq3A_164 = arith.constant 0 : i32
    %eq3A_165 = vector.broadcast %eq3A_164 : i32 to vector<400x1xi32>
    %eq3A_166 = arith.cmpi eq, %broadcast_in_dim3A, %eq3A_165 : vector<400x1xi32>
    %convert_element_type3A_167 = arith.extui %eq3A_166 : vector<400x1xi1> to vector<400x1xi32>
    %convert_element_type3A_168 = arith.sitofp %convert_element_type3A_167 : vector<400x1xi32> to vector<400x1xf32>
    %transpose3A_169 = tpu.transpose %convert_element_type3A_168, [1, 0] : vector<400x1xf32> -> vector<1x400xf32>
    %get3A_170 = arith.constant 0 : index
    %get3A_171 = vector.load %arg5[%get3A_170] : memref<400xf32, #tpu.memory_space<vmem>>, vector<400xf32>
    %reshape3A = vector.shape_cast %get3A_171 : vector<400xf32> to vector<1x400xf32>
    %mul3A_172 = arith.mulf %reshape3A, %transpose3A_169 : vector<1x400xf32>
    %reduce_sum3A_173 = vector.shape_cast %mul3A_172 : vector<1x400xf32> to vector<1x1x400xf32>
    %reduce_sum3A_174 = arith.constant dense<0.000000e+00> : vector<1xf32>
    %reduce_sum3A_175 = vector.multi_reduction <add>, %reduce_sum3A_173, %reduce_sum3A_174 [1, 2] : vector<1x1x400xf32> to vector<1xf32>
    %reduce_sum3A_176 = vector.shape_cast %reduce_sum3A_175 : vector<1xf32> to vector<1x1x1xf32>
    %reduce_sum3A_177 = vector.extract %reduce_sum3A_176[0, 0, 0] : f32 from vector<1x1x1xf32>
    %get3A_178 = arith.constant 0 : index
    %get3A_179 = arith.constant 0 : index
    %get3A_180 = vector.load %arg11[%get3A_178, %get3A_179] : memref<1x8xf32, #tpu.memory_space<vmem>>, vector<1x1xf32>
    %get3A_181 = vector.extract %get3A_180[0, 0] : f32 from vector<1x1xf32>
    %sub3A_182 = arith.subf %get3A_181, %reduce_sum3A_177 : f32
    %mul3A_183 = arith.constant 9.5367433E-8 : f32
    %mul3A_184 = arith.mulf %sub3A_182, %mul3A_183 : f32
    %add3A_185 = arith.constant 0.000000e+00 : f32
    %add3A_186 = arith.addf %add3A_185, %mul3A_184 : f32
    %mul3A_187 = arith.constant 6.400000e+01 : f32
    %mul3A_188 = vector.broadcast %mul3A_187 : f32 to vector<25x16xf32>
    %mul3A_189 = arith.mulf %sub3A, %mul3A_188 : vector<25x16xf32>
    %mul3A_190 = arith.constant 6.400000e+01 : f32
    %mul3A_191 = vector.broadcast %mul3A_190 : f32 to vector<25x16xf32>
    %mul3A_192 = arith.mulf %sub3A_38, %mul3A_191 : vector<25x16xf32>
    %mul3A_193 = arith.constant 6.400000e+01 : f32
    %mul3A_194 = vector.broadcast %mul3A_193 : f32 to vector<25x16xf32>
    %mul3A_195 = arith.mulf %mul3A_41, %mul3A_194 : vector<25x16xf32>
    %mul3A_196 = arith.constant 6.400000e+01 : f32
    %mul3A_197 = vector.broadcast %mul3A_196 : f32 to vector<25x16xf32>
    %mul3A_198 = arith.mulf %mul3A_44, %mul3A_197 : vector<25x16xf32>
    %div3A_199 = arith.constant 2.000000e+00 : f32
    %div3A_200 = vector.broadcast %div3A_199 : f32 to vector<25x16xf32>
    %div3A_201 = arith.divf %mul3A_195, %div3A_200 : vector<25x16xf32>
    %sub3A_202 = arith.subf %mul3A_189, %div3A_201 : vector<25x16xf32>
    %div3A_203 = arith.constant 2.000000e+00 : f32
    %div3A_204 = vector.broadcast %div3A_203 : f32 to vector<25x16xf32>
    %div3A_205 = arith.divf %mul3A_198, %div3A_204 : vector<25x16xf32>
    %sub3A_206 = arith.subf %mul3A_192, %div3A_205 : vector<25x16xf32>
    %div3A_207 = arith.constant 2.000000e+00 : f32
    %div3A_208 = vector.broadcast %div3A_207 : f32 to vector<25x16xf32>
    %div3A_209 = arith.divf %mul3A_195, %div3A_208 : vector<25x16xf32>
    %add3A_210 = arith.addf %mul3A_189, %div3A_209 : vector<25x16xf32>
    %div3A_211 = arith.constant 2.000000e+00 : f32
    %div3A_212 = vector.broadcast %div3A_211 : f32 to vector<25x16xf32>
    %div3A_213 = arith.divf %mul3A_198, %div3A_212 : vector<25x16xf32>
    %add3A_214 = arith.addf %mul3A_192, %div3A_213 : vector<25x16xf32>
    %jit3A_215 = arith.constant 0.000000e+00 : f32
    %jit3A_216 = arith.constant 1.500000e+01 : f32
    %max3A_217 = vector.broadcast %jit3A_215 : f32 to vector<25x16xf32>
    %max3A_218 = arith.maximumf %max3A_217, %sub3A_202 : vector<25x16xf32>
    %min3A_219 = vector.broadcast %jit3A_216 : f32 to vector<25x16xf32>
    %min3A_220 = arith.minimumf %min3A_219, %max3A_218 : vector<25x16xf32>
    %round3A = math.roundeven %min3A_220 : vector<25x16xf32>
    %jit3A_221 = arith.constant 0.000000e+00 : f32
    %jit3A_222 = arith.constant 1.500000e+01 : f32
    %max3A_223 = vector.broadcast %jit3A_221 : f32 to vector<25x16xf32>
    %max3A_224 = arith.maximumf %max3A_223, %round3A : vector<25x16xf32>
    %min3A_225 = vector.broadcast %jit3A_222 : f32 to vector<25x16xf32>
    %min3A_226 = arith.minimumf %min3A_225, %max3A_224 : vector<25x16xf32>
    %convert_element_type3A_227 = arith.fptosi %min3A_226 : vector<25x16xf32> to vector<25x16xi32>
    %get3A_228 = arith.constant 0 : index
    %get3A_229 = arith.constant 0 : index
    %get3A_230 = arith.constant 0 : index
    %get3A_231 = vector.load %arg8[%get3A_228, %get3A_229, %get3A_230] : memref<25x64x16xf32, #tpu.memory_space<vmem>>, vector<25x16x16xf32>
    %reduce_max3A = arith.constant dense<0xFF800000> : vector<25x16xf32>
    %reduce_max3A_232 = vector.multi_reduction <maximumf>, %get3A_231, %reduce_max3A [1] : vector<25x16x16xf32> to vector<25x16xf32>
    %broadcast_in_dim3A_233 = vector.shape_cast %reduce_max3A_232 : vector<25x16xf32> to vector<25x1x16xf32>
    %sub3A_234 = vector.broadcast %broadcast_in_dim3A_233 : vector<25x1x16xf32> to vector<25x16x16xf32>
    %sub3A_235 = arith.subf %get3A_231, %sub3A_234 : vector<25x16x16xf32>
    %exp3A = math.exp %sub3A_235 : vector<25x16x16xf32>
    %reduce_sum3A_236 = arith.constant dense<0.000000e+00> : vector<25x16xf32>
    %reduce_sum3A_237 = vector.multi_reduction <add>, %exp3A, %reduce_sum3A_236 [1] : vector<25x16x16xf32> to vector<25x16xf32>
    %broadcast_in_dim3A_238 = vector.shape_cast %reduce_sum3A_237 : vector<25x16xf32> to vector<25x1x16xf32>
    %log3A = math.log %broadcast_in_dim3A_238 : vector<25x1x16xf32>
    %add3A_239 = arith.addf %log3A, %broadcast_in_dim3A_233 : vector<25x1x16xf32>
    %iota3A_240 = tpu.iota {dimensions = array<i32: 1>} : vector<25x16x16xi32>
    %broadcast_in_dim3A_241 = vector.shape_cast %convert_element_type3A_227 : vector<25x16xi32> to vector<25x1x16xi32>
    %eq3A_242 = vector.broadcast %broadcast_in_dim3A_241 : vector<25x1x16xi32> to vector<25x16x16xi32>
    %eq3A_243 = arith.cmpi eq, %iota3A_240, %eq3A_242 : vector<25x16x16xi32>
    %jit3A_244 = arith.constant 0.000000e+00 : f32
    %broadcast_in_dim3A_245 = vector.broadcast %jit3A_244 : f32 to vector<25x16x16xf32>
    %select_n3A = arith.select %eq3A_243, %get3A_231, %broadcast_in_dim3A_245 : vector<25x16x16xi1>, vector<25x16x16xf32>
    %reduce_sum3A_246 = arith.constant dense<0.000000e+00> : vector<25x16xf32>
    %reduce_sum3A_247 = vector.multi_reduction <add>, %select_n3A, %reduce_sum3A_246 [1] : vector<25x16x16xf32> to vector<25x16xf32>
    %broadcast_in_dim3A_248 = vector.shape_cast %reduce_sum3A_247 : vector<25x16xf32> to vector<25x1x16xf32>
    %sub3A_249 = arith.subf %add3A_239, %broadcast_in_dim3A_248 : vector<25x1x16xf32>
    %reduce_sum3A_250 = vector.shape_cast %sub3A_249 : vector<25x1x16xf32> to vector<1x25x1x16xf32>
    %reduce_sum3A_251 = arith.constant dense<0.000000e+00> : vector<1xf32>
    %reduce_sum3A_252 = vector.multi_reduction <add>, %reduce_sum3A_250, %reduce_sum3A_251 [1, 2, 3] : vector<1x25x1x16xf32> to vector<1xf32>
    %reduce_sum3A_253 = vector.shape_cast %reduce_sum3A_252 : vector<1xf32> to vector<1x1x1x1xf32>
    %reduce_sum3A_254 = vector.extract %reduce_sum3A_253[0, 0, 0, 0] : f32 from vector<1x1x1x1xf32>
    %add3A_255 = arith.constant 0.000000e+00 : f32
    %add3A_256 = arith.addf %add3A_255, %reduce_sum3A_254 : f32
    %jit3A_257 = arith.constant 0.000000e+00 : f32
    %jit3A_258 = arith.constant 1.500000e+01 : f32
    %max3A_259 = vector.broadcast %jit3A_257 : f32 to vector<25x16xf32>
    %max3A_260 = arith.maximumf %max3A_259, %sub3A_206 : vector<25x16xf32>
    %min3A_261 = vector.broadcast %jit3A_258 : f32 to vector<25x16xf32>
    %min3A_262 = arith.minimumf %min3A_261, %max3A_260 : vector<25x16xf32>
    %round3A_263 = math.roundeven %min3A_262 : vector<25x16xf32>
    %jit3A_264 = arith.constant 0.000000e+00 : f32
    %jit3A_265 = arith.constant 1.500000e+01 : f32
    %max3A_266 = vector.broadcast %jit3A_264 : f32 to vector<25x16xf32>
    %max3A_267 = arith.maximumf %max3A_266, %round3A_263 : vector<25x16xf32>
    %min3A_268 = vector.broadcast %jit3A_265 : f32 to vector<25x16xf32>
    %min3A_269 = arith.minimumf %min3A_268, %max3A_267 : vector<25x16xf32>
    %convert_element_type3A_270 = arith.fptosi %min3A_269 : vector<25x16xf32> to vector<25x16xi32>
    %get3A_271 = arith.constant 0 : index
    %get3A_272 = arith.constant 16 : index
    %get3A_273 = arith.constant 0 : index
    %get3A_274 = vector.load %arg8[%get3A_271, %get3A_272, %get3A_273] : memref<25x64x16xf32, #tpu.memory_space<vmem>>, vector<25x16x16xf32>
    %reduce_max3A_275 = arith.constant dense<0xFF800000> : vector<25x16xf32>
    %reduce_max3A_276 = vector.multi_reduction <maximumf>, %get3A_274, %reduce_max3A_275 [1] : vector<25x16x16xf32> to vector<25x16xf32>
    %broadcast_in_dim3A_277 = vector.shape_cast %reduce_max3A_276 : vector<25x16xf32> to vector<25x1x16xf32>
    %sub3A_278 = vector.broadcast %broadcast_in_dim3A_277 : vector<25x1x16xf32> to vector<25x16x16xf32>
    %sub3A_279 = arith.subf %get3A_274, %sub3A_278 : vector<25x16x16xf32>
    %exp3A_280 = math.exp %sub3A_279 : vector<25x16x16xf32>
    %reduce_sum3A_281 = arith.constant dense<0.000000e+00> : vector<25x16xf32>
    %reduce_sum3A_282 = vector.multi_reduction <add>, %exp3A_280, %reduce_sum3A_281 [1] : vector<25x16x16xf32> to vector<25x16xf32>
    %broadcast_in_dim3A_283 = vector.shape_cast %reduce_sum3A_282 : vector<25x16xf32> to vector<25x1x16xf32>
    %log3A_284 = math.log %broadcast_in_dim3A_283 : vector<25x1x16xf32>
    %add3A_285 = arith.addf %log3A_284, %broadcast_in_dim3A_277 : vector<25x1x16xf32>
    %iota3A_286 = tpu.iota {dimensions = array<i32: 1>} : vector<25x16x16xi32>
    %broadcast_in_dim3A_287 = vector.shape_cast %convert_element_type3A_270 : vector<25x16xi32> to vector<25x1x16xi32>
    %eq3A_288 = vector.broadcast %broadcast_in_dim3A_287 : vector<25x1x16xi32> to vector<25x16x16xi32>
    %eq3A_289 = arith.cmpi eq, %iota3A_286, %eq3A_288 : vector<25x16x16xi32>
    %jit3A_290 = arith.constant 0.000000e+00 : f32
    %broadcast_in_dim3A_291 = vector.broadcast %jit3A_290 : f32 to vector<25x16x16xf32>
    %select_n3A_292 = arith.select %eq3A_289, %get3A_274, %broadcast_in_dim3A_291 : vector<25x16x16xi1>, vector<25x16x16xf32>
    %reduce_sum3A_293 = arith.constant dense<0.000000e+00> : vector<25x16xf32>
    %reduce_sum3A_294 = vector.multi_reduction <add>, %select_n3A_292, %reduce_sum3A_293 [1] : vector<25x16x16xf32> to vector<25x16xf32>
    %broadcast_in_dim3A_295 = vector.shape_cast %reduce_sum3A_294 : vector<25x16xf32> to vector<25x1x16xf32>
    %sub3A_296 = arith.subf %add3A_285, %broadcast_in_dim3A_295 : vector<25x1x16xf32>
    %reduce_sum3A_297 = vector.shape_cast %sub3A_296 : vector<25x1x16xf32> to vector<1x25x1x16xf32>
    %reduce_sum3A_298 = arith.constant dense<0.000000e+00> : vector<1xf32>
    %reduce_sum3A_299 = vector.multi_reduction <add>, %reduce_sum3A_297, %reduce_sum3A_298 [1, 2, 3] : vector<1x25x1x16xf32> to vector<1xf32>
    %reduce_sum3A_300 = vector.shape_cast %reduce_sum3A_299 : vector<1xf32> to vector<1x1x1x1xf32>
    %reduce_sum3A_301 = vector.extract %reduce_sum3A_300[0, 0, 0, 0] : f32 from vector<1x1x1x1xf32>
    %add3A_302 = arith.addf %add3A_256, %reduce_sum3A_301 : f32
    %jit3A_303 = arith.constant 0.000000e+00 : f32
    %jit3A_304 = arith.constant 1.500000e+01 : f32
    %max3A_305 = vector.broadcast %jit3A_303 : f32 to vector<25x16xf32>
    %max3A_306 = arith.maximumf %max3A_305, %add3A_210 : vector<25x16xf32>
    %min3A_307 = vector.broadcast %jit3A_304 : f32 to vector<25x16xf32>
    %min3A_308 = arith.minimumf %min3A_307, %max3A_306 : vector<25x16xf32>
    %round3A_309 = math.roundeven %min3A_308 : vector<25x16xf32>
    %jit3A_310 = arith.constant 0.000000e+00 : f32
    %jit3A_311 = arith.constant 1.500000e+01 : f32
    %max3A_312 = vector.broadcast %jit3A_310 : f32 to vector<25x16xf32>
    %max3A_313 = arith.maximumf %max3A_312, %round3A_309 : vector<25x16xf32>
    %min3A_314 = vector.broadcast %jit3A_311 : f32 to vector<25x16xf32>
    %min3A_315 = arith.minimumf %min3A_314, %max3A_313 : vector<25x16xf32>
    %convert_element_type3A_316 = arith.fptosi %min3A_315 : vector<25x16xf32> to vector<25x16xi32>
    %get3A_317 = arith.constant 0 : index
    %get3A_318 = arith.constant 32 : index
    %get3A_319 = arith.constant 0 : index
    %get3A_320 = vector.load %arg8[%get3A_317, %get3A_318, %get3A_319] : memref<25x64x16xf32, #tpu.memory_space<vmem>>, vector<25x16x16xf32>
    %reduce_max3A_321 = arith.constant dense<0xFF800000> : vector<25x16xf32>
    %reduce_max3A_322 = vector.multi_reduction <maximumf>, %get3A_320, %reduce_max3A_321 [1] : vector<25x16x16xf32> to vector<25x16xf32>
    %broadcast_in_dim3A_323 = vector.shape_cast %reduce_max3A_322 : vector<25x16xf32> to vector<25x1x16xf32>
    %sub3A_324 = vector.broadcast %broadcast_in_dim3A_323 : vector<25x1x16xf32> to vector<25x16x16xf32>
    %sub3A_325 = arith.subf %get3A_320, %sub3A_324 : vector<25x16x16xf32>
    %exp3A_326 = math.exp %sub3A_325 : vector<25x16x16xf32>
    %reduce_sum3A_327 = arith.constant dense<0.000000e+00> : vector<25x16xf32>
    %reduce_sum3A_328 = vector.multi_reduction <add>, %exp3A_326, %reduce_sum3A_327 [1] : vector<25x16x16xf32> to vector<25x16xf32>
    %broadcast_in_dim3A_329 = vector.shape_cast %reduce_sum3A_328 : vector<25x16xf32> to vector<25x1x16xf32>
    %log3A_330 = math.log %broadcast_in_dim3A_329 : vector<25x1x16xf32>
    %add3A_331 = arith.addf %log3A_330, %broadcast_in_dim3A_323 : vector<25x1x16xf32>
    %iota3A_332 = tpu.iota {dimensions = array<i32: 1>} : vector<25x16x16xi32>
    %broadcast_in_dim3A_333 = vector.shape_cast %convert_element_type3A_316 : vector<25x16xi32> to vector<25x1x16xi32>
    %eq3A_334 = vector.broadcast %broadcast_in_dim3A_333 : vector<25x1x16xi32> to vector<25x16x16xi32>
    %eq3A_335 = arith.cmpi eq, %iota3A_332, %eq3A_334 : vector<25x16x16xi32>
    %jit3A_336 = arith.constant 0.000000e+00 : f32
    %broadcast_in_dim3A_337 = vector.broadcast %jit3A_336 : f32 to vector<25x16x16xf32>
    %select_n3A_338 = arith.select %eq3A_335, %get3A_320, %broadcast_in_dim3A_337 : vector<25x16x16xi1>, vector<25x16x16xf32>
    %reduce_sum3A_339 = arith.constant dense<0.000000e+00> : vector<25x16xf32>
    %reduce_sum3A_340 = vector.multi_reduction <add>, %select_n3A_338, %reduce_sum3A_339 [1] : vector<25x16x16xf32> to vector<25x16xf32>
    %broadcast_in_dim3A_341 = vector.shape_cast %reduce_sum3A_340 : vector<25x16xf32> to vector<25x1x16xf32>
    %sub3A_342 = arith.subf %add3A_331, %broadcast_in_dim3A_341 : vector<25x1x16xf32>
    %reduce_sum3A_343 = vector.shape_cast %sub3A_342 : vector<25x1x16xf32> to vector<1x25x1x16xf32>
    %reduce_sum3A_344 = arith.constant dense<0.000000e+00> : vector<1xf32>
    %reduce_sum3A_345 = vector.multi_reduction <add>, %reduce_sum3A_343, %reduce_sum3A_344 [1, 2, 3] : vector<1x25x1x16xf32> to vector<1xf32>
    %reduce_sum3A_346 = vector.shape_cast %reduce_sum3A_345 : vector<1xf32> to vector<1x1x1x1xf32>
    %reduce_sum3A_347 = vector.extract %reduce_sum3A_346[0, 0, 0, 0] : f32 from vector<1x1x1x1xf32>
    %add3A_348 = arith.addf %add3A_302, %reduce_sum3A_347 : f32
    %jit3A_349 = arith.constant 0.000000e+00 : f32
    %jit3A_350 = arith.constant 1.500000e+01 : f32
    %max3A_351 = vector.broadcast %jit3A_349 : f32 to vector<25x16xf32>
    %max3A_352 = arith.maximumf %max3A_351, %add3A_214 : vector<25x16xf32>
    %min3A_353 = vector.broadcast %jit3A_350 : f32 to vector<25x16xf32>
    %min3A_354 = arith.minimumf %min3A_353, %max3A_352 : vector<25x16xf32>
    %round3A_355 = math.roundeven %min3A_354 : vector<25x16xf32>
    %jit3A_356 = arith.constant 0.000000e+00 : f32
    %jit3A_357 = arith.constant 1.500000e+01 : f32
    %max3A_358 = vector.broadcast %jit3A_356 : f32 to vector<25x16xf32>
    %max3A_359 = arith.maximumf %max3A_358, %round3A_355 : vector<25x16xf32>
    %min3A_360 = vector.broadcast %jit3A_357 : f32 to vector<25x16xf32>
    %min3A_361 = arith.minimumf %min3A_360, %max3A_359 : vector<25x16xf32>
    %convert_element_type3A_362 = arith.fptosi %min3A_361 : vector<25x16xf32> to vector<25x16xi32>
    %get3A_363 = arith.constant 0 : index
    %get3A_364 = arith.constant 48 : index
    %get3A_365 = arith.constant 0 : index
    %get3A_366 = vector.load %arg8[%get3A_363, %get3A_364, %get3A_365] : memref<25x64x16xf32, #tpu.memory_space<vmem>>, vector<25x16x16xf32>
    %reduce_max3A_367 = arith.constant dense<0xFF800000> : vector<25x16xf32>
    %reduce_max3A_368 = vector.multi_reduction <maximumf>, %get3A_366, %reduce_max3A_367 [1] : vector<25x16x16xf32> to vector<25x16xf32>
    %broadcast_in_dim3A_369 = vector.shape_cast %reduce_max3A_368 : vector<25x16xf32> to vector<25x1x16xf32>
    %sub3A_370 = vector.broadcast %broadcast_in_dim3A_369 : vector<25x1x16xf32> to vector<25x16x16xf32>
    %sub3A_371 = arith.subf %get3A_366, %sub3A_370 : vector<25x16x16xf32>
    %exp3A_372 = math.exp %sub3A_371 : vector<25x16x16xf32>
    %reduce_sum3A_373 = arith.constant dense<0.000000e+00> : vector<25x16xf32>
    %reduce_sum3A_374 = vector.multi_reduction <add>, %exp3A_372, %reduce_sum3A_373 [1] : vector<25x16x16xf32> to vector<25x16xf32>
    %broadcast_in_dim3A_375 = vector.shape_cast %reduce_sum3A_374 : vector<25x16xf32> to vector<25x1x16xf32>
    %log3A_376 = math.log %broadcast_in_dim3A_375 : vector<25x1x16xf32>
    %add3A_377 = arith.addf %log3A_376, %broadcast_in_dim3A_369 : vector<25x1x16xf32>
    %iota3A_378 = tpu.iota {dimensions = array<i32: 1>} : vector<25x16x16xi32>
    %broadcast_in_dim3A_379 = vector.shape_cast %convert_element_type3A_362 : vector<25x16xi32> to vector<25x1x16xi32>
    %eq3A_380 = vector.broadcast %broadcast_in_dim3A_379 : vector<25x1x16xi32> to vector<25x16x16xi32>
    %eq3A_381 = arith.cmpi eq, %iota3A_378, %eq3A_380 : vector<25x16x16xi32>
    %jit3A_382 = arith.constant 0.000000e+00 : f32
    %broadcast_in_dim3A_383 = vector.broadcast %jit3A_382 : f32 to vector<25x16x16xf32>
    %select_n3A_384 = arith.select %eq3A_381, %get3A_366, %broadcast_in_dim3A_383 : vector<25x16x16xi1>, vector<25x16x16xf32>
    %reduce_sum3A_385 = arith.constant dense<0.000000e+00> : vector<25x16xf32>
    %reduce_sum3A_386 = vector.multi_reduction <add>, %select_n3A_384, %reduce_sum3A_385 [1] : vector<25x16x16xf32> to vector<25x16xf32>
    %broadcast_in_dim3A_387 = vector.shape_cast %reduce_sum3A_386 : vector<25x16xf32> to vector<25x1x16xf32>
    %sub3A_388 = arith.subf %add3A_377, %broadcast_in_dim3A_387 : vector<25x1x16xf32>
    %reduce_sum3A_389 = vector.shape_cast %sub3A_388 : vector<25x1x16xf32> to vector<1x25x1x16xf32>
    %reduce_sum3A_390 = arith.constant dense<0.000000e+00> : vector<1xf32>
    %reduce_sum3A_391 = vector.multi_reduction <add>, %reduce_sum3A_389, %reduce_sum3A_390 [1, 2, 3] : vector<1x25x1x16xf32> to vector<1xf32>
    %reduce_sum3A_392 = vector.shape_cast %reduce_sum3A_391 : vector<1xf32> to vector<1x1x1x1xf32>
    %reduce_sum3A_393 = vector.extract %reduce_sum3A_392[0, 0, 0, 0] : f32 from vector<1x1x1x1xf32>
    %add3A_394 = arith.addf %add3A_348, %reduce_sum3A_393 : f32
    %mul3A_395 = arith.constant 2.000000e+00 : f32
    %mul3A_396 = vector.broadcast %mul3A_395 : f32 to vector<25x16xf32>
    %mul3A_397 = arith.mulf %get3A_16, %mul3A_396 : vector<25x16xf32>
    %mul3A_398 = arith.constant 2.000000e+00 : f32
    %mul3A_399 = vector.broadcast %mul3A_398 : f32 to vector<25x16xf32>
    %mul3A_400 = arith.mulf %get3A_21, %mul3A_399 : vector<25x16xf32>
    %floor3A_401 = math.floor %mul3A_397 : vector<25x16xf32>
    %floor3A_402 = math.floor %mul3A_400 : vector<25x16xf32>
    %sub3A_403 = arith.subf %mul3A_397, %floor3A_401 : vector<25x16xf32>
    %sub3A_404 = arith.subf %mul3A_400, %floor3A_402 : vector<25x16xf32>
    %mul3A_405 = arith.constant 2.000000e+00 : f32
    %mul3A_406 = vector.broadcast %mul3A_405 : f32 to vector<25x16xf32>
    %mul3A_407 = arith.mulf %get3A_26, %mul3A_406 : vector<25x16xf32>
    %mul3A_408 = arith.constant 2.000000e+00 : f32
    %mul3A_409 = vector.broadcast %mul3A_408 : f32 to vector<25x16xf32>
    %mul3A_410 = arith.mulf %get3A_31, %mul3A_409 : vector<25x16xf32>
    %get3A_411 = arith.constant 0 : index
    %get3A_412 = arith.constant 0 : index
    %get3A_413 = arith.constant 0 : index
    %get3A_414 = vector.load %arg3[%get3A_411, %get3A_412, %get3A_413] : memref<25x5x16xf32, #tpu.memory_space<vmem>>, vector<25x1x16xf32>
    %get3A_415 = vector.shape_cast %get3A_414 : vector<25x1x16xf32> to vector<25x16xf32>
    %get3A_416 = arith.constant 0 : index
    %get3A_417 = arith.constant 1 : index
    %get3A_418 = arith.constant 0 : index
    %get3A_419 = vector.load %arg3[%get3A_416, %get3A_417, %get3A_418] : memref<25x5x16xf32, #tpu.memory_space<vmem>>, vector<25x1x16xf32>
    %get3A_420 = vector.shape_cast %get3A_419 : vector<25x1x16xf32> to vector<25x16xf32>
    %get3A_421 = arith.constant 0 : index
    %get3A_422 = arith.constant 2 : index
    %get3A_423 = arith.constant 0 : index
    %get3A_424 = vector.load %arg3[%get3A_421, %get3A_422, %get3A_423] : memref<25x5x16xf32, #tpu.memory_space<vmem>>, vector<25x1x16xf32>
    %get3A_425 = vector.shape_cast %get3A_424 : vector<25x1x16xf32> to vector<25x16xf32>
    %get3A_426 = arith.constant 0 : index
    %get3A_427 = arith.constant 3 : index
    %get3A_428 = arith.constant 0 : index
    %get3A_429 = vector.load %arg3[%get3A_426, %get3A_427, %get3A_428] : memref<25x5x16xf32, #tpu.memory_space<vmem>>, vector<25x1x16xf32>
    %get3A_430 = vector.shape_cast %get3A_429 : vector<25x1x16xf32> to vector<25x16xf32>
    %div3A_431 = arith.constant 2.000000e+00 : f32
    %div3A_432 = vector.broadcast %div3A_431 : f32 to vector<25x16xf32>
    %div3A_433 = arith.divf %get3A_425, %div3A_432 : vector<25x16xf32>
    %sub3A_434 = arith.subf %get3A_415, %div3A_433 : vector<25x16xf32>
    %div3A_435 = arith.constant 2.000000e+00 : f32
    %div3A_436 = vector.broadcast %div3A_435 : f32 to vector<25x16xf32>
    %div3A_437 = arith.divf %get3A_425, %div3A_436 : vector<25x16xf32>
    %add3A_438 = arith.addf %get3A_415, %div3A_437 : vector<25x16xf32>
    %div3A_439 = arith.constant 2.000000e+00 : f32
    %div3A_440 = vector.broadcast %div3A_439 : f32 to vector<25x16xf32>
    %div3A_441 = arith.divf %get3A_430, %div3A_440 : vector<25x16xf32>
    %sub3A_442 = arith.subf %get3A_420, %div3A_441 : vector<25x16xf32>
    %div3A_443 = arith.constant 2.000000e+00 : f32
    %div3A_444 = vector.broadcast %div3A_443 : f32 to vector<25x16xf32>
    %div3A_445 = arith.divf %get3A_430, %div3A_444 : vector<25x16xf32>
    %add3A_446 = arith.addf %get3A_420, %div3A_445 : vector<25x16xf32>
    %div3A_447 = arith.constant 2.000000e+00 : f32
    %div3A_448 = vector.broadcast %div3A_447 : f32 to vector<25x16xf32>
    %div3A_449 = arith.divf %mul3A_407, %div3A_448 : vector<25x16xf32>
    %sub3A_450 = arith.subf %sub3A_403, %div3A_449 : vector<25x16xf32>
    %div3A_451 = arith.constant 2.000000e+00 : f32
    %div3A_452 = vector.broadcast %div3A_451 : f32 to vector<25x16xf32>
    %div3A_453 = arith.divf %mul3A_407, %div3A_452 : vector<25x16xf32>
    %add3A_454 = arith.addf %sub3A_403, %div3A_453 : vector<25x16xf32>
    %div3A_455 = arith.constant 2.000000e+00 : f32
    %div3A_456 = vector.broadcast %div3A_455 : f32 to vector<25x16xf32>
    %div3A_457 = arith.divf %mul3A_410, %div3A_456 : vector<25x16xf32>
    %sub3A_458 = arith.subf %sub3A_404, %div3A_457 : vector<25x16xf32>
    %div3A_459 = arith.constant 2.000000e+00 : f32
    %div3A_460 = vector.broadcast %div3A_459 : f32 to vector<25x16xf32>
    %div3A_461 = arith.divf %mul3A_410, %div3A_460 : vector<25x16xf32>
    %add3A_462 = arith.addf %sub3A_404, %div3A_461 : vector<25x16xf32>
    %min3A_463 = arith.minimumf %add3A_438, %add3A_454 : vector<25x16xf32>
    %max3A_464 = arith.maximumf %sub3A_434, %sub3A_450 : vector<25x16xf32>
    %sub3A_465 = arith.subf %min3A_463, %max3A_464 : vector<25x16xf32>
    %jit3A_466 = arith.constant 0 : i32
    %convert_element_type3A_467 = arith.sitofp %jit3A_466 : i32 to f32
    %max3A_468 = vector.broadcast %convert_element_type3A_467 : f32 to vector<25x16xf32>
    %max3A_469 = arith.maximumf %max3A_468, %sub3A_465 : vector<25x16xf32>
    %min3A_470 = arith.minimumf %add3A_446, %add3A_462 : vector<25x16xf32>
    %max3A_471 = arith.maximumf %sub3A_442, %sub3A_458 : vector<25x16xf32>
    %sub3A_472 = arith.subf %min3A_470, %max3A_471 : vector<25x16xf32>
    %jit3A_473 = arith.constant 0 : i32
    %convert_element_type3A_474 = arith.sitofp %jit3A_473 : i32 to f32
    %max3A_475 = vector.broadcast %convert_element_type3A_474 : f32 to vector<25x16xf32>
    %max3A_476 = arith.maximumf %max3A_475, %sub3A_472 : vector<25x16xf32>
    %mul3A_477 = arith.mulf %max3A_469, %max3A_476 : vector<25x16xf32>
    %sub3A_478 = arith.subf %add3A_438, %sub3A_434 : vector<25x16xf32>
    %sub3A_479 = arith.subf %add3A_446, %sub3A_442 : vector<25x16xf32>
    %add3A_480 = arith.constant 1.000000e-07 : f32
    %add3A_481 = vector.broadcast %add3A_480 : f32 to vector<25x16xf32>
    %add3A_482 = arith.addf %sub3A_479, %add3A_481 : vector<25x16xf32>
    %sub3A_483 = arith.subf %add3A_454, %sub3A_450 : vector<25x16xf32>
    %sub3A_484 = arith.subf %add3A_462, %sub3A_458 : vector<25x16xf32>
    %add3A_485 = arith.constant 1.000000e-07 : f32
    %add3A_486 = vector.broadcast %add3A_485 : f32 to vector<25x16xf32>
    %add3A_487 = arith.addf %sub3A_484, %add3A_486 : vector<25x16xf32>
    %mul3A_488 = arith.mulf %sub3A_478, %add3A_482 : vector<25x16xf32>
    %mul3A_489 = arith.mulf %sub3A_483, %add3A_487 : vector<25x16xf32>
    %add3A_490 = arith.addf %mul3A_488, %mul3A_489 : vector<25x16xf32>
    %sub3A_491 = arith.subf %add3A_490, %mul3A_477 : vector<25x16xf32>
    %add3A_492 = arith.constant 1.000000e-07 : f32
    %add3A_493 = vector.broadcast %add3A_492 : f32 to vector<25x16xf32>
    %add3A_494 = arith.addf %sub3A_491, %add3A_493 : vector<25x16xf32>
    %div3A_495 = arith.divf %mul3A_477, %add3A_494 : vector<25x16xf32>
    %sub3A_496 = arith.constant 1.000000e+00 : f32
    %sub3A_497 = vector.broadcast %sub3A_496 : f32 to vector<25x16xf32>
    %sub3A_498 = arith.subf %sub3A_497, %div3A_495 : vector<25x16xf32>
    %reduce_sum3A_499 = vector.shape_cast %sub3A_498 : vector<25x16xf32> to vector<1x25x16xf32>
    %reduce_sum3A_500 = arith.constant dense<0.000000e+00> : vector<1xf32>
    %reduce_sum3A_501 = vector.multi_reduction <add>, %reduce_sum3A_499, %reduce_sum3A_500 [1, 2] : vector<1x25x16xf32> to vector<1xf32>
    %reduce_sum3A_502 = vector.shape_cast %reduce_sum3A_501 : vector<1xf32> to vector<1x1x1xf32>
    %reduce_sum3A_503 = vector.extract %reduce_sum3A_502[0, 0, 0] : f32 from vector<1x1x1xf32>
    %mul3A_504 = arith.constant 2.500000e-03 : f32
    %mul3A_505 = arith.mulf %reduce_sum3A_503, %mul3A_504 : f32
    %add3A_506 = arith.addf %add3A_135, %mul3A_505 : f32
    %mul3A_507 = arith.constant 2.000000e+00 : f32
    %mul3A_508 = vector.broadcast %mul3A_507 : f32 to vector<1x400xf32>
    %mul3A_509 = arith.mulf %get3A_8, %mul3A_508 : vector<1x400xf32>
    %floor3A_510 = math.floor %mul3A_509 : vector<1x400xf32>
    %convert_element_type3A_511 = arith.fptosi %floor3A_510 : vector<1x400xf32> to vector<1x400xi32>
    %mul3A_512 = arith.constant 2.000000e+00 : f32
    %mul3A_513 = vector.broadcast %mul3A_512 : f32 to vector<1x400xf32>
    %mul3A_514 = arith.mulf %get3A_11, %mul3A_513 : vector<1x400xf32>
    %floor3A_515 = math.floor %mul3A_514 : vector<1x400xf32>
    %convert_element_type3A_516 = arith.fptosi %floor3A_515 : vector<1x400xf32> to vector<1x400xi32>
    %mul3A_517 = arith.constant 1024 : i32
    %mul3A_518 = vector.broadcast %mul3A_517 : i32 to vector<1x400xi32>
    %mul3A_519 = arith.muli %convert_element_type3A, %mul3A_518 : vector<1x400xi32>
    %mul3A_520 = arith.constant 32 : i32
    %mul3A_521 = vector.broadcast %mul3A_520 : i32 to vector<1x400xi32>
    %mul3A_522 = arith.muli %convert_element_type3A_516, %mul3A_521 : vector<1x400xi32>
    %add3A_523 = arith.addi %mul3A_519, %mul3A_522 : vector<1x400xi32>
    %add3A_524 = arith.addi %add3A_523, %convert_element_type3A_511 : vector<1x400xi32>
    %mul3A_525 = arith.constant 80 : i32
    %mul3A_526 = vector.broadcast %mul3A_525 : i32 to vector<1x400xi32>
    %mul3A_527 = arith.muli %add3A_524, %mul3A_526 : vector<1x400xi32>
    %add3A_528 = arith.addi %mul3A_527, %convert_element_type3A_5 : vector<1x400xi32>
    %transpose3A_529 = tpu.transpose %add3A_528, [1, 0] : vector<1x400xi32> -> vector<400x1xi32>
    %eq3A_530 = vector.broadcast %transpose3A_529 : vector<400x1xi32> to vector<400x400xi32>
    %eq3A_531 = vector.broadcast %add3A_528 : vector<1x400xi32> to vector<400x400xi32>
    %eq3A_532 = arith.cmpi eq, %eq3A_530, %eq3A_531 : vector<400x400xi32>
    %iota3A_533 = tpu.iota {dimensions = array<i32: 1>} : vector<400x400xi32>
    %iota3A_534 = tpu.iota {dimensions = array<i32: 0>} : vector<400x400xi32>
    %lt3A_535 = arith.cmpi slt, %iota3A_533, %iota3A_534 : vector<400x400xi32>
    %and3A_536 = arith.andi %eq3A_532, %lt3A_535 : vector<400x400xi1>
    %convert_element_type3A_537 = arith.extui %and3A_536 : vector<400x400xi1> to vector<400x400xi32>
    %reduce_sum3A_538 = arith.constant dense<0> : vector<400xi32>
    %reduce_sum3A_539 = vector.multi_reduction <add>, %convert_element_type3A_537, %reduce_sum3A_538 [1] : vector<400x400xi32> to vector<400xi32>
    %broadcast_in_dim3A_540 = vector.shape_cast %reduce_sum3A_539 : vector<400xi32> to vector<400x1xi32>
    %eq3A_541 = arith.constant 0 : i32
    %eq3A_542 = vector.broadcast %eq3A_541 : i32 to vector<400x1xi32>
    %eq3A_543 = arith.cmpi eq, %broadcast_in_dim3A_540, %eq3A_542 : vector<400x1xi32>
    %convert_element_type3A_544 = arith.extui %eq3A_543 : vector<400x1xi1> to vector<400x1xi32>
    %convert_element_type3A_545 = arith.sitofp %convert_element_type3A_544 : vector<400x1xi32> to vector<400x1xf32>
    %transpose3A_546 = tpu.transpose %convert_element_type3A_545, [1, 0] : vector<400x1xf32> -> vector<1x400xf32>
    %get3A_547 = arith.constant 0 : index
    %get3A_548 = vector.load %arg6[%get3A_547] : memref<400xf32, #tpu.memory_space<vmem>>, vector<400xf32>
    %reshape3A_549 = vector.shape_cast %get3A_548 : vector<400xf32> to vector<1x400xf32>
    %mul3A_550 = arith.mulf %reshape3A_549, %transpose3A_546 : vector<1x400xf32>
    %reduce_sum3A_551 = vector.shape_cast %mul3A_550 : vector<1x400xf32> to vector<1x1x400xf32>
    %reduce_sum3A_552 = arith.constant dense<0.000000e+00> : vector<1xf32>
    %reduce_sum3A_553 = vector.multi_reduction <add>, %reduce_sum3A_551, %reduce_sum3A_552 [1, 2] : vector<1x1x400xf32> to vector<1xf32>
    %reduce_sum3A_554 = vector.shape_cast %reduce_sum3A_553 : vector<1xf32> to vector<1x1x1xf32>
    %reduce_sum3A_555 = vector.extract %reduce_sum3A_554[0, 0, 0] : f32 from vector<1x1x1xf32>
    %get3A_556 = arith.constant 0 : index
    %get3A_557 = arith.constant 1 : index
    %get3A_558 = vector.load %arg11[%get3A_556, %get3A_557] : memref<1x8xf32, #tpu.memory_space<vmem>>, vector<1x1xf32>
    %get3A_559 = vector.extract %get3A_558[0, 0] : f32 from vector<1x1xf32>
    %sub3A_560 = arith.subf %get3A_559, %reduce_sum3A_555 : f32
    %mul3A_561 = arith.constant 3.81469732E-7 : f32
    %mul3A_562 = arith.mulf %sub3A_560, %mul3A_561 : f32
    %add3A_563 = arith.addf %add3A_186, %mul3A_562 : f32
    %mul3A_564 = arith.constant 3.200000e+01 : f32
    %mul3A_565 = vector.broadcast %mul3A_564 : f32 to vector<25x16xf32>
    %mul3A_566 = arith.mulf %sub3A_403, %mul3A_565 : vector<25x16xf32>
    %mul3A_567 = arith.constant 3.200000e+01 : f32
    %mul3A_568 = vector.broadcast %mul3A_567 : f32 to vector<25x16xf32>
    %mul3A_569 = arith.mulf %sub3A_404, %mul3A_568 : vector<25x16xf32>
    %mul3A_570 = arith.constant 3.200000e+01 : f32
    %mul3A_571 = vector.broadcast %mul3A_570 : f32 to vector<25x16xf32>
    %mul3A_572 = arith.mulf %mul3A_407, %mul3A_571 : vector<25x16xf32>
    %mul3A_573 = arith.constant 3.200000e+01 : f32
    %mul3A_574 = vector.broadcast %mul3A_573 : f32 to vector<25x16xf32>
    %mul3A_575 = arith.mulf %mul3A_410, %mul3A_574 : vector<25x16xf32>
    %div3A_576 = arith.constant 2.000000e+00 : f32
    %div3A_577 = vector.broadcast %div3A_576 : f32 to vector<25x16xf32>
    %div3A_578 = arith.divf %mul3A_572, %div3A_577 : vector<25x16xf32>
    %sub3A_579 = arith.subf %mul3A_566, %div3A_578 : vector<25x16xf32>
    %div3A_580 = arith.constant 2.000000e+00 : f32
    %div3A_581 = vector.broadcast %div3A_580 : f32 to vector<25x16xf32>
    %div3A_582 = arith.divf %mul3A_575, %div3A_581 : vector<25x16xf32>
    %sub3A_583 = arith.subf %mul3A_569, %div3A_582 : vector<25x16xf32>
    %div3A_584 = arith.constant 2.000000e+00 : f32
    %div3A_585 = vector.broadcast %div3A_584 : f32 to vector<25x16xf32>
    %div3A_586 = arith.divf %mul3A_572, %div3A_585 : vector<25x16xf32>
    %add3A_587 = arith.addf %mul3A_566, %div3A_586 : vector<25x16xf32>
    %div3A_588 = arith.constant 2.000000e+00 : f32
    %div3A_589 = vector.broadcast %div3A_588 : f32 to vector<25x16xf32>
    %div3A_590 = arith.divf %mul3A_575, %div3A_589 : vector<25x16xf32>
    %add3A_591 = arith.addf %mul3A_569, %div3A_590 : vector<25x16xf32>
    %jit3A_592 = arith.constant 0.000000e+00 : f32
    %jit3A_593 = arith.constant 1.500000e+01 : f32
    %max3A_594 = vector.broadcast %jit3A_592 : f32 to vector<25x16xf32>
    %max3A_595 = arith.maximumf %max3A_594, %sub3A_579 : vector<25x16xf32>
    %min3A_596 = vector.broadcast %jit3A_593 : f32 to vector<25x16xf32>
    %min3A_597 = arith.minimumf %min3A_596, %max3A_595 : vector<25x16xf32>
    %round3A_598 = math.roundeven %min3A_597 : vector<25x16xf32>
    %jit3A_599 = arith.constant 0.000000e+00 : f32
    %jit3A_600 = arith.constant 1.500000e+01 : f32
    %max3A_601 = vector.broadcast %jit3A_599 : f32 to vector<25x16xf32>
    %max3A_602 = arith.maximumf %max3A_601, %round3A_598 : vector<25x16xf32>
    %min3A_603 = vector.broadcast %jit3A_600 : f32 to vector<25x16xf32>
    %min3A_604 = arith.minimumf %min3A_603, %max3A_602 : vector<25x16xf32>
    %convert_element_type3A_605 = arith.fptosi %min3A_604 : vector<25x16xf32> to vector<25x16xi32>
    %get3A_606 = arith.constant 0 : index
    %get3A_607 = arith.constant 0 : index
    %get3A_608 = arith.constant 0 : index
    %get3A_609 = vector.load %arg9[%get3A_606, %get3A_607, %get3A_608] : memref<25x64x16xf32, #tpu.memory_space<vmem>>, vector<25x16x16xf32>
    %reduce_max3A_610 = arith.constant dense<0xFF800000> : vector<25x16xf32>
    %reduce_max3A_611 = vector.multi_reduction <maximumf>, %get3A_609, %reduce_max3A_610 [1] : vector<25x16x16xf32> to vector<25x16xf32>
    %broadcast_in_dim3A_612 = vector.shape_cast %reduce_max3A_611 : vector<25x16xf32> to vector<25x1x16xf32>
    %sub3A_613 = vector.broadcast %broadcast_in_dim3A_612 : vector<25x1x16xf32> to vector<25x16x16xf32>
    %sub3A_614 = arith.subf %get3A_609, %sub3A_613 : vector<25x16x16xf32>
    %exp3A_615 = math.exp %sub3A_614 : vector<25x16x16xf32>
    %reduce_sum3A_616 = arith.constant dense<0.000000e+00> : vector<25x16xf32>
    %reduce_sum3A_617 = vector.multi_reduction <add>, %exp3A_615, %reduce_sum3A_616 [1] : vector<25x16x16xf32> to vector<25x16xf32>
    %broadcast_in_dim3A_618 = vector.shape_cast %reduce_sum3A_617 : vector<25x16xf32> to vector<25x1x16xf32>
    %log3A_619 = math.log %broadcast_in_dim3A_618 : vector<25x1x16xf32>
    %add3A_620 = arith.addf %log3A_619, %broadcast_in_dim3A_612 : vector<25x1x16xf32>
    %iota3A_621 = tpu.iota {dimensions = array<i32: 1>} : vector<25x16x16xi32>
    %broadcast_in_dim3A_622 = vector.shape_cast %convert_element_type3A_605 : vector<25x16xi32> to vector<25x1x16xi32>
    %eq3A_623 = vector.broadcast %broadcast_in_dim3A_622 : vector<25x1x16xi32> to vector<25x16x16xi32>
    %eq3A_624 = arith.cmpi eq, %iota3A_621, %eq3A_623 : vector<25x16x16xi32>
    %jit3A_625 = arith.constant 0.000000e+00 : f32
    %broadcast_in_dim3A_626 = vector.broadcast %jit3A_625 : f32 to vector<25x16x16xf32>
    %select_n3A_627 = arith.select %eq3A_624, %get3A_609, %broadcast_in_dim3A_626 : vector<25x16x16xi1>, vector<25x16x16xf32>
    %reduce_sum3A_628 = arith.constant dense<0.000000e+00> : vector<25x16xf32>
    %reduce_sum3A_629 = vector.multi_reduction <add>, %select_n3A_627, %reduce_sum3A_628 [1] : vector<25x16x16xf32> to vector<25x16xf32>
    %broadcast_in_dim3A_630 = vector.shape_cast %reduce_sum3A_629 : vector<25x16xf32> to vector<25x1x16xf32>
    %sub3A_631 = arith.subf %add3A_620, %broadcast_in_dim3A_630 : vector<25x1x16xf32>
    %reduce_sum3A_632 = vector.shape_cast %sub3A_631 : vector<25x1x16xf32> to vector<1x25x1x16xf32>
    %reduce_sum3A_633 = arith.constant dense<0.000000e+00> : vector<1xf32>
    %reduce_sum3A_634 = vector.multi_reduction <add>, %reduce_sum3A_632, %reduce_sum3A_633 [1, 2, 3] : vector<1x25x1x16xf32> to vector<1xf32>
    %reduce_sum3A_635 = vector.shape_cast %reduce_sum3A_634 : vector<1xf32> to vector<1x1x1x1xf32>
    %reduce_sum3A_636 = vector.extract %reduce_sum3A_635[0, 0, 0, 0] : f32 from vector<1x1x1x1xf32>
    %add3A_637 = arith.addf %add3A_394, %reduce_sum3A_636 : f32
    %jit3A_638 = arith.constant 0.000000e+00 : f32
    %jit3A_639 = arith.constant 1.500000e+01 : f32
    %max3A_640 = vector.broadcast %jit3A_638 : f32 to vector<25x16xf32>
    %max3A_641 = arith.maximumf %max3A_640, %sub3A_583 : vector<25x16xf32>
    %min3A_642 = vector.broadcast %jit3A_639 : f32 to vector<25x16xf32>
    %min3A_643 = arith.minimumf %min3A_642, %max3A_641 : vector<25x16xf32>
    %round3A_644 = math.roundeven %min3A_643 : vector<25x16xf32>
    %jit3A_645 = arith.constant 0.000000e+00 : f32
    %jit3A_646 = arith.constant 1.500000e+01 : f32
    %max3A_647 = vector.broadcast %jit3A_645 : f32 to vector<25x16xf32>
    %max3A_648 = arith.maximumf %max3A_647, %round3A_644 : vector<25x16xf32>
    %min3A_649 = vector.broadcast %jit3A_646 : f32 to vector<25x16xf32>
    %min3A_650 = arith.minimumf %min3A_649, %max3A_648 : vector<25x16xf32>
    %convert_element_type3A_651 = arith.fptosi %min3A_650 : vector<25x16xf32> to vector<25x16xi32>
    %get3A_652 = arith.constant 0 : index
    %get3A_653 = arith.constant 16 : index
    %get3A_654 = arith.constant 0 : index
    %get3A_655 = vector.load %arg9[%get3A_652, %get3A_653, %get3A_654] : memref<25x64x16xf32, #tpu.memory_space<vmem>>, vector<25x16x16xf32>
    %reduce_max3A_656 = arith.constant dense<0xFF800000> : vector<25x16xf32>
    %reduce_max3A_657 = vector.multi_reduction <maximumf>, %get3A_655, %reduce_max3A_656 [1] : vector<25x16x16xf32> to vector<25x16xf32>
    %broadcast_in_dim3A_658 = vector.shape_cast %reduce_max3A_657 : vector<25x16xf32> to vector<25x1x16xf32>
    %sub3A_659 = vector.broadcast %broadcast_in_dim3A_658 : vector<25x1x16xf32> to vector<25x16x16xf32>
    %sub3A_660 = arith.subf %get3A_655, %sub3A_659 : vector<25x16x16xf32>
    %exp3A_661 = math.exp %sub3A_660 : vector<25x16x16xf32>
    %reduce_sum3A_662 = arith.constant dense<0.000000e+00> : vector<25x16xf32>
    %reduce_sum3A_663 = vector.multi_reduction <add>, %exp3A_661, %reduce_sum3A_662 [1] : vector<25x16x16xf32> to vector<25x16xf32>
    %broadcast_in_dim3A_664 = vector.shape_cast %reduce_sum3A_663 : vector<25x16xf32> to vector<25x1x16xf32>
    %log3A_665 = math.log %broadcast_in_dim3A_664 : vector<25x1x16xf32>
    %add3A_666 = arith.addf %log3A_665, %broadcast_in_dim3A_658 : vector<25x1x16xf32>
    %iota3A_667 = tpu.iota {dimensions = array<i32: 1>} : vector<25x16x16xi32>
    %broadcast_in_dim3A_668 = vector.shape_cast %convert_element_type3A_651 : vector<25x16xi32> to vector<25x1x16xi32>
    %eq3A_669 = vector.broadcast %broadcast_in_dim3A_668 : vector<25x1x16xi32> to vector<25x16x16xi32>
    %eq3A_670 = arith.cmpi eq, %iota3A_667, %eq3A_669 : vector<25x16x16xi32>
    %jit3A_671 = arith.constant 0.000000e+00 : f32
    %broadcast_in_dim3A_672 = vector.broadcast %jit3A_671 : f32 to vector<25x16x16xf32>
    %select_n3A_673 = arith.select %eq3A_670, %get3A_655, %broadcast_in_dim3A_672 : vector<25x16x16xi1>, vector<25x16x16xf32>
    %reduce_sum3A_674 = arith.constant dense<0.000000e+00> : vector<25x16xf32>
    %reduce_sum3A_675 = vector.multi_reduction <add>, %select_n3A_673, %reduce_sum3A_674 [1] : vector<25x16x16xf32> to vector<25x16xf32>
    %broadcast_in_dim3A_676 = vector.shape_cast %reduce_sum3A_675 : vector<25x16xf32> to vector<25x1x16xf32>
    %sub3A_677 = arith.subf %add3A_666, %broadcast_in_dim3A_676 : vector<25x1x16xf32>
    %reduce_sum3A_678 = vector.shape_cast %sub3A_677 : vector<25x1x16xf32> to vector<1x25x1x16xf32>
    %reduce_sum3A_679 = arith.constant dense<0.000000e+00> : vector<1xf32>
    %reduce_sum3A_680 = vector.multi_reduction <add>, %reduce_sum3A_678, %reduce_sum3A_679 [1, 2, 3] : vector<1x25x1x16xf32> to vector<1xf32>
    %reduce_sum3A_681 = vector.shape_cast %reduce_sum3A_680 : vector<1xf32> to vector<1x1x1x1xf32>
    %reduce_sum3A_682 = vector.extract %reduce_sum3A_681[0, 0, 0, 0] : f32 from vector<1x1x1x1xf32>
    %add3A_683 = arith.addf %add3A_637, %reduce_sum3A_682 : f32
    %jit3A_684 = arith.constant 0.000000e+00 : f32
    %jit3A_685 = arith.constant 1.500000e+01 : f32
    %max3A_686 = vector.broadcast %jit3A_684 : f32 to vector<25x16xf32>
    %max3A_687 = arith.maximumf %max3A_686, %add3A_587 : vector<25x16xf32>
    %min3A_688 = vector.broadcast %jit3A_685 : f32 to vector<25x16xf32>
    %min3A_689 = arith.minimumf %min3A_688, %max3A_687 : vector<25x16xf32>
    %round3A_690 = math.roundeven %min3A_689 : vector<25x16xf32>
    %jit3A_691 = arith.constant 0.000000e+00 : f32
    %jit3A_692 = arith.constant 1.500000e+01 : f32
    %max3A_693 = vector.broadcast %jit3A_691 : f32 to vector<25x16xf32>
    %max3A_694 = arith.maximumf %max3A_693, %round3A_690 : vector<25x16xf32>
    %min3A_695 = vector.broadcast %jit3A_692 : f32 to vector<25x16xf32>
    %min3A_696 = arith.minimumf %min3A_695, %max3A_694 : vector<25x16xf32>
    %convert_element_type3A_697 = arith.fptosi %min3A_696 : vector<25x16xf32> to vector<25x16xi32>
    %get3A_698 = arith.constant 0 : index
    %get3A_699 = arith.constant 32 : index
    %get3A_700 = arith.constant 0 : index
    %get3A_701 = vector.load %arg9[%get3A_698, %get3A_699, %get3A_700] : memref<25x64x16xf32, #tpu.memory_space<vmem>>, vector<25x16x16xf32>
    %reduce_max3A_702 = arith.constant dense<0xFF800000> : vector<25x16xf32>
    %reduce_max3A_703 = vector.multi_reduction <maximumf>, %get3A_701, %reduce_max3A_702 [1] : vector<25x16x16xf32> to vector<25x16xf32>
    %broadcast_in_dim3A_704 = vector.shape_cast %reduce_max3A_703 : vector<25x16xf32> to vector<25x1x16xf32>
    %sub3A_705 = vector.broadcast %broadcast_in_dim3A_704 : vector<25x1x16xf32> to vector<25x16x16xf32>
    %sub3A_706 = arith.subf %get3A_701, %sub3A_705 : vector<25x16x16xf32>
    %exp3A_707 = math.exp %sub3A_706 : vector<25x16x16xf32>
    %reduce_sum3A_708 = arith.constant dense<0.000000e+00> : vector<25x16xf32>
    %reduce_sum3A_709 = vector.multi_reduction <add>, %exp3A_707, %reduce_sum3A_708 [1] : vector<25x16x16xf32> to vector<25x16xf32>
    %broadcast_in_dim3A_710 = vector.shape_cast %reduce_sum3A_709 : vector<25x16xf32> to vector<25x1x16xf32>
    %log3A_711 = math.log %broadcast_in_dim3A_710 : vector<25x1x16xf32>
    %add3A_712 = arith.addf %log3A_711, %broadcast_in_dim3A_704 : vector<25x1x16xf32>
    %iota3A_713 = tpu.iota {dimensions = array<i32: 1>} : vector<25x16x16xi32>
    %broadcast_in_dim3A_714 = vector.shape_cast %convert_element_type3A_697 : vector<25x16xi32> to vector<25x1x16xi32>
    %eq3A_715 = vector.broadcast %broadcast_in_dim3A_714 : vector<25x1x16xi32> to vector<25x16x16xi32>
    %eq3A_716 = arith.cmpi eq, %iota3A_713, %eq3A_715 : vector<25x16x16xi32>
    %jit3A_717 = arith.constant 0.000000e+00 : f32
    %broadcast_in_dim3A_718 = vector.broadcast %jit3A_717 : f32 to vector<25x16x16xf32>
    %select_n3A_719 = arith.select %eq3A_716, %get3A_701, %broadcast_in_dim3A_718 : vector<25x16x16xi1>, vector<25x16x16xf32>
    %reduce_sum3A_720 = arith.constant dense<0.000000e+00> : vector<25x16xf32>
    %reduce_sum3A_721 = vector.multi_reduction <add>, %select_n3A_719, %reduce_sum3A_720 [1] : vector<25x16x16xf32> to vector<25x16xf32>
    %broadcast_in_dim3A_722 = vector.shape_cast %reduce_sum3A_721 : vector<25x16xf32> to vector<25x1x16xf32>
    %sub3A_723 = arith.subf %add3A_712, %broadcast_in_dim3A_722 : vector<25x1x16xf32>
    %reduce_sum3A_724 = vector.shape_cast %sub3A_723 : vector<25x1x16xf32> to vector<1x25x1x16xf32>
    %reduce_sum3A_725 = arith.constant dense<0.000000e+00> : vector<1xf32>
    %reduce_sum3A_726 = vector.multi_reduction <add>, %reduce_sum3A_724, %reduce_sum3A_725 [1, 2, 3] : vector<1x25x1x16xf32> to vector<1xf32>
    %reduce_sum3A_727 = vector.shape_cast %reduce_sum3A_726 : vector<1xf32> to vector<1x1x1x1xf32>
    %reduce_sum3A_728 = vector.extract %reduce_sum3A_727[0, 0, 0, 0] : f32 from vector<1x1x1x1xf32>
    %add3A_729 = arith.addf %add3A_683, %reduce_sum3A_728 : f32
    %jit3A_730 = arith.constant 0.000000e+00 : f32
    %jit3A_731 = arith.constant 1.500000e+01 : f32
    %max3A_732 = vector.broadcast %jit3A_730 : f32 to vector<25x16xf32>
    %max3A_733 = arith.maximumf %max3A_732, %add3A_591 : vector<25x16xf32>
    %min3A_734 = vector.broadcast %jit3A_731 : f32 to vector<25x16xf32>
    %min3A_735 = arith.minimumf %min3A_734, %max3A_733 : vector<25x16xf32>
    %round3A_736 = math.roundeven %min3A_735 : vector<25x16xf32>
    %jit3A_737 = arith.constant 0.000000e+00 : f32
    %jit3A_738 = arith.constant 1.500000e+01 : f32
    %max3A_739 = vector.broadcast %jit3A_737 : f32 to vector<25x16xf32>
    %max3A_740 = arith.maximumf %max3A_739, %round3A_736 : vector<25x16xf32>
    %min3A_741 = vector.broadcast %jit3A_738 : f32 to vector<25x16xf32>
    %min3A_742 = arith.minimumf %min3A_741, %max3A_740 : vector<25x16xf32>
    %convert_element_type3A_743 = arith.fptosi %min3A_742 : vector<25x16xf32> to vector<25x16xi32>
    %get3A_744 = arith.constant 0 : index
    %get3A_745 = arith.constant 48 : index
    %get3A_746 = arith.constant 0 : index
    %get3A_747 = vector.load %arg9[%get3A_744, %get3A_745, %get3A_746] : memref<25x64x16xf32, #tpu.memory_space<vmem>>, vector<25x16x16xf32>
    %reduce_max3A_748 = arith.constant dense<0xFF800000> : vector<25x16xf32>
    %reduce_max3A_749 = vector.multi_reduction <maximumf>, %get3A_747, %reduce_max3A_748 [1] : vector<25x16x16xf32> to vector<25x16xf32>
    %broadcast_in_dim3A_750 = vector.shape_cast %reduce_max3A_749 : vector<25x16xf32> to vector<25x1x16xf32>
    %sub3A_751 = vector.broadcast %broadcast_in_dim3A_750 : vector<25x1x16xf32> to vector<25x16x16xf32>
    %sub3A_752 = arith.subf %get3A_747, %sub3A_751 : vector<25x16x16xf32>
    %exp3A_753 = math.exp %sub3A_752 : vector<25x16x16xf32>
    %reduce_sum3A_754 = arith.constant dense<0.000000e+00> : vector<25x16xf32>
    %reduce_sum3A_755 = vector.multi_reduction <add>, %exp3A_753, %reduce_sum3A_754 [1] : vector<25x16x16xf32> to vector<25x16xf32>
    %broadcast_in_dim3A_756 = vector.shape_cast %reduce_sum3A_755 : vector<25x16xf32> to vector<25x1x16xf32>
    %log3A_757 = math.log %broadcast_in_dim3A_756 : vector<25x1x16xf32>
    %add3A_758 = arith.addf %log3A_757, %broadcast_in_dim3A_750 : vector<25x1x16xf32>
    %iota3A_759 = tpu.iota {dimensions = array<i32: 1>} : vector<25x16x16xi32>
    %broadcast_in_dim3A_760 = vector.shape_cast %convert_element_type3A_743 : vector<25x16xi32> to vector<25x1x16xi32>
    %eq3A_761 = vector.broadcast %broadcast_in_dim3A_760 : vector<25x1x16xi32> to vector<25x16x16xi32>
    %eq3A_762 = arith.cmpi eq, %iota3A_759, %eq3A_761 : vector<25x16x16xi32>
    %jit3A_763 = arith.constant 0.000000e+00 : f32
    %broadcast_in_dim3A_764 = vector.broadcast %jit3A_763 : f32 to vector<25x16x16xf32>
    %select_n3A_765 = arith.select %eq3A_762, %get3A_747, %broadcast_in_dim3A_764 : vector<25x16x16xi1>, vector<25x16x16xf32>
    %reduce_sum3A_766 = arith.constant dense<0.000000e+00> : vector<25x16xf32>
    %reduce_sum3A_767 = vector.multi_reduction <add>, %select_n3A_765, %reduce_sum3A_766 [1] : vector<25x16x16xf32> to vector<25x16xf32>
    %broadcast_in_dim3A_768 = vector.shape_cast %reduce_sum3A_767 : vector<25x16xf32> to vector<25x1x16xf32>
    %sub3A_769 = arith.subf %add3A_758, %broadcast_in_dim3A_768 : vector<25x1x16xf32>
    %reduce_sum3A_770 = vector.shape_cast %sub3A_769 : vector<25x1x16xf32> to vector<1x25x1x16xf32>
    %reduce_sum3A_771 = arith.constant dense<0.000000e+00> : vector<1xf32>
    %reduce_sum3A_772 = vector.multi_reduction <add>, %reduce_sum3A_770, %reduce_sum3A_771 [1, 2, 3] : vector<1x25x1x16xf32> to vector<1xf32>
    %reduce_sum3A_773 = vector.shape_cast %reduce_sum3A_772 : vector<1xf32> to vector<1x1x1x1xf32>
    %reduce_sum3A_774 = vector.extract %reduce_sum3A_773[0, 0, 0, 0] : f32 from vector<1x1x1x1xf32>
    %add3A_775 = arith.addf %add3A_729, %reduce_sum3A_774 : f32
    %mul3A_776 = arith.constant 5.000000e-01 : f32
    %mul3A_777 = vector.broadcast %mul3A_776 : f32 to vector<25x16xf32>
    %mul3A_778 = arith.mulf %get3A_16, %mul3A_777 : vector<25x16xf32>
    %mul3A_779 = arith.constant 5.000000e-01 : f32
    %mul3A_780 = vector.broadcast %mul3A_779 : f32 to vector<25x16xf32>
    %mul3A_781 = arith.mulf %get3A_21, %mul3A_780 : vector<25x16xf32>
    %floor3A_782 = math.floor %mul3A_778 : vector<25x16xf32>
    %floor3A_783 = math.floor %mul3A_781 : vector<25x16xf32>
    %sub3A_784 = arith.subf %mul3A_778, %floor3A_782 : vector<25x16xf32>
    %sub3A_785 = arith.subf %mul3A_781, %floor3A_783 : vector<25x16xf32>
    %mul3A_786 = arith.constant 5.000000e-01 : f32
    %mul3A_787 = vector.broadcast %mul3A_786 : f32 to vector<25x16xf32>
    %mul3A_788 = arith.mulf %get3A_26, %mul3A_787 : vector<25x16xf32>
    %mul3A_789 = arith.constant 5.000000e-01 : f32
    %mul3A_790 = vector.broadcast %mul3A_789 : f32 to vector<25x16xf32>
    %mul3A_791 = arith.mulf %get3A_31, %mul3A_790 : vector<25x16xf32>
    %get3A_792 = arith.constant 0 : index
    %get3A_793 = arith.constant 0 : index
    %get3A_794 = arith.constant 0 : index
    %get3A_795 = vector.load %arg4[%get3A_792, %get3A_793, %get3A_794] : memref<25x5x16xf32, #tpu.memory_space<vmem>>, vector<25x1x16xf32>
    %get3A_796 = vector.shape_cast %get3A_795 : vector<25x1x16xf32> to vector<25x16xf32>
    %get3A_797 = arith.constant 0 : index
    %get3A_798 = arith.constant 1 : index
    %get3A_799 = arith.constant 0 : index
    %get3A_800 = vector.load %arg4[%get3A_797, %get3A_798, %get3A_799] : memref<25x5x16xf32, #tpu.memory_space<vmem>>, vector<25x1x16xf32>
    %get3A_801 = vector.shape_cast %get3A_800 : vector<25x1x16xf32> to vector<25x16xf32>
    %get3A_802 = arith.constant 0 : index
    %get3A_803 = arith.constant 2 : index
    %get3A_804 = arith.constant 0 : index
    %get3A_805 = vector.load %arg4[%get3A_802, %get3A_803, %get3A_804] : memref<25x5x16xf32, #tpu.memory_space<vmem>>, vector<25x1x16xf32>
    %get3A_806 = vector.shape_cast %get3A_805 : vector<25x1x16xf32> to vector<25x16xf32>
    %get3A_807 = arith.constant 0 : index
    %get3A_808 = arith.constant 3 : index
    %get3A_809 = arith.constant 0 : index
    %get3A_810 = vector.load %arg4[%get3A_807, %get3A_808, %get3A_809] : memref<25x5x16xf32, #tpu.memory_space<vmem>>, vector<25x1x16xf32>
    %get3A_811 = vector.shape_cast %get3A_810 : vector<25x1x16xf32> to vector<25x16xf32>
    %div3A_812 = arith.constant 2.000000e+00 : f32
    %div3A_813 = vector.broadcast %div3A_812 : f32 to vector<25x16xf32>
    %div3A_814 = arith.divf %get3A_806, %div3A_813 : vector<25x16xf32>
    %sub3A_815 = arith.subf %get3A_796, %div3A_814 : vector<25x16xf32>
    %div3A_816 = arith.constant 2.000000e+00 : f32
    %div3A_817 = vector.broadcast %div3A_816 : f32 to vector<25x16xf32>
    %div3A_818 = arith.divf %get3A_806, %div3A_817 : vector<25x16xf32>
    %add3A_819 = arith.addf %get3A_796, %div3A_818 : vector<25x16xf32>
    %div3A_820 = arith.constant 2.000000e+00 : f32
    %div3A_821 = vector.broadcast %div3A_820 : f32 to vector<25x16xf32>
    %div3A_822 = arith.divf %get3A_811, %div3A_821 : vector<25x16xf32>
    %sub3A_823 = arith.subf %get3A_801, %div3A_822 : vector<25x16xf32>
    %div3A_824 = arith.constant 2.000000e+00 : f32
    %div3A_825 = vector.broadcast %div3A_824 : f32 to vector<25x16xf32>
    %div3A_826 = arith.divf %get3A_811, %div3A_825 : vector<25x16xf32>
    %add3A_827 = arith.addf %get3A_801, %div3A_826 : vector<25x16xf32>
    %div3A_828 = arith.constant 2.000000e+00 : f32
    %div3A_829 = vector.broadcast %div3A_828 : f32 to vector<25x16xf32>
    %div3A_830 = arith.divf %mul3A_788, %div3A_829 : vector<25x16xf32>
    %sub3A_831 = arith.subf %sub3A_784, %div3A_830 : vector<25x16xf32>
    %div3A_832 = arith.constant 2.000000e+00 : f32
    %div3A_833 = vector.broadcast %div3A_832 : f32 to vector<25x16xf32>
    %div3A_834 = arith.divf %mul3A_788, %div3A_833 : vector<25x16xf32>
    %add3A_835 = arith.addf %sub3A_784, %div3A_834 : vector<25x16xf32>
    %div3A_836 = arith.constant 2.000000e+00 : f32
    %div3A_837 = vector.broadcast %div3A_836 : f32 to vector<25x16xf32>
    %div3A_838 = arith.divf %mul3A_791, %div3A_837 : vector<25x16xf32>
    %sub3A_839 = arith.subf %sub3A_785, %div3A_838 : vector<25x16xf32>
    %div3A_840 = arith.constant 2.000000e+00 : f32
    %div3A_841 = vector.broadcast %div3A_840 : f32 to vector<25x16xf32>
    %div3A_842 = arith.divf %mul3A_791, %div3A_841 : vector<25x16xf32>
    %add3A_843 = arith.addf %sub3A_785, %div3A_842 : vector<25x16xf32>
    %min3A_844 = arith.minimumf %add3A_819, %add3A_835 : vector<25x16xf32>
    %max3A_845 = arith.maximumf %sub3A_815, %sub3A_831 : vector<25x16xf32>
    %sub3A_846 = arith.subf %min3A_844, %max3A_845 : vector<25x16xf32>
    %jit3A_847 = arith.constant 0 : i32
    %convert_element_type3A_848 = arith.sitofp %jit3A_847 : i32 to f32
    %max3A_849 = vector.broadcast %convert_element_type3A_848 : f32 to vector<25x16xf32>
    %max3A_850 = arith.maximumf %max3A_849, %sub3A_846 : vector<25x16xf32>
    %min3A_851 = arith.minimumf %add3A_827, %add3A_843 : vector<25x16xf32>
    %max3A_852 = arith.maximumf %sub3A_823, %sub3A_839 : vector<25x16xf32>
    %sub3A_853 = arith.subf %min3A_851, %max3A_852 : vector<25x16xf32>
    %jit3A_854 = arith.constant 0 : i32
    %convert_element_type3A_855 = arith.sitofp %jit3A_854 : i32 to f32
    %max3A_856 = vector.broadcast %convert_element_type3A_855 : f32 to vector<25x16xf32>
    %max3A_857 = arith.maximumf %max3A_856, %sub3A_853 : vector<25x16xf32>
    %mul3A_858 = arith.mulf %max3A_850, %max3A_857 : vector<25x16xf32>
    %sub3A_859 = arith.subf %add3A_819, %sub3A_815 : vector<25x16xf32>
    %sub3A_860 = arith.subf %add3A_827, %sub3A_823 : vector<25x16xf32>
    %add3A_861 = arith.constant 1.000000e-07 : f32
    %add3A_862 = vector.broadcast %add3A_861 : f32 to vector<25x16xf32>
    %add3A_863 = arith.addf %sub3A_860, %add3A_862 : vector<25x16xf32>
    %sub3A_864 = arith.subf %add3A_835, %sub3A_831 : vector<25x16xf32>
    %sub3A_865 = arith.subf %add3A_843, %sub3A_839 : vector<25x16xf32>
    %add3A_866 = arith.constant 1.000000e-07 : f32
    %add3A_867 = vector.broadcast %add3A_866 : f32 to vector<25x16xf32>
    %add3A_868 = arith.addf %sub3A_865, %add3A_867 : vector<25x16xf32>
    %mul3A_869 = arith.mulf %sub3A_859, %add3A_863 : vector<25x16xf32>
    %mul3A_870 = arith.mulf %sub3A_864, %add3A_868 : vector<25x16xf32>
    %add3A_871 = arith.addf %mul3A_869, %mul3A_870 : vector<25x16xf32>
    %sub3A_872 = arith.subf %add3A_871, %mul3A_858 : vector<25x16xf32>
    %add3A_873 = arith.constant 1.000000e-07 : f32
    %add3A_874 = vector.broadcast %add3A_873 : f32 to vector<25x16xf32>
    %add3A_875 = arith.addf %sub3A_872, %add3A_874 : vector<25x16xf32>
    %div3A_876 = arith.divf %mul3A_858, %add3A_875 : vector<25x16xf32>
    %sub3A_877 = arith.constant 1.000000e+00 : f32
    %sub3A_878 = vector.broadcast %sub3A_877 : f32 to vector<25x16xf32>
    %sub3A_879 = arith.subf %sub3A_878, %div3A_876 : vector<25x16xf32>
    %reduce_sum3A_880 = vector.shape_cast %sub3A_879 : vector<25x16xf32> to vector<1x25x16xf32>
    %reduce_sum3A_881 = arith.constant dense<0.000000e+00> : vector<1xf32>
    %reduce_sum3A_882 = vector.multi_reduction <add>, %reduce_sum3A_880, %reduce_sum3A_881 [1, 2] : vector<1x25x16xf32> to vector<1xf32>
    %reduce_sum3A_883 = vector.shape_cast %reduce_sum3A_882 : vector<1xf32> to vector<1x1x1xf32>
    %reduce_sum3A_884 = vector.extract %reduce_sum3A_883[0, 0, 0] : f32 from vector<1x1x1xf32>
    %mul3A_885 = arith.constant 2.500000e-03 : f32
    %mul3A_886 = arith.mulf %reduce_sum3A_884, %mul3A_885 : f32
    %add3A_887 = arith.addf %add3A_506, %mul3A_886 : f32
    %mul3A_888 = arith.constant 5.000000e-01 : f32
    %mul3A_889 = vector.broadcast %mul3A_888 : f32 to vector<1x400xf32>
    %mul3A_890 = arith.mulf %get3A_8, %mul3A_889 : vector<1x400xf32>
    %floor3A_891 = math.floor %mul3A_890 : vector<1x400xf32>
    %convert_element_type3A_892 = arith.fptosi %floor3A_891 : vector<1x400xf32> to vector<1x400xi32>
    %mul3A_893 = arith.constant 5.000000e-01 : f32
    %mul3A_894 = vector.broadcast %mul3A_893 : f32 to vector<1x400xf32>
    %mul3A_895 = arith.mulf %get3A_11, %mul3A_894 : vector<1x400xf32>
    %floor3A_896 = math.floor %mul3A_895 : vector<1x400xf32>
    %convert_element_type3A_897 = arith.fptosi %floor3A_896 : vector<1x400xf32> to vector<1x400xi32>
    %mul3A_898 = arith.constant 256 : i32
    %mul3A_899 = vector.broadcast %mul3A_898 : i32 to vector<1x400xi32>
    %mul3A_900 = arith.muli %convert_element_type3A, %mul3A_899 : vector<1x400xi32>
    %mul3A_901 = arith.constant 16 : i32
    %mul3A_902 = vector.broadcast %mul3A_901 : i32 to vector<1x400xi32>
    %mul3A_903 = arith.muli %convert_element_type3A_897, %mul3A_902 : vector<1x400xi32>
    %add3A_904 = arith.addi %mul3A_900, %mul3A_903 : vector<1x400xi32>
    %add3A_905 = arith.addi %add3A_904, %convert_element_type3A_892 : vector<1x400xi32>
    %mul3A_906 = arith.constant 80 : i32
    %mul3A_907 = vector.broadcast %mul3A_906 : i32 to vector<1x400xi32>
    %mul3A_908 = arith.muli %add3A_905, %mul3A_907 : vector<1x400xi32>
    %add3A_909 = arith.addi %mul3A_908, %convert_element_type3A_5 : vector<1x400xi32>
    %transpose3A_910 = tpu.transpose %add3A_909, [1, 0] : vector<1x400xi32> -> vector<400x1xi32>
    %eq3A_911 = vector.broadcast %transpose3A_910 : vector<400x1xi32> to vector<400x400xi32>
    %eq3A_912 = vector.broadcast %add3A_909 : vector<1x400xi32> to vector<400x400xi32>
    %eq3A_913 = arith.cmpi eq, %eq3A_911, %eq3A_912 : vector<400x400xi32>
    %iota3A_914 = tpu.iota {dimensions = array<i32: 1>} : vector<400x400xi32>
    %iota3A_915 = tpu.iota {dimensions = array<i32: 0>} : vector<400x400xi32>
    %lt3A_916 = arith.cmpi slt, %iota3A_914, %iota3A_915 : vector<400x400xi32>
    %and3A_917 = arith.andi %eq3A_913, %lt3A_916 : vector<400x400xi1>
    %convert_element_type3A_918 = arith.extui %and3A_917 : vector<400x400xi1> to vector<400x400xi32>
    %reduce_sum3A_919 = arith.constant dense<0> : vector<400xi32>
    %reduce_sum3A_920 = vector.multi_reduction <add>, %convert_element_type3A_918, %reduce_sum3A_919 [1] : vector<400x400xi32> to vector<400xi32>
    %broadcast_in_dim3A_921 = vector.shape_cast %reduce_sum3A_920 : vector<400xi32> to vector<400x1xi32>
    %eq3A_922 = arith.constant 0 : i32
    %eq3A_923 = vector.broadcast %eq3A_922 : i32 to vector<400x1xi32>
    %eq3A_924 = arith.cmpi eq, %broadcast_in_dim3A_921, %eq3A_923 : vector<400x1xi32>
    %convert_element_type3A_925 = arith.extui %eq3A_924 : vector<400x1xi1> to vector<400x1xi32>
    %convert_element_type3A_926 = arith.sitofp %convert_element_type3A_925 : vector<400x1xi32> to vector<400x1xf32>
    %transpose3A_927 = tpu.transpose %convert_element_type3A_926, [1, 0] : vector<400x1xf32> -> vector<1x400xf32>
    %get3A_928 = arith.constant 0 : index
    %get3A_929 = vector.load %arg7[%get3A_928] : memref<400xf32, #tpu.memory_space<vmem>>, vector<400xf32>
    %reshape3A_930 = vector.shape_cast %get3A_929 : vector<400xf32> to vector<1x400xf32>
    %mul3A_931 = arith.mulf %reshape3A_930, %transpose3A_927 : vector<1x400xf32>
    %reduce_sum3A_932 = vector.shape_cast %mul3A_931 : vector<1x400xf32> to vector<1x1x400xf32>
    %reduce_sum3A_933 = arith.constant dense<0.000000e+00> : vector<1xf32>
    %reduce_sum3A_934 = vector.multi_reduction <add>, %reduce_sum3A_932, %reduce_sum3A_933 [1, 2] : vector<1x1x400xf32> to vector<1xf32>
    %reduce_sum3A_935 = vector.shape_cast %reduce_sum3A_934 : vector<1xf32> to vector<1x1x1xf32>
    %reduce_sum3A_936 = vector.extract %reduce_sum3A_935[0, 0, 0] : f32 from vector<1x1x1xf32>
    %get3A_937 = arith.constant 0 : index
    %get3A_938 = arith.constant 2 : index
    %get3A_939 = vector.load %arg11[%get3A_937, %get3A_938] : memref<1x8xf32, #tpu.memory_space<vmem>>, vector<1x1xf32>
    %get3A_940 = vector.extract %get3A_939[0, 0] : f32 from vector<1x1xf32>
    %sub3A_941 = arith.subf %get3A_940, %reduce_sum3A_936 : f32
    %mul3A_942 = arith.constant 1.52587893E-6 : f32
    %mul3A_943 = arith.mulf %sub3A_941, %mul3A_942 : f32
    %add3A_944 = arith.addf %add3A_563, %mul3A_943 : f32
    %mul3A_945 = arith.constant 1.600000e+01 : f32
    %mul3A_946 = vector.broadcast %mul3A_945 : f32 to vector<25x16xf32>
    %mul3A_947 = arith.mulf %sub3A_784, %mul3A_946 : vector<25x16xf32>
    %mul3A_948 = arith.constant 1.600000e+01 : f32
    %mul3A_949 = vector.broadcast %mul3A_948 : f32 to vector<25x16xf32>
    %mul3A_950 = arith.mulf %sub3A_785, %mul3A_949 : vector<25x16xf32>
    %mul3A_951 = arith.constant 1.600000e+01 : f32
    %mul3A_952 = vector.broadcast %mul3A_951 : f32 to vector<25x16xf32>
    %mul3A_953 = arith.mulf %mul3A_788, %mul3A_952 : vector<25x16xf32>
    %mul3A_954 = arith.constant 1.600000e+01 : f32
    %mul3A_955 = vector.broadcast %mul3A_954 : f32 to vector<25x16xf32>
    %mul3A_956 = arith.mulf %mul3A_791, %mul3A_955 : vector<25x16xf32>
    %div3A_957 = arith.constant 2.000000e+00 : f32
    %div3A_958 = vector.broadcast %div3A_957 : f32 to vector<25x16xf32>
    %div3A_959 = arith.divf %mul3A_953, %div3A_958 : vector<25x16xf32>
    %sub3A_960 = arith.subf %mul3A_947, %div3A_959 : vector<25x16xf32>
    %div3A_961 = arith.constant 2.000000e+00 : f32
    %div3A_962 = vector.broadcast %div3A_961 : f32 to vector<25x16xf32>
    %div3A_963 = arith.divf %mul3A_956, %div3A_962 : vector<25x16xf32>
    %sub3A_964 = arith.subf %mul3A_950, %div3A_963 : vector<25x16xf32>
    %div3A_965 = arith.constant 2.000000e+00 : f32
    %div3A_966 = vector.broadcast %div3A_965 : f32 to vector<25x16xf32>
    %div3A_967 = arith.divf %mul3A_953, %div3A_966 : vector<25x16xf32>
    %add3A_968 = arith.addf %mul3A_947, %div3A_967 : vector<25x16xf32>
    %div3A_969 = arith.constant 2.000000e+00 : f32
    %div3A_970 = vector.broadcast %div3A_969 : f32 to vector<25x16xf32>
    %div3A_971 = arith.divf %mul3A_956, %div3A_970 : vector<25x16xf32>
    %add3A_972 = arith.addf %mul3A_950, %div3A_971 : vector<25x16xf32>
    %jit3A_973 = arith.constant 0.000000e+00 : f32
    %jit3A_974 = arith.constant 1.500000e+01 : f32
    %max3A_975 = vector.broadcast %jit3A_973 : f32 to vector<25x16xf32>
    %max3A_976 = arith.maximumf %max3A_975, %sub3A_960 : vector<25x16xf32>
    %min3A_977 = vector.broadcast %jit3A_974 : f32 to vector<25x16xf32>
    %min3A_978 = arith.minimumf %min3A_977, %max3A_976 : vector<25x16xf32>
    %round3A_979 = math.roundeven %min3A_978 : vector<25x16xf32>
    %jit3A_980 = arith.constant 0.000000e+00 : f32
    %jit3A_981 = arith.constant 1.500000e+01 : f32
    %max3A_982 = vector.broadcast %jit3A_980 : f32 to vector<25x16xf32>
    %max3A_983 = arith.maximumf %max3A_982, %round3A_979 : vector<25x16xf32>
    %min3A_984 = vector.broadcast %jit3A_981 : f32 to vector<25x16xf32>
    %min3A_985 = arith.minimumf %min3A_984, %max3A_983 : vector<25x16xf32>
    %convert_element_type3A_986 = arith.fptosi %min3A_985 : vector<25x16xf32> to vector<25x16xi32>
    %get3A_987 = arith.constant 0 : index
    %get3A_988 = arith.constant 0 : index
    %get3A_989 = arith.constant 0 : index
    %get3A_990 = vector.load %arg10[%get3A_987, %get3A_988, %get3A_989] : memref<25x64x16xf32, #tpu.memory_space<vmem>>, vector<25x16x16xf32>
    %reduce_max3A_991 = arith.constant dense<0xFF800000> : vector<25x16xf32>
    %reduce_max3A_992 = vector.multi_reduction <maximumf>, %get3A_990, %reduce_max3A_991 [1] : vector<25x16x16xf32> to vector<25x16xf32>
    %broadcast_in_dim3A_993 = vector.shape_cast %reduce_max3A_992 : vector<25x16xf32> to vector<25x1x16xf32>
    %sub3A_994 = vector.broadcast %broadcast_in_dim3A_993 : vector<25x1x16xf32> to vector<25x16x16xf32>
    %sub3A_995 = arith.subf %get3A_990, %sub3A_994 : vector<25x16x16xf32>
    %exp3A_996 = math.exp %sub3A_995 : vector<25x16x16xf32>
    %reduce_sum3A_997 = arith.constant dense<0.000000e+00> : vector<25x16xf32>
    %reduce_sum3A_998 = vector.multi_reduction <add>, %exp3A_996, %reduce_sum3A_997 [1] : vector<25x16x16xf32> to vector<25x16xf32>
    %broadcast_in_dim3A_999 = vector.shape_cast %reduce_sum3A_998 : vector<25x16xf32> to vector<25x1x16xf32>
    %log3A_1000 = math.log %broadcast_in_dim3A_999 : vector<25x1x16xf32>
    %add3A_1001 = arith.addf %log3A_1000, %broadcast_in_dim3A_993 : vector<25x1x16xf32>
    %iota3A_1002 = tpu.iota {dimensions = array<i32: 1>} : vector<25x16x16xi32>
    %broadcast_in_dim3A_1003 = vector.shape_cast %convert_element_type3A_986 : vector<25x16xi32> to vector<25x1x16xi32>
    %eq3A_1004 = vector.broadcast %broadcast_in_dim3A_1003 : vector<25x1x16xi32> to vector<25x16x16xi32>
    %eq3A_1005 = arith.cmpi eq, %iota3A_1002, %eq3A_1004 : vector<25x16x16xi32>
    %jit3A_1006 = arith.constant 0.000000e+00 : f32
    %broadcast_in_dim3A_1007 = vector.broadcast %jit3A_1006 : f32 to vector<25x16x16xf32>
    %select_n3A_1008 = arith.select %eq3A_1005, %get3A_990, %broadcast_in_dim3A_1007 : vector<25x16x16xi1>, vector<25x16x16xf32>
    %reduce_sum3A_1009 = arith.constant dense<0.000000e+00> : vector<25x16xf32>
    %reduce_sum3A_1010 = vector.multi_reduction <add>, %select_n3A_1008, %reduce_sum3A_1009 [1] : vector<25x16x16xf32> to vector<25x16xf32>
    %broadcast_in_dim3A_1011 = vector.shape_cast %reduce_sum3A_1010 : vector<25x16xf32> to vector<25x1x16xf32>
    %sub3A_1012 = arith.subf %add3A_1001, %broadcast_in_dim3A_1011 : vector<25x1x16xf32>
    %reduce_sum3A_1013 = vector.shape_cast %sub3A_1012 : vector<25x1x16xf32> to vector<1x25x1x16xf32>
    %reduce_sum3A_1014 = arith.constant dense<0.000000e+00> : vector<1xf32>
    %reduce_sum3A_1015 = vector.multi_reduction <add>, %reduce_sum3A_1013, %reduce_sum3A_1014 [1, 2, 3] : vector<1x25x1x16xf32> to vector<1xf32>
    %reduce_sum3A_1016 = vector.shape_cast %reduce_sum3A_1015 : vector<1xf32> to vector<1x1x1x1xf32>
    %reduce_sum3A_1017 = vector.extract %reduce_sum3A_1016[0, 0, 0, 0] : f32 from vector<1x1x1x1xf32>
    %add3A_1018 = arith.addf %add3A_775, %reduce_sum3A_1017 : f32
    %jit3A_1019 = arith.constant 0.000000e+00 : f32
    %jit3A_1020 = arith.constant 1.500000e+01 : f32
    %max3A_1021 = vector.broadcast %jit3A_1019 : f32 to vector<25x16xf32>
    %max3A_1022 = arith.maximumf %max3A_1021, %sub3A_964 : vector<25x16xf32>
    %min3A_1023 = vector.broadcast %jit3A_1020 : f32 to vector<25x16xf32>
    %min3A_1024 = arith.minimumf %min3A_1023, %max3A_1022 : vector<25x16xf32>
    %round3A_1025 = math.roundeven %min3A_1024 : vector<25x16xf32>
    %jit3A_1026 = arith.constant 0.000000e+00 : f32
    %jit3A_1027 = arith.constant 1.500000e+01 : f32
    %max3A_1028 = vector.broadcast %jit3A_1026 : f32 to vector<25x16xf32>
    %max3A_1029 = arith.maximumf %max3A_1028, %round3A_1025 : vector<25x16xf32>
    %min3A_1030 = vector.broadcast %jit3A_1027 : f32 to vector<25x16xf32>
    %min3A_1031 = arith.minimumf %min3A_1030, %max3A_1029 : vector<25x16xf32>
    %convert_element_type3A_1032 = arith.fptosi %min3A_1031 : vector<25x16xf32> to vector<25x16xi32>
    %get3A_1033 = arith.constant 0 : index
    %get3A_1034 = arith.constant 16 : index
    %get3A_1035 = arith.constant 0 : index
    %get3A_1036 = vector.load %arg10[%get3A_1033, %get3A_1034, %get3A_1035] : memref<25x64x16xf32, #tpu.memory_space<vmem>>, vector<25x16x16xf32>
    %reduce_max3A_1037 = arith.constant dense<0xFF800000> : vector<25x16xf32>
    %reduce_max3A_1038 = vector.multi_reduction <maximumf>, %get3A_1036, %reduce_max3A_1037 [1] : vector<25x16x16xf32> to vector<25x16xf32>
    %broadcast_in_dim3A_1039 = vector.shape_cast %reduce_max3A_1038 : vector<25x16xf32> to vector<25x1x16xf32>
    %sub3A_1040 = vector.broadcast %broadcast_in_dim3A_1039 : vector<25x1x16xf32> to vector<25x16x16xf32>
    %sub3A_1041 = arith.subf %get3A_1036, %sub3A_1040 : vector<25x16x16xf32>
    %exp3A_1042 = math.exp %sub3A_1041 : vector<25x16x16xf32>
    %reduce_sum3A_1043 = arith.constant dense<0.000000e+00> : vector<25x16xf32>
    %reduce_sum3A_1044 = vector.multi_reduction <add>, %exp3A_1042, %reduce_sum3A_1043 [1] : vector<25x16x16xf32> to vector<25x16xf32>
    %broadcast_in_dim3A_1045 = vector.shape_cast %reduce_sum3A_1044 : vector<25x16xf32> to vector<25x1x16xf32>
    %log3A_1046 = math.log %broadcast_in_dim3A_1045 : vector<25x1x16xf32>
    %add3A_1047 = arith.addf %log3A_1046, %broadcast_in_dim3A_1039 : vector<25x1x16xf32>
    %iota3A_1048 = tpu.iota {dimensions = array<i32: 1>} : vector<25x16x16xi32>
    %broadcast_in_dim3A_1049 = vector.shape_cast %convert_element_type3A_1032 : vector<25x16xi32> to vector<25x1x16xi32>
    %eq3A_1050 = vector.broadcast %broadcast_in_dim3A_1049 : vector<25x1x16xi32> to vector<25x16x16xi32>
    %eq3A_1051 = arith.cmpi eq, %iota3A_1048, %eq3A_1050 : vector<25x16x16xi32>
    %jit3A_1052 = arith.constant 0.000000e+00 : f32
    %broadcast_in_dim3A_1053 = vector.broadcast %jit3A_1052 : f32 to vector<25x16x16xf32>
    %select_n3A_1054 = arith.select %eq3A_1051, %get3A_1036, %broadcast_in_dim3A_1053 : vector<25x16x16xi1>, vector<25x16x16xf32>
    %reduce_sum3A_1055 = arith.constant dense<0.000000e+00> : vector<25x16xf32>
    %reduce_sum3A_1056 = vector.multi_reduction <add>, %select_n3A_1054, %reduce_sum3A_1055 [1] : vector<25x16x16xf32> to vector<25x16xf32>
    %broadcast_in_dim3A_1057 = vector.shape_cast %reduce_sum3A_1056 : vector<25x16xf32> to vector<25x1x16xf32>
    %sub3A_1058 = arith.subf %add3A_1047, %broadcast_in_dim3A_1057 : vector<25x1x16xf32>
    %reduce_sum3A_1059 = vector.shape_cast %sub3A_1058 : vector<25x1x16xf32> to vector<1x25x1x16xf32>
    %reduce_sum3A_1060 = arith.constant dense<0.000000e+00> : vector<1xf32>
    %reduce_sum3A_1061 = vector.multi_reduction <add>, %reduce_sum3A_1059, %reduce_sum3A_1060 [1, 2, 3] : vector<1x25x1x16xf32> to vector<1xf32>
    %reduce_sum3A_1062 = vector.shape_cast %reduce_sum3A_1061 : vector<1xf32> to vector<1x1x1x1xf32>
    %reduce_sum3A_1063 = vector.extract %reduce_sum3A_1062[0, 0, 0, 0] : f32 from vector<1x1x1x1xf32>
    %add3A_1064 = arith.addf %add3A_1018, %reduce_sum3A_1063 : f32
    %jit3A_1065 = arith.constant 0.000000e+00 : f32
    %jit3A_1066 = arith.constant 1.500000e+01 : f32
    %max3A_1067 = vector.broadcast %jit3A_1065 : f32 to vector<25x16xf32>
    %max3A_1068 = arith.maximumf %max3A_1067, %add3A_968 : vector<25x16xf32>
    %min3A_1069 = vector.broadcast %jit3A_1066 : f32 to vector<25x16xf32>
    %min3A_1070 = arith.minimumf %min3A_1069, %max3A_1068 : vector<25x16xf32>
    %round3A_1071 = math.roundeven %min3A_1070 : vector<25x16xf32>
    %jit3A_1072 = arith.constant 0.000000e+00 : f32
    %jit3A_1073 = arith.constant 1.500000e+01 : f32
    %max3A_1074 = vector.broadcast %jit3A_1072 : f32 to vector<25x16xf32>
    %max3A_1075 = arith.maximumf %max3A_1074, %round3A_1071 : vector<25x16xf32>
    %min3A_1076 = vector.broadcast %jit3A_1073 : f32 to vector<25x16xf32>
    %min3A_1077 = arith.minimumf %min3A_1076, %max3A_1075 : vector<25x16xf32>
    %convert_element_type3A_1078 = arith.fptosi %min3A_1077 : vector<25x16xf32> to vector<25x16xi32>
    %get3A_1079 = arith.constant 0 : index
    %get3A_1080 = arith.constant 32 : index
    %get3A_1081 = arith.constant 0 : index
    %get3A_1082 = vector.load %arg10[%get3A_1079, %get3A_1080, %get3A_1081] : memref<25x64x16xf32, #tpu.memory_space<vmem>>, vector<25x16x16xf32>
    %reduce_max3A_1083 = arith.constant dense<0xFF800000> : vector<25x16xf32>
    %reduce_max3A_1084 = vector.multi_reduction <maximumf>, %get3A_1082, %reduce_max3A_1083 [1] : vector<25x16x16xf32> to vector<25x16xf32>
    %broadcast_in_dim3A_1085 = vector.shape_cast %reduce_max3A_1084 : vector<25x16xf32> to vector<25x1x16xf32>
    %sub3A_1086 = vector.broadcast %broadcast_in_dim3A_1085 : vector<25x1x16xf32> to vector<25x16x16xf32>
    %sub3A_1087 = arith.subf %get3A_1082, %sub3A_1086 : vector<25x16x16xf32>
    %exp3A_1088 = math.exp %sub3A_1087 : vector<25x16x16xf32>
    %reduce_sum3A_1089 = arith.constant dense<0.000000e+00> : vector<25x16xf32>
    %reduce_sum3A_1090 = vector.multi_reduction <add>, %exp3A_1088, %reduce_sum3A_1089 [1] : vector<25x16x16xf32> to vector<25x16xf32>
    %broadcast_in_dim3A_1091 = vector.shape_cast %reduce_sum3A_1090 : vector<25x16xf32> to vector<25x1x16xf32>
    %log3A_1092 = math.log %broadcast_in_dim3A_1091 : vector<25x1x16xf32>
    %add3A_1093 = arith.addf %log3A_1092, %broadcast_in_dim3A_1085 : vector<25x1x16xf32>
    %iota3A_1094 = tpu.iota {dimensions = array<i32: 1>} : vector<25x16x16xi32>
    %broadcast_in_dim3A_1095 = vector.shape_cast %convert_element_type3A_1078 : vector<25x16xi32> to vector<25x1x16xi32>
    %eq3A_1096 = vector.broadcast %broadcast_in_dim3A_1095 : vector<25x1x16xi32> to vector<25x16x16xi32>
    %eq3A_1097 = arith.cmpi eq, %iota3A_1094, %eq3A_1096 : vector<25x16x16xi32>
    %jit3A_1098 = arith.constant 0.000000e+00 : f32
    %broadcast_in_dim3A_1099 = vector.broadcast %jit3A_1098 : f32 to vector<25x16x16xf32>
    %select_n3A_1100 = arith.select %eq3A_1097, %get3A_1082, %broadcast_in_dim3A_1099 : vector<25x16x16xi1>, vector<25x16x16xf32>
    %reduce_sum3A_1101 = arith.constant dense<0.000000e+00> : vector<25x16xf32>
    %reduce_sum3A_1102 = vector.multi_reduction <add>, %select_n3A_1100, %reduce_sum3A_1101 [1] : vector<25x16x16xf32> to vector<25x16xf32>
    %broadcast_in_dim3A_1103 = vector.shape_cast %reduce_sum3A_1102 : vector<25x16xf32> to vector<25x1x16xf32>
    %sub3A_1104 = arith.subf %add3A_1093, %broadcast_in_dim3A_1103 : vector<25x1x16xf32>
    %reduce_sum3A_1105 = vector.shape_cast %sub3A_1104 : vector<25x1x16xf32> to vector<1x25x1x16xf32>
    %reduce_sum3A_1106 = arith.constant dense<0.000000e+00> : vector<1xf32>
    %reduce_sum3A_1107 = vector.multi_reduction <add>, %reduce_sum3A_1105, %reduce_sum3A_1106 [1, 2, 3] : vector<1x25x1x16xf32> to vector<1xf32>
    %reduce_sum3A_1108 = vector.shape_cast %reduce_sum3A_1107 : vector<1xf32> to vector<1x1x1x1xf32>
    %reduce_sum3A_1109 = vector.extract %reduce_sum3A_1108[0, 0, 0, 0] : f32 from vector<1x1x1x1xf32>
    %add3A_1110 = arith.addf %add3A_1064, %reduce_sum3A_1109 : f32
    %jit3A_1111 = arith.constant 0.000000e+00 : f32
    %jit3A_1112 = arith.constant 1.500000e+01 : f32
    %max3A_1113 = vector.broadcast %jit3A_1111 : f32 to vector<25x16xf32>
    %max3A_1114 = arith.maximumf %max3A_1113, %add3A_972 : vector<25x16xf32>
    %min3A_1115 = vector.broadcast %jit3A_1112 : f32 to vector<25x16xf32>
    %min3A_1116 = arith.minimumf %min3A_1115, %max3A_1114 : vector<25x16xf32>
    %round3A_1117 = math.roundeven %min3A_1116 : vector<25x16xf32>
    %jit3A_1118 = arith.constant 0.000000e+00 : f32
    %jit3A_1119 = arith.constant 1.500000e+01 : f32
    %max3A_1120 = vector.broadcast %jit3A_1118 : f32 to vector<25x16xf32>
    %max3A_1121 = arith.maximumf %max3A_1120, %round3A_1117 : vector<25x16xf32>
    %min3A_1122 = vector.broadcast %jit3A_1119 : f32 to vector<25x16xf32>
    %min3A_1123 = arith.minimumf %min3A_1122, %max3A_1121 : vector<25x16xf32>
    %convert_element_type3A_1124 = arith.fptosi %min3A_1123 : vector<25x16xf32> to vector<25x16xi32>
    %get3A_1125 = arith.constant 0 : index
    %get3A_1126 = arith.constant 48 : index
    %get3A_1127 = arith.constant 0 : index
    %get3A_1128 = vector.load %arg10[%get3A_1125, %get3A_1126, %get3A_1127] : memref<25x64x16xf32, #tpu.memory_space<vmem>>, vector<25x16x16xf32>
    %reduce_max3A_1129 = arith.constant dense<0xFF800000> : vector<25x16xf32>
    %reduce_max3A_1130 = vector.multi_reduction <maximumf>, %get3A_1128, %reduce_max3A_1129 [1] : vector<25x16x16xf32> to vector<25x16xf32>
    %broadcast_in_dim3A_1131 = vector.shape_cast %reduce_max3A_1130 : vector<25x16xf32> to vector<25x1x16xf32>
    %sub3A_1132 = vector.broadcast %broadcast_in_dim3A_1131 : vector<25x1x16xf32> to vector<25x16x16xf32>
    %sub3A_1133 = arith.subf %get3A_1128, %sub3A_1132 : vector<25x16x16xf32>
    %exp3A_1134 = math.exp %sub3A_1133 : vector<25x16x16xf32>
    %reduce_sum3A_1135 = arith.constant dense<0.000000e+00> : vector<25x16xf32>
    %reduce_sum3A_1136 = vector.multi_reduction <add>, %exp3A_1134, %reduce_sum3A_1135 [1] : vector<25x16x16xf32> to vector<25x16xf32>
    %broadcast_in_dim3A_1137 = vector.shape_cast %reduce_sum3A_1136 : vector<25x16xf32> to vector<25x1x16xf32>
    %log3A_1138 = math.log %broadcast_in_dim3A_1137 : vector<25x1x16xf32>
    %add3A_1139 = arith.addf %log3A_1138, %broadcast_in_dim3A_1131 : vector<25x1x16xf32>
    %iota3A_1140 = tpu.iota {dimensions = array<i32: 1>} : vector<25x16x16xi32>
    %broadcast_in_dim3A_1141 = vector.shape_cast %convert_element_type3A_1124 : vector<25x16xi32> to vector<25x1x16xi32>
    %eq3A_1142 = vector.broadcast %broadcast_in_dim3A_1141 : vector<25x1x16xi32> to vector<25x16x16xi32>
    %eq3A_1143 = arith.cmpi eq, %iota3A_1140, %eq3A_1142 : vector<25x16x16xi32>
    %jit3A_1144 = arith.constant 0.000000e+00 : f32
    %broadcast_in_dim3A_1145 = vector.broadcast %jit3A_1144 : f32 to vector<25x16x16xf32>
    %select_n3A_1146 = arith.select %eq3A_1143, %get3A_1128, %broadcast_in_dim3A_1145 : vector<25x16x16xi1>, vector<25x16x16xf32>
    %reduce_sum3A_1147 = arith.constant dense<0.000000e+00> : vector<25x16xf32>
    %reduce_sum3A_1148 = vector.multi_reduction <add>, %select_n3A_1146, %reduce_sum3A_1147 [1] : vector<25x16x16xf32> to vector<25x16xf32>
    %broadcast_in_dim3A_1149 = vector.shape_cast %reduce_sum3A_1148 : vector<25x16xf32> to vector<25x1x16xf32>
    %sub3A_1150 = arith.subf %add3A_1139, %broadcast_in_dim3A_1149 : vector<25x1x16xf32>
    %reduce_sum3A_1151 = vector.shape_cast %sub3A_1150 : vector<25x1x16xf32> to vector<1x25x1x16xf32>
    %reduce_sum3A_1152 = arith.constant dense<0.000000e+00> : vector<1xf32>
    %reduce_sum3A_1153 = vector.multi_reduction <add>, %reduce_sum3A_1151, %reduce_sum3A_1152 [1, 2, 3] : vector<1x25x1x16xf32> to vector<1xf32>
    %reduce_sum3A_1154 = vector.shape_cast %reduce_sum3A_1153 : vector<1xf32> to vector<1x1x1x1xf32>
    %reduce_sum3A_1155 = vector.extract %reduce_sum3A_1154[0, 0, 0, 0] : f32 from vector<1x1x1x1xf32>
    %add3A_1156 = arith.addf %add3A_1110, %reduce_sum3A_1155 : f32
    %mul3A_1157 = arith.constant 6.250000e-04 : f32
    %mul3A_1158 = arith.mulf %add3A_1156, %mul3A_1157 : f32
    %mul3A_1159 = arith.constant 7.500000e+00 : f32
    %mul3A_1160 = arith.mulf %add3A_887, %mul3A_1159 : f32
    %mul3A_1161 = arith.constant 5.000000e-01 : f32
    %mul3A_1162 = arith.mulf %add3A_944, %mul3A_1161 : f32
    %mul3A_1163 = arith.constant 1.500000e+00 : f32
    %mul3A_1164 = arith.mulf %mul3A_1158, %mul3A_1163 : f32
    %add3A_1165 = arith.addf %mul3A_1160, %mul3A_1162 : f32
    %add3A_1166 = arith.addf %add3A_1165, %mul3A_1164 : f32
    %iota3A_1167 = tpu.iota {dimensions = array<i32: 1>} : vector<1x4xi32>
    %eq3A_1168 = arith.constant 0 : i32
    %eq3A_1169 = vector.broadcast %eq3A_1168 : i32 to vector<1x4xi32>
    %eq3A_1170 = arith.cmpi eq, %iota3A_1167, %eq3A_1169 : vector<1x4xi32>
    %eq3A_1171 = arith.constant 1 : i32
    %eq3A_1172 = vector.broadcast %eq3A_1171 : i32 to vector<1x4xi32>
    %eq3A_1173 = arith.cmpi eq, %iota3A_1167, %eq3A_1172 : vector<1x4xi32>
    %eq3A_1174 = arith.constant 2 : i32
    %eq3A_1175 = vector.broadcast %eq3A_1174 : i32 to vector<1x4xi32>
    %eq3A_1176 = arith.cmpi eq, %iota3A_1167, %eq3A_1175 : vector<1x4xi32>
    %broadcast_in_dim3A_1177 = vector.broadcast %mul3A_1162 : f32 to vector<1x4xf32>
    %broadcast_in_dim3A_1178 = vector.broadcast %mul3A_1164 : f32 to vector<1x4xf32>
    %select_n3A_1179 = arith.select %eq3A_1176, %broadcast_in_dim3A_1177, %broadcast_in_dim3A_1178 : vector<1x4xi1>, vector<1x4xf32>
    %broadcast_in_dim3A_1180 = vector.broadcast %mul3A_1160 : f32 to vector<1x4xf32>
    %select_n3A_1181 = arith.select %eq3A_1173, %broadcast_in_dim3A_1180, %select_n3A_1179 : vector<1x4xi1>, vector<1x4xf32>
    %broadcast_in_dim3A_1182 = vector.broadcast %add3A_1166 : f32 to vector<1x4xf32>
    %select_n3A_1183 = arith.select %eq3A_1170, %broadcast_in_dim3A_1182, %select_n3A_1181 : vector<1x4xi1>, vector<1x4xf32>
    %swap3A = arith.constant 0 : index
    %swap3A_1184 = arith.constant 0 : index
    %swap3A_1185 = vector.load %arg12[%swap3A, %swap3A_1184] : memref<1x4xf32, #tpu.memory_space<vmem>>, vector<1x4xf32>
    tpu.vector_store %arg12[%swap3A, %swap3A_1184], %select_n3A_1183 {strides = array<i32>} : memref<1x4xf32, #tpu.memory_space<vmem>>, vector<1x4xf32>,
    return
  }
}

</mosaic_0001>

<sc_bundles>
// kernel: kernel.6.cloned.1.call-start
scs
__scs_entry_jumppad:
0x0: {  	(pc) =	sbr.rel $0x88, $3  }
0x1: {  	(tag) =	ssettag $0x0;
	lr =	simm.s32 $0x1  }
0x2: {  	[smem:$0x3F9A] =	sst lr;
	_ =	strace $0xD0000000  }
0x3: {  	_ = 	snop  }
0x4: {  	_ = 	snop  }
0x5: {  	_ = 	snop  }
0x6: {  	_ = 	snop  }
0x7: {  	_ = 	snop  }
__scs_overlays_trampoline_lowered:
0x8: {  	[smem:$0x3FA9] =	sst s0  }
0x9: {  	[smem:$0x3FAA] =	sst s1  }
0xa: {  	[smem:$0x3FAB] =	sst s2  }
0xb: {  	[smem:$0x3FAC] =	sst s3  }
0xc: {  	[smem:$0x3FAD] =	sst s4  }
0xd: {  	[smem:$0x3FAE] =	sst s5  }
0xe: {  	[smem:$0x3FAF] =	sst s6  }
0xf: {  	[smem:$0x3FB0] =	sst s7  }
0x10: {  	[smem:$0x3FB1] =	sst s8  }
0x11: {  	[smem:$0x3FB2] =	sst s9;
	s0 =	simm.s32 @!p0 $0x0  }
0x12: {  	s1 =	sld [smem:$0x3F98];
	s0 =	simm.s32 @p0 $0x1  }
0x13: {  	[smem:$0x3FB3] =	sst s0;
	s0 =	simm.s32 @!p1 $0x0  }
0x14: {  	s2 =	sld [smem:$0x3F97];
	s0 =	simm.s32 @p1 $0x1  }
0x15: {  	[smem:$0x3FB4] =	sst s0;
	s0 =	simm.s32 @!p2 $0x0  }
0x16: {  	s3 =	sld [smem:$0x3FDB];
	s0 =	simm.s32 @p2 $0x1  }
0x17: {  	s4 =	simm.s32 $0x1BF5;
	[smem:$0x3FB6] =	sst s0  }
0x18: {  	s0 =	sld [smem:$0x3F99];
	_ =	swait.ge [sflag:s4], $0x0  }
0x19: {  	s7 =	sld [smem:$0x3F9A]  }
0x1a: {  	s8 =	sadd.s32 $0xFFFFE003, lr  }
0x1b: {  	s9 =	sadd.s32 $0xFFFFFEF7, lr;
	s5 =	simm.s32 $0xFFFFFFFF;
	p2 =	slt.u32 s8, $0xFFFFF086  }
0x1c: {  	p1 =	slt.u32 s9, $0xF7A;
	s5 =	simm.s32 @!p2 $0x0  }
0x1d: {  	s5 =	simm.s32 @p1 $0x1;
	p0 =	seq.s32 s7, s2  }
0x1e: {  	s7 =	smul.u32 @!p0 $0xF7A, s2;
	p2 =	seq.s32 @!p0 s5, $0x0  }
0x1f: {  	s9 =	smul.u32 $0xF7A, s1;
	s8 =	simm.s32 @!p0 $0x1BF5;
	p2 =	por !p2, p0  }
0x20: {  	[sflag:s8] =	ssyncset.s32 @!p0 $0xFFFFF086;
	s6 =	sadd.s32 @!p0 s3, s7;
	s7 =	simm.s32 @!p0 $0x108  }
0x21: {  	s3 =	sadd.s32 s3, s9;
	s6 =	sadd.s32 @!p0 $0x88, s6;
	s7 =	simm.s32 @p2 $0x1082  }
0x22: {  	[simem:s7], [sflag:s8] =	dma.local @!p0 [hbm:s6], $0xF7A  }
0x23: {  	s9 =	sor.u32 $0xD0000000, s2;
	s6 =	simm.s32 $0x108;
	_ =	swait.ge @!p0 [sflag:s8], $0x0  }
0x24: {  	s3 =	sadd.s32 $0x88, s3;
	s6 =	simm.s32 @!p1 $0x1082;
	[sflag:s4] =	ssyncset.s32 $0xFFFFF086  }
0x25: {  	[simem:s6], [sflag:s4] =	dma.local [hbm:s3], $0xF7A  }
0x26: {  	[smem:$0x3F9A] =	sst s1;
	(tag) =	ssettag s2;
	_ =	strace s9  }
0x27: {  	s1 =	sld [smem:$0x3FAA]  }
0x28: {  	s2 =	sld [smem:$0x3FAB]  }
0x29: {  	s4 =	sld [smem:$0x3FAD]  }
0x2a: {  	p0 =	seq.s32 s5, $0x0;
	s5 =	sld [smem:$0x3FAE]  }
0x2b: {  	s6 =	sld [smem:$0x3FAF]  }
0x2c: {  	s7 =	sld [smem:$0x3FB0]  }
0x2d: {  	s3 =	simm.s32 $0x108;
	s8 =	sld [smem:$0x3FB1]  }
0x2e: {  	s3 =	simm.s32 @!p0 $0x1082;
	s9 =	sld [smem:$0x3FB2]  }
0x2f: {  	lr =	sadd.s32 s0, s3;
	s0 =	sld [smem:$0x3FA9]  }
0x30: {  	s3 =	sld [smem:$0x3FAC]  }
0x31: {  	[smem:$0x3FB5] =	sst s10  }
0x32: {  	s10 =	sld [smem:$0x3FB3];
	_ =	sdelay $0x3  }
0x33: {  	p0 =	seq.s32 s10, $0x1;
	s10 =	sld [smem:$0x3FB5];
	_ =	sdelay $0x3  }
0x34: {  	[smem:$0x3FB5] =	sst s10  }
0x35: {  	s10 =	sld [smem:$0x3FB4];
	_ =	sdelay $0x3  }
0x36: {  	p1 =	seq.s32 s10, $0x1;
	s10 =	sld [smem:$0x3FB5];
	_ =	sdelay $0x3  }
0x37: {  	[smem:$0x3FB5] =	sst s10  }
0x38: {  	s10 =	sld [smem:$0x3FB6]  }
0x39: {  	_ = 	snop;
	(pc) =	sbr.ind lr, $3  }
0x3a: {  	_ = 	snop  }
0x3b: {  	_ = 	snop  }
0x3c: {  	p2 =	seq.s32 s10, $0x1;
	s10 =	sld [smem:$0x3FB5]  }
0x3d: {  	_ =	shalt  }
0x3e: {  	_ =	shalt  }
0x3f: {  	_ =	shalt  }
0x40: {  	_ =	shalt  }
0x41: {  	_ =	shalt  }
0x42: {  	_ =	shalt  }
0x43: {  	_ =	shalt  }
0x44: {  	_ =	shalt  }
0x45: {  	_ =	shalt  }
0x46: {  	_ =	shalt  }
0x47: {  	_ =	shalt  }
0x48: {  	_ =	shalt  }
0x49: {  	_ =	shalt  }
0x4a: {  	_ =	shalt  }
0x4b: {  	_ =	shalt  }
0x4c: {  	_ =	shalt  }
0x4d: {  	_ =	shalt  }
0x4e: {  	_ =	shalt  }
0x4f: {  	_ =	shalt  }
0x50: {  	_ =	shalt  }
0x51: {  	_ =	shalt  }
0x52: {  	_ =	shalt  }
0x53: {  	_ =	shalt  }
0x54: {  	_ =	shalt  }
0x55: {  	_ =	shalt  }
0x56: {  	_ =	shalt  }
0x57: {  	_ =	shalt  }
0x58: {  	_ =	shalt  }
0x59: {  	_ =	shalt  }
0x5a: {  	_ =	shalt  }
0x5b: {  	_ =	shalt  }
0x5c: {  	_ =	shalt  }
0x5d: {  	_ =	shalt  }
0x5e: {  	_ =	shalt  }
0x5f: {  	_ =	shalt  }
0x60: {  	_ =	shalt  }
0x61: {  	_ =	shalt  }
0x62: {  	_ =	shalt  }
0x63: {  	_ =	shalt  }
0x64: {  	_ =	shalt  }
0x65: {  	_ =	shalt  }
0x66: {  	_ =	shalt  }
0x67: {  	_ =	shalt  }
0x68: {  	_ =	shalt  }
0x69: {  	_ =	shalt  }
0x6a: {  	_ =	shalt  }
0x6b: {  	_ =	shalt  }
0x6c: {  	_ =	shalt  }
0x6d: {  	_ =	shalt  }
0x6e: {  	_ =	shalt  }
0x6f: {  	_ =	shalt  }
0x70: {  	_ =	shalt  }
0x71: {  	_ =	shalt  }
0x72: {  	_ =	shalt  }
0x73: {  	_ =	shalt  }
0x74: {  	_ =	shalt  }
0x75: {  	_ =	shalt  }
0x76: {  	_ =	shalt  }
0x77: {  	_ =	shalt  }
0x78: {  	_ =	shalt  }
0x79: {  	_ =	shalt  }
0x7a: {  	_ =	shalt  }
0x7b: {  	_ =	shalt  }
0x7c: {  	_ =	shalt  }
0x7d: {  	_ =	shalt  }
0x7e: {  	_ =	shalt  }
0x7f: {  	_ =	shalt  }
0x80: {  	_ =	shalt  }
0x81: {  	_ =	shalt  }
0x82: {  	_ =	shalt  }
0x83: {  	_ =	shalt  }
0x84: {  	_ =	shalt  }
0x85: {  	_ =	shalt  }
0x86: {  	_ =	shalt  }
0x87: {  	_ =	shalt  }
.Lfunc_end0:
.L_simem_size_0:
called_computation_lowered:
.L_overlay_start_0:
0x88: {  	s2 =	sld [smem:$0x3FD9]  }
0x89: {  	s3 =	sld [smem:$0x3FFE];
	_ =	sdelay $0x1  }
0x8a: {  	s1 =	srdreg.scid  }
0x8b: {  	s0 =	sand.u32 $0x1, s1  }
0x8c: {  	s17 =	sshll.u32 s0, $0xA;
	s2 =	sadd.s32 s3, s2  }
0x8d: {  	s2 =	sadd.s32 s2, s17  }
0x8e: {  	[smem:$0x3FC1] =	sst s2  }
0x8f: {  	_ = 	snop  }
0x90: {  	s2 =	sld [smem:$0x3FC3];
	(tm) =	ssettm $0x1  }
0x91: {  	s18 =	sld [smem:$0x3FFB];
	_ =	sdelay $0x3  }
0x92: {  	_ =	strace s18  }
0x93: {  	s3 =	sld [smem:$0x3FFC];
	_ =	sdelay $0x3  }
0x94: {  	_ =	strace s3  }
0x95: {  	s3 =	sld [smem:$0x3FFD];
	_ =	sdelay $0x3  }
0x96: {  	_ =	strace s3  }
0x97: {  	_ =	strace $0x8FFFFFFF  }
0x98: {  	s19 =	sld [smem:$0x3FDB];
	_ =	sdelay $0x1  }
0x99: {  	s4 =	simm.s32 $_scs_section_size  }
0x9a: {  	s5 =	simm.s32 $_size__tile_overlayer_lowered;
	s6 =	simm.s32 $_tile_overlayer_lowered  }
0x9b: {  	s22 =	simm.s32 $0x1BFF;
	s21 =	sshll.u32 s6, $0x1;
	s3 =	sadd.s32 s4, s19  }
0x9c: {  	s7 =	simm.s32 $0x0;
	s20 =	sshll.u32 s5, $0x1;
	s5 =	sadd.s32 s21, s3  }
0x9d: {  	[timem:s7], [sflag:s22] =	dma.local [hbm:s5], s20  }
0x9e: {  	_ =	swait.ge [sflag:s22], s20  }
0x9f: {  	s4 =	ssub.s32 $0x0, s20;
	[sflag:s22] =	ssyncset.done $0x0  }
0xa0: {  	[sflag:s22] =	ssyncadd.s32 s4;
	_ =	sdelay $0x1  }
0xa1: {  	s23 =	simm.s32 $0x1B8B  }
0xa2: {  	_ =	swait.ge [sflag:s23], $0x1  }
0xa3: {  	[sflag:s23] =	ssyncset.done $0x0  }
0xa4: {  	s25 =	simm.s32 $0x1B8E;
	s24 =	sld [smem:$0x3FFE];
	[sflag:s23] =	ssyncadd.s32 $0xFFFFFFFF  }
0xa5: {  	s26 =	simm.s32 $execute0_lowered;
	[smem:$0x3FD2] =	sst s25  }
0xa6: {  	s5 =	sshll.u32 s26, $0x1;
	_ =	strace $0x80000046;
	[dreg:$0x1] =	wrdreg $0xFFFFFFFF  }
0xa7: {  	s28 =	simm.s32 $_size_execute0_lowered;
	s3 =	sadd.s32 s3, s5;
	[dreg:$0x0] =	wrdreg $0x0  }
0xa8: {  	s5 =	sshll.u32 s28, $0x1;
	[dreg:$0x2] =	wrdreg s3  }
0xa9: {  	[dreg:$0x3] =	wrdreg s5  }
0xaa: {  	[dreg:$0x4] =	wrdreg $0xC0  }
0xab: {  	_ =	task [dreg:s7], $0x5FFFF  }
0xac: {  	[dreg:$0x1] =	wrdreg $0xFFFFFFFF  }
0xad: {  	[dreg:$0x0] =	wrdreg $0x60  }
0xae: {  	[dreg:$0x2] =	wrdreg s2  }
0xaf: {  	[dreg:$0x3] =	wrdreg s24  }
0xb0: {  	[dreg:$0x4] =	wrdreg $0x9  }
0xb1: {  	_ =	task.clear_ibuf [dreg:s7], $0x5FFFF;
	_ =	strace $0x90000046  }
0xb2: {  	s29 =	simm.s32 $0x9;
	_ =	strace $0x80000048  }
0xb3: {  	_ =	swait.ge [sflag:s29], $0x1  }
0xb4: {  	[sflag:s29] =	ssyncadd.s32 $0xFFFFFFFF  }
0xb5: {  	_ =	strace $0x90000048  }
0xb6: {  	_ =	sfence  }
0xb7: {  	s30 =	sld [smem:$0x0];
	_ =	sdelay $0x2  }
0xb8: {  	s31 =	sshll.u32 s1, $0xD;
	s1 =	sshrl.u32 s1, $0x2  }
0xb9: {  	s3 =	sand.u32 $0x4000, s31;
	s1 =	sadd.s32 s1, s30  }
0xba: {  	s0 =	sor.u32 s3, s0;
	s1 =	sshll.u32 s1, $0x11  }
0xbb: {  	s0 =	sor.u32 s1, s0  }
0xbc: {  	s0 =	sadd.s32 $0x8F2B, s0  }
0xbd: {  	[sflag:s0] =	ssyncadd.remote.s32 $0x1  }
0xbe: {  	_ =	sfence.sel $0xFFFF  }
0xbf: {  	[dreg:$0x0] =	wrdreg $0xFFFFFFFF;
	(pc) =	sbr.abs _section_cstart, $3  }
0xc0: {  	[dreg:$0x1] =	wrdreg $0xFFFFFFFF  }
0xc1: {  	_ =	task.clear_ibuf [dreg:s7], $0x2FFFF;
	_ =	strace $0x9FFFFFFF  }
0xc2: {  	(tm) =	ssettm $0x7FFFFFFF  }
0xc3: {  	_ =	shalt  }
tec
execute0_lowered:
.L_overlay_start_1:
0x0: {  	(tag) =	ssettag $0x1  }
0x1: {  	s0 =	srdreg.scid  }
0x2: {  	s4 =	sand.u32 $0x1, s0  }
0x3: {  	s1 =	stileid.u32;
	s0 =	sshll.u32 s4, $0x4  }
0x4: {  	s6 =	sor.u32 s1, s0  }
0x5: {  	p0 =	sgt.u32 s6, $0x18  }
.Ltmp0:
0x6: {  	_ = 	snop;
	(pc) =	sbr.rel @p0 .LBB2_3-.Ltmp0, $4  }
0x7: {  	_ = 	snop  }
0x8: {  	s3 =	rddreg [dreg:$0x0];
	s2 =	simm.s32 $0x0  }
0x9: {  	[smem:$0x7FF] =	sst s2  }
0xa: {  	s5 =	rddreg [dreg:$0x1];
	_ =	strace $0x80000047  }
0xb: {  	v0 =	vlaneseq.u32  }
0xc: {  	v13 =	vimm.s32 $0xBC0;
	vm15 =	vcmask $0x300;
	v3 =	vimm.s32 $0xBC1  }
0xd: {  	vm14 =	vcmask $0x704;
	vm13 =	vcmask $0xB08;
	vm12 =	vcmask $0xF0C  }
0xe: {  	vm11 =	vcmask $0x1310;
	vm10 =	vcmask $0x1714;
	vm9 =	vcmask $0x1B18  }
0xf: {  	vm8 =	vcmask $0x1F1C;
	vm7 =	vcmask $0x2320;
	vm6 =	vcmask $0x2724  }
0x10: {  	vm5 =	vcmask $0x2B28;
	vm4 =	vcmask $0x2F2C;
	vm3 =	vcmask $0x3330  }
0x11: {  	vm1 =	vcmask $0x3734;
	vm2 =	vcmask $0x3B38;
	v16 =	vimm.s32 $0xBC2  }
0x12: {  	v17 =	vimm.s32 $0xBC3;
	v18 =	vimm.s32 $0xB80;
	v21 =	vimm.s32 $0xB81  }
0x13: {  	v22 =	vimm.s32 $0xB82;
	v23 =	vimm.s32 $0xB83;
	v26 =	vimm.s32 $0xB84  }
0x14: {  	v27 =	vimm.s32 $0xB85;
	v28 =	vimm.s32 $0xB86;
	v31 =	vimm.s32 $0xB87  }
0x15: {  	v32 =	vimm.s32 $0xB88;
	v33 =	vimm.s32 $0xB89;
	v36 =	vimm.s32 $0xB8A  }
0x16: {  	v37 =	vimm.s32 $0xB8B;
	v38 =	vimm.s32 $0xB8C;
	v41 =	vimm.s32 $0xB8D  }
0x17: {  	v42 =	vimm.s32 $0xB8E;
	v43 =	vimm.s32 $0xB8F;
	v46 =	vimm.s32 $0xB90  }
0x18: {  	v47 =	vimm.s32 $0xB91;
	v48 =	vimm.s32 $0xB92;
	v51 =	vimm.s32 $0xB93  }
0x19: {  	v52 =	vimm.s32 $0xB94;
	v53 =	vimm.s32 $0xB95;
	v56 =	vimm.s32 $0xB96  }
0x1a: {  	v57 =	vimm.s32 $0xB97;
	v58 =	vimm.s32 $0xB98;
	v61 =	vimm.s32 $0xB99  }
0x1b: {  	v62 =	vimm.s32 $0xB9A;
	v63 =	vimm.s32 $0xB9B;
	v6 =	vimm.s32 $0xB9C  }
0x1c: {  	v7 =	vimm.s32 $0xB9D;
	v8 =	vimm.s32 $0xB9E;
	v11 =	vimm.s32 $0xB9F  }
0x1d: {  	v12 =	vimm.s32 $0xBA0;
	v1 =	vshrl.u32 v0, $0x3;
	v2 =	vand.u32 $0x7, v0  }
0x1e: {  	v3 =	vsel vm15, $0x41, v3;
	v0 =	vor.u32 $0x8, v0;
	[tilespmem:$0x1FB90] =	vst v2;
	v1 =	vmul.u32 $0x8, v1  }
0x1f: {  	v2 =	vsel vm15, $0x40, v13;
	v3 =	vsel vm14, $0xC1, v3;
	[tilespmem:$0x1FBB0] =	vst v0;
	v0 =	vsel vm15, $0x42, v16  }
0x20: {  	v13 =	vimm.s32 $0xBA1;
	v16 =	vimm.s32 $0xBA2;
	v2 =	vsel vm14, $0xC0, v2  }
0x21: {  	v3 =	vsel vm13, $0x141, v3;
	v0 =	vsel vm14, $0xC2, v0;
	v2 =	vsel vm13, $0x140, v2  }
0x22: {  	v3 =	vsel vm12, $0x1C1, v3;
	v0 =	vsel vm13, $0x142, v0;
	v2 =	vsel vm12, $0x1C0, v2  }
0x23: {  	v3 =	vsel vm11, $0x241, v3;
	v0 =	vsel vm12, $0x1C2, v0;
	v2 =	vsel vm11, $0x240, v2  }
0x24: {  	v3 =	vsel vm10, $0x2C1, v3;
	v0 =	vsel vm11, $0x242, v0;
	v2 =	vsel vm10, $0x2C0, v2  }
0x25: {  	v3 =	vsel vm9, $0x341, v3;
	v0 =	vsel vm10, $0x2C2, v0;
	v2 =	vsel vm9, $0x340, v2  }
0x26: {  	v3 =	vsel vm8, $0x3C1, v3;
	v0 =	vsel vm9, $0x342, v0;
	v2 =	vsel vm8, $0x3C0, v2  }
0x27: {  	v3 =	vsel vm7, $0x841, v3;
	v0 =	vsel vm8, $0x3C2, v0;
	v2 =	vsel vm7, $0x840, v2  }
0x28: {  	v3 =	vsel vm6, $0x8C1, v3;
	v0 =	vsel vm7, $0x842, v0;
	v2 =	vsel vm6, $0x8C0, v2  }
0x29: {  	v3 =	vsel vm5, $0x941, v3;
	v0 =	vsel vm6, $0x8C2, v0;
	v2 =	vsel vm5, $0x940, v2  }
0x2a: {  	v3 =	vsel vm4, $0x9C1, v3;
	v0 =	vsel vm5, $0x942, v0;
	v2 =	vsel vm4, $0x9C0, v2  }
0x2b: {  	v3 =	vsel vm3, $0xA41, v3;
	v0 =	vsel vm4, $0x9C2, v0;
	v2 =	vsel vm3, $0xA40, v2  }
0x2c: {  	v3 =	vsel vm1, $0xAC1, v3;
	v0 =	vsel vm3, $0xA42, v0;
	v2 =	vsel vm1, $0xAC0, v2  }
0x2d: {  	v15 =	vsel vm2, $0xB41, v3;
	v3 =	vsel vm15, $0x0, v18;
	v0 =	vsel vm1, $0xAC2, v0  }
0x2e: {  	v18 =	vimm.s32 $0xBA4;
	v14 =	vsel vm2, $0xB40, v2;
	v2 =	vsel vm15, $0x43, v17  }
0x2f: {  	v3 =	vsel vm14, $0x80, v3;
	v0 =	vsel vm2, $0xB42, v0;
	v17 =	vimm.s32 $0xBA3  }
0x30: {  	v2 =	vsel vm14, $0xC3, v2;
	v3 =	vsel vm13, $0x100, v3;
	[tilespmem:$0x1FBE0] =	vst v0;
	v0 =	vsel vm15, $0x1, v21  }
0x31: {  	v21 =	vimm.s32 $0xBA5;
	v2 =	vsel vm13, $0x143, v2;
	v3 =	vsel vm12, $0x180, v3  }
0x32: {  	v0 =	vsel vm14, $0x81, v0;
	v2 =	vsel vm12, $0x1C3, v2;
	v3 =	vsel vm11, $0x200, v3  }
0x33: {  	v0 =	vsel vm13, $0x101, v0;
	v2 =	vsel vm11, $0x243, v2;
	v3 =	vsel vm10, $0x280, v3  }
0x34: {  	v0 =	vsel vm12, $0x181, v0;
	v2 =	vsel vm10, $0x2C3, v2;
	v3 =	vsel vm9, $0x300, v3  }
0x35: {  	v0 =	vsel vm11, $0x201, v0;
	v2 =	vsel vm9, $0x343, v2;
	v3 =	vsel vm8, $0x380, v3  }
0x36: {  	v0 =	vsel vm10, $0x281, v0;
	v2 =	vsel vm8, $0x3C3, v2;
	v3 =	vsel vm7, $0x800, v3  }
0x37: {  	v0 =	vsel vm9, $0x301, v0;
	v2 =	vsel vm7, $0x843, v2;
	v3 =	vsel vm6, $0x880, v3  }
0x38: {  	v0 =	vsel vm8, $0x381, v0;
	v2 =	vsel vm6, $0x8C3, v2;
	v3 =	vsel vm5, $0x900, v3  }
0x39: {  	v0 =	vsel vm7, $0x801, v0;
	v2 =	vsel vm5, $0x943, v2;
	v3 =	vsel vm4, $0x980, v3  }
0x3a: {  	v0 =	vsel vm6, $0x881, v0;
	v2 =	vsel vm4, $0x9C3, v2;
	v3 =	vsel vm3, $0xA00, v3  }
0x3b: {  	v0 =	vsel vm5, $0x901, v0;
	v2 =	vsel vm3, $0xA43, v2;
	v3 =	vsel vm1, $0xA80, v3  }
0x3c: {  	v0 =	vsel vm4, $0x981, v0;
	v2 =	vsel vm1, $0xAC3, v2;
	v20 =	vsel vm2, $0xB00, v3  }
0x3d: {  	v3 =	vsel vm15, $0x3, v23;
	v0 =	vsel vm3, $0xA01, v0;
	v23 =	vimm.s32 $0xBA7  }
0x3e: {  	v19 =	vsel vm2, $0xB43, v2;
	v2 =	vsel vm15, $0x2, v22;
	v3 =	vsel vm14, $0x83, v3  }
0x3f: {  	v0 =	vsel vm1, $0xA81, v0;
	v22 =	vimm.s32 $0xBA6;
	v2 =	vsel vm14, $0x82, v2  }
0x40: {  	v3 =	vsel vm13, $0x103, v3;
	v0 =	vsel vm2, $0xB01, v0;
	v2 =	vsel vm13, $0x102, v2  }
0x41: {  	v3 =	vsel vm12, $0x183, v3;
	[tilespmem:$0x1FC10] =	vst v0;
	v0 =	vsel vm15, $0x4, v26;
	v26 =	vimm.s32 $0xBA8  }
0x42: {  	v2 =	vsel vm12, $0x182, v2;
	v3 =	vsel vm11, $0x203, v3;
	v0 =	vsel vm14, $0x84, v0  }
0x43: {  	v2 =	vsel vm11, $0x202, v2;
	v3 =	vsel vm10, $0x283, v3;
	v0 =	vsel vm13, $0x104, v0  }
0x44: {  	v2 =	vsel vm10, $0x282, v2;
	v3 =	vsel vm9, $0x303, v3;
	v0 =	vsel vm12, $0x184, v0  }
0x45: {  	v2 =	vsel vm9, $0x302, v2;
	v3 =	vsel vm8, $0x383, v3;
	v0 =	vsel vm11, $0x204, v0  }
0x46: {  	v2 =	vsel vm8, $0x382, v2;
	v3 =	vsel vm7, $0x803, v3;
	v0 =	vsel vm10, $0x284, v0  }
0x47: {  	v2 =	vsel vm7, $0x802, v2;
	v3 =	vsel vm6, $0x883, v3;
	v0 =	vsel vm9, $0x304, v0  }
0x48: {  	v2 =	vsel vm6, $0x882, v2;
	v3 =	vsel vm5, $0x903, v3;
	v0 =	vsel vm8, $0x384, v0  }
0x49: {  	v2 =	vsel vm5, $0x902, v2;
	v3 =	vsel vm4, $0x983, v3;
	v0 =	vsel vm7, $0x804, v0  }
0x4a: {  	v2 =	vsel vm4, $0x982, v2;
	v3 =	vsel vm3, $0xA03, v3;
	v0 =	vsel vm6, $0x884, v0  }
0x4b: {  	v2 =	vsel vm3, $0xA02, v2;
	v3 =	vsel vm1, $0xA83, v3;
	v0 =	vsel vm5, $0x904, v0  }
0x4c: {  	v2 =	vsel vm1, $0xA82, v2;
	v25 =	vsel vm2, $0xB03, v3;
	v3 =	vsel vm15, $0x6, v28  }
0x4d: {  	v0 =	vsel vm4, $0x984, v0;
	v28 =	vimm.s32 $0xBAA;
	v24 =	vsel vm2, $0xB02, v2  }
0x4e: {  	v2 =	vsel vm15, $0x5, v27;
	v3 =	vsel vm14, $0x86, v3;
	v0 =	vsel vm3, $0xA04, v0  }
0x4f: {  	v27 =	vimm.s32 $0xBA9;
	v2 =	vsel vm14, $0x85, v2;
	v3 =	vsel vm13, $0x106, v3  }
0x50: {  	v0 =	vsel vm1, $0xA84, v0;
	v2 =	vsel vm13, $0x105, v2;
	v3 =	vsel vm12, $0x186, v3  }
0x51: {  	v0 =	vsel vm2, $0xB04, v0;
	v2 =	vsel vm12, $0x185, v2;
	v3 =	vsel vm11, $0x206, v3  }
0x52: {  	[tilespmem:$0x1FC40] =	vst v0;
	v0 =	vsel vm15, $0x7, v31;
	v31 =	vimm.s32 $0xBAB;
	v2 =	vsel vm11, $0x205, v2  }
0x53: {  	v3 =	vsel vm10, $0x286, v3;
	v0 =	vsel vm14, $0x87, v0;
	v2 =	vsel vm10, $0x285, v2  }
0x54: {  	v3 =	vsel vm9, $0x306, v3;
	v0 =	vsel vm13, $0x107, v0;
	v2 =	vsel vm9, $0x305, v2  }
0x55: {  	v3 =	vsel vm8, $0x386, v3;
	v0 =	vsel vm12, $0x187, v0;
	v2 =	vsel vm8, $0x385, v2  }
0x56: {  	v3 =	vsel vm7, $0x806, v3;
	v0 =	vsel vm11, $0x207, v0;
	v2 =	vsel vm7, $0x805, v2  }
0x57: {  	v3 =	vsel vm6, $0x886, v3;
	v0 =	vsel vm10, $0x287, v0;
	v2 =	vsel vm6, $0x885, v2  }
0x58: {  	v3 =	vsel vm5, $0x906, v3;
	v0 =	vsel vm9, $0x307, v0;
	v2 =	vsel vm5, $0x905, v2  }
0x59: {  	v3 =	vsel vm4, $0x986, v3;
	v0 =	vsel vm8, $0x387, v0;
	v2 =	vsel vm4, $0x985, v2  }
0x5a: {  	v3 =	vsel vm3, $0xA06, v3;
	v0 =	vsel vm7, $0x807, v0;
	v2 =	vsel vm3, $0xA05, v2  }
0x5b: {  	v3 =	vsel vm1, $0xA86, v3;
	v0 =	vsel vm6, $0x887, v0;
	v2 =	vsel vm1, $0xA85, v2  }
0x5c: {  	v30 =	vsel vm2, $0xB06, v3;
	v3 =	vsel vm15, $0x9, v33;
	v0 =	vsel vm5, $0x907, v0  }
0x5d: {  	v33 =	vimm.s32 $0xBAD;
	v29 =	vsel vm2, $0xB05, v2;
	v2 =	vsel vm15, $0x8, v32  }
0x5e: {  	v3 =	vsel vm14, $0x89, v3;
	v0 =	vsel vm4, $0x987, v0;
	v32 =	vimm.s32 $0xBAC  }
0x5f: {  	v2 =	vsel vm14, $0x88, v2;
	v3 =	vsel vm13, $0x109, v3;
	v0 =	vsel vm3, $0xA07, v0  }
0x60: {  	v2 =	vsel vm13, $0x108, v2;
	v3 =	vsel vm12, $0x189, v3;
	v0 =	vsel vm1, $0xA87, v0  }
0x61: {  	v2 =	vsel vm12, $0x188, v2;
	v3 =	vsel vm11, $0x209, v3;
	v0 =	vsel vm2, $0xB07, v0  }
0x62: {  	v2 =	vsel vm11, $0x208, v2;
	v3 =	vsel vm10, $0x289, v3;
	[tilespmem:$0x1FC70] =	vst v0;
	v0 =	vsel vm15, $0xA, v36  }
0x63: {  	v36 =	vimm.s32 $0xBAE;
	v2 =	vsel vm10, $0x288, v2;
	v3 =	vsel vm9, $0x309, v3  }
0x64: {  	v0 =	vsel vm14, $0x8A, v0;
	v2 =	vsel vm9, $0x308, v2;
	v3 =	vsel vm8, $0x389, v3  }
0x65: {  	v0 =	vsel vm13, $0x10A, v0;
	v2 =	vsel vm8, $0x388, v2;
	v3 =	vsel vm7, $0x809, v3  }
0x66: {  	v0 =	vsel vm12, $0x18A, v0;
	v2 =	vsel vm7, $0x808, v2;
	v3 =	vsel vm6, $0x889, v3  }
0x67: {  	v0 =	vsel vm11, $0x20A, v0;
	v2 =	vsel vm6, $0x888, v2;
	v3 =	vsel vm5, $0x909, v3  }
0x68: {  	v0 =	vsel vm10, $0x28A, v0;
	v2 =	vsel vm5, $0x908, v2;
	v3 =	vsel vm4, $0x989, v3  }
0x69: {  	v0 =	vsel vm9, $0x30A, v0;
	v2 =	vsel vm4, $0x988, v2;
	v3 =	vsel vm3, $0xA09, v3  }
0x6a: {  	v0 =	vsel vm8, $0x38A, v0;
	v2 =	vsel vm3, $0xA08, v2;
	v3 =	vsel vm1, $0xA89, v3  }
0x6b: {  	v0 =	vsel vm7, $0x80A, v0;
	v2 =	vsel vm1, $0xA88, v2;
	v35 =	vsel vm2, $0xB09, v3  }
0x6c: {  	v3 =	vsel vm15, $0xC, v38;
	v0 =	vsel vm6, $0x88A, v0;
	v38 =	vimm.s32 $0xBB0  }
0x6d: {  	v34 =	vsel vm2, $0xB08, v2;
	v2 =	vsel vm15, $0xB, v37;
	v3 =	vsel vm14, $0x8C, v3  }
0x6e: {  	v0 =	vsel vm5, $0x90A, v0;
	v37 =	vimm.s32 $0xBAF;
	v2 =	vsel vm14, $0x8B, v2  }
0x6f: {  	v3 =	vsel vm13, $0x10C, v3;
	v0 =	vsel vm4, $0x98A, v0;
	v2 =	vsel vm13, $0x10B, v2  }
0x70: {  	v3 =	vsel vm12, $0x18C, v3;
	v0 =	vsel vm3, $0xA0A, v0;
	v2 =	vsel vm12, $0x18B, v2  }
0x71: {  	v3 =	vsel vm11, $0x20C, v3;
	v0 =	vsel vm1, $0xA8A, v0;
	v2 =	vsel vm11, $0x20B, v2  }
0x72: {  	v3 =	vsel vm10, $0x28C, v3;
	v0 =	vsel vm2, $0xB0A, v0;
	v2 =	vsel vm10, $0x28B, v2  }
0x73: {  	v3 =	vsel vm9, $0x30C, v3;
	[tilespmem:$0x1FCA0] =	vst v0;
	v0 =	vsel vm15, $0xD, v41;
	v41 =	vimm.s32 $0xBB1  }
0x74: {  	v2 =	vsel vm9, $0x30B, v2;
	v3 =	vsel vm8, $0x38C, v3;
	v0 =	vsel vm14, $0x8D, v0  }
0x75: {  	v2 =	vsel vm8, $0x38B, v2;
	v3 =	vsel vm7, $0x80C, v3;
	v0 =	vsel vm13, $0x10D, v0  }
0x76: {  	v2 =	vsel vm7, $0x80B, v2;
	v3 =	vsel vm6, $0x88C, v3;
	v0 =	vsel vm12, $0x18D, v0  }
0x77: {  	v2 =	vsel vm6, $0x88B, v2;
	v3 =	vsel vm5, $0x90C, v3;
	v0 =	vsel vm11, $0x20D, v0  }
0x78: {  	v2 =	vsel vm5, $0x90B, v2;
	v3 =	vsel vm4, $0x98C, v3;
	v0 =	vsel vm10, $0x28D, v0  }
0x79: {  	v2 =	vsel vm4, $0x98B, v2;
	v3 =	vsel vm3, $0xA0C, v3;
	v0 =	vsel vm9, $0x30D, v0  }
0x7a: {  	v2 =	vsel vm3, $0xA0B, v2;
	v3 =	vsel vm1, $0xA8C, v3;
	v0 =	vsel vm8, $0x38D, v0  }
0x7b: {  	v2 =	vsel vm1, $0xA8B, v2;
	v40 =	vsel vm2, $0xB0C, v3;
	v3 =	vsel vm15, $0xF, v43  }
0x7c: {  	v0 =	vsel vm7, $0x80D, v0;
	v43 =	vimm.s32 $0xBB3;
	v39 =	vsel vm2, $0xB0B, v2  }
0x7d: {  	v2 =	vsel vm15, $0xE, v42;
	v3 =	vsel vm14, $0x8F, v3;
	v0 =	vsel vm6, $0x88D, v0  }
0x7e: {  	v42 =	vimm.s32 $0xBB2;
	v2 =	vsel vm14, $0x8E, v2;
	v3 =	vsel vm13, $0x10F, v3  }
0x7f: {  	v0 =	vsel vm5, $0x90D, v0;
	v2 =	vsel vm13, $0x10E, v2;
	v3 =	vsel vm12, $0x18F, v3  }
0x80: {  	v0 =	vsel vm4, $0x98D, v0;
	v2 =	vsel vm12, $0x18E, v2;
	v3 =	vsel vm11, $0x20F, v3  }
0x81: {  	v0 =	vsel vm3, $0xA0D, v0;
	v2 =	vsel vm11, $0x20E, v2;
	v3 =	vsel vm10, $0x28F, v3  }
0x82: {  	v0 =	vsel vm1, $0xA8D, v0;
	v2 =	vsel vm10, $0x28E, v2;
	v3 =	vsel vm9, $0x30F, v3  }
0x83: {  	v0 =	vsel vm2, $0xB0D, v0;
	v2 =	vsel vm9, $0x30E, v2;
	v3 =	vsel vm8, $0x38F, v3  }
0x84: {  	[tilespmem:$0x1FCD0] =	vst v0;
	v0 =	vsel vm15, $0x10, v46;
	v46 =	vimm.s32 $0xBB4;
	v2 =	vsel vm8, $0x38E, v2  }
0x85: {  	v3 =	vsel vm7, $0x80F, v3;
	v0 =	vsel vm14, $0x90, v0;
	v2 =	vsel vm7, $0x80E, v2  }
0x86: {  	v3 =	vsel vm6, $0x88F, v3;
	v0 =	vsel vm13, $0x110, v0;
	v2 =	vsel vm6, $0x88E, v2  }
0x87: {  	v3 =	vsel vm5, $0x90F, v3;
	v0 =	vsel vm12, $0x190, v0;
	v2 =	vsel vm5, $0x90E, v2  }
0x88: {  	v3 =	vsel vm4, $0x98F, v3;
	v0 =	vsel vm11, $0x210, v0;
	v2 =	vsel vm4, $0x98E, v2  }
0x89: {  	v3 =	vsel vm3, $0xA0F, v3;
	v0 =	vsel vm10, $0x290, v0;
	v2 =	vsel vm3, $0xA0E, v2  }
0x8a: {  	v3 =	vsel vm1, $0xA8F, v3;
	v0 =	vsel vm9, $0x310, v0;
	v2 =	vsel vm1, $0xA8E, v2  }
0x8b: {  	v45 =	vsel vm2, $0xB0F, v3;
	v3 =	vsel vm15, $0x12, v48;
	v0 =	vsel vm8, $0x390, v0  }
0x8c: {  	v48 =	vimm.s32 $0xBB6;
	v44 =	vsel vm2, $0xB0E, v2;
	v2 =	vsel vm15, $0x11, v47  }
0x8d: {  	v3 =	vsel vm14, $0x92, v3;
	v0 =	vsel vm7, $0x810, v0;
	v47 =	vimm.s32 $0xBB5  }
0x8e: {  	v2 =	vsel vm14, $0x91, v2;
	v3 =	vsel vm13, $0x112, v3;
	v0 =	vsel vm6, $0x890, v0  }
0x8f: {  	v2 =	vsel vm13, $0x111, v2;
	v3 =	vsel vm12, $0x192, v3;
	v0 =	vsel vm5, $0x910, v0  }
0x90: {  	v2 =	vsel vm12, $0x191, v2;
	v3 =	vsel vm11, $0x212, v3;
	v0 =	vsel vm4, $0x990, v0  }
0x91: {  	v2 =	vsel vm11, $0x211, v2;
	v3 =	vsel vm10, $0x292, v3;
	v0 =	vsel vm3, $0xA10, v0  }
0x92: {  	v2 =	vsel vm10, $0x291, v2;
	v3 =	vsel vm9, $0x312, v3;
	v0 =	vsel vm1, $0xA90, v0  }
0x93: {  	v2 =	vsel vm9, $0x311, v2;
	v3 =	vsel vm8, $0x392, v3;
	v0 =	vsel vm2, $0xB10, v0  }
0x94: {  	v2 =	vsel vm8, $0x391, v2;
	v3 =	vsel vm7, $0x812, v3;
	[tilespmem:$0x1FD00] =	vst v0;
	v0 =	vsel vm15, $0x13, v51  }
0x95: {  	v51 =	vimm.s32 $0xBB7;
	v2 =	vsel vm7, $0x811, v2;
	v3 =	vsel vm6, $0x892, v3  }
0x96: {  	v0 =	vsel vm14, $0x93, v0;
	v2 =	vsel vm6, $0x891, v2;
	v3 =	vsel vm5, $0x912, v3  }
0x97: {  	v0 =	vsel vm13, $0x113, v0;
	v2 =	vsel vm5, $0x911, v2;
	v3 =	vsel vm4, $0x992, v3  }
0x98: {  	v0 =	vsel vm12, $0x193, v0;
	v2 =	vsel vm4, $0x991, v2;
	v3 =	vsel vm3, $0xA12, v3  }
0x99: {  	v0 =	vsel vm11, $0x213, v0;
	v2 =	vsel vm3, $0xA11, v2;
	v3 =	vsel vm1, $0xA92, v3  }
0x9a: {  	v0 =	vsel vm10, $0x293, v0;
	v2 =	vsel vm1, $0xA91, v2;
	v50 =	vsel vm2, $0xB12, v3  }
0x9b: {  	v3 =	vsel vm15, $0x15, v53;
	v0 =	vsel vm9, $0x313, v0;
	v53 =	vimm.s32 $0xBB9  }
0x9c: {  	v49 =	vsel vm2, $0xB11, v2;
	v2 =	vsel vm15, $0x14, v52;
	v3 =	vsel vm14, $0x95, v3  }
0x9d: {  	v0 =	vsel vm8, $0x393, v0;
	v52 =	vimm.s32 $0xBB8;
	v2 =	vsel vm14, $0x94, v2  }
0x9e: {  	v3 =	vsel vm13, $0x115, v3;
	v0 =	vsel vm7, $0x813, v0;
	v2 =	vsel vm13, $0x114, v2  }
0x9f: {  	v3 =	vsel vm12, $0x195, v3;
	v0 =	vsel vm6, $0x893, v0;
	v2 =	vsel vm12, $0x194, v2  }
0xa0: {  	v3 =	vsel vm11, $0x215, v3;
	v0 =	vsel vm5, $0x913, v0;
	v2 =	vsel vm11, $0x214, v2  }
0xa1: {  	v3 =	vsel vm10, $0x295, v3;
	v0 =	vsel vm4, $0x993, v0;
	v2 =	vsel vm10, $0x294, v2  }
0xa2: {  	v3 =	vsel vm9, $0x315, v3;
	v0 =	vsel vm3, $0xA13, v0;
	v2 =	vsel vm9, $0x314, v2  }
0xa3: {  	v3 =	vsel vm8, $0x395, v3;
	v0 =	vsel vm1, $0xA93, v0;
	v2 =	vsel vm8, $0x394, v2  }
0xa4: {  	v3 =	vsel vm7, $0x815, v3;
	v0 =	vsel vm2, $0xB13, v0;
	v2 =	vsel vm7, $0x814, v2  }
0xa5: {  	v3 =	vsel vm6, $0x895, v3;
	[tilespmem:$0x1FD30] =	vst v0;
	v0 =	vsel vm15, $0x16, v56;
	v56 =	vimm.s32 $0xBBA  }
0xa6: {  	v2 =	vsel vm6, $0x894, v2;
	v3 =	vsel vm5, $0x915, v3;
	v0 =	vsel vm14, $0x96, v0  }
0xa7: {  	v2 =	vsel vm5, $0x914, v2;
	v3 =	vsel vm4, $0x995, v3;
	v0 =	vsel vm13, $0x116, v0  }
0xa8: {  	v2 =	vsel vm4, $0x994, v2;
	v3 =	vsel vm3, $0xA15, v3;
	v0 =	vsel vm12, $0x196, v0  }
0xa9: {  	v2 =	vsel vm3, $0xA14, v2;
	v3 =	vsel vm1, $0xA95, v3;
	v0 =	vsel vm11, $0x216, v0  }
0xaa: {  	v2 =	vsel vm1, $0xA94, v2;
	v55 =	vsel vm2, $0xB15, v3;
	v3 =	vsel vm15, $0x18, v58  }
0xab: {  	v0 =	vsel vm10, $0x296, v0;
	v54 =	vsel vm2, $0xB14, v2;
	v2 =	vsel vm15, $0x17, v57  }
0xac: {  	v3 =	vsel vm14, $0x98, v3;
	v0 =	vsel vm9, $0x316, v0;
	v57 =	vimm.s32 $0xBBB  }
0xad: {  	v2 =	vsel vm14, $0x97, v2;
	v3 =	vsel vm13, $0x118, v3;
	v0 =	vsel vm8, $0x396, v0  }
0xae: {  	v2 =	vsel vm13, $0x117, v2;
	v3 =	vsel vm12, $0x198, v3;
	v0 =	vsel vm7, $0x816, v0  }
0xaf: {  	v2 =	vsel vm12, $0x197, v2;
	v3 =	vsel vm11, $0x218, v3;
	v0 =	vsel vm6, $0x896, v0  }
0xb0: {  	v2 =	vsel vm11, $0x217, v2;
	v3 =	vsel vm10, $0x298, v3;
	v0 =	vsel vm5, $0x916, v0  }
0xb1: {  	v2 =	vsel vm10, $0x297, v2;
	v3 =	vsel vm9, $0x318, v3;
	v0 =	vsel vm4, $0x996, v0  }
0xb2: {  	v2 =	vsel vm9, $0x317, v2;
	v3 =	vsel vm8, $0x398, v3;
	v0 =	vsel vm3, $0xA16, v0  }
0xb3: {  	v2 =	vsel vm8, $0x397, v2;
	v3 =	vsel vm7, $0x818, v3;
	v0 =	vsel vm1, $0xA96, v0  }
0xb4: {  	v2 =	vsel vm7, $0x817, v2;
	v3 =	vsel vm6, $0x898, v3;
	v0 =	vsel vm2, $0xB16, v0  }
0xb5: {  	v2 =	vsel vm6, $0x897, v2;
	v3 =	vsel vm5, $0x918, v3;
	[tilespmem:$0x1FD60] =	vst v0;
	v0 =	vsel vm15, $0x19, v61  }
0xb6: {  	v2 =	vsel vm5, $0x917, v2;
	v3 =	vsel vm4, $0x998, v3;
	v0 =	vsel vm14, $0x99, v0  }
0xb7: {  	v2 =	vsel vm4, $0x997, v2;
	v3 =	vsel vm3, $0xA18, v3;
	v0 =	vsel vm13, $0x119, v0  }
0xb8: {  	v2 =	vsel vm3, $0xA17, v2;
	v3 =	vsel vm1, $0xA98, v3;
	v0 =	vsel vm12, $0x199, v0  }
0xb9: {  	v2 =	vsel vm1, $0xA97, v2;
	v60 =	vsel vm2, $0xB18, v3;
	v3 =	vsel vm15, $0x1B, v63  }
0xba: {  	v0 =	vsel vm11, $0x219, v0;
	v59 =	vsel vm2, $0xB17, v2;
	v2 =	vsel vm15, $0x1A, v62  }
0xbb: {  	v3 =	vsel vm14, $0x9B, v3;
	v0 =	vsel vm10, $0x299, v0;
	v2 =	vsel vm14, $0x9A, v2  }
0xbc: {  	v3 =	vsel vm13, $0x11B, v3;
	v0 =	vsel vm9, $0x319, v0;
	v2 =	vsel vm13, $0x11A, v2  }
0xbd: {  	v3 =	vsel vm12, $0x19B, v3;
	v0 =	vsel vm8, $0x399, v0;
	v2 =	vsel vm12, $0x19A, v2  }
0xbe: {  	v3 =	vsel vm11, $0x21B, v3;
	v0 =	vsel vm7, $0x819, v0;
	v2 =	vsel vm11, $0x21A, v2  }
0xbf: {  	v3 =	vsel vm10, $0x29B, v3;
	v0 =	vsel vm6, $0x899, v0;
	v2 =	vsel vm10, $0x29A, v2  }
0xc0: {  	v3 =	vsel vm9, $0x31B, v3;
	v0 =	vsel vm5, $0x919, v0;
	v2 =	vsel vm9, $0x31A, v2  }
0xc1: {  	v3 =	vsel vm8, $0x39B, v3;
	v0 =	vsel vm4, $0x999, v0;
	v2 =	vsel vm8, $0x39A, v2  }
0xc2: {  	v3 =	vsel vm7, $0x81B, v3;
	v0 =	vsel vm3, $0xA19, v0;
	v2 =	vsel vm7, $0x81A, v2  }
0xc3: {  	v3 =	vsel vm6, $0x89B, v3;
	v0 =	vsel vm1, $0xA99, v0;
	v2 =	vsel vm6, $0x89A, v2  }
0xc4: {  	v3 =	vsel vm5, $0x91B, v3;
	v0 =	vsel vm2, $0xB19, v0;
	v2 =	vsel vm5, $0x91A, v2  }
0xc5: {  	v3 =	vsel vm4, $0x99B, v3;
	[tilespmem:$0x1FD90] =	vst v0;
	v0 =	vsel vm15, $0x1C, v6;
	v6 =	vimm.s32 $0xBBE  }
0xc6: {  	v2 =	vsel vm4, $0x99A, v2;
	v3 =	vsel vm3, $0xA1B, v3;
	v0 =	vsel vm14, $0x9C, v0  }
0xc7: {  	v6 =	vsel vm15, $0x3E, v6;
	v2 =	vsel vm3, $0xA1A, v2;
	v3 =	vsel vm1, $0xA9B, v3  }
0xc8: {  	v0 =	vsel vm13, $0x11C, v0;
	v6 =	vsel vm14, $0xBE, v6;
	v2 =	vsel vm1, $0xA9A, v2  }
0xc9: {  	v5 =	vsel vm2, $0xB1B, v3;
	v3 =	vsel vm15, $0x1E, v8;
	v0 =	vsel vm12, $0x19C, v0  }
0xca: {  	v8 =	vimm.s32 $0xBBF;
	v6 =	vsel vm13, $0x13E, v6;
	v4 =	vsel vm2, $0xB1A, v2  }
0xcb: {  	v2 =	vsel vm15, $0x1D, v7;
	v3 =	vsel vm14, $0x9E, v3;
	v0 =	vsel vm11, $0x21C, v0  }
0xcc: {  	[tilespmem:$0x1FDB0] =	vst v5;
	v5 =	vimm.s32 $0xBBD;
	v8 =	vsel vm15, $0x3F, v8;
	v6 =	vsel vm12, $0x1BE, v6  }
0xcd: {  	v2 =	vsel vm14, $0x9D, v2;
	v3 =	vsel vm13, $0x11E, v3;
	v0 =	vsel vm10, $0x29C, v0  }
0xce: {  	[tilespmem:$0x1FDA0] =	vst v4;
	v4 =	vimm.s32 $0xBBC;
	v5 =	vsel vm15, $0x3D, v5;
	v8 =	vsel vm14, $0xBF, v8  }
0xcf: {  	v6 =	vsel vm11, $0x23E, v6;
	v2 =	vsel vm13, $0x11D, v2;
	v3 =	vsel vm12, $0x19E, v3  }
0xd0: {  	v0 =	vsel vm9, $0x31C, v0;
	v4 =	vsel vm15, $0x3C, v4;
	v5 =	vsel vm14, $0xBD, v5  }
0xd1: {  	v8 =	vsel vm13, $0x13F, v8;
	v6 =	vsel vm10, $0x2BE, v6;
	v2 =	vsel vm12, $0x19D, v2  }
0xd2: {  	v3 =	vsel vm11, $0x21E, v3;
	v0 =	vsel vm8, $0x39C, v0;
	v4 =	vsel vm14, $0xBC, v4  }
0xd3: {  	v5 =	vsel vm13, $0x13D, v5;
	v8 =	vsel vm12, $0x1BF, v8;
	v6 =	vsel vm9, $0x33E, v6  }
0xd4: {  	v2 =	vsel vm11, $0x21D, v2;
	v3 =	vsel vm10, $0x29E, v3;
	v0 =	vsel vm7, $0x81C, v0  }
0xd5: {  	v4 =	vsel vm13, $0x13C, v4;
	v5 =	vsel vm12, $0x1BD, v5;
	v8 =	vsel vm11, $0x23F, v8  }
0xd6: {  	v6 =	vsel vm8, $0x3BE, v6;
	v2 =	vsel vm10, $0x29D, v2;
	v3 =	vsel vm9, $0x31E, v3  }
0xd7: {  	v0 =	vsel vm6, $0x89C, v0;
	v4 =	vsel vm12, $0x1BC, v4;
	v5 =	vsel vm11, $0x23D, v5  }
0xd8: {  	v8 =	vsel vm10, $0x2BF, v8;
	v6 =	vsel vm7, $0x83E, v6;
	v2 =	vsel vm9, $0x31D, v2  }
0xd9: {  	v3 =	vsel vm8, $0x39E, v3;
	v0 =	vsel vm5, $0x91C, v0;
	v4 =	vsel vm11, $0x23C, v4  }
0xda: {  	v5 =	vsel vm10, $0x2BD, v5;
	v8 =	vsel vm9, $0x33F, v8;
	v6 =	vsel vm6, $0x8BE, v6  }
0xdb: {  	v2 =	vsel vm8, $0x39D, v2;
	v3 =	vsel vm7, $0x81E, v3;
	v0 =	vsel vm4, $0x99C, v0  }
0xdc: {  	v4 =	vsel vm10, $0x2BC, v4;
	v5 =	vsel vm9, $0x33D, v5;
	v8 =	vsel vm8, $0x3BF, v8  }
0xdd: {  	v6 =	vsel vm5, $0x93E, v6;
	v2 =	vsel vm7, $0x81D, v2;
	v3 =	vsel vm6, $0x89E, v3  }
0xde: {  	v0 =	vsel vm3, $0xA1C, v0;
	v4 =	vsel vm9, $0x33C, v4;
	v5 =	vsel vm8, $0x3BD, v5  }
0xdf: {  	v8 =	vsel vm7, $0x83F, v8;
	v6 =	vsel vm4, $0x9BE, v6;
	v2 =	vsel vm6, $0x89D, v2  }
0xe0: {  	v3 =	vsel vm5, $0x91E, v3;
	v0 =	vsel vm1, $0xA9C, v0;
	v4 =	vsel vm8, $0x3BC, v4  }
0xe1: {  	v5 =	vsel vm7, $0x83D, v5;
	v8 =	vsel vm6, $0x8BF, v8;
	v6 =	vsel vm3, $0xA3E, v6  }
0xe2: {  	v2 =	vsel vm5, $0x91D, v2;
	v3 =	vsel vm4, $0x99E, v3;
	v0 =	vsel vm2, $0xB1C, v0  }
0xe3: {  	v4 =	vsel vm7, $0x83C, v4;
	v5 =	vsel vm6, $0x8BD, v5;
	v8 =	vsel vm5, $0x93F, v8  }
0xe4: {  	v6 =	vsel vm1, $0xABE, v6;
	v2 =	vsel vm4, $0x99D, v2;
	v3 =	vsel vm3, $0xA1E, v3  }
0xe5: {  	[tilespmem:$0x1FDC0] =	vst v0;
	v0 =	vsel vm15, $0x1F, v11;
	v4 =	vsel vm6, $0x8BC, v4;
	v5 =	vsel vm5, $0x93D, v5  }
0xe6: {  	v8 =	vsel vm4, $0x9BF, v8;
	v62 =	vsel vm2, $0xB3E, v6;
	v2 =	vsel vm3, $0xA1D, v2  }
0xe7: {  	v3 =	vsel vm1, $0xA9E, v3;
	v0 =	vsel vm14, $0x9F, v0;
	v4 =	vsel vm5, $0x93C, v4  }
0xe8: {  	v5 =	vsel vm4, $0x9BD, v5;
	v8 =	vsel vm3, $0xA3F, v8;
	v2 =	vsel vm1, $0xA9D, v2  }
0xe9: {  	v10 =	vsel vm2, $0xB1E, v3;
	v3 =	vsel vm15, $0x21, v13;
	v0 =	vsel vm13, $0x11F, v0  }
0xea: {  	v4 =	vsel vm4, $0x9BC, v4;
	v5 =	vsel vm3, $0xA3D, v5;
	v8 =	vsel vm1, $0xABF, v8  }
0xeb: {  	v9 =	vsel vm2, $0xB1D, v2;
	v2 =	vsel vm15, $0x20, v12;
	v3 =	vsel vm14, $0xA1, v3  }
0xec: {  	v0 =	vsel vm12, $0x19F, v0;
	v4 =	vsel vm3, $0xA3C, v4;
	v5 =	vsel vm1, $0xABD, v5  }
0xed: {  	v63 =	vsel vm2, $0xB3F, v8;
	v2 =	vsel vm14, $0xA0, v2;
	v3 =	vsel vm13, $0x121, v3  }
0xee: {  	v0 =	vsel vm11, $0x21F, v0;
	v4 =	vsel vm1, $0xABC, v4;
	v61 =	vsel vm2, $0xB3D, v5  }
0xef: {  	v2 =	vsel vm13, $0x120, v2;
	v3 =	vsel vm12, $0x1A1, v3;
	v0 =	vsel vm10, $0x29F, v0  }
0xf0: {  	[tilespmem:$0x1FD80] =	vst v60;
	v60 =	vsel vm2, $0xB3C, v4;
	v2 =	vsel vm12, $0x1A0, v2;
	v3 =	vsel vm11, $0x221, v3  }
0xf1: {  	v0 =	vsel vm9, $0x31F, v0;
	v2 =	vsel vm11, $0x220, v2;
	v3 =	vsel vm10, $0x2A1, v3  }
0xf2: {  	v0 =	vsel vm8, $0x39F, v0;
	v2 =	vsel vm10, $0x2A0, v2;
	v3 =	vsel vm9, $0x321, v3  }
0xf3: {  	v0 =	vsel vm7, $0x81F, v0;
	v2 =	vsel vm9, $0x320, v2;
	v3 =	vsel vm8, $0x3A1, v3  }
0xf4: {  	v0 =	vsel vm6, $0x89F, v0;
	v2 =	vsel vm8, $0x3A0, v2;
	v3 =	vsel vm7, $0x821, v3  }
0xf5: {  	v0 =	vsel vm5, $0x91F, v0;
	v2 =	vsel vm7, $0x820, v2;
	v3 =	vsel vm6, $0x8A1, v3  }
0xf6: {  	v0 =	vsel vm4, $0x99F, v0;
	v2 =	vsel vm6, $0x8A0, v2;
	v3 =	vsel vm5, $0x921, v3  }
0xf7: {  	v0 =	vsel vm3, $0xA1F, v0;
	v2 =	vsel vm5, $0x920, v2;
	v3 =	vsel vm4, $0x9A1, v3  }
0xf8: {  	v0 =	vsel vm1, $0xA9F, v0;
	v2 =	vsel vm4, $0x9A0, v2;
	v3 =	vsel vm3, $0xA21, v3  }
0xf9: {  	[tilespmem:$0x1FBD0] =	vst v15;
	v0 =	vsel vm2, $0xB1F, v0;
	v2 =	vsel vm3, $0xA20, v2;
	v3 =	vsel vm1, $0xAA1, v3  }
0xfa: {  	[tilespmem:$0x1FDF0] =	vst v0;
	v0 =	vsel vm15, $0x22, v16;
	v2 =	vsel vm1, $0xAA0, v2;
	v15 =	vsel vm2, $0xB21, v3  }
0xfb: {  	[tilespmem:$0x1FBC0] =	vst v14;
	v3 =	vsel vm15, $0x24, v18;
	v0 =	vsel vm14, $0xA2, v0;
	v14 =	vsel vm2, $0xB20, v2  }
0xfc: {  	v2 =	vsel vm15, $0x23, v17;
	v3 =	vsel vm14, $0xA4, v3;
	v0 =	vsel vm13, $0x122, v0  }
0xfd: {  	v2 =	vsel vm14, $0xA3, v2;
	v3 =	vsel vm13, $0x124, v3;
	v0 =	vsel vm12, $0x1A2, v0  }
0xfe: {  	v2 =	vsel vm13, $0x123, v2;
	v3 =	vsel vm12, $0x1A4, v3;
	v0 =	vsel vm11, $0x222, v0  }
0xff: {  	v2 =	vsel vm12, $0x1A3, v2;
	v3 =	vsel vm11, $0x224, v3;
	v0 =	vsel vm10, $0x2A2, v0  }
0x100: {  	v2 =	vsel vm11, $0x223, v2;
	v3 =	vsel vm10, $0x2A4, v3;
	v0 =	vsel vm9, $0x322, v0  }
0x101: {  	v2 =	vsel vm10, $0x2A3, v2;
	v3 =	vsel vm9, $0x324, v3;
	v0 =	vsel vm8, $0x3A2, v0  }
0x102: {  	v2 =	vsel vm9, $0x323, v2;
	v3 =	vsel vm8, $0x3A4, v3;
	v0 =	vsel vm7, $0x822, v0  }
0x103: {  	v2 =	vsel vm8, $0x3A3, v2;
	v3 =	vsel vm7, $0x824, v3;
	v0 =	vsel vm6, $0x8A2, v0  }
0x104: {  	v2 =	vsel vm7, $0x823, v2;
	v3 =	vsel vm6, $0x8A4, v3;
	v0 =	vsel vm5, $0x922, v0  }
0x105: {  	v2 =	vsel vm6, $0x8A3, v2;
	v3 =	vsel vm5, $0x924, v3;
	v0 =	vsel vm4, $0x9A2, v0  }
0x106: {  	v2 =	vsel vm5, $0x923, v2;
	v3 =	vsel vm4, $0x9A4, v3;
	v0 =	vsel vm3, $0xA22, v0  }
0x107: {  	v2 =	vsel vm4, $0x9A3, v2;
	v3 =	vsel vm3, $0xA24, v3;
	v0 =	vsel vm1, $0xAA2, v0  }
0x108: {  	[tilespmem:$0x1FC00] =	vst v20;
	v2 =	vsel vm3, $0xA23, v2;
	v3 =	vsel vm1, $0xAA4, v3;
	v0 =	vsel vm2, $0xB22, v0  }
0x109: {  	v2 =	vsel vm1, $0xAA3, v2;
	[tilespmem:$0x1FE20] =	vst v0;
	v20 =	vsel vm2, $0xB24, v3;
	v0 =	vsel vm15, $0x25, v21  }
0x10a: {  	[tilespmem:$0x1FBF0] =	vst v19;
	v3 =	vsel vm15, $0x27, v23;
	v19 =	vsel vm2, $0xB23, v2;
	v2 =	vsel vm15, $0x26, v22  }
0x10b: {  	v0 =	vsel vm14, $0xA5, v0;
	v3 =	vsel vm14, $0xA7, v3;
	v2 =	vsel vm14, $0xA6, v2  }
0x10c: {  	v0 =	vsel vm13, $0x125, v0;
	v3 =	vsel vm13, $0x127, v3;
	v2 =	vsel vm13, $0x126, v2  }
0x10d: {  	v0 =	vsel vm12, $0x1A5, v0;
	v3 =	vsel vm12, $0x1A7, v3;
	v2 =	vsel vm12, $0x1A6, v2  }
0x10e: {  	v0 =	vsel vm11, $0x225, v0;
	v3 =	vsel vm11, $0x227, v3;
	v2 =	vsel vm11, $0x226, v2  }
0x10f: {  	v0 =	vsel vm10, $0x2A5, v0;
	v3 =	vsel vm10, $0x2A7, v3;
	v2 =	vsel vm10, $0x2A6, v2  }
0x110: {  	v0 =	vsel vm9, $0x325, v0;
	v3 =	vsel vm9, $0x327, v3;
	v2 =	vsel vm9, $0x326, v2  }
0x111: {  	v0 =	vsel vm8, $0x3A5, v0;
	v3 =	vsel vm8, $0x3A7, v3;
	v2 =	vsel vm8, $0x3A6, v2  }
0x112: {  	v0 =	vsel vm7, $0x825, v0;
	v3 =	vsel vm7, $0x827, v3;
	v2 =	vsel vm7, $0x826, v2  }
0x113: {  	v0 =	vsel vm6, $0x8A5, v0;
	v3 =	vsel vm6, $0x8A7, v3;
	v2 =	vsel vm6, $0x8A6, v2  }
0x114: {  	v0 =	vsel vm5, $0x925, v0;
	v3 =	vsel vm5, $0x927, v3;
	v2 =	vsel vm5, $0x926, v2  }
0x115: {  	v0 =	vsel vm4, $0x9A5, v0;
	v3 =	vsel vm4, $0x9A7, v3;
	v2 =	vsel vm4, $0x9A6, v2  }
0x116: {  	v0 =	vsel vm3, $0xA25, v0;
	v3 =	vsel vm3, $0xA27, v3;
	v2 =	vsel vm3, $0xA26, v2  }
0x117: {  	[tilespmem:$0x1FC30] =	vst v25;
	v0 =	vsel vm1, $0xAA5, v0;
	v3 =	vsel vm1, $0xAA7, v3;
	v2 =	vsel vm1, $0xAA6, v2  }
0x118: {  	[tilespmem:$0x1FC20] =	vst v24;
	v0 =	vsel vm2, $0xB25, v0;
	v25 =	vsel vm2, $0xB27, v3;
	v3 =	vsel vm15, $0x2A, v28  }
0x119: {  	[tilespmem:$0x1FE50] =	vst v0;
	v24 =	vsel vm2, $0xB26, v2;
	v0 =	vsel vm15, $0x28, v26;
	v2 =	vsel vm15, $0x29, v27  }
0x11a: {  	v3 =	vsel vm14, $0xAA, v3;
	v0 =	vsel vm14, $0xA8, v0;
	v2 =	vsel vm14, $0xA9, v2  }
0x11b: {  	v3 =	vsel vm13, $0x12A, v3;
	v0 =	vsel vm13, $0x128, v0;
	v2 =	vsel vm13, $0x129, v2  }
0x11c: {  	v3 =	vsel vm12, $0x1AA, v3;
	v0 =	vsel vm12, $0x1A8, v0;
	v2 =	vsel vm12, $0x1A9, v2  }
0x11d: {  	v3 =	vsel vm11, $0x22A, v3;
	v0 =	vsel vm11, $0x228, v0;
	v2 =	vsel vm11, $0x229, v2  }
0x11e: {  	v3 =	vsel vm10, $0x2AA, v3;
	v0 =	vsel vm10, $0x2A8, v0;
	v2 =	vsel vm10, $0x2A9, v2  }
0x11f: {  	v3 =	vsel vm9, $0x32A, v3;
	v0 =	vsel vm9, $0x328, v0;
	v2 =	vsel vm9, $0x329, v2  }
0x120: {  	v3 =	vsel vm8, $0x3AA, v3;
	v0 =	vsel vm8, $0x3A8, v0;
	v2 =	vsel vm8, $0x3A9, v2  }
0x121: {  	v3 =	vsel vm7, $0x82A, v3;
	v0 =	vsel vm7, $0x828, v0;
	v2 =	vsel vm7, $0x829, v2  }
0x122: {  	v3 =	vsel vm6, $0x8AA, v3;
	v0 =	vsel vm6, $0x8A8, v0;
	v2 =	vsel vm6, $0x8A9, v2  }
0x123: {  	v3 =	vsel vm5, $0x92A, v3;
	v0 =	vsel vm5, $0x928, v0;
	v2 =	vsel vm5, $0x929, v2  }
0x124: {  	v3 =	vsel vm4, $0x9AA, v3;
	v0 =	vsel vm4, $0x9A8, v0;
	v2 =	vsel vm4, $0x9A9, v2  }
0x125: {  	v3 =	vsel vm3, $0xA2A, v3;
	v0 =	vsel vm3, $0xA28, v0;
	v2 =	vsel vm3, $0xA29, v2  }
0x126: {  	v3 =	vsel vm1, $0xAAA, v3;
	v0 =	vsel vm1, $0xAA8, v0;
	v2 =	vsel vm1, $0xAA9, v2  }
0x127: {  	[tilespmem:$0x1FC60] =	vst v30;
	v30 =	vsel vm2, $0xB2A, v3;
	v3 =	vsel vm15, $0x2D, v33;
	v0 =	vsel vm2, $0xB28, v0  }
0x128: {  	[tilespmem:$0x1FC50] =	vst v29;
	v29 =	vsel vm2, $0xB29, v2;
	v2 =	vsel vm15, $0x2C, v32;
	v3 =	vsel vm14, $0xAD, v3  }
0x129: {  	[tilespmem:$0x1FE80] =	vst v0;
	v0 =	vsel vm15, $0x2B, v31;
	v2 =	vsel vm14, $0xAC, v2;
	v3 =	vsel vm13, $0x12D, v3  }
0x12a: {  	v0 =	vsel vm14, $0xAB, v0;
	v2 =	vsel vm13, $0x12C, v2;
	v3 =	vsel vm12, $0x1AD, v3  }
0x12b: {  	v0 =	vsel vm13, $0x12B, v0;
	v2 =	vsel vm12, $0x1AC, v2;
	v3 =	vsel vm11, $0x22D, v3  }
0x12c: {  	v0 =	vsel vm12, $0x1AB, v0;
	v2 =	vsel vm11, $0x22C, v2;
	v3 =	vsel vm10, $0x2AD, v3  }
0x12d: {  	v0 =	vsel vm11, $0x22B, v0;
	v2 =	vsel vm10, $0x2AC, v2;
	v3 =	vsel vm9, $0x32D, v3  }
0x12e: {  	v0 =	vsel vm10, $0x2AB, v0;
	v2 =	vsel vm9, $0x32C, v2;
	v3 =	vsel vm8, $0x3AD, v3  }
0x12f: {  	v0 =	vsel vm9, $0x32B, v0;
	v2 =	vsel vm8, $0x3AC, v2;
	v3 =	vsel vm7, $0x82D, v3  }
0x130: {  	v0 =	vsel vm8, $0x3AB, v0;
	v2 =	vsel vm7, $0x82C, v2;
	v3 =	vsel vm6, $0x8AD, v3  }
0x131: {  	v0 =	vsel vm7, $0x82B, v0;
	v2 =	vsel vm6, $0x8AC, v2;
	v3 =	vsel vm5, $0x92D, v3  }
0x132: {  	v0 =	vsel vm6, $0x8AB, v0;
	v2 =	vsel vm5, $0x92C, v2;
	v3 =	vsel vm4, $0x9AD, v3  }
0x133: {  	v0 =	vsel vm5, $0x92B, v0;
	v2 =	vsel vm4, $0x9AC, v2;
	v3 =	vsel vm3, $0xA2D, v3  }
0x134: {  	v0 =	vsel vm4, $0x9AB, v0;
	v2 =	vsel vm3, $0xA2C, v2;
	v3 =	vsel vm1, $0xAAD, v3  }
0x135: {  	[tilespmem:$0x1FC90] =	vst v35;
	v0 =	vsel vm3, $0xA2B, v0;
	v2 =	vsel vm1, $0xAAC, v2;
	v35 =	vsel vm2, $0xB2D, v3  }
0x136: {  	[tilespmem:$0x1FC80] =	vst v34;
	v3 =	vsel vm15, $0x30, v38;
	v0 =	vsel vm1, $0xAAB, v0;
	v34 =	vsel vm2, $0xB2C, v2  }
0x137: {  	v2 =	vsel vm15, $0x2F, v37;
	v3 =	vsel vm14, $0xB0, v3;
	v0 =	vsel vm2, $0xB2B, v0  }
0x138: {  	v2 =	vsel vm14, $0xAF, v2;
	v3 =	vsel vm13, $0x130, v3;
	[tilespmem:$0x1FEB0] =	vst v0;
	v0 =	vsel vm15, $0x2E, v36  }
0x139: {  	v2 =	vsel vm13, $0x12F, v2;
	v3 =	vsel vm12, $0x1B0, v3;
	v0 =	vsel vm14, $0xAE, v0  }
0x13a: {  	v2 =	vsel vm12, $0x1AF, v2;
	v3 =	vsel vm11, $0x230, v3;
	v0 =	vsel vm13, $0x12E, v0  }
0x13b: {  	v2 =	vsel vm11, $0x22F, v2;
	v3 =	vsel vm10, $0x2B0, v3;
	v0 =	vsel vm12, $0x1AE, v0  }
0x13c: {  	v2 =	vsel vm10, $0x2AF, v2;
	v3 =	vsel vm9, $0x330, v3;
	v0 =	vsel vm11, $0x22E, v0  }
0x13d: {  	v2 =	vsel vm9, $0x32F, v2;
	v3 =	vsel vm8, $0x3B0, v3;
	v0 =	vsel vm10, $0x2AE, v0  }
0x13e: {  	v2 =	vsel vm8, $0x3AF, v2;
	v3 =	vsel vm7, $0x830, v3;
	v0 =	vsel vm9, $0x32E, v0  }
0x13f: {  	v2 =	vsel vm7, $0x82F, v2;
	v3 =	vsel vm6, $0x8B0, v3;
	v0 =	vsel vm8, $0x3AE, v0  }
0x140: {  	v2 =	vsel vm6, $0x8AF, v2;
	v3 =	vsel vm5, $0x930, v3;
	v0 =	vsel vm7, $0x82E, v0  }
0x141: {  	v2 =	vsel vm5, $0x92F, v2;
	v3 =	vsel vm4, $0x9B0, v3;
	v0 =	vsel vm6, $0x8AE, v0  }
0x142: {  	v2 =	vsel vm4, $0x9AF, v2;
	v3 =	vsel vm3, $0xA30, v3;
	v0 =	vsel vm5, $0x92E, v0  }
0x143: {  	v2 =	vsel vm3, $0xA2F, v2;
	v3 =	vsel vm1, $0xAB0, v3;
	v0 =	vsel vm4, $0x9AE, v0  }
0x144: {  	[tilespmem:$0x1FCC0] =	vst v40;
	v2 =	vsel vm1, $0xAAF, v2;
	v40 =	vsel vm2, $0xB30, v3;
	v3 =	vsel vm15, $0x33, v43  }
0x145: {  	[tilespmem:$0x1FCB0] =	vst v39;
	v39 =	vsel vm2, $0xB2F, v2;
	v2 =	vsel vm15, $0x32, v42;
	v3 =	vsel vm14, $0xB3, v3  }
0x146: {  	v0 =	vsel vm3, $0xA2E, v0;
	v2 =	vsel vm14, $0xB2, v2;
	v3 =	vsel vm13, $0x133, v3  }
0x147: {  	v0 =	vsel vm1, $0xAAE, v0;
	v2 =	vsel vm13, $0x132, v2;
	v3 =	vsel vm12, $0x1B3, v3  }
0x148: {  	v0 =	vsel vm2, $0xB2E, v0;
	v2 =	vsel vm12, $0x1B2, v2;
	v3 =	vsel vm11, $0x233, v3  }
0x149: {  	[tilespmem:$0x1FEE0] =	vst v0;
	v0 =	vsel vm15, $0x31, v41;
	v2 =	vsel vm11, $0x232, v2;
	v3 =	vsel vm10, $0x2B3, v3  }
0x14a: {  	v0 =	vsel vm14, $0xB1, v0;
	v2 =	vsel vm10, $0x2B2, v2;
	v3 =	vsel vm9, $0x333, v3  }
0x14b: {  	v0 =	vsel vm13, $0x131, v0;
	v2 =	vsel vm9, $0x332, v2;
	v3 =	vsel vm8, $0x3B3, v3  }
0x14c: {  	v0 =	vsel vm12, $0x1B1, v0;
	v2 =	vsel vm8, $0x3B2, v2;
	v3 =	vsel vm7, $0x833, v3  }
0x14d: {  	v0 =	vsel vm11, $0x231, v0;
	v2 =	vsel vm7, $0x832, v2;
	v3 =	vsel vm6, $0x8B3, v3  }
0x14e: {  	v0 =	vsel vm10, $0x2B1, v0;
	v2 =	vsel vm6, $0x8B2, v2;
	v3 =	vsel vm5, $0x933, v3  }
0x14f: {  	v0 =	vsel vm9, $0x331, v0;
	v2 =	vsel vm5, $0x932, v2;
	v3 =	vsel vm4, $0x9B3, v3  }
0x150: {  	v0 =	vsel vm8, $0x3B1, v0;
	v2 =	vsel vm4, $0x9B2, v2;
	v3 =	vsel vm3, $0xA33, v3  }
0x151: {  	v0 =	vsel vm7, $0x831, v0;
	v2 =	vsel vm3, $0xA32, v2;
	v3 =	vsel vm1, $0xAB3, v3  }
0x152: {  	[tilespmem:$0x1FCF0] =	vst v45;
	v2 =	vsel vm1, $0xAB2, v2;
	v45 =	vsel vm2, $0xB33, v3;
	v3 =	vsel vm15, $0x36, v48  }
0x153: {  	[tilespmem:$0x1FCE0] =	vst v44;
	v44 =	vsel vm2, $0xB32, v2;
	v2 =	vsel vm15, $0x35, v47;
	v3 =	vsel vm14, $0xB6, v3  }
0x154: {  	v0 =	vsel vm6, $0x8B1, v0;
	v2 =	vsel vm14, $0xB5, v2;
	v3 =	vsel vm13, $0x136, v3  }
0x155: {  	v0 =	vsel vm5, $0x931, v0;
	v2 =	vsel vm13, $0x135, v2;
	v3 =	vsel vm12, $0x1B6, v3  }
0x156: {  	v0 =	vsel vm4, $0x9B1, v0;
	v2 =	vsel vm12, $0x1B5, v2;
	v3 =	vsel vm11, $0x236, v3  }
0x157: {  	v0 =	vsel vm3, $0xA31, v0;
	v2 =	vsel vm11, $0x235, v2;
	v3 =	vsel vm10, $0x2B6, v3  }
0x158: {  	v0 =	vsel vm1, $0xAB1, v0;
	v2 =	vsel vm10, $0x2B5, v2;
	v3 =	vsel vm9, $0x336, v3  }
0x159: {  	v0 =	vsel vm2, $0xB31, v0;
	v2 =	vsel vm9, $0x335, v2;
	v3 =	vsel vm8, $0x3B6, v3  }
0x15a: {  	[tilespmem:$0x1FF10] =	vst v0;
	v0 =	vsel vm15, $0x34, v46;
	v2 =	vsel vm8, $0x3B5, v2;
	v3 =	vsel vm7, $0x836, v3  }
0x15b: {  	v0 =	vsel vm14, $0xB4, v0;
	v2 =	vsel vm7, $0x835, v2;
	v3 =	vsel vm6, $0x8B6, v3  }
0x15c: {  	v0 =	vsel vm13, $0x134, v0;
	v2 =	vsel vm6, $0x8B5, v2;
	v3 =	vsel vm5, $0x936, v3  }
0x15d: {  	[tilespmem:$0x1FBA0] =	vst v1;
	v0 =	vsel vm12, $0x1B4, v0;
	v2 =	vsel vm5, $0x935, v2;
	v3 =	vsel vm4, $0x9B6, v3  }
0x15e: {  	[tilespmem:$0x1FD20] =	vst v50;
	v0 =	vsel vm11, $0x234, v0;
	v2 =	vsel vm4, $0x9B5, v2;
	v3 =	vsel vm3, $0xA36, v3  }
0x15f: {  	[tilespmem:$0x1FD10] =	vst v49;
	v0 =	vsel vm10, $0x2B4, v0;
	v2 =	vsel vm3, $0xA35, v2;
	v3 =	vsel vm1, $0xAB6, v3  }
0x160: {  	[tilespmem:$0x1FD50] =	vst v55;
	v2 =	vsel vm1, $0xAB5, v2;
	v50 =	vsel vm2, $0xB36, v3;
	v3 =	vsel vm15, $0x39, v53  }
0x161: {  	[tilespmem:$0x1FD40] =	vst v54;
	v49 =	vsel vm2, $0xB35, v2;
	v2 =	vsel vm15, $0x38, v52;
	v3 =	vsel vm14, $0xB9, v3  }
0x162: {  	[tilespmem:$0x1FD70] =	vst v59;
	v0 =	vsel vm9, $0x334, v0;
	v2 =	vsel vm14, $0xB8, v2;
	v3 =	vsel vm13, $0x139, v3  }
0x163: {  	[tilespmem:$0x1FFE0] =	vst v62;
	v0 =	vsel vm8, $0x3B4, v0;
	v2 =	vsel vm13, $0x138, v2;
	v3 =	vsel vm12, $0x1B9, v3  }
0x164: {  	[tilespmem:$0x1FDE0] =	vst v10;
	v0 =	vsel vm7, $0x834, v0;
	v2 =	vsel vm12, $0x1B8, v2;
	v3 =	vsel vm11, $0x239, v3  }
0x165: {  	[tilespmem:$0x1FDD0] =	vst v9;
	v0 =	vsel vm6, $0x8B4, v0;
	v2 =	vsel vm11, $0x238, v2;
	v3 =	vsel vm10, $0x2B9, v3  }
0x166: {  	[tilespmem:$0x1FFF0] =	vst v63;
	v0 =	vsel vm5, $0x934, v0;
	v2 =	vsel vm10, $0x2B8, v2;
	v3 =	vsel vm9, $0x339, v3  }
0x167: {  	[tilespmem:$0x1FFD0] =	vst v61;
	v0 =	vsel vm4, $0x9B4, v0;
	v2 =	vsel vm9, $0x338, v2;
	v3 =	vsel vm8, $0x3B9, v3  }
0x168: {  	[tilespmem:$0x1FFC0] =	vst v60;
	v0 =	vsel vm3, $0xA34, v0;
	v2 =	vsel vm8, $0x3B8, v2;
	v3 =	vsel vm7, $0x839, v3  }
0x169: {  	[tilespmem:$0x1FE10] =	vst v15;
	v0 =	vsel vm1, $0xAB4, v0;
	v2 =	vsel vm7, $0x838, v2;
	v3 =	vsel vm6, $0x8B9, v3  }
0x16a: {  	[tilespmem:$0x1FE00] =	vst v14;
	v0 =	vsel vm2, $0xB34, v0;
	v2 =	vsel vm6, $0x8B8, v2;
	v3 =	vsel vm5, $0x939, v3  }
0x16b: {  	[tilespmem:$0x1FF40] =	vst v0;
	v0 =	vsel vm15, $0x37, v51;
	v2 =	vsel vm5, $0x938, v2;
	v3 =	vsel vm4, $0x9B9, v3  }
0x16c: {  	s10 =	sshll.u32 s6, $0x7;
	s7 =	sadd.s32 $0x2C00, s5;
	[tilespmem:$0x1FE40] =	vst v20;
	v0 =	vsel vm14, $0xB7, v0;
	v2 =	vsel vm4, $0x9B8, v2;
	v3 =	vsel vm3, $0xA39, v3  }
0x16d: {  	s0 =	stileid.u32;
	s8 =	sadd.s32 $0x12C00, s5;
	s9 =	sadd.s32 $0x13C00, s5;
	[tilespmem:$0x1FE30] =	vst v19;
	v0 =	vsel vm13, $0x137, v0;
	v2 =	vsel vm3, $0xA38, v2;
	v3 =	vsel vm1, $0xAB9, v3  }
0x16e: {  	s20 =	sshll.u32 s6, $0x1;
	s23 =	sshll.u32 s6, $0xA;
	s16 =	ssub.s32 $0x2, s4;
	[tilespmem:$0x1FE70] =	vst v25;
	v2 =	vsel vm1, $0xAB8, v2;
	v55 =	vsel vm2, $0xB39, v3;
	v3 =	vsel vm15, $0x3B, v57  }
0x16f: {  	s18 =	simm.s32 $0x100;
	s28 =	simm.s32 $0x2D80;
	s29 =	simm.s32 $0x1;
	[tilespmem:$0x1FE60] =	vst v24;
	v54 =	vsel vm2, $0xB38, v2;
	v2 =	vsel vm15, $0x3A, v56;
	v3 =	vsel vm14, $0xBB, v3  }
0x170: {  	s30 =	simm.s32 $0x3580;
	s31 =	simm.s32 $0x3780;
	s0 =	sshll.u32 s0, $0x4;
	[tilespmem:$0x1FEA0] =	vst v30;
	v0 =	vsel vm12, $0x1B7, v0;
	v2 =	vsel vm14, $0xBA, v2;
	v3 =	vsel vm13, $0x13B, v3  }
0x171: {  	s13 =	sadd.s32 s10, s5;
	s14 =	sadd.s32 s20, s5;
	s15 =	sadd.s32 s23, s5;
	[tilespmem:$0x1FE90] =	vst v29;
	v0 =	vsel vm11, $0x237, v0;
	v2 =	vsel vm13, $0x13A, v2;
	v3 =	vsel vm12, $0x1BB, v3  }
0x172: {  	s20 =	simm.s32 $0x200;
	s23 =	simm.s32 $0xD80;
	s0 =	sor.u32 s0, s10;
	[tilespmem:$0x1FED0] =	vst v35;
	v0 =	vsel vm10, $0x2B7, v0;
	v2 =	vsel vm12, $0x1BA, v2;
	v3 =	vsel vm11, $0x23B, v3  }
0x173: {  	s17 =	sshrl.u32 s16, $0x1;
	s25 =	sadd.s32 $0x26C00, s13;
	s0 =	sand.u32 $0xC70, s0;
	[tilespmem:$0x1FEC0] =	vst v34;
	v0 =	vsel vm9, $0x337, v0;
	v2 =	vsel vm11, $0x23A, v2;
	v3 =	vsel vm10, $0x2BB, v3  }
0x174: {  	s5 =	sadd.s32 $0x29600, s14;
	s6 =	sadd.s32 $0x14000, s15;
	s0 =	sshrl.u32 s0, $0x3;
	[tilespmem:$0x1FF00] =	vst v40;
	v0 =	vsel vm8, $0x3B7, v0;
	v2 =	vsel vm10, $0x2BA, v2;
	v3 =	vsel vm9, $0x33B, v3  }
0x175: {  	s10 =	sadd.s32 $0x27A00, s13;
	s4 =	sadd.s32 $0x1A400, s15;
	s11 =	sadd.s32 s0, s3;
	[tilespmem:$0x1FEF0] =	vst v39;
	v0 =	vsel vm7, $0x837, v0;
	v2 =	vsel vm9, $0x33A, v2;
	v3 =	vsel vm8, $0x3BB, v3  }
0x176: {  	s26 =	ssub.s32 s16, s17;
	[dreg:$0x8] =	wrdreg s25;
	s12 =	sadd.s32 $0x10, s11;
	[tilespmem:$0x1FF30] =	vst v45;
	v0 =	vsel vm6, $0x8B7, v0;
	v2 =	vsel vm8, $0x3BA, v2;
	v3 =	vsel vm7, $0x83B, v3  }
0x177: {  	s16 =	simm.s32 $0x2;
	s19 =	sadd.s32 $0x20, s11;
	[dreg:$0x3] =	wrdreg s12;
	[tilespmem:$0x1FF20] =	vst v44;
	v0 =	vsel vm5, $0x937, v0;
	v2 =	vsel vm7, $0x83A, v2;
	v3 =	vsel vm6, $0x8BB, v3  }
0x178: {  	s17 =	simm.s32 $0x80;
	s21 =	sadd.s32 $0x30, s11;
	[dreg:$0x4] =	wrdreg s19;
	[tilespmem:$0x1FF60] =	vst v50;
	v0 =	vsel vm4, $0x9B7, v0;
	v2 =	vsel vm6, $0x8BA, v2;
	v3 =	vsel vm5, $0x93B, v3  }
0x179: {  	s25 =	simm.s32 $0x1D80;
	s22 =	sadd.s32 $0x40, s11;
	[dreg:$0x5] =	wrdreg s21;
	[tilespmem:$0x1FF50] =	vst v49;
	v0 =	vsel vm3, $0xA37, v0;
	v2 =	vsel vm5, $0x93A, v2;
	v3 =	vsel vm4, $0x9BB, v3  }
0x17a: {  	s3 =	sadd.s32 s3, s0;
	s24 =	sadd.s32 $0x50, s11;
	[dreg:$0x6] =	wrdreg s22;
	[tilespmem:$0x1FF90] =	vst v55;
	v0 =	vsel vm1, $0xAB7, v0;
	v2 =	vsel vm4, $0x9BA, v2;
	v3 =	vsel vm3, $0xA3B, v3  }
0x17b: {  	s0 =	simm.s32 $0x3980;
	s11 =	sadd.s32 $0x29800, s14;
	[dreg:$0x7] =	wrdreg s24;
	[tilespmem:$0x1FF80] =	vst v54;
	v0 =	vsel vm2, $0xB37, v0;
	v2 =	vsel vm3, $0xA3A, v2;
	v3 =	vsel vm1, $0xABB, v3  }
0x17c: {  	s12 =	sadd.s32 $0x28800, s13;
	s13 =	sadd.s32 $0x29A00, s14;
	s14 =	sadd.s32 $0x20800, s15;
	[tilespmem:$0x1FF70] =	vst v0;
	v2 =	vsel vm1, $0xABA, v2;
	v59 =	vsel vm2, $0xB3B, v3  }
0x17d: {  	s15 =	smax.u32 s26, $0x1;
	s19 =	simm.s32 $0x180;
	s21 =	simm.s32 $0x280;
	v58 =	vsel vm2, $0xB3A, v2;
	[tilespmem:$0x1FFB0] =	vst v59  }
0x17e: {  	vm0 =	vmmov $0xffff;
	s22 =	simm.s32 $0x580;
	s24 =	simm.s32 $0x1580;
	s26 =	simm.s32 $0x2580;
	[tilespmem:$0x1FFA0] =	vst v58  }
.LBB2_2:
0x17f: {  	[tilespmem:s2], [sflag:$0x2] =	stream.linear.gather [hbm4b:s3+s2], $0x10, $0x38;
	[tilespmem:$0x5980] =	vst v63  }
0x180: {  	_ =	swait.ge [sflag:s16], $0x10  }
0x181: {  	[sflag:s16] =	ssyncset.done $0x0  }
0x182: {  	s1 =	rddreg [dreg:$0x3];
	[sflag:s16] =	ssyncadd.s32 $0xFFFFFFF0  }
0x183: {  	[tilespmem:s17], [sflag:$0x2] =	stream.linear.gather [hbm4b:s1+s2], $0x10, $0x38;
	[tilespmem:$0x5980] =	vst v63  }
0x184: {  	_ =	swait.ge [sflag:s16], $0x10  }
0x185: {  	[sflag:s16] =	ssyncset.done $0x0  }
0x186: {  	s1 =	rddreg [dreg:$0x4];
	[sflag:s16] =	ssyncadd.s32 $0xFFFFFFF0  }
0x187: {  	[tilespmem:s18], [sflag:$0x2] =	stream.linear.gather [hbm4b:s1+s2], $0x10, $0x38;
	[tilespmem:$0x5980] =	vst v63  }
0x188: {  	_ =	swait.ge [sflag:s16], $0x10  }
0x189: {  	[sflag:s16] =	ssyncset.done $0x0  }
0x18a: {  	s1 =	rddreg [dreg:$0x5];
	[sflag:s16] =	ssyncadd.s32 $0xFFFFFFF0  }
0x18b: {  	[tilespmem:s19], [sflag:$0x2] =	stream.linear.gather [hbm4b:s1+s2], $0x10, $0x38;
	[tilespmem:$0x5980] =	vst v63  }
0x18c: {  	_ =	swait.ge [sflag:s16], $0x10  }
0x18d: {  	[sflag:s16] =	ssyncset.done $0x0  }
0x18e: {  	s1 =	rddreg [dreg:$0x6];
	[sflag:s16] =	ssyncadd.s32 $0xFFFFFFF0  }
0x18f: {  	[tilespmem:s20], [sflag:$0x2] =	stream.linear.gather [hbm4b:s1+s2], $0x10, $0x38;
	[tilespmem:$0x5980] =	vst v63  }
0x190: {  	_ =	swait.ge [sflag:s16], $0x10  }
0x191: {  	[sflag:s16] =	ssyncset.done $0x0  }
0x192: {  	s1 =	rddreg [dreg:$0x7];
	[sflag:s16] =	ssyncadd.s32 $0xFFFFFFF0  }
0x193: {  	[tilespmem:s21], [sflag:$0x2] =	stream.linear.gather [hbm4b:s1+s2], $0x10, $0x38;
	[tilespmem:$0x5980] =	vst v63  }
0x194: {  	_ =	swait.ge [sflag:s16], $0x10  }
0x195: {  	[sflag:s16] =	ssyncset.done $0x0  }
0x196: {  	[sflag:s16] =	ssyncadd.s32 $0xFFFFFFF0  }
0x197: {  	v9 =	vld [tilespmem:$0x0]  }
0x198: {  	v10 =	vld [tilespmem:$0x100]  }
0x199: {  	v11 =	vld [tilespmem:$0x180];
	_ =	sdelay $0x3  }
0x19a: {  	v9 =	vtrunc.f32 v9  }
0x19b: {  	v12 =	vmul.f32 $8.000000000e+00, v10;
	v13 =	vmul.f32 $8.000000000e+00, v11  }
0x19c: {  	v48 =	vadd.f32 v10, v10;
	v10 =	vmul.f32 $5.000000000e-01, v10;
	v9 =	vcvt.f32.s32 v9  }
0x19d: {  	v15 =	vadd.f32 v11, v11;
	v12 =	vtrunc.f32 v12;
	v13 =	vtrunc.f32 v13  }
0x19e: {  	v12 =	vcvt.f32.s32 v12;
	v13 =	vcvt.f32.s32 v13  }
0x19f: {  	v11 =	vmul.f32 $5.000000000e-01, v11;
	v15 =	vtrunc.f32 v15;
	v14 =	vshll.u32 v9, $0x6  }
0x1a0: {  	v18 =	vld [tilespmem:$0x1FB90];
	v10 =	vtrunc.f32 v10;
	v13 =	vshll.u32 v13, $0x3;
	v14 =	vadd.s32 v12, v14  }
0x1a1: {  	v19 =	vld [tilespmem:$0x1FBB0];
	v11 =	vtrunc.f32 v11;
	v13 =	vadd.s32 v13, v14;
	v14 =	vtrunc.f32 v48  }
0x1a2: {  	v1 =	vld [tilespmem:$0x1FBA0];
	v15 =	vcvt.f32.s32 v15;
	v16 =	vshll.u32 v13, $0x1;
	v14 =	vcvt.f32.s32 v14  }
0x1a3: {  	v17 =	vshll.u32 v9, $0x2;
	v12 =	vand.u32 $0x7, v12;
	v16 =	vand.u32 $0xFFFFFFF0, v16  }
0x1a4: {  	v15 =	vshll.u32 v15, $0x1;
	v12 =	vor.u32 v12, v16;
	v14 =	vadd.s32 v14, v17  }
0x1a5: {  	v10 =	vcvt.f32.s32 v10;
	v16 =	vperm.xlane v12, v18;
	v14 =	vadd.s32 v15, v14  }
0x1a6: {  	v11 =	vcvt.f32.s32 v11;
	v12 =	vperm.xlane v12, v19;
	v49 =	vshll.u32 v14, $0x1  }
0x1a7: {  	v15 =	vand.u32 $0x7, v14;
	v16 =	vadd.s32 v1, v16;
	v17 =	vand.u32 $0xFFFFFFF0, v49  }
0x1a8: {  	v9 =	vadd.s32 v9, v10;
	v15 =	vor.u32 v15, v17  }
0x1a9: {  	v9 =	vadd.s32 v11, v9;
	v50 =	vadd.s32 v1, v12;
	v17 =	vperm.xlane v15, v18  }
0x1aa: {  	v52 =	vshll.u32 v9, $0x1;
	v55 =	vand.u32 $0x7, v9  }
0x1ab: {  	[tilespmem:$0x400] =	vst v13;
	v12 =	vand.u32 $0xFFFFFFF0, v52;
	v54 =	vperm.xlane v15, v19;
	v51 =	vadd.s32 v1, v17  }
0x1ac: {  	v53 =	vld [tilespmem:$0x80];
	v12 =	vor.u32 v55, v12;
	[tilespmem:s22], [sflag:$0x1] =	stream.indirect_vreg.gather [hbm4b:s7+s2], $0x80, v16, vm0, $0xb8  }
0x1ad: {  	v15 =	vperm.xlane v12, v18;
	v13 =	vadd.s32 v1, v54  }
0x1ae: {  	[tilespmem:s23], [sflag:$0x1] =	stream.indirect_vreg.gather [hbm4b:s7+s2], $0x80, v50, vm0, $0xb8;
	[tilespmem:$0x5980] =	vst v63  }
0x1af: {  	v12 =	vperm.xlane v12, v19;
	v56 =	vadd.s32 v1, v15;
	[tilespmem:$0x480] =	vst v14  }
0x1b0: {  	[tilespmem:s24], [sflag:$0x1] =	stream.indirect_vreg.gather [hbm4b:s8+s2], $0x80, v51, vm0, $0xb8;
	[tilespmem:$0x5980] =	vst v63  }
0x1b1: {  	v57 =	vadd.s32 v1, v12  }
0x1b2: {  	[tilespmem:s25], [sflag:$0x1] =	stream.indirect_vreg.gather [hbm4b:s8+s2], $0x80, v13, vm0, $0xb8;
	[tilespmem:$0x5980] =	vst v63  }
0x1b3: {  	[tilespmem:$0x500] =	vst v9  }
0x1b4: {  	[tilespmem:s26], [sflag:$0x1] =	stream.indirect_vreg.gather [hbm4b:s9+s2], $0x80, v56, vm0, $0xb8;
	[tilespmem:$0x5980] =	vst v63  }
0x1b5: {  	_ = 	snop  }
0x1b6: {  	[tilespmem:s28], [sflag:$0x1] =	stream.indirect_vreg.gather [hbm4b:s9+s2], $0x80, v57, vm0, $0xb8;
	[tilespmem:$0x5980] =	vst v63  }
0x1b7: {  	_ =	swait.ge [sflag:s29], $0x1000  }
0x1b8: {  	[sflag:s29] =	ssyncset.done $0x0  }
0x1b9: {  	[sflag:s29] =	ssyncadd.s32 $0xFFFFF000  }
0x1ba: {  	_ =	swait.ge [sflag:s29], $0x1000  }
0x1bb: {  	[sflag:s29] =	ssyncset.done $0x0  }
0x1bc: {  	[sflag:s29] =	ssyncadd.s32 $0xFFFFF000  }
0x1bd: {  	_ =	swait.ge [sflag:s29], $0x1000  }
0x1be: {  	v7 =	vld [tilespmem:$0x1FBC0];
	_ =	sdelay $0x5  }
0x1bf: {  	[sflag:s29] =	ssyncset.done $0x0;
	v8 =	vld [tilespmem:$0x1FBD0]  }
0x1c0: {  	[sflag:s29] =	ssyncadd.s32 $0xFFFFF000  }
0x1c1: {  	v58 =	vld.idx.msk [tilespmem:v7+s22+$0x0], $0xffff;
	_ =	sdelay $0x3  }
0x1c2: {  	v0 =	vld [tilespmem:$0x1FBE0]  }
0x1c3: {  	[tilespmem:$0x3580] =	vst v58  }
0x1c4: {  	v9 =	vld.idx.msk [tilespmem:v8+s22+$0x0], $0xffff;
	_ =	sdelay $0x3  }
0x1c5: {  	v63 =	vld [tilespmem:$0x1FBF0]  }
0x1c6: {  	[tilespmem:$0x3600] =	vst v9  }
0x1c7: {  	v59 =	vtrunc.f32 v53;
	v60 =	vld.idx.msk [tilespmem:v0+s22+$0x0], $0xffff  }
0x1c8: {  	v9 =	vcvt.f32.s32 v59  }
0x1c9: {  	v32 =	vld [tilespmem:$0x1FC00]  }
0x1ca: {  	v9 =	vadd.s32 $0x44, v9  }
0x1cb: {  	v61 =	vshll.u32 v9, $0x3  }
0x1cc: {  	v9 =	vand.u32 $0x7F, v9;
	v62 =	vand.u32 $0xFFFFFC00, v61;
	[tilespmem:$0x3680] =	vst v60  }
0x1cd: {  	v9 =	vor.u32 v9, v62;
	v4 =	vld.idx.msk [tilespmem:v63+s22+$0x0], $0xffff  }
0x1ce: {  	v11 =	vadd.s32 v32, v9;
	_ =	sdelay $0x3  }
0x1cf: {  	[tilespmem:$0x3700] =	vst v4  }
0x1d0: {  	v10 =	vld.idx.msk [tilespmem:v11+s22+$0x0], $0xffff;
	_ =	sdelay $0x4  }
0x1d1: {  	s1 =	rddreg [dreg:$0x8];
	[tilespmem:$0x3780] =	vst v10  }
0x1d2: {  	[hbm4b:s1+s2] =	stream.linear.scatter [tilespmem:s30], [sflag:$0x2], $0x280, $0x38;
	[tilespmem:$0x5980] =	vst v63  }
0x1d3: {  	_ =	swait.ge [sflag:s16], $0x280  }
0x1d4: {  	[sflag:s16] =	ssyncset.done $0x0  }
0x1d5: {  	[sflag:s16] =	ssyncadd.s32 $0xFFFFFD80  }
0x1d6: {  	[hbm4b:s5+s2] =	stream.linear.scatter [tilespmem:s31], [sflag:$0x2], $0x10, $0x38;
	[tilespmem:$0x5980] =	vst v63  }
0x1d7: {  	_ =	swait.ge [sflag:s16], $0x10  }
0x1d8: {  	[sflag:s16] =	ssyncset.done $0x0  }
0x1d9: {  	[sflag:s16] =	ssyncadd.s32 $0xFFFFFFF0  }
0x1da: {  	v5 =	vld.idx.msk [tilespmem:v32+s22+$0x0], $0xffff;
	_ =	sdelay $0x4  }
0x1db: {  	[tilespmem:$0x3980] =	vst v5  }
0x1dc: {  	v15 =	vld [tilespmem:$0x1FC10];
	_ =	sdelay $0x5  }
0x1dd: {  	v16 =	vld [tilespmem:$0x1FC20];
	_ =	sdelay $0x1  }
0x1de: {  	v6 =	vld.idx.msk [tilespmem:v15+s22+$0x0], $0xffff;
	_ =	sdelay $0x3  }
0x1df: {  	v17 =	vld [tilespmem:$0x1FC30]  }
0x1e0: {  	[tilespmem:$0x3A00] =	vst v6  }
0x1e1: {  	v10 =	vld.idx.msk [tilespmem:v16+s22+$0x0], $0xffff;
	_ =	sdelay $0x3  }
0x1e2: {  	v18 =	vld [tilespmem:$0x1FC40]  }
0x1e3: {  	[tilespmem:$0x3A80] =	vst v10  }
0x1e4: {  	v10 =	vld.idx.msk [tilespmem:v17+s22+$0x0], $0xffff;
	_ =	sdelay $0x3  }
0x1e5: {  	v19 =	vld [tilespmem:$0x1FC50]  }
0x1e6: {  	[tilespmem:$0x3B00] =	vst v10  }
0x1e7: {  	v10 =	vld.idx.msk [tilespmem:v18+s22+$0x0], $0xffff;
	_ =	sdelay $0x3  }
0x1e8: {  	v20 =	vld [tilespmem:$0x1FC60]  }
0x1e9: {  	[tilespmem:$0x3B80] =	vst v10  }
0x1ea: {  	v10 =	vld.idx.msk [tilespmem:v19+s22+$0x0], $0xffff;
	_ =	sdelay $0x3  }
0x1eb: {  	v21 =	vld [tilespmem:$0x1FC70]  }
0x1ec: {  	[tilespmem:$0x3C00] =	vst v10  }
0x1ed: {  	v10 =	vld.idx.msk [tilespmem:v20+s22+$0x0], $0xffff;
	_ =	sdelay $0x3  }
0x1ee: {  	v22 =	vld [tilespmem:$0x1FC80]  }
0x1ef: {  	[tilespmem:$0x3C80] =	vst v10  }
0x1f0: {  	v10 =	vld.idx.msk [tilespmem:v21+s22+$0x0], $0xffff;
	_ =	sdelay $0x3  }
0x1f1: {  	v23 =	vld [tilespmem:$0x1FC90]  }
0x1f2: {  	[tilespmem:$0x3D00] =	vst v10  }
0x1f3: {  	v10 =	vld.idx.msk [tilespmem:v22+s22+$0x0], $0xffff;
	_ =	sdelay $0x3  }
0x1f4: {  	v24 =	vld [tilespmem:$0x1FCA0]  }
0x1f5: {  	[tilespmem:$0x3D80] =	vst v10  }
0x1f6: {  	v10 =	vld.idx.msk [tilespmem:v23+s22+$0x0], $0xffff;
	_ =	sdelay $0x3  }
0x1f7: {  	v25 =	vld [tilespmem:$0x1FCB0]  }
0x1f8: {  	[tilespmem:$0x3E00] =	vst v10  }
0x1f9: {  	v10 =	vld.idx.msk [tilespmem:v24+s22+$0x0], $0xffff;
	_ =	sdelay $0x3  }
0x1fa: {  	v26 =	vld [tilespmem:$0x1FCC0]  }
0x1fb: {  	[tilespmem:$0x3E80] =	vst v10  }
0x1fc: {  	v10 =	vld.idx.msk [tilespmem:v25+s22+$0x0], $0xffff;
	_ =	sdelay $0x3  }
0x1fd: {  	v27 =	vld [tilespmem:$0x1FCD0]  }
0x1fe: {  	[tilespmem:$0x3F00] =	vst v10  }
0x1ff: {  	v10 =	vld.idx.msk [tilespmem:v26+s22+$0x0], $0xffff;
	_ =	sdelay $0x3  }
0x200: {  	v28 =	vld [tilespmem:$0x1FCE0]  }
0x201: {  	[tilespmem:$0x3F80] =	vst v10  }
0x202: {  	v10 =	vld.idx.msk [tilespmem:v27+s22+$0x0], $0xffff;
	_ =	sdelay $0x3  }
0x203: {  	v29 =	vld [tilespmem:$0x1FCF0]  }
0x204: {  	[tilespmem:$0x4000] =	vst v10  }
0x205: {  	v10 =	vld.idx.msk [tilespmem:v28+s22+$0x0], $0xffff;
	_ =	sdelay $0x3  }
0x206: {  	v30 =	vld [tilespmem:$0x1FD00]  }
0x207: {  	[tilespmem:$0x4080] =	vst v10  }
0x208: {  	v10 =	vld.idx.msk [tilespmem:v29+s22+$0x0], $0xffff;
	_ =	sdelay $0x3  }
0x209: {  	v31 =	vld [tilespmem:$0x1FD10]  }
0x20a: {  	[tilespmem:$0x4100] =	vst v10  }
0x20b: {  	v10 =	vld.idx.msk [tilespmem:v30+s22+$0x0], $0xffff;
	_ =	sdelay $0x3  }
0x20c: {  	v6 =	vld [tilespmem:$0x1FD20]  }
0x20d: {  	[tilespmem:$0x4180] =	vst v10  }
0x20e: {  	v10 =	vld.idx.msk [tilespmem:v31+s22+$0x0], $0xffff;
	_ =	sdelay $0x3  }
0x20f: {  	v33 =	vld [tilespmem:$0x1FD30]  }
0x210: {  	[tilespmem:$0x4200] =	vst v10  }
0x211: {  	v10 =	vld.idx.msk [tilespmem:v6+s22+$0x0], $0xffff;
	_ =	sdelay $0x3  }
0x212: {  	v34 =	vld [tilespmem:$0x1FD40]  }
0x213: {  	[tilespmem:$0x4280] =	vst v10  }
0x214: {  	v10 =	vld.idx.msk [tilespmem:v33+s22+$0x0], $0xffff;
	_ =	sdelay $0x3  }
0x215: {  	v35 =	vld [tilespmem:$0x1FD50]  }
0x216: {  	[tilespmem:$0x4300] =	vst v10  }
0x217: {  	v10 =	vld.idx.msk [tilespmem:v34+s22+$0x0], $0xffff;
	_ =	sdelay $0x3  }
0x218: {  	v36 =	vld [tilespmem:$0x1FD60]  }
0x219: {  	[tilespmem:$0x4380] =	vst v10  }
0x21a: {  	v10 =	vld.idx.msk [tilespmem:v35+s22+$0x0], $0xffff;
	_ =	sdelay $0x3  }
0x21b: {  	v37 =	vld [tilespmem:$0x1FD70]  }
0x21c: {  	[tilespmem:$0x4400] =	vst v10  }
0x21d: {  	v10 =	vld.idx.msk [tilespmem:v36+s22+$0x0], $0xffff;
	_ =	sdelay $0x3  }
0x21e: {  	v38 =	vld [tilespmem:$0x1FD80]  }
0x21f: {  	[tilespmem:$0x4480] =	vst v10  }
0x220: {  	v10 =	vld.idx.msk [tilespmem:v37+s22+$0x0], $0xffff;
	_ =	sdelay $0x3  }
0x221: {  	v39 =	vld [tilespmem:$0x1FD90]  }
0x222: {  	[tilespmem:$0x4500] =	vst v10  }
0x223: {  	v10 =	vld.idx.msk [tilespmem:v38+s22+$0x0], $0xffff;
	_ =	sdelay $0x3  }
0x224: {  	v40 =	vld [tilespmem:$0x1FDA0]  }
0x225: {  	[tilespmem:$0x4580] =	vst v10  }
0x226: {  	v10 =	vld.idx.msk [tilespmem:v39+s22+$0x0], $0xffff;
	_ =	sdelay $0x3  }
0x227: {  	v41 =	vld [tilespmem:$0x1FDB0]  }
0x228: {  	[tilespmem:$0x4600] =	vst v10  }
0x229: {  	v10 =	vld.idx.msk [tilespmem:v40+s22+$0x0], $0xffff;
	_ =	sdelay $0x3  }
0x22a: {  	v42 =	vld [tilespmem:$0x1FDC0]  }
0x22b: {  	[tilespmem:$0x4680] =	vst v10  }
0x22c: {  	v10 =	vld.idx.msk [tilespmem:v41+s22+$0x0], $0xffff;
	_ =	sdelay $0x3  }
0x22d: {  	v43 =	vld [tilespmem:$0x1FDD0]  }
0x22e: {  	[tilespmem:$0x4700] =	vst v10  }
0x22f: {  	v10 =	vld.idx.msk [tilespmem:v42+s22+$0x0], $0xffff;
	_ =	sdelay $0x3  }
0x230: {  	v44 =	vld [tilespmem:$0x1FDE0]  }
0x231: {  	[tilespmem:$0x4780] =	vst v10  }
0x232: {  	v10 =	vld.idx.msk [tilespmem:v43+s22+$0x0], $0xffff;
	_ =	sdelay $0x3  }
0x233: {  	v45 =	vld [tilespmem:$0x1FDF0]  }
0x234: {  	[tilespmem:$0x4800] =	vst v10  }
0x235: {  	v10 =	vld.idx.msk [tilespmem:v44+s22+$0x0], $0xffff;
	_ =	sdelay $0x3  }
0x236: {  	v46 =	vld [tilespmem:$0x1FE00]  }
0x237: {  	[tilespmem:$0x4880] =	vst v10  }
0x238: {  	v10 =	vld.idx.msk [tilespmem:v45+s22+$0x0], $0xffff;
	_ =	sdelay $0x3  }
0x239: {  	v47 =	vld [tilespmem:$0x1FE10]  }
0x23a: {  	[tilespmem:$0x4900] =	vst v10  }
0x23b: {  	v10 =	vld.idx.msk [tilespmem:v46+s22+$0x0], $0xffff;
	_ =	sdelay $0x3  }
0x23c: {  	v48 =	vld [tilespmem:$0x1FE20]  }
0x23d: {  	[tilespmem:$0x4980] =	vst v10  }
0x23e: {  	v10 =	vld.idx.msk [tilespmem:v47+s22+$0x0], $0xffff;
	_ =	sdelay $0x3  }
0x23f: {  	v49 =	vld [tilespmem:$0x1FE30]  }
0x240: {  	[tilespmem:$0x4A00] =	vst v10  }
0x241: {  	v10 =	vld.idx.msk [tilespmem:v48+s22+$0x0], $0xffff;
	_ =	sdelay $0x3  }
0x242: {  	v50 =	vld [tilespmem:$0x1FE40]  }
0x243: {  	[tilespmem:$0x4A80] =	vst v10  }
0x244: {  	v10 =	vld.idx.msk [tilespmem:v49+s22+$0x0], $0xffff;
	_ =	sdelay $0x3  }
0x245: {  	v51 =	vld [tilespmem:$0x1FE50]  }
0x246: {  	[tilespmem:$0x4B00] =	vst v10  }
0x247: {  	v10 =	vld.idx.msk [tilespmem:v50+s22+$0x0], $0xffff;
	_ =	sdelay $0x3  }
0x248: {  	v52 =	vld [tilespmem:$0x1FE60]  }
0x249: {  	[tilespmem:$0x4B80] =	vst v10  }
0x24a: {  	v10 =	vld.idx.msk [tilespmem:v51+s22+$0x0], $0xffff;
	_ =	sdelay $0x3  }
0x24b: {  	v53 =	vld [tilespmem:$0x1FE70]  }
0x24c: {  	[tilespmem:$0x4C00] =	vst v10  }
0x24d: {  	v10 =	vld.idx.msk [tilespmem:v52+s22+$0x0], $0xffff;
	_ =	sdelay $0x3  }
0x24e: {  	v54 =	vld [tilespmem:$0x1FE80]  }
0x24f: {  	[tilespmem:$0x4C80] =	vst v10  }
0x250: {  	v10 =	vld.idx.msk [tilespmem:v53+s22+$0x0], $0xffff;
	_ =	sdelay $0x3  }
0x251: {  	v55 =	vld [tilespmem:$0x1FE90]  }
0x252: {  	[tilespmem:$0x4D00] =	vst v10  }
0x253: {  	v10 =	vld.idx.msk [tilespmem:v54+s22+$0x0], $0xffff;
	_ =	sdelay $0x3  }
0x254: {  	v1 =	vld [tilespmem:$0x1FEA0]  }
0x255: {  	[tilespmem:$0x4D80] =	vst v10  }
0x256: {  	v10 =	vld.idx.msk [tilespmem:v55+s22+$0x0], $0xffff;
	_ =	sdelay $0x3  }
0x257: {  	v56 =	vld [tilespmem:$0x1FEB0]  }
0x258: {  	[tilespmem:$0x4E00] =	vst v10  }
0x259: {  	v10 =	vld.idx.msk [tilespmem:v1+s22+$0x0], $0xffff;
	_ =	sdelay $0x3  }
0x25a: {  	v57 =	vld [tilespmem:$0x1FEC0]  }
0x25b: {  	[tilespmem:$0x4E80] =	vst v10  }
0x25c: {  	v10 =	vld.idx.msk [tilespmem:v56+s22+$0x0], $0xffff;
	_ =	sdelay $0x3  }
0x25d: {  	v58 =	vld [tilespmem:$0x1FED0]  }
0x25e: {  	[tilespmem:$0x4F00] =	vst v10  }
0x25f: {  	v10 =	vld.idx.msk [tilespmem:v57+s22+$0x0], $0xffff;
	_ =	sdelay $0x3  }
0x260: {  	v59 =	vld [tilespmem:$0x1FEE0]  }
0x261: {  	[tilespmem:$0x4F80] =	vst v10  }
0x262: {  	v10 =	vld.idx.msk [tilespmem:v58+s22+$0x0], $0xffff;
	_ =	sdelay $0x3  }
0x263: {  	v60 =	vld [tilespmem:$0x1FEF0]  }
0x264: {  	[tilespmem:$0x5000] =	vst v10  }
0x265: {  	v10 =	vld.idx.msk [tilespmem:v59+s22+$0x0], $0xffff;
	_ =	sdelay $0x3  }
0x266: {  	v61 =	vld [tilespmem:$0x1FF00]  }
0x267: {  	[tilespmem:$0x5080] =	vst v10  }
0x268: {  	v10 =	vld.idx.msk [tilespmem:v60+s22+$0x0], $0xffff;
	_ =	sdelay $0x3  }
0x269: {  	v62 =	vld [tilespmem:$0x1FF10]  }
0x26a: {  	[tilespmem:$0x5100] =	vst v10  }
0x26b: {  	v10 =	vld.idx.msk [tilespmem:v61+s22+$0x0], $0xffff;
	_ =	sdelay $0x3  }
0x26c: {  	v63 =	vld [tilespmem:$0x1FF20]  }
0x26d: {  	[tilespmem:$0x5180] =	vst v10  }
0x26e: {  	v10 =	vld.idx.msk [tilespmem:v62+s22+$0x0], $0xffff;
	_ =	sdelay $0x4  }
0x26f: {  	[tilespmem:$0x5200] =	vst v10  }
0x270: {  	v10 =	vld.idx.msk [tilespmem:v63+s22+$0x0], $0xffff;
	_ =	sdelay $0x4  }
0x271: {  	[tilespmem:$0x5280] =	vst v10;
	v10 =	vld [tilespmem:$0x1FF30];
	_ =	sdelay $0x5  }
0x272: {  	v2 =	vld [tilespmem:$0x1FF40];
	_ =	sdelay $0x1  }
0x273: {  	v10 =	vld.idx.msk [tilespmem:v10+s22+$0x0], $0xffff;
	_ =	sdelay $0x3  }
0x274: {  	v12 =	vld [tilespmem:$0x1FF50]  }
0x275: {  	[tilespmem:$0x5300] =	vst v10  }
0x276: {  	v10 =	vld.idx.msk [tilespmem:v2+s22+$0x0], $0xffff;
	_ =	sdelay $0x3  }
0x277: {  	v4 =	vld [tilespmem:$0x1FF60]  }
0x278: {  	[tilespmem:$0x5380] =	vst v10  }
0x279: {  	v10 =	vld.idx.msk [tilespmem:v12+s22+$0x0], $0xffff;
	_ =	sdelay $0x3  }
0x27a: {  	v13 =	vld [tilespmem:$0x1FF70]  }
0x27b: {  	[tilespmem:$0x5400] =	vst v10  }
0x27c: {  	v10 =	vld.idx.msk [tilespmem:v4+s22+$0x0], $0xffff;
	_ =	sdelay $0x3  }
0x27d: {  	v5 =	vld [tilespmem:$0x1FF80]  }
0x27e: {  	[tilespmem:$0x5480] =	vst v10  }
0x27f: {  	v10 =	vld.idx.msk [tilespmem:v13+s22+$0x0], $0xffff;
	_ =	sdelay $0x3  }
0x280: {  	v14 =	vld [tilespmem:$0x1FF90]  }
0x281: {  	[tilespmem:$0x5500] =	vst v10  }
0x282: {  	v10 =	vld.idx.msk [tilespmem:v5+s22+$0x0], $0xffff;
	_ =	sdelay $0x3  }
0x283: {  	v9 =	vld [tilespmem:$0x1FFA0]  }
0x284: {  	[tilespmem:$0x5580] =	vst v10  }
0x285: {  	v10 =	vld.idx.msk [tilespmem:v14+s22+$0x0], $0xffff;
	_ =	sdelay $0x3  }
0x286: {  	v12 =	vld [tilespmem:$0x1FFB0]  }
0x287: {  	[tilespmem:$0x5600] =	vst v10  }
0x288: {  	v10 =	vld.idx.msk [tilespmem:v9+s22+$0x0], $0xffff;
	_ =	sdelay $0x3  }
0x289: {  	v13 =	vld [tilespmem:$0x1FFC0]  }
0x28a: {  	[tilespmem:$0x5680] =	vst v10  }
0x28b: {  	v10 =	vld.idx.msk [tilespmem:v12+s22+$0x0], $0xffff;
	_ =	sdelay $0x3  }
0x28c: {  	v14 =	vld [tilespmem:$0x1FFD0]  }
0x28d: {  	[tilespmem:$0x5700] =	vst v10  }
0x28e: {  	v10 =	vld.idx.msk [tilespmem:v13+s22+$0x0], $0xffff;
	_ =	sdelay $0x3  }
0x28f: {  	v3 =	vld [tilespmem:$0x1FFE0]  }
0x290: {  	[tilespmem:$0x5780] =	vst v10  }
0x291: {  	v10 =	vld.idx.msk [tilespmem:v14+s22+$0x0], $0xffff;
	_ =	sdelay $0x4  }
0x292: {  	[tilespmem:$0x5800] =	vst v10  }
0x293: {  	v10 =	vld.idx.msk [tilespmem:v3+s22+$0x0], $0xffff;
	_ =	sdelay $0x4  }
0x294: {  	[tilespmem:$0x5880] =	vst v10;
	v10 =	vld [tilespmem:$0x1FFF0];
	_ =	sdelay $0x7  }
0x295: {  	v10 =	vld.idx.msk [tilespmem:v10+s22+$0x0], $0xffff;
	_ =	sdelay $0x4  }
0x296: {  	[tilespmem:$0x5900] =	vst v10  }
0x297: {  	[hbm4b:s6+s2] =	stream.linear.scatter [tilespmem:s0], [sflag:$0x2], $0x2000, $0x38;
	[tilespmem:$0x5980] =	vst v63  }
0x298: {  	_ =	swait.ge [sflag:s16], $0x2000  }
0x299: {  	[sflag:s16] =	ssyncset.done $0x0  }
0x29a: {  	[sflag:s16] =	ssyncadd.s32 $0xFFFFE000  }
0x29b: {  	v0 =	vmov v7;
	v7 =	vld.idx.msk [tilespmem:v7+s24+$0x0], $0xffff;
	_ =	sdelay $0x4  }
0x29c: {  	[tilespmem:$0x3580] =	vst v7  }
0x29d: {  	v10 =	vld.idx.msk [tilespmem:v8+s24+$0x0], $0xffff  }
0x29e: {  	v7 =	vmov v8;
	v8 =	vld [tilespmem:$0x1FBE0];
	_ =	sdelay $0x5  }
0x29f: {  	v9 =	vld [tilespmem:$0x1FBF0]  }
0x2a0: {  	[tilespmem:$0x3600] =	vst v10  }
0x2a1: {  	v10 =	vld.idx.msk [tilespmem:v8+s24+$0x0], $0xffff;
	_ =	sdelay $0x4  }
0x2a2: {  	[tilespmem:$0x3680] =	vst v10  }
0x2a3: {  	v10 =	vld.idx.msk [tilespmem:v9+s24+$0x0], $0xffff;
	_ =	sdelay $0x4  }
0x2a4: {  	[tilespmem:$0x3700] =	vst v10  }
0x2a5: {  	v10 =	vld.idx.msk [tilespmem:v11+s24+$0x0], $0xffff;
	_ =	sdelay $0x4  }
0x2a6: {  	[tilespmem:$0x3780] =	vst v10  }
0x2a7: {  	[hbm4b:s10+s2] =	stream.linear.scatter [tilespmem:s30], [sflag:$0x2], $0x280, $0x38;
	[tilespmem:$0x5980] =	vst v63  }
0x2a8: {  	_ =	swait.ge [sflag:s16], $0x280  }
0x2a9: {  	[sflag:s16] =	ssyncset.done $0x0  }
0x2aa: {  	[sflag:s16] =	ssyncadd.s32 $0xFFFFFD80  }
0x2ab: {  	[hbm4b:s11+s2] =	stream.linear.scatter [tilespmem:s31], [sflag:$0x2], $0x10, $0x38;
	[tilespmem:$0x5980] =	vst v63  }
0x2ac: {  	_ =	swait.ge [sflag:s16], $0x10  }
0x2ad: {  	[sflag:s16] =	ssyncset.done $0x0  }
0x2ae: {  	[sflag:s16] =	ssyncadd.s32 $0xFFFFFFF0  }
0x2af: {  	v10 =	vld.idx.msk [tilespmem:v32+s24+$0x0], $0xffff;
	_ =	sdelay $0x4  }
0x2b0: {  	[tilespmem:$0x3980] =	vst v10  }
0x2b1: {  	v10 =	vld.idx.msk [tilespmem:v15+s24+$0x0], $0xffff;
	_ =	sdelay $0x4  }
0x2b2: {  	[tilespmem:$0x3A00] =	vst v10  }
0x2b3: {  	v10 =	vld.idx.msk [tilespmem:v16+s24+$0x0], $0xffff;
	_ =	sdelay $0x4  }
0x2b4: {  	[tilespmem:$0x3A80] =	vst v10  }
0x2b5: {  	v10 =	vld.idx.msk [tilespmem:v17+s24+$0x0], $0xffff;
	_ =	sdelay $0x4  }
0x2b6: {  	[tilespmem:$0x3B00] =	vst v10  }
0x2b7: {  	v10 =	vld.idx.msk [tilespmem:v18+s24+$0x0], $0xffff;
	_ =	sdelay $0x4  }
0x2b8: {  	[tilespmem:$0x3B80] =	vst v10  }
0x2b9: {  	v10 =	vld.idx.msk [tilespmem:v19+s24+$0x0], $0xffff;
	_ =	sdelay $0x4  }
0x2ba: {  	[tilespmem:$0x3C00] =	vst v10  }
0x2bb: {  	v10 =	vld.idx.msk [tilespmem:v20+s24+$0x0], $0xffff;
	_ =	sdelay $0x4  }
0x2bc: {  	[tilespmem:$0x3C80] =	vst v10  }
0x2bd: {  	v10 =	vld.idx.msk [tilespmem:v21+s24+$0x0], $0xffff;
	_ =	sdelay $0x4  }
0x2be: {  	[tilespmem:$0x3D00] =	vst v10  }
0x2bf: {  	v10 =	vld.idx.msk [tilespmem:v22+s24+$0x0], $0xffff;
	_ =	sdelay $0x4  }
0x2c0: {  	[tilespmem:$0x3D80] =	vst v10  }
0x2c1: {  	v10 =	vld.idx.msk [tilespmem:v23+s24+$0x0], $0xffff;
	_ =	sdelay $0x4  }
0x2c2: {  	[tilespmem:$0x3E00] =	vst v10  }
0x2c3: {  	v10 =	vld.idx.msk [tilespmem:v24+s24+$0x0], $0xffff;
	_ =	sdelay $0x4  }
0x2c4: {  	[tilespmem:$0x3E80] =	vst v10  }
0x2c5: {  	v10 =	vld.idx.msk [tilespmem:v25+s24+$0x0], $0xffff;
	_ =	sdelay $0x4  }
0x2c6: {  	[tilespmem:$0x3F00] =	vst v10  }
0x2c7: {  	v10 =	vld.idx.msk [tilespmem:v26+s24+$0x0], $0xffff;
	_ =	sdelay $0x4  }
0x2c8: {  	[tilespmem:$0x3F80] =	vst v10  }
0x2c9: {  	v10 =	vld.idx.msk [tilespmem:v27+s24+$0x0], $0xffff;
	_ =	sdelay $0x4  }
0x2ca: {  	[tilespmem:$0x4000] =	vst v10  }
0x2cb: {  	v10 =	vld.idx.msk [tilespmem:v28+s24+$0x0], $0xffff;
	_ =	sdelay $0x4  }
0x2cc: {  	[tilespmem:$0x4080] =	vst v10  }
0x2cd: {  	v10 =	vld.idx.msk [tilespmem:v29+s24+$0x0], $0xffff;
	_ =	sdelay $0x4  }
0x2ce: {  	[tilespmem:$0x4100] =	vst v10  }
0x2cf: {  	v10 =	vld.idx.msk [tilespmem:v30+s24+$0x0], $0xffff;
	_ =	sdelay $0x4  }
0x2d0: {  	[tilespmem:$0x4180] =	vst v10  }
0x2d1: {  	v10 =	vld.idx.msk [tilespmem:v31+s24+$0x0], $0xffff;
	_ =	sdelay $0x4  }
0x2d2: {  	[tilespmem:$0x4200] =	vst v10  }
0x2d3: {  	v10 =	vld.idx.msk [tilespmem:v6+s24+$0x0], $0xffff;
	_ =	sdelay $0x4  }
0x2d4: {  	[tilespmem:$0x4280] =	vst v10  }
0x2d5: {  	v10 =	vld.idx.msk [tilespmem:v33+s24+$0x0], $0xffff;
	_ =	sdelay $0x4  }
0x2d6: {  	[tilespmem:$0x4300] =	vst v10  }
0x2d7: {  	v10 =	vld.idx.msk [tilespmem:v34+s24+$0x0], $0xffff;
	_ =	sdelay $0x4  }
0x2d8: {  	[tilespmem:$0x4380] =	vst v10  }
0x2d9: {  	v10 =	vld.idx.msk [tilespmem:v35+s24+$0x0], $0xffff;
	_ =	sdelay $0x4  }
0x2da: {  	[tilespmem:$0x4400] =	vst v10  }
0x2db: {  	v10 =	vld.idx.msk [tilespmem:v36+s24+$0x0], $0xffff;
	_ =	sdelay $0x4  }
0x2dc: {  	[tilespmem:$0x4480] =	vst v10  }
0x2dd: {  	v10 =	vld.idx.msk [tilespmem:v37+s24+$0x0], $0xffff;
	_ =	sdelay $0x4  }
0x2de: {  	[tilespmem:$0x4500] =	vst v10  }
0x2df: {  	v10 =	vld.idx.msk [tilespmem:v38+s24+$0x0], $0xffff;
	_ =	sdelay $0x4  }
0x2e0: {  	[tilespmem:$0x4580] =	vst v10  }
0x2e1: {  	v10 =	vld.idx.msk [tilespmem:v39+s24+$0x0], $0xffff;
	_ =	sdelay $0x4  }
0x2e2: {  	[tilespmem:$0x4600] =	vst v10  }
0x2e3: {  	v10 =	vld.idx.msk [tilespmem:v40+s24+$0x0], $0xffff;
	_ =	sdelay $0x4  }
0x2e4: {  	[tilespmem:$0x4680] =	vst v10  }
0x2e5: {  	v10 =	vld.idx.msk [tilespmem:v41+s24+$0x0], $0xffff;
	_ =	sdelay $0x4  }
0x2e6: {  	[tilespmem:$0x4700] =	vst v10  }
0x2e7: {  	v10 =	vld.idx.msk [tilespmem:v42+s24+$0x0], $0xffff;
	_ =	sdelay $0x4  }
0x2e8: {  	[tilespmem:$0x4780] =	vst v10  }
0x2e9: {  	v10 =	vld.idx.msk [tilespmem:v43+s24+$0x0], $0xffff;
	_ =	sdelay $0x4  }
0x2ea: {  	[tilespmem:$0x4800] =	vst v10  }
0x2eb: {  	v10 =	vld.idx.msk [tilespmem:v44+s24+$0x0], $0xffff;
	_ =	sdelay $0x4  }
0x2ec: {  	[tilespmem:$0x4880] =	vst v10  }
0x2ed: {  	v10 =	vld.idx.msk [tilespmem:v45+s24+$0x0], $0xffff;
	_ =	sdelay $0x4  }
0x2ee: {  	[tilespmem:$0x4900] =	vst v10  }
0x2ef: {  	v10 =	vld.idx.msk [tilespmem:v46+s24+$0x0], $0xffff;
	_ =	sdelay $0x4  }
0x2f0: {  	[tilespmem:$0x4980] =	vst v10  }
0x2f1: {  	v10 =	vld.idx.msk [tilespmem:v47+s24+$0x0], $0xffff;
	_ =	sdelay $0x4  }
0x2f2: {  	[tilespmem:$0x4A00] =	vst v10  }
0x2f3: {  	v10 =	vld.idx.msk [tilespmem:v48+s24+$0x0], $0xffff;
	_ =	sdelay $0x4  }
0x2f4: {  	[tilespmem:$0x4A80] =	vst v10  }
0x2f5: {  	v10 =	vld.idx.msk [tilespmem:v49+s24+$0x0], $0xffff;
	_ =	sdelay $0x4  }
0x2f6: {  	[tilespmem:$0x4B00] =	vst v10  }
0x2f7: {  	v10 =	vld.idx.msk [tilespmem:v50+s24+$0x0], $0xffff;
	_ =	sdelay $0x4  }
0x2f8: {  	[tilespmem:$0x4B80] =	vst v10  }
0x2f9: {  	v10 =	vld.idx.msk [tilespmem:v51+s24+$0x0], $0xffff;
	_ =	sdelay $0x4  }
0x2fa: {  	[tilespmem:$0x4C00] =	vst v10  }
0x2fb: {  	v10 =	vld.idx.msk [tilespmem:v52+s24+$0x0], $0xffff;
	_ =	sdelay $0x4  }
0x2fc: {  	[tilespmem:$0x4C80] =	vst v10  }
0x2fd: {  	v10 =	vld.idx.msk [tilespmem:v53+s24+$0x0], $0xffff;
	_ =	sdelay $0x4  }
0x2fe: {  	[tilespmem:$0x4D00] =	vst v10  }
0x2ff: {  	v10 =	vld.idx.msk [tilespmem:v54+s24+$0x0], $0xffff;
	_ =	sdelay $0x4  }
0x300: {  	[tilespmem:$0x4D80] =	vst v10  }
0x301: {  	v10 =	vld.idx.msk [tilespmem:v55+s24+$0x0], $0xffff;
	_ =	sdelay $0x4  }
0x302: {  	[tilespmem:$0x4E00] =	vst v10  }
0x303: {  	v10 =	vld.idx.msk [tilespmem:v1+s24+$0x0], $0xffff;
	_ =	sdelay $0x4  }
0x304: {  	[tilespmem:$0x4E80] =	vst v10  }
0x305: {  	v10 =	vld.idx.msk [tilespmem:v56+s24+$0x0], $0xffff;
	_ =	sdelay $0x4  }
0x306: {  	[tilespmem:$0x4F00] =	vst v10  }
0x307: {  	v10 =	vld.idx.msk [tilespmem:v57+s24+$0x0], $0xffff;
	_ =	sdelay $0x4  }
0x308: {  	[tilespmem:$0x4F80] =	vst v10  }
0x309: {  	v10 =	vld.idx.msk [tilespmem:v58+s24+$0x0], $0xffff;
	_ =	sdelay $0x4  }
0x30a: {  	[tilespmem:$0x5000] =	vst v10  }
0x30b: {  	v10 =	vld.idx.msk [tilespmem:v59+s24+$0x0], $0xffff;
	_ =	sdelay $0x4  }
0x30c: {  	[tilespmem:$0x5080] =	vst v10  }
0x30d: {  	v10 =	vld.idx.msk [tilespmem:v60+s24+$0x0], $0xffff;
	_ =	sdelay $0x4  }
0x30e: {  	[tilespmem:$0x5100] =	vst v10  }
0x30f: {  	v10 =	vld.idx.msk [tilespmem:v61+s24+$0x0], $0xffff;
	_ =	sdelay $0x4  }
0x310: {  	[tilespmem:$0x5180] =	vst v10  }
0x311: {  	v10 =	vld.idx.msk [tilespmem:v62+s24+$0x0], $0xffff;
	_ =	sdelay $0x3  }
0x312: {  	v1 =	vld [tilespmem:$0x1FF30]  }
0x313: {  	[tilespmem:$0x5200] =	vst v10  }
0x314: {  	v10 =	vld.idx.msk [tilespmem:v63+s24+$0x0], $0xffff;
	_ =	sdelay $0x4  }
0x315: {  	[tilespmem:$0x5280] =	vst v10  }
0x316: {  	v10 =	vld.idx.msk [tilespmem:v1+s24+$0x0], $0xffff;
	_ =	sdelay $0x4  }
0x317: {  	[tilespmem:$0x5300] =	vst v10  }
0x318: {  	v10 =	vld.idx.msk [tilespmem:v2+s24+$0x0], $0xffff  }
0x319: {  	v2 =	vld [tilespmem:$0x1FF50];
	_ =	sdelay $0x6  }
0x31a: {  	[tilespmem:$0x5380] =	vst v10  }
0x31b: {  	v10 =	vld.idx.msk [tilespmem:v2+s24+$0x0], $0xffff;
	_ =	sdelay $0x4  }
0x31c: {  	[tilespmem:$0x5400] =	vst v10  }
0x31d: {  	v10 =	vld.idx.msk [tilespmem:v4+s24+$0x0], $0xffff  }
0x31e: {  	v4 =	vld [tilespmem:$0x1FF70];
	_ =	sdelay $0x6  }
0x31f: {  	[tilespmem:$0x5480] =	vst v10  }
0x320: {  	v10 =	vld.idx.msk [tilespmem:v4+s24+$0x0], $0xffff;
	_ =	sdelay $0x4  }
0x321: {  	[tilespmem:$0x5500] =	vst v10  }
0x322: {  	v10 =	vld.idx.msk [tilespmem:v5+s24+$0x0], $0xffff  }
0x323: {  	v5 =	vld [tilespmem:$0x1FF90];
	_ =	sdelay $0x5  }
0x324: {  	v6 =	vld [tilespmem:$0x1FFA0]  }
0x325: {  	[tilespmem:$0x5580] =	vst v10  }
0x326: {  	v10 =	vld.idx.msk [tilespmem:v5+s24+$0x0], $0xffff;
	_ =	sdelay $0x4  }
0x327: {  	[tilespmem:$0x5600] =	vst v10  }
0x328: {  	v10 =	vld.idx.msk [tilespmem:v6+s24+$0x0], $0xffff;
	_ =	sdelay $0x4  }
0x329: {  	[tilespmem:$0x5680] =	vst v10  }
0x32a: {  	v10 =	vld.idx.msk [tilespmem:v12+s24+$0x0], $0xffff;
	_ =	sdelay $0x4  }
0x32b: {  	[tilespmem:$0x5700] =	vst v10  }
0x32c: {  	v10 =	vld.idx.msk [tilespmem:v13+s24+$0x0], $0xffff;
	_ =	sdelay $0x4  }
0x32d: {  	[tilespmem:$0x5780] =	vst v10  }
0x32e: {  	v10 =	vld.idx.msk [tilespmem:v14+s24+$0x0], $0xffff;
	_ =	sdelay $0x4  }
0x32f: {  	[tilespmem:$0x5800] =	vst v10  }
0x330: {  	v10 =	vld.idx.msk [tilespmem:v3+s24+$0x0], $0xffff  }
0x331: {  	v3 =	vld [tilespmem:$0x1FFF0];
	_ =	sdelay $0x6  }
0x332: {  	[tilespmem:$0x5880] =	vst v10  }
0x333: {  	v10 =	vld.idx.msk [tilespmem:v3+s24+$0x0], $0xffff;
	_ =	sdelay $0x4  }
0x334: {  	[tilespmem:$0x5900] =	vst v10  }
0x335: {  	[hbm4b:s4+s2] =	stream.linear.scatter [tilespmem:s0], [sflag:$0x2], $0x2000, $0x38;
	[tilespmem:$0x5980] =	vst v63  }
0x336: {  	_ =	swait.ge [sflag:s16], $0x2000  }
0x337: {  	[sflag:s16] =	ssyncset.done $0x0  }
0x338: {  	[sflag:s16] =	ssyncadd.s32 $0xFFFFE000  }
0x339: {  	v0 =	vld.idx.msk [tilespmem:v0+s26+$0x0], $0xffff;
	_ =	sdelay $0x4  }
0x33a: {  	[tilespmem:$0x3580] =	vst v0  }
0x33b: {  	v10 =	vld.idx.msk [tilespmem:v7+s26+$0x0], $0xffff;
	_ =	sdelay $0x4  }
0x33c: {  	[tilespmem:$0x3600] =	vst v10  }
0x33d: {  	v10 =	vld.idx.msk [tilespmem:v8+s26+$0x0], $0xffff;
	_ =	sdelay $0x4  }
0x33e: {  	[tilespmem:$0x3680] =	vst v10  }
0x33f: {  	v10 =	vld.idx.msk [tilespmem:v9+s26+$0x0], $0xffff;
	_ =	sdelay $0x4  }
0x340: {  	[tilespmem:$0x3700] =	vst v10  }
0x341: {  	v0 =	vld.idx.msk [tilespmem:v11+s26+$0x0], $0xffff;
	_ =	sdelay $0x4  }
0x342: {  	[tilespmem:$0x3780] =	vst v0  }
0x343: {  	[hbm4b:s12+s2] =	stream.linear.scatter [tilespmem:s30], [sflag:$0x2], $0x280, $0x38;
	[tilespmem:$0x5980] =	vst v63  }
0x344: {  	_ =	swait.ge [sflag:s16], $0x280  }
0x345: {  	[sflag:s16] =	ssyncset.done $0x0  }
0x346: {  	[sflag:s16] =	ssyncadd.s32 $0xFFFFFD80  }
0x347: {  	[hbm4b:s13+s2] =	stream.linear.scatter [tilespmem:s31], [sflag:$0x2], $0x10, $0x38;
	[tilespmem:$0x5980] =	vst v63  }
0x348: {  	_ =	swait.ge [sflag:s16], $0x10  }
0x349: {  	[sflag:s16] =	ssyncset.done $0x0  }
0x34a: {  	[sflag:s16] =	ssyncadd.s32 $0xFFFFFFF0  }
0x34b: {  	v7 =	vld.idx.msk [tilespmem:v32+s26+$0x0], $0xffff;
	_ =	sdelay $0x4  }
0x34c: {  	[tilespmem:$0x3980] =	vst v7  }
0x34d: {  	v9 =	vld.idx.msk [tilespmem:v15+s26+$0x0], $0xffff;
	_ =	sdelay $0x4  }
0x34e: {  	[tilespmem:$0x3A00] =	vst v9  }
0x34f: {  	v9 =	vld.idx.msk [tilespmem:v16+s26+$0x0], $0xffff;
	_ =	sdelay $0x4  }
0x350: {  	[tilespmem:$0x3A80] =	vst v9  }
0x351: {  	v9 =	vld.idx.msk [tilespmem:v17+s26+$0x0], $0xffff;
	_ =	sdelay $0x4  }
0x352: {  	[tilespmem:$0x3B00] =	vst v9  }
0x353: {  	v9 =	vld.idx.msk [tilespmem:v18+s26+$0x0], $0xffff;
	_ =	sdelay $0x4  }
0x354: {  	[tilespmem:$0x3B80] =	vst v9  }
0x355: {  	v9 =	vld.idx.msk [tilespmem:v19+s26+$0x0], $0xffff;
	_ =	sdelay $0x4  }
0x356: {  	[tilespmem:$0x3C00] =	vst v9  }
0x357: {  	v9 =	vld.idx.msk [tilespmem:v20+s26+$0x0], $0xffff;
	_ =	sdelay $0x4  }
0x358: {  	[tilespmem:$0x3C80] =	vst v9  }
0x359: {  	v9 =	vld.idx.msk [tilespmem:v21+s26+$0x0], $0xffff;
	_ =	sdelay $0x4  }
0x35a: {  	[tilespmem:$0x3D00] =	vst v9  }
0x35b: {  	v9 =	vld.idx.msk [tilespmem:v22+s26+$0x0], $0xffff;
	_ =	sdelay $0x4  }
0x35c: {  	[tilespmem:$0x3D80] =	vst v9  }
0x35d: {  	v9 =	vld.idx.msk [tilespmem:v23+s26+$0x0], $0xffff;
	_ =	sdelay $0x4  }
0x35e: {  	[tilespmem:$0x3E00] =	vst v9  }
0x35f: {  	v9 =	vld.idx.msk [tilespmem:v24+s26+$0x0], $0xffff;
	_ =	sdelay $0x4  }
0x360: {  	[tilespmem:$0x3E80] =	vst v9  }
0x361: {  	v9 =	vld.idx.msk [tilespmem:v25+s26+$0x0], $0xffff;
	_ =	sdelay $0x4  }
0x362: {  	[tilespmem:$0x3F00] =	vst v9  }
0x363: {  	v9 =	vld.idx.msk [tilespmem:v26+s26+$0x0], $0xffff;
	_ =	sdelay $0x4  }
0x364: {  	[tilespmem:$0x3F80] =	vst v9  }
0x365: {  	v9 =	vld.idx.msk [tilespmem:v27+s26+$0x0], $0xffff;
	_ =	sdelay $0x4  }
0x366: {  	[tilespmem:$0x4000] =	vst v9  }
0x367: {  	v9 =	vld.idx.msk [tilespmem:v28+s26+$0x0], $0xffff;
	_ =	sdelay $0x4  }
0x368: {  	[tilespmem:$0x4080] =	vst v9  }
0x369: {  	v9 =	vld.idx.msk [tilespmem:v29+s26+$0x0], $0xffff;
	_ =	sdelay $0x4  }
0x36a: {  	[tilespmem:$0x4100] =	vst v9  }
0x36b: {  	v9 =	vld.idx.msk [tilespmem:v30+s26+$0x0], $0xffff;
	_ =	sdelay $0x3  }
0x36c: {  	v32 =	vld [tilespmem:$0x1FD20]  }
0x36d: {  	[tilespmem:$0x4180] =	vst v9  }
0x36e: {  	v9 =	vld.idx.msk [tilespmem:v31+s26+$0x0], $0xffff;
	_ =	sdelay $0x4  }
0x36f: {  	[tilespmem:$0x4200] =	vst v9  }
0x370: {  	v9 =	vld.idx.msk [tilespmem:v32+s26+$0x0], $0xffff;
	_ =	sdelay $0x4  }
0x371: {  	[tilespmem:$0x4280] =	vst v9  }
0x372: {  	v9 =	vld.idx.msk [tilespmem:v33+s26+$0x0], $0xffff;
	_ =	sdelay $0x4  }
0x373: {  	[tilespmem:$0x4300] =	vst v9  }
0x374: {  	v9 =	vld.idx.msk [tilespmem:v34+s26+$0x0], $0xffff;
	_ =	sdelay $0x4  }
0x375: {  	[tilespmem:$0x4380] =	vst v9  }
0x376: {  	v9 =	vld.idx.msk [tilespmem:v35+s26+$0x0], $0xffff;
	_ =	sdelay $0x4  }
0x377: {  	[tilespmem:$0x4400] =	vst v9  }
0x378: {  	v9 =	vld.idx.msk [tilespmem:v36+s26+$0x0], $0xffff;
	_ =	sdelay $0x4  }
0x379: {  	[tilespmem:$0x4480] =	vst v9  }
0x37a: {  	v9 =	vld.idx.msk [tilespmem:v37+s26+$0x0], $0xffff;
	_ =	sdelay $0x4  }
0x37b: {  	[tilespmem:$0x4500] =	vst v9  }
0x37c: {  	v9 =	vld.idx.msk [tilespmem:v38+s26+$0x0], $0xffff;
	_ =	sdelay $0x4  }
0x37d: {  	[tilespmem:$0x4580] =	vst v9  }
0x37e: {  	v9 =	vld.idx.msk [tilespmem:v39+s26+$0x0], $0xffff;
	_ =	sdelay $0x4  }
0x37f: {  	[tilespmem:$0x4600] =	vst v9  }
0x380: {  	v9 =	vld.idx.msk [tilespmem:v40+s26+$0x0], $0xffff;
	_ =	sdelay $0x4  }
0x381: {  	[tilespmem:$0x4680] =	vst v9  }
0x382: {  	v9 =	vld.idx.msk [tilespmem:v41+s26+$0x0], $0xffff;
	_ =	sdelay $0x4  }
0x383: {  	[tilespmem:$0x4700] =	vst v9  }
0x384: {  	v9 =	vld.idx.msk [tilespmem:v42+s26+$0x0], $0xffff;
	_ =	sdelay $0x4  }
0x385: {  	[tilespmem:$0x4780] =	vst v9  }
0x386: {  	v9 =	vld.idx.msk [tilespmem:v43+s26+$0x0], $0xffff;
	_ =	sdelay $0x4  }
0x387: {  	[tilespmem:$0x4800] =	vst v9  }
0x388: {  	v9 =	vld.idx.msk [tilespmem:v44+s26+$0x0], $0xffff;
	_ =	sdelay $0x4  }
0x389: {  	[tilespmem:$0x4880] =	vst v9  }
0x38a: {  	v9 =	vld.idx.msk [tilespmem:v45+s26+$0x0], $0xffff;
	_ =	sdelay $0x4  }
0x38b: {  	[tilespmem:$0x4900] =	vst v9  }
0x38c: {  	v9 =	vld.idx.msk [tilespmem:v46+s26+$0x0], $0xffff;
	_ =	sdelay $0x4  }
0x38d: {  	[tilespmem:$0x4980] =	vst v9  }
0x38e: {  	v9 =	vld.idx.msk [tilespmem:v47+s26+$0x0], $0xffff;
	_ =	sdelay $0x4  }
0x38f: {  	[tilespmem:$0x4A00] =	vst v9  }
0x390: {  	v9 =	vld.idx.msk [tilespmem:v48+s26+$0x0], $0xffff;
	_ =	sdelay $0x4  }
0x391: {  	[tilespmem:$0x4A80] =	vst v9  }
0x392: {  	v9 =	vld.idx.msk [tilespmem:v49+s26+$0x0], $0xffff;
	_ =	sdelay $0x4  }
0x393: {  	[tilespmem:$0x4B00] =	vst v9  }
0x394: {  	v9 =	vld.idx.msk [tilespmem:v50+s26+$0x0], $0xffff;
	_ =	sdelay $0x4  }
0x395: {  	[tilespmem:$0x4B80] =	vst v9  }
0x396: {  	v9 =	vld.idx.msk [tilespmem:v51+s26+$0x0], $0xffff;
	_ =	sdelay $0x4  }
0x397: {  	[tilespmem:$0x4C00] =	vst v9  }
0x398: {  	v9 =	vld.idx.msk [tilespmem:v52+s26+$0x0], $0xffff;
	_ =	sdelay $0x4  }
0x399: {  	[tilespmem:$0x4C80] =	vst v9  }
0x39a: {  	v9 =	vld.idx.msk [tilespmem:v53+s26+$0x0], $0xffff;
	_ =	sdelay $0x4  }
0x39b: {  	[tilespmem:$0x4D00] =	vst v9  }
0x39c: {  	v9 =	vld.idx.msk [tilespmem:v54+s26+$0x0], $0xffff;
	_ =	sdelay $0x4  }
0x39d: {  	[tilespmem:$0x4D80] =	vst v9  }
0x39e: {  	v9 =	vld.idx.msk [tilespmem:v55+s26+$0x0], $0xffff  }
0x39f: {  	v55 =	vld [tilespmem:$0x1FEA0];
	_ =	sdelay $0x6  }
0x3a0: {  	[tilespmem:$0x4E00] =	vst v9  }
0x3a1: {  	v9 =	vld.idx.msk [tilespmem:v55+s26+$0x0], $0xffff;
	_ =	sdelay $0x4  }
0x3a2: {  	[tilespmem:$0x4E80] =	vst v9  }
0x3a3: {  	v9 =	vld.idx.msk [tilespmem:v56+s26+$0x0], $0xffff;
	_ =	sdelay $0x4  }
0x3a4: {  	[tilespmem:$0x4F00] =	vst v9  }
0x3a5: {  	v9 =	vld.idx.msk [tilespmem:v57+s26+$0x0], $0xffff;
	_ =	sdelay $0x4  }
0x3a6: {  	[tilespmem:$0x4F80] =	vst v9  }
0x3a7: {  	v9 =	vld.idx.msk [tilespmem:v58+s26+$0x0], $0xffff;
	_ =	sdelay $0x4  }
0x3a8: {  	[tilespmem:$0x5000] =	vst v9  }
0x3a9: {  	v9 =	vld.idx.msk [tilespmem:v59+s26+$0x0], $0xffff;
	_ =	sdelay $0x4  }
0x3aa: {  	[tilespmem:$0x5080] =	vst v9  }
0x3ab: {  	v9 =	vld.idx.msk [tilespmem:v60+s26+$0x0], $0xffff;
	_ =	sdelay $0x4  }
0x3ac: {  	[tilespmem:$0x5100] =	vst v9  }
0x3ad: {  	v9 =	vld.idx.msk [tilespmem:v61+s26+$0x0], $0xffff;
	_ =	sdelay $0x4  }
0x3ae: {  	[tilespmem:$0x5180] =	vst v9  }
0x3af: {  	v9 =	vld.idx.msk [tilespmem:v62+s26+$0x0], $0xffff;
	_ =	sdelay $0x4  }
0x3b0: {  	[tilespmem:$0x5200] =	vst v9  }
0x3b1: {  	v9 =	vld.idx.msk [tilespmem:v63+s26+$0x0], $0xffff;
	_ =	sdelay $0x3  }
0x3b2: {  	v60 =	vld [tilespmem:$0x1FF40]  }
0x3b3: {  	[tilespmem:$0x5280] =	vst v9  }
0x3b4: {  	v9 =	vld.idx.msk [tilespmem:v1+s26+$0x0], $0xffff;
	_ =	sdelay $0x4  }
0x3b5: {  	[tilespmem:$0x5300] =	vst v9  }
0x3b6: {  	v9 =	vld.idx.msk [tilespmem:v60+s26+$0x0], $0xffff;
	_ =	sdelay $0x3  }
0x3b7: {  	v61 =	vld [tilespmem:$0x1FF60]  }
0x3b8: {  	[tilespmem:$0x5380] =	vst v9  }
0x3b9: {  	v9 =	vld.idx.msk [tilespmem:v2+s26+$0x0], $0xffff;
	_ =	sdelay $0x4  }
0x3ba: {  	[tilespmem:$0x5400] =	vst v9  }
0x3bb: {  	v9 =	vld.idx.msk [tilespmem:v61+s26+$0x0], $0xffff;
	_ =	sdelay $0x3  }
0x3bc: {  	v62 =	vld [tilespmem:$0x1FF80]  }
0x3bd: {  	[tilespmem:$0x5480] =	vst v9  }
0x3be: {  	v9 =	vld.idx.msk [tilespmem:v4+s26+$0x0], $0xffff;
	_ =	sdelay $0x4  }
0x3bf: {  	[tilespmem:$0x5500] =	vst v9  }
0x3c0: {  	v9 =	vld.idx.msk [tilespmem:v62+s26+$0x0], $0xffff;
	_ =	sdelay $0x4  }
0x3c1: {  	[tilespmem:$0x5580] =	vst v9  }
0x3c2: {  	v9 =	vld.idx.msk [tilespmem:v5+s26+$0x0], $0xffff;
	_ =	sdelay $0x4  }
0x3c3: {  	[tilespmem:$0x5600] =	vst v9  }
0x3c4: {  	v9 =	vld.idx.msk [tilespmem:v6+s26+$0x0], $0xffff;
	_ =	sdelay $0x4  }
0x3c5: {  	[tilespmem:$0x5680] =	vst v9  }
0x3c6: {  	v9 =	vld.idx.msk [tilespmem:v12+s26+$0x0], $0xffff;
	_ =	sdelay $0x4  }
0x3c7: {  	[tilespmem:$0x5700] =	vst v9  }
0x3c8: {  	v9 =	vld.idx.msk [tilespmem:v13+s26+$0x0], $0xffff;
	_ =	sdelay $0x3  }
0x3c9: {  	v63 =	vld [tilespmem:$0x1FFE0]  }
0x3ca: {  	[tilespmem:$0x5780] =	vst v9  }
0x3cb: {  	v9 =	vld.idx.msk [tilespmem:v14+s26+$0x0], $0xffff;
	_ =	sdelay $0x4  }
0x3cc: {  	[tilespmem:$0x5800] =	vst v9  }
0x3cd: {  	v9 =	vld.idx.msk [tilespmem:v63+s26+$0x0], $0xffff;
	_ =	sdelay $0x4  }
0x3ce: {  	[tilespmem:$0x5880] =	vst v9  }
0x3cf: {  	v9 =	vld.idx.msk [tilespmem:v3+s26+$0x0], $0xffff;
	_ =	sdelay $0x3  }
0x3d0: {  	p0 =	sne.s32 s15, $0x1  }
.Ltmp1:
0x3d1: {  	[tilespmem:$0x5900] =	vst v9;
	(pc) =	sbr.rel @p0 .LBB2_2-.Ltmp1, $4  }
0x3d2: {  	[hbm4b:s14+s2] =	stream.linear.scatter [tilespmem:s0], [sflag:$0x2], $0x2000, $0x38;
	[tilespmem:$0x5980] =	vst v63  }
0x3d3: {  	_ =	swait.ge [sflag:s16], $0x2000  }
0x3d4: {  	[sflag:s16] =	ssyncset.done $0x0  }
0x3d5: {  	s15 =	sadd.s32 $0xFFFFFFFF, s15;
	[sflag:s16] =	ssyncadd.s32 $0xFFFFE000  }
.LBB2_3:
0x3d6: {  	_ =	sfence.sel $0x180000  }
0x3d7: {  	[bflag:$0x0] =	sbarrier.arrive $0xFFFF  }
0x3d8: {  	_ =	strace $0x90000047  }
0x3d9: {  	s0 =	stileid.u32;
	[bflag:$0x2] =	sbarrier.arrive $0xFFFF  }
0x3da: {  	p0 =	sne.s32 s0, $0x0;
	s0 =	rddreg [dreg:$0x2]  }
0x3db: {  	s0 =	sadd.s32 @!p0 $0x100000, s0  }
0x3dc: {  	[sflag:s0] =	ssyncadd.tile.s32 @!p0 $0x1;
	_ =	shalt  }
.Lfunc_end2:
_tile_overlayer_lowered:
.L_overlay_start_2:
0x3dd: {  	(tag) =	ssettag $0x2  }
0x3de: {  	s0 =	rddreg [dreg:$0x0];
	s2 =	stileid.u32  }
0x3df: {  	s1 =	rddreg [dreg:$0x1];
	p0 =	sne.s32 s2, $0x0  }
0x3e0: {  	s3 =	rddreg [dreg:$0x2];
	[bflag:$0x3] =	sbarrier.arrive $0xFFFF;
	s2 =	simm.s32 @!p0 $0x1C02  }
0x3e1: {  	[timem:s3], [sflag:s2] =	dma.local @!p0 [hbm:s0], s1  }
0x3e2: {  	s0 =	simm.s32 @!p0 $0x2  }
0x3e3: {  	_ =	swait.ge @!p0 [sflag:s0], s1  }
0x3e4: {  	s1 =	ssub.s32 @!p0 $0x0, s1;
	[sflag:s0] =	ssyncset.done @!p0 $0x0  }
0x3e5: {  	[sflag:s0] =	ssyncadd.s32 @!p0 s1  }
0x3e6: {  	[bflag:$0x3] =	sbarrier.arrive $0xFFFF  }
0x3e7: {  	_ =	shalt  }

</sc_bundles>
